<compile_context>
chip_gen: v7x
topology: tpu7x:2x2x1
jax: 0.10.2.dev20260603
libtpu: 0.0.44.dev20260713+nightly
codegen_flags: <defaults>
</compile_context>

<pallas_src>
import functools

import jax
import jax.numpy as jnp
from jax import lax
from jax.experimental import pallas as pl
from jax.experimental.pallas import tpu as pltpu
from jax.experimental.pallas import tpu_sc as plsc

_NC = 2
_NS = 16
_NW = _NC * _NS
_LANES = 16
_TBC = 32768


def _matvec_body(et_ref, w_ref, b_ref, t_ref):
    r = jax.lax.dot_general(
        w_ref[...], et_ref[...],
        (((1,), (0,)), ((), ())),
        preferred_element_type=jnp.float32,
    )
    t_ref[...] = r[0] + b_ref[0]


def _precompute_table(embed_t, W, b):
    D, V = embed_t.shape
    return pl.pallas_call(
        _matvec_body,
        grid=(pl.cdiv(V, _TBC),),
        in_specs=[
            pl.BlockSpec((D, _TBC), lambda i: (0, i)),
            pl.BlockSpec((1, D), lambda i: (0, 0)),
            pl.BlockSpec(memory_space=pltpu.SMEM),
        ],
        out_specs=pl.BlockSpec((_TBC,), lambda i: (i,)),
        out_shape=jax.ShapeDtypeStruct((V,), jnp.float32),
    )(embed_t, W, b)


@functools.lru_cache(maxsize=None)
def _make_pool_kernel(B, L):
    n_rows = B // _NW
    n_idx = n_rows * L
    assert n_rows % _LANES == 0 and n_rows % 128 == 0
    mesh = plsc.VectorSubcoreMesh(core_axis_name="c", subcore_axis_name="s")

    @functools.partial(
        pl.kernel,
        out_type=jax.ShapeDtypeStruct((B,), jnp.float32),
        mesh=mesh,
        scratch_types=[
            pltpu.VMEM((L, n_rows), jnp.int32),
            pltpu.VMEM((n_idx,), jnp.float32),
            pltpu.VMEM((n_rows,), jnp.float32),
            pltpu.SemaphoreType.DMA,
        ],
    )
    def pool(xt_hbm, t_hbm, out_hbm, idx_v, vals_v, out_v, sem):
        cid = lax.axis_index("c")
        sid = lax.axis_index("s")
        wid = sid * _NC + cid
        off = wid * n_rows
        pltpu.sync_copy(xt_hbm.at[:, pl.ds(off, n_rows)], idx_v)
        gathers = [
            pltpu.async_copy(
                t_hbm.at[idx_v.at[c]],
                vals_v.at[pl.ds(c * n_rows, n_rows)],
                sem,
            )
            for c in range(L)
        ]
        n_acc = n_rows // _LANES
        accs = [jnp.zeros((_LANES,), jnp.float32) for _ in range(n_acc)]
        for c in range(L):
            gathers[c].wait()
            base = c * n_rows
            for j in range(n_acc):
                accs[j] = accs[j] + vals_v[pl.ds(base + j * _LANES, _LANES)]
        inv_l = 1.0 / L
        for j in range(n_acc):
            out_v[pl.ds(j * _LANES, _LANES)] = 1.0 / (
                1.0 + jnp.exp(accs[j] * -inv_l)
            )
        pltpu.sync_copy(out_v, out_hbm.at[pl.ds(wid * n_rows, n_rows)])

    return pool


def kernel(x, embed, W, b):
    B, L = x.shape
    t = _precompute_table(
        embed.T, W.astype(jnp.float32), b.astype(jnp.float32)
    )
    xt = x.astype(jnp.int32).T
    out = _make_pool_kernel(B, L)(xt, t)
    return out.reshape(B, 1)

# --- scband reference (transcript-rebuilt; emitter-appended) ---
"""Pipeline reference for scband-q6-2-48473000903100 (READ-ONLY COPY).

The authoritative reference and input builder live on the scoring server;
editing this copy changes nothing except your own understanding.
"""

import jax, jax.numpy as jnp
import numpy as np
from math import sqrt

VOCAB = 100000
EMBED_DIM = 20
BATCH = 4096
HIST = 50

def setup_inputs(seed: int = 0) -> dict:
    key = jax.random.key(seed)
    k1, k2, k3 = jax.random.split(key, 3)
    x = jax.random.randint(k1, (BATCH, HIST), 0, VOCAB, dtype=jnp.int64)
    embed = jax.random.normal(k2, (VOCAB, EMBED_DIM), dtype=jnp.float32)
    # fc initialized per init_weights: normal(0, 1/sqrt(C_in)) weight, zero bias
    W = jax.random.normal(k3, (1, EMBED_DIM), dtype=jnp.float32) * (1.0 / sqrt(EMBED_DIM))
    b = jnp.zeros((1,), dtype=jnp.float32)
    return {"x": x, "embed": embed, "W": W, "b": b}

def reference(x, embed, W, b):
    # z = [self.embed(item) for item in x]; avg = [mean(item, dim=0)]; stack
    z = jnp.take(embed, x, axis=0)            # [B, L, 20] gather (embedding lookup)
    avg = jnp.mean(z, axis=1)                 # mean over sequence dim (dim=0 per row)
    logits = avg @ W.T + b                    # fc: [B, 1]
    h = jax.nn.sigmoid(logits)
    return h

if __name__ == "__main__":
    import jax
    _d = setup_inputs()
    print(jax.jit(kernel)(*tuple(_d.values())))

</pallas_src>

<mosaic_0001>
#map = affine_map<(d0, d1) -> (0, 0)>
#map1 = affine_map<(d0, d1) -> (0)>
module attributes {stable_mosaic.version = 14 : i64} {
  func.func @pool(%arg0: i32, %arg1: i32, %arg2: memref<50x4096xi32, #tpu.memory_space<hbm>>, %arg3: memref<100000xf32, #tpu.memory_space<hbm>>, %arg4: memref<4096xf32, #tpu.memory_space<hbm>>, %arg5: memref<50x128xi32, #tpu.memory_space<vmem>>, %arg6: memref<6400xf32, #tpu.memory_space<vmem>>, %arg7: memref<128xf32, #tpu.memory_space<vmem>>, %arg8: memref<!tpu.dma_semaphore, #tpu.memory_space<semaphore_mem>>) attributes {dimension_semantics = [#tpu.dimension_semantics<core_parallel>, #tpu.dimension_semantics<subcore_parallel>], iteration_bounds = array<i64: 2, 16>, scalar_prefetch = 0 : i64, scratch_operands = 4 : i64, tpu.core_type = #tpu.core_type<sc_vector_subcore>, window_params = [{transform_indices = #map}, {transform_indices = #map1}, {transform_indices = #map1}]} {
    %mul3A = arith.constant 2 : i32
    %mul3A_0 = arith.muli %arg1, %mul3A : i32
    %add3A = arith.addi %mul3A_0, %arg0 : i32
    %mul3A_1 = arith.constant 128 : i32
    %mul3A_2 = arith.muli %add3A, %mul3A_1 : i32
    "tpu.region"() ({
      %run_scoped3A = tpu.sem_alloc : memref<!tpu.dma_semaphore, #tpu.memory_space<semaphore_mem>>
      %dma_start3A_2526 = arith.constant 0 : i32
      %dma_start3A_2527 = tpu.memref_slice %arg2[%dma_start3A_2526, %mul3A_2] : memref<50x4096xi32, #tpu.memory_space<hbm>> -> memref<50x128xi32, #tpu.memory_space<hbm>>
      %dma_start3A_2528 = arith.constant 0 : i32
      %dma_start3A_2529 = tpu.memref_slice %arg2[%dma_start3A_2528, %mul3A_2] : memref<50x4096xi32, #tpu.memory_space<hbm>> -> memref<50x128xi32, #tpu.memory_space<hbm>>
      tpu.enqueue_dma source(%dma_start3A_2529 : memref<50x128xi32, #tpu.memory_space<hbm>>) target(%arg5 : memref<50x128xi32, #tpu.memory_space<vmem>>) target_semaphore(%run_scoped3A : memref<!tpu.dma_semaphore, #tpu.memory_space<semaphore_mem>>)
      %dma_wait3A_2530 = arith.constant 0 : i32
      %dma_wait3A_2531 = tpu.memref_slice %arg2[%dma_wait3A_2530, %mul3A_2] : memref<50x4096xi32, #tpu.memory_space<hbm>> -> memref<50x128xi32, #tpu.memory_space<hbm>>
      %dma_wait3A_2532 = arith.constant 0 : i32
      %dma_wait3A_2533 = tpu.memref_slice %arg2[%dma_wait3A_2532, %mul3A_2] : memref<50x4096xi32, #tpu.memory_space<hbm>> -> memref<50x128xi32, #tpu.memory_space<hbm>>
      tpu.wait_dma2 semaphore(%run_scoped3A : memref<!tpu.dma_semaphore, #tpu.memory_space<semaphore_mem>>) src(%dma_wait3A_2533 : memref<50x128xi32, #tpu.memory_space<hbm>>) dst(%arg5 : memref<50x128xi32, #tpu.memory_space<vmem>>)
      tpu.yield
    }) : () -> ()
    %dma_start3A = arith.constant 0 : i32
    %dma_start3A_3 = arith.constant 0 : i32
    %dma_start3A_4 = tpu.memref_slice %arg6[%dma_start3A_3] : memref<6400xf32, #tpu.memory_space<vmem>> -> memref<128xf32, #tpu.memory_space<vmem>>
    %dma_start3A_5 = arith.constant 0 : i32
    %dma_start3A_6 = tpu.memref_slice %arg5[%dma_start3A, %dma_start3A_5] : memref<50x128xi32, #tpu.memory_space<vmem>> -> memref<1x128xi32, #tpu.memory_space<vmem>>
    %dma_start3A_7 = tpu.memref_squeeze %dma_start3A_6 : memref<1x128xi32, #tpu.memory_space<vmem>> -> memref<128xi32, #tpu.memory_space<vmem>>
    %dma_start3A_8 = arith.constant 0 : i32
    %dma_start3A_9 = tpu.memref_slice %arg3[%dma_start3A_8] : memref<100000xf32, #tpu.memory_space<hbm>> -> memref<100000xf32, #tpu.memory_space<hbm>>
    tpu.enqueue_indirect_dma source(%dma_start3A_9 : memref<100000xf32, #tpu.memory_space<hbm>>) target(%dma_start3A_4 : memref<128xf32, #tpu.memory_space<vmem>>) offsets(%dma_start3A_7 : memref<128xi32, #tpu.memory_space<vmem>>) semaphore(%arg8 : memref<!tpu.dma_semaphore, #tpu.memory_space<semaphore_mem>>)
    %dma_start3A_10 = arith.constant 1 : i32
    %dma_start3A_11 = arith.constant 128 : i32
    %dma_start3A_12 = tpu.memref_slice %arg6[%dma_start3A_11] : memref<6400xf32, #tpu.memory_space<vmem>> -> memref<128xf32, #tpu.memory_space<vmem>>
    %dma_start3A_13 = arith.constant 0 : i32
    %dma_start3A_14 = tpu.memref_slice %arg5[%dma_start3A_10, %dma_start3A_13] : memref<50x128xi32, #tpu.memory_space<vmem>> -> memref<1x128xi32, #tpu.memory_space<vmem>>
    %dma_start3A_15 = tpu.memref_squeeze %dma_start3A_14 : memref<1x128xi32, #tpu.memory_space<vmem>> -> memref<128xi32, #tpu.memory_space<vmem>>
    %dma_start3A_16 = arith.constant 0 : i32
    %dma_start3A_17 = tpu.memref_slice %arg3[%dma_start3A_16] : memref<100000xf32, #tpu.memory_space<hbm>> -> memref<100000xf32, #tpu.memory_space<hbm>>
    tpu.enqueue_indirect_dma source(%dma_start3A_17 : memref<100000xf32, #tpu.memory_space<hbm>>) target(%dma_start3A_12 : memref<128xf32, #tpu.memory_space<vmem>>) offsets(%dma_start3A_15 : memref<128xi32, #tpu.memory_space<vmem>>) semaphore(%arg8 : memref<!tpu.dma_semaphore, #tpu.memory_space<semaphore_mem>>)
    %dma_start3A_18 = arith.constant 2 : i32
    %dma_start3A_19 = arith.constant 256 : i32
    %dma_start3A_20 = tpu.memref_slice %arg6[%dma_start3A_19] : memref<6400xf32, #tpu.memory_space<vmem>> -> memref<128xf32, #tpu.memory_space<vmem>>
    %dma_start3A_21 = arith.constant 0 : i32
    %dma_start3A_22 = tpu.memref_slice %arg5[%dma_start3A_18, %dma_start3A_21] : memref<50x128xi32, #tpu.memory_space<vmem>> -> memref<1x128xi32, #tpu.memory_space<vmem>>
    %dma_start3A_23 = tpu.memref_squeeze %dma_start3A_22 : memref<1x128xi32, #tpu.memory_space<vmem>> -> memref<128xi32, #tpu.memory_space<vmem>>
    %dma_start3A_24 = arith.constant 0 : i32
    %dma_start3A_25 = tpu.memref_slice %arg3[%dma_start3A_24] : memref<100000xf32, #tpu.memory_space<hbm>> -> memref<100000xf32, #tpu.memory_space<hbm>>
    tpu.enqueue_indirect_dma source(%dma_start3A_25 : memref<100000xf32, #tpu.memory_space<hbm>>) target(%dma_start3A_20 : memref<128xf32, #tpu.memory_space<vmem>>) offsets(%dma_start3A_23 : memref<128xi32, #tpu.memory_space<vmem>>) semaphore(%arg8 : memref<!tpu.dma_semaphore, #tpu.memory_space<semaphore_mem>>)
    %dma_start3A_26 = arith.constant 3 : i32
    %dma_start3A_27 = arith.constant 384 : i32
    %dma_start3A_28 = tpu.memref_slice %arg6[%dma_start3A_27] : memref<6400xf32, #tpu.memory_space<vmem>> -> memref<128xf32, #tpu.memory_space<vmem>>
    %dma_start3A_29 = arith.constant 0 : i32
    %dma_start3A_30 = tpu.memref_slice %arg5[%dma_start3A_26, %dma_start3A_29] : memref<50x128xi32, #tpu.memory_space<vmem>> -> memref<1x128xi32, #tpu.memory_space<vmem>>
    %dma_start3A_31 = tpu.memref_squeeze %dma_start3A_30 : memref<1x128xi32, #tpu.memory_space<vmem>> -> memref<128xi32, #tpu.memory_space<vmem>>
    %dma_start3A_32 = arith.constant 0 : i32
    %dma_start3A_33 = tpu.memref_slice %arg3[%dma_start3A_32] : memref<100000xf32, #tpu.memory_space<hbm>> -> memref<100000xf32, #tpu.memory_space<hbm>>
    tpu.enqueue_indirect_dma source(%dma_start3A_33 : memref<100000xf32, #tpu.memory_space<hbm>>) target(%dma_start3A_28 : memref<128xf32, #tpu.memory_space<vmem>>) offsets(%dma_start3A_31 : memref<128xi32, #tpu.memory_space<vmem>>) semaphore(%arg8 : memref<!tpu.dma_semaphore, #tpu.memory_space<semaphore_mem>>)
    %dma_start3A_34 = arith.constant 4 : i32
    %dma_start3A_35 = arith.constant 512 : i32
    %dma_start3A_36 = tpu.memref_slice %arg6[%dma_start3A_35] : memref<6400xf32, #tpu.memory_space<vmem>> -> memref<128xf32, #tpu.memory_space<vmem>>
    %dma_start3A_37 = arith.constant 0 : i32
    %dma_start3A_38 = tpu.memref_slice %arg5[%dma_start3A_34, %dma_start3A_37] : memref<50x128xi32, #tpu.memory_space<vmem>> -> memref<1x128xi32, #tpu.memory_space<vmem>>
    %dma_start3A_39 = tpu.memref_squeeze %dma_start3A_38 : memref<1x128xi32, #tpu.memory_space<vmem>> -> memref<128xi32, #tpu.memory_space<vmem>>
    %dma_start3A_40 = arith.constant 0 : i32
    %dma_start3A_41 = tpu.memref_slice %arg3[%dma_start3A_40] : memref<100000xf32, #tpu.memory_space<hbm>> -> memref<100000xf32, #tpu.memory_space<hbm>>
    tpu.enqueue_indirect_dma source(%dma_start3A_41 : memref<100000xf32, #tpu.memory_space<hbm>>) target(%dma_start3A_36 : memref<128xf32, #tpu.memory_space<vmem>>) offsets(%dma_start3A_39 : memref<128xi32, #tpu.memory_space<vmem>>) semaphore(%arg8 : memref<!tpu.dma_semaphore, #tpu.memory_space<semaphore_mem>>)
    %dma_start3A_42 = arith.constant 5 : i32
    %dma_start3A_43 = arith.constant 640 : i32
    %dma_start3A_44 = tpu.memref_slice %arg6[%dma_start3A_43] : memref<6400xf32, #tpu.memory_space<vmem>> -> memref<128xf32, #tpu.memory_space<vmem>>
    %dma_start3A_45 = arith.constant 0 : i32
    %dma_start3A_46 = tpu.memref_slice %arg5[%dma_start3A_42, %dma_start3A_45] : memref<50x128xi32, #tpu.memory_space<vmem>> -> memref<1x128xi32, #tpu.memory_space<vmem>>
    %dma_start3A_47 = tpu.memref_squeeze %dma_start3A_46 : memref<1x128xi32, #tpu.memory_space<vmem>> -> memref<128xi32, #tpu.memory_space<vmem>>
    %dma_start3A_48 = arith.constant 0 : i32
    %dma_start3A_49 = tpu.memref_slice %arg3[%dma_start3A_48] : memref<100000xf32, #tpu.memory_space<hbm>> -> memref<100000xf32, #tpu.memory_space<hbm>>
    tpu.enqueue_indirect_dma source(%dma_start3A_49 : memref<100000xf32, #tpu.memory_space<hbm>>) target(%dma_start3A_44 : memref<128xf32, #tpu.memory_space<vmem>>) offsets(%dma_start3A_47 : memref<128xi32, #tpu.memory_space<vmem>>) semaphore(%arg8 : memref<!tpu.dma_semaphore, #tpu.memory_space<semaphore_mem>>)
    %dma_start3A_50 = arith.constant 6 : i32
    %dma_start3A_51 = arith.constant 768 : i32
    %dma_start3A_52 = tpu.memref_slice %arg6[%dma_start3A_51] : memref<6400xf32, #tpu.memory_space<vmem>> -> memref<128xf32, #tpu.memory_space<vmem>>
    %dma_start3A_53 = arith.constant 0 : i32
    %dma_start3A_54 = tpu.memref_slice %arg5[%dma_start3A_50, %dma_start3A_53] : memref<50x128xi32, #tpu.memory_space<vmem>> -> memref<1x128xi32, #tpu.memory_space<vmem>>
    %dma_start3A_55 = tpu.memref_squeeze %dma_start3A_54 : memref<1x128xi32, #tpu.memory_space<vmem>> -> memref<128xi32, #tpu.memory_space<vmem>>
    %dma_start3A_56 = arith.constant 0 : i32
    %dma_start3A_57 = tpu.memref_slice %arg3[%dma_start3A_56] : memref<100000xf32, #tpu.memory_space<hbm>> -> memref<100000xf32, #tpu.memory_space<hbm>>
    tpu.enqueue_indirect_dma source(%dma_start3A_57 : memref<100000xf32, #tpu.memory_space<hbm>>) target(%dma_start3A_52 : memref<128xf32, #tpu.memory_space<vmem>>) offsets(%dma_start3A_55 : memref<128xi32, #tpu.memory_space<vmem>>) semaphore(%arg8 : memref<!tpu.dma_semaphore, #tpu.memory_space<semaphore_mem>>)
    %dma_start3A_58 = arith.constant 7 : i32
    %dma_start3A_59 = arith.constant 896 : i32
    %dma_start3A_60 = tpu.memref_slice %arg6[%dma_start3A_59] : memref<6400xf32, #tpu.memory_space<vmem>> -> memref<128xf32, #tpu.memory_space<vmem>>
    %dma_start3A_61 = arith.constant 0 : i32
    %dma_start3A_62 = tpu.memref_slice %arg5[%dma_start3A_58, %dma_start3A_61] : memref<50x128xi32, #tpu.memory_space<vmem>> -> memref<1x128xi32, #tpu.memory_space<vmem>>
    %dma_start3A_63 = tpu.memref_squeeze %dma_start3A_62 : memref<1x128xi32, #tpu.memory_space<vmem>> -> memref<128xi32, #tpu.memory_space<vmem>>
    %dma_start3A_64 = arith.constant 0 : i32
    %dma_start3A_65 = tpu.memref_slice %arg3[%dma_start3A_64] : memref<100000xf32, #tpu.memory_space<hbm>> -> memref<100000xf32, #tpu.memory_space<hbm>>
    tpu.enqueue_indirect_dma source(%dma_start3A_65 : memref<100000xf32, #tpu.memory_space<hbm>>) target(%dma_start3A_60 : memref<128xf32, #tpu.memory_space<vmem>>) offsets(%dma_start3A_63 : memref<128xi32, #tpu.memory_space<vmem>>) semaphore(%arg8 : memref<!tpu.dma_semaphore, #tpu.memory_space<semaphore_mem>>)
    %dma_start3A_66 = arith.constant 8 : i32
    %dma_start3A_67 = arith.constant 1024 : i32
    %dma_start3A_68 = tpu.memref_slice %arg6[%dma_start3A_67] : memref<6400xf32, #tpu.memory_space<vmem>> -> memref<128xf32, #tpu.memory_space<vmem>>
    %dma_start3A_69 = arith.constant 0 : i32
    %dma_start3A_70 = tpu.memref_slice %arg5[%dma_start3A_66, %dma_start3A_69] : memref<50x128xi32, #tpu.memory_space<vmem>> -> memref<1x128xi32, #tpu.memory_space<vmem>>
    %dma_start3A_71 = tpu.memref_squeeze %dma_start3A_70 : memref<1x128xi32, #tpu.memory_space<vmem>> -> memref<128xi32, #tpu.memory_space<vmem>>
    %dma_start3A_72 = arith.constant 0 : i32
    %dma_start3A_73 = tpu.memref_slice %arg3[%dma_start3A_72] : memref<100000xf32, #tpu.memory_space<hbm>> -> memref<100000xf32, #tpu.memory_space<hbm>>
    tpu.enqueue_indirect_dma source(%dma_start3A_73 : memref<100000xf32, #tpu.memory_space<hbm>>) target(%dma_start3A_68 : memref<128xf32, #tpu.memory_space<vmem>>) offsets(%dma_start3A_71 : memref<128xi32, #tpu.memory_space<vmem>>) semaphore(%arg8 : memref<!tpu.dma_semaphore, #tpu.memory_space<semaphore_mem>>)
    %dma_start3A_74 = arith.constant 9 : i32
    %dma_start3A_75 = arith.constant 1152 : i32
    %dma_start3A_76 = tpu.memref_slice %arg6[%dma_start3A_75] : memref<6400xf32, #tpu.memory_space<vmem>> -> memref<128xf32, #tpu.memory_space<vmem>>
    %dma_start3A_77 = arith.constant 0 : i32
    %dma_start3A_78 = tpu.memref_slice %arg5[%dma_start3A_74, %dma_start3A_77] : memref<50x128xi32, #tpu.memory_space<vmem>> -> memref<1x128xi32, #tpu.memory_space<vmem>>
    %dma_start3A_79 = tpu.memref_squeeze %dma_start3A_78 : memref<1x128xi32, #tpu.memory_space<vmem>> -> memref<128xi32, #tpu.memory_space<vmem>>
    %dma_start3A_80 = arith.constant 0 : i32
    %dma_start3A_81 = tpu.memref_slice %arg3[%dma_start3A_80] : memref<100000xf32, #tpu.memory_space<hbm>> -> memref<100000xf32, #tpu.memory_space<hbm>>
    tpu.enqueue_indirect_dma source(%dma_start3A_81 : memref<100000xf32, #tpu.memory_space<hbm>>) target(%dma_start3A_76 : memref<128xf32, #tpu.memory_space<vmem>>) offsets(%dma_start3A_79 : memref<128xi32, #tpu.memory_space<vmem>>) semaphore(%arg8 : memref<!tpu.dma_semaphore, #tpu.memory_space<semaphore_mem>>)
    %dma_start3A_82 = arith.constant 10 : i32
    %dma_start3A_83 = arith.constant 1280 : i32
    %dma_start3A_84 = tpu.memref_slice %arg6[%dma_start3A_83] : memref<6400xf32, #tpu.memory_space<vmem>> -> memref<128xf32, #tpu.memory_space<vmem>>
    %dma_start3A_85 = arith.constant 0 : i32
    %dma_start3A_86 = tpu.memref_slice %arg5[%dma_start3A_82, %dma_start3A_85] : memref<50x128xi32, #tpu.memory_space<vmem>> -> memref<1x128xi32, #tpu.memory_space<vmem>>
    %dma_start3A_87 = tpu.memref_squeeze %dma_start3A_86 : memref<1x128xi32, #tpu.memory_space<vmem>> -> memref<128xi32, #tpu.memory_space<vmem>>
    %dma_start3A_88 = arith.constant 0 : i32
    %dma_start3A_89 = tpu.memref_slice %arg3[%dma_start3A_88] : memref<100000xf32, #tpu.memory_space<hbm>> -> memref<100000xf32, #tpu.memory_space<hbm>>
    tpu.enqueue_indirect_dma source(%dma_start3A_89 : memref<100000xf32, #tpu.memory_space<hbm>>) target(%dma_start3A_84 : memref<128xf32, #tpu.memory_space<vmem>>) offsets(%dma_start3A_87 : memref<128xi32, #tpu.memory_space<vmem>>) semaphore(%arg8 : memref<!tpu.dma_semaphore, #tpu.memory_space<semaphore_mem>>)
    %dma_start3A_90 = arith.constant 11 : i32
    %dma_start3A_91 = arith.constant 1408 : i32
    %dma_start3A_92 = tpu.memref_slice %arg6[%dma_start3A_91] : memref<6400xf32, #tpu.memory_space<vmem>> -> memref<128xf32, #tpu.memory_space<vmem>>
    %dma_start3A_93 = arith.constant 0 : i32
    %dma_start3A_94 = tpu.memref_slice %arg5[%dma_start3A_90, %dma_start3A_93] : memref<50x128xi32, #tpu.memory_space<vmem>> -> memref<1x128xi32, #tpu.memory_space<vmem>>
    %dma_start3A_95 = tpu.memref_squeeze %dma_start3A_94 : memref<1x128xi32, #tpu.memory_space<vmem>> -> memref<128xi32, #tpu.memory_space<vmem>>
    %dma_start3A_96 = arith.constant 0 : i32
    %dma_start3A_97 = tpu.memref_slice %arg3[%dma_start3A_96] : memref<100000xf32, #tpu.memory_space<hbm>> -> memref<100000xf32, #tpu.memory_space<hbm>>
    tpu.enqueue_indirect_dma source(%dma_start3A_97 : memref<100000xf32, #tpu.memory_space<hbm>>) target(%dma_start3A_92 : memref<128xf32, #tpu.memory_space<vmem>>) offsets(%dma_start3A_95 : memref<128xi32, #tpu.memory_space<vmem>>) semaphore(%arg8 : memref<!tpu.dma_semaphore, #tpu.memory_space<semaphore_mem>>)
    %dma_start3A_98 = arith.constant 12 : i32
    %dma_start3A_99 = arith.constant 1536 : i32
    %dma_start3A_100 = tpu.memref_slice %arg6[%dma_start3A_99] : memref<6400xf32, #tpu.memory_space<vmem>> -> memref<128xf32, #tpu.memory_space<vmem>>
    %dma_start3A_101 = arith.constant 0 : i32
    %dma_start3A_102 = tpu.memref_slice %arg5[%dma_start3A_98, %dma_start3A_101] : memref<50x128xi32, #tpu.memory_space<vmem>> -> memref<1x128xi32, #tpu.memory_space<vmem>>
    %dma_start3A_103 = tpu.memref_squeeze %dma_start3A_102 : memref<1x128xi32, #tpu.memory_space<vmem>> -> memref<128xi32, #tpu.memory_space<vmem>>
    %dma_start3A_104 = arith.constant 0 : i32
    %dma_start3A_105 = tpu.memref_slice %arg3[%dma_start3A_104] : memref<100000xf32, #tpu.memory_space<hbm>> -> memref<100000xf32, #tpu.memory_space<hbm>>
    tpu.enqueue_indirect_dma source(%dma_start3A_105 : memref<100000xf32, #tpu.memory_space<hbm>>) target(%dma_start3A_100 : memref<128xf32, #tpu.memory_space<vmem>>) offsets(%dma_start3A_103 : memref<128xi32, #tpu.memory_space<vmem>>) semaphore(%arg8 : memref<!tpu.dma_semaphore, #tpu.memory_space<semaphore_mem>>)
    %dma_start3A_106 = arith.constant 13 : i32
    %dma_start3A_107 = arith.constant 1664 : i32
    %dma_start3A_108 = tpu.memref_slice %arg6[%dma_start3A_107] : memref<6400xf32, #tpu.memory_space<vmem>> -> memref<128xf32, #tpu.memory_space<vmem>>
    %dma_start3A_109 = arith.constant 0 : i32
    %dma_start3A_110 = tpu.memref_slice %arg5[%dma_start3A_106, %dma_start3A_109] : memref<50x128xi32, #tpu.memory_space<vmem>> -> memref<1x128xi32, #tpu.memory_space<vmem>>
    %dma_start3A_111 = tpu.memref_squeeze %dma_start3A_110 : memref<1x128xi32, #tpu.memory_space<vmem>> -> memref<128xi32, #tpu.memory_space<vmem>>
    %dma_start3A_112 = arith.constant 0 : i32
    %dma_start3A_113 = tpu.memref_slice %arg3[%dma_start3A_112] : memref<100000xf32, #tpu.memory_space<hbm>> -> memref<100000xf32, #tpu.memory_space<hbm>>
    tpu.enqueue_indirect_dma source(%dma_start3A_113 : memref<100000xf32, #tpu.memory_space<hbm>>) target(%dma_start3A_108 : memref<128xf32, #tpu.memory_space<vmem>>) offsets(%dma_start3A_111 : memref<128xi32, #tpu.memory_space<vmem>>) semaphore(%arg8 : memref<!tpu.dma_semaphore, #tpu.memory_space<semaphore_mem>>)
    %dma_start3A_114 = arith.constant 14 : i32
    %dma_start3A_115 = arith.constant 1792 : i32
    %dma_start3A_116 = tpu.memref_slice %arg6[%dma_start3A_115] : memref<6400xf32, #tpu.memory_space<vmem>> -> memref<128xf32, #tpu.memory_space<vmem>>
    %dma_start3A_117 = arith.constant 0 : i32
    %dma_start3A_118 = tpu.memref_slice %arg5[%dma_start3A_114, %dma_start3A_117] : memref<50x128xi32, #tpu.memory_space<vmem>> -> memref<1x128xi32, #tpu.memory_space<vmem>>
    %dma_start3A_119 = tpu.memref_squeeze %dma_start3A_118 : memref<1x128xi32, #tpu.memory_space<vmem>> -> memref<128xi32, #tpu.memory_space<vmem>>
    %dma_start3A_120 = arith.constant 0 : i32
    %dma_start3A_121 = tpu.memref_slice %arg3[%dma_start3A_120] : memref<100000xf32, #tpu.memory_space<hbm>> -> memref<100000xf32, #tpu.memory_space<hbm>>
    tpu.enqueue_indirect_dma source(%dma_start3A_121 : memref<100000xf32, #tpu.memory_space<hbm>>) target(%dma_start3A_116 : memref<128xf32, #tpu.memory_space<vmem>>) offsets(%dma_start3A_119 : memref<128xi32, #tpu.memory_space<vmem>>) semaphore(%arg8 : memref<!tpu.dma_semaphore, #tpu.memory_space<semaphore_mem>>)
    %dma_start3A_122 = arith.constant 15 : i32
    %dma_start3A_123 = arith.constant 1920 : i32
    %dma_start3A_124 = tpu.memref_slice %arg6[%dma_start3A_123] : memref<6400xf32, #tpu.memory_space<vmem>> -> memref<128xf32, #tpu.memory_space<vmem>>
    %dma_start3A_125 = arith.constant 0 : i32
    %dma_start3A_126 = tpu.memref_slice %arg5[%dma_start3A_122, %dma_start3A_125] : memref<50x128xi32, #tpu.memory_space<vmem>> -> memref<1x128xi32, #tpu.memory_space<vmem>>
    %dma_start3A_127 = tpu.memref_squeeze %dma_start3A_126 : memref<1x128xi32, #tpu.memory_space<vmem>> -> memref<128xi32, #tpu.memory_space<vmem>>
    %dma_start3A_128 = arith.constant 0 : i32
    %dma_start3A_129 = tpu.memref_slice %arg3[%dma_start3A_128] : memref<100000xf32, #tpu.memory_space<hbm>> -> memref<100000xf32, #tpu.memory_space<hbm>>
    tpu.enqueue_indirect_dma source(%dma_start3A_129 : memref<100000xf32, #tpu.memory_space<hbm>>) target(%dma_start3A_124 : memref<128xf32, #tpu.memory_space<vmem>>) offsets(%dma_start3A_127 : memref<128xi32, #tpu.memory_space<vmem>>) semaphore(%arg8 : memref<!tpu.dma_semaphore, #tpu.memory_space<semaphore_mem>>)
    %dma_start3A_130 = arith.constant 16 : i32
    %dma_start3A_131 = arith.constant 2048 : i32
    %dma_start3A_132 = tpu.memref_slice %arg6[%dma_start3A_131] : memref<6400xf32, #tpu.memory_space<vmem>> -> memref<128xf32, #tpu.memory_space<vmem>>
    %dma_start3A_133 = arith.constant 0 : i32
    %dma_start3A_134 = tpu.memref_slice %arg5[%dma_start3A_130, %dma_start3A_133] : memref<50x128xi32, #tpu.memory_space<vmem>> -> memref<1x128xi32, #tpu.memory_space<vmem>>
    %dma_start3A_135 = tpu.memref_squeeze %dma_start3A_134 : memref<1x128xi32, #tpu.memory_space<vmem>> -> memref<128xi32, #tpu.memory_space<vmem>>
    %dma_start3A_136 = arith.constant 0 : i32
    %dma_start3A_137 = tpu.memref_slice %arg3[%dma_start3A_136] : memref<100000xf32, #tpu.memory_space<hbm>> -> memref<100000xf32, #tpu.memory_space<hbm>>
    tpu.enqueue_indirect_dma source(%dma_start3A_137 : memref<100000xf32, #tpu.memory_space<hbm>>) target(%dma_start3A_132 : memref<128xf32, #tpu.memory_space<vmem>>) offsets(%dma_start3A_135 : memref<128xi32, #tpu.memory_space<vmem>>) semaphore(%arg8 : memref<!tpu.dma_semaphore, #tpu.memory_space<semaphore_mem>>)
    %dma_start3A_138 = arith.constant 17 : i32
    %dma_start3A_139 = arith.constant 2176 : i32
    %dma_start3A_140 = tpu.memref_slice %arg6[%dma_start3A_139] : memref<6400xf32, #tpu.memory_space<vmem>> -> memref<128xf32, #tpu.memory_space<vmem>>
    %dma_start3A_141 = arith.constant 0 : i32
    %dma_start3A_142 = tpu.memref_slice %arg5[%dma_start3A_138, %dma_start3A_141] : memref<50x128xi32, #tpu.memory_space<vmem>> -> memref<1x128xi32, #tpu.memory_space<vmem>>
    %dma_start3A_143 = tpu.memref_squeeze %dma_start3A_142 : memref<1x128xi32, #tpu.memory_space<vmem>> -> memref<128xi32, #tpu.memory_space<vmem>>
    %dma_start3A_144 = arith.constant 0 : i32
    %dma_start3A_145 = tpu.memref_slice %arg3[%dma_start3A_144] : memref<100000xf32, #tpu.memory_space<hbm>> -> memref<100000xf32, #tpu.memory_space<hbm>>
    tpu.enqueue_indirect_dma source(%dma_start3A_145 : memref<100000xf32, #tpu.memory_space<hbm>>) target(%dma_start3A_140 : memref<128xf32, #tpu.memory_space<vmem>>) offsets(%dma_start3A_143 : memref<128xi32, #tpu.memory_space<vmem>>) semaphore(%arg8 : memref<!tpu.dma_semaphore, #tpu.memory_space<semaphore_mem>>)
    %dma_start3A_146 = arith.constant 18 : i32
    %dma_start3A_147 = arith.constant 2304 : i32
    %dma_start3A_148 = tpu.memref_slice %arg6[%dma_start3A_147] : memref<6400xf32, #tpu.memory_space<vmem>> -> memref<128xf32, #tpu.memory_space<vmem>>
    %dma_start3A_149 = arith.constant 0 : i32
    %dma_start3A_150 = tpu.memref_slice %arg5[%dma_start3A_146, %dma_start3A_149] : memref<50x128xi32, #tpu.memory_space<vmem>> -> memref<1x128xi32, #tpu.memory_space<vmem>>
    %dma_start3A_151 = tpu.memref_squeeze %dma_start3A_150 : memref<1x128xi32, #tpu.memory_space<vmem>> -> memref<128xi32, #tpu.memory_space<vmem>>
    %dma_start3A_152 = arith.constant 0 : i32
    %dma_start3A_153 = tpu.memref_slice %arg3[%dma_start3A_152] : memref<100000xf32, #tpu.memory_space<hbm>> -> memref<100000xf32, #tpu.memory_space<hbm>>
    tpu.enqueue_indirect_dma source(%dma_start3A_153 : memref<100000xf32, #tpu.memory_space<hbm>>) target(%dma_start3A_148 : memref<128xf32, #tpu.memory_space<vmem>>) offsets(%dma_start3A_151 : memref<128xi32, #tpu.memory_space<vmem>>) semaphore(%arg8 : memref<!tpu.dma_semaphore, #tpu.memory_space<semaphore_mem>>)
    %dma_start3A_154 = arith.constant 19 : i32
    %dma_start3A_155 = arith.constant 2432 : i32
    %dma_start3A_156 = tpu.memref_slice %arg6[%dma_start3A_155] : memref<6400xf32, #tpu.memory_space<vmem>> -> memref<128xf32, #tpu.memory_space<vmem>>
    %dma_start3A_157 = arith.constant 0 : i32
    %dma_start3A_158 = tpu.memref_slice %arg5[%dma_start3A_154, %dma_start3A_157] : memref<50x128xi32, #tpu.memory_space<vmem>> -> memref<1x128xi32, #tpu.memory_space<vmem>>
    %dma_start3A_159 = tpu.memref_squeeze %dma_start3A_158 : memref<1x128xi32, #tpu.memory_space<vmem>> -> memref<128xi32, #tpu.memory_space<vmem>>
    %dma_start3A_160 = arith.constant 0 : i32
    %dma_start3A_161 = tpu.memref_slice %arg3[%dma_start3A_160] : memref<100000xf32, #tpu.memory_space<hbm>> -> memref<100000xf32, #tpu.memory_space<hbm>>
    tpu.enqueue_indirect_dma source(%dma_start3A_161 : memref<100000xf32, #tpu.memory_space<hbm>>) target(%dma_start3A_156 : memref<128xf32, #tpu.memory_space<vmem>>) offsets(%dma_start3A_159 : memref<128xi32, #tpu.memory_space<vmem>>) semaphore(%arg8 : memref<!tpu.dma_semaphore, #tpu.memory_space<semaphore_mem>>)
    %dma_start3A_162 = arith.constant 20 : i32
    %dma_start3A_163 = arith.constant 2560 : i32
    %dma_start3A_164 = tpu.memref_slice %arg6[%dma_start3A_163] : memref<6400xf32, #tpu.memory_space<vmem>> -> memref<128xf32, #tpu.memory_space<vmem>>
    %dma_start3A_165 = arith.constant 0 : i32
    %dma_start3A_166 = tpu.memref_slice %arg5[%dma_start3A_162, %dma_start3A_165] : memref<50x128xi32, #tpu.memory_space<vmem>> -> memref<1x128xi32, #tpu.memory_space<vmem>>
    %dma_start3A_167 = tpu.memref_squeeze %dma_start3A_166 : memref<1x128xi32, #tpu.memory_space<vmem>> -> memref<128xi32, #tpu.memory_space<vmem>>
    %dma_start3A_168 = arith.constant 0 : i32
    %dma_start3A_169 = tpu.memref_slice %arg3[%dma_start3A_168] : memref<100000xf32, #tpu.memory_space<hbm>> -> memref<100000xf32, #tpu.memory_space<hbm>>
    tpu.enqueue_indirect_dma source(%dma_start3A_169 : memref<100000xf32, #tpu.memory_space<hbm>>) target(%dma_start3A_164 : memref<128xf32, #tpu.memory_space<vmem>>) offsets(%dma_start3A_167 : memref<128xi32, #tpu.memory_space<vmem>>) semaphore(%arg8 : memref<!tpu.dma_semaphore, #tpu.memory_space<semaphore_mem>>)
    %dma_start3A_170 = arith.constant 21 : i32
    %dma_start3A_171 = arith.constant 2688 : i32
    %dma_start3A_172 = tpu.memref_slice %arg6[%dma_start3A_171] : memref<6400xf32, #tpu.memory_space<vmem>> -> memref<128xf32, #tpu.memory_space<vmem>>
    %dma_start3A_173 = arith.constant 0 : i32
    %dma_start3A_174 = tpu.memref_slice %arg5[%dma_start3A_170, %dma_start3A_173] : memref<50x128xi32, #tpu.memory_space<vmem>> -> memref<1x128xi32, #tpu.memory_space<vmem>>
    %dma_start3A_175 = tpu.memref_squeeze %dma_start3A_174 : memref<1x128xi32, #tpu.memory_space<vmem>> -> memref<128xi32, #tpu.memory_space<vmem>>
    %dma_start3A_176 = arith.constant 0 : i32
    %dma_start3A_177 = tpu.memref_slice %arg3[%dma_start3A_176] : memref<100000xf32, #tpu.memory_space<hbm>> -> memref<100000xf32, #tpu.memory_space<hbm>>
    tpu.enqueue_indirect_dma source(%dma_start3A_177 : memref<100000xf32, #tpu.memory_space<hbm>>) target(%dma_start3A_172 : memref<128xf32, #tpu.memory_space<vmem>>) offsets(%dma_start3A_175 : memref<128xi32, #tpu.memory_space<vmem>>) semaphore(%arg8 : memref<!tpu.dma_semaphore, #tpu.memory_space<semaphore_mem>>)
    %dma_start3A_178 = arith.constant 22 : i32
    %dma_start3A_179 = arith.constant 2816 : i32
    %dma_start3A_180 = tpu.memref_slice %arg6[%dma_start3A_179] : memref<6400xf32, #tpu.memory_space<vmem>> -> memref<128xf32, #tpu.memory_space<vmem>>
    %dma_start3A_181 = arith.constant 0 : i32
    %dma_start3A_182 = tpu.memref_slice %arg5[%dma_start3A_178, %dma_start3A_181] : memref<50x128xi32, #tpu.memory_space<vmem>> -> memref<1x128xi32, #tpu.memory_space<vmem>>
    %dma_start3A_183 = tpu.memref_squeeze %dma_start3A_182 : memref<1x128xi32, #tpu.memory_space<vmem>> -> memref<128xi32, #tpu.memory_space<vmem>>
    %dma_start3A_184 = arith.constant 0 : i32
    %dma_start3A_185 = tpu.memref_slice %arg3[%dma_start3A_184] : memref<100000xf32, #tpu.memory_space<hbm>> -> memref<100000xf32, #tpu.memory_space<hbm>>
    tpu.enqueue_indirect_dma source(%dma_start3A_185 : memref<100000xf32, #tpu.memory_space<hbm>>) target(%dma_start3A_180 : memref<128xf32, #tpu.memory_space<vmem>>) offsets(%dma_start3A_183 : memref<128xi32, #tpu.memory_space<vmem>>) semaphore(%arg8 : memref<!tpu.dma_semaphore, #tpu.memory_space<semaphore_mem>>)
    %dma_start3A_186 = arith.constant 23 : i32
    %dma_start3A_187 = arith.constant 2944 : i32
    %dma_start3A_188 = tpu.memref_slice %arg6[%dma_start3A_187] : memref<6400xf32, #tpu.memory_space<vmem>> -> memref<128xf32, #tpu.memory_space<vmem>>
    %dma_start3A_189 = arith.constant 0 : i32
    %dma_start3A_190 = tpu.memref_slice %arg5[%dma_start3A_186, %dma_start3A_189] : memref<50x128xi32, #tpu.memory_space<vmem>> -> memref<1x128xi32, #tpu.memory_space<vmem>>
    %dma_start3A_191 = tpu.memref_squeeze %dma_start3A_190 : memref<1x128xi32, #tpu.memory_space<vmem>> -> memref<128xi32, #tpu.memory_space<vmem>>
    %dma_start3A_192 = arith.constant 0 : i32
    %dma_start3A_193 = tpu.memref_slice %arg3[%dma_start3A_192] : memref<100000xf32, #tpu.memory_space<hbm>> -> memref<100000xf32, #tpu.memory_space<hbm>>
    tpu.enqueue_indirect_dma source(%dma_start3A_193 : memref<100000xf32, #tpu.memory_space<hbm>>) target(%dma_start3A_188 : memref<128xf32, #tpu.memory_space<vmem>>) offsets(%dma_start3A_191 : memref<128xi32, #tpu.memory_space<vmem>>) semaphore(%arg8 : memref<!tpu.dma_semaphore, #tpu.memory_space<semaphore_mem>>)
    %dma_start3A_194 = arith.constant 24 : i32
    %dma_start3A_195 = arith.constant 3072 : i32
    %dma_start3A_196 = tpu.memref_slice %arg6[%dma_start3A_195] : memref<6400xf32, #tpu.memory_space<vmem>> -> memref<128xf32, #tpu.memory_space<vmem>>
    %dma_start3A_197 = arith.constant 0 : i32
    %dma_start3A_198 = tpu.memref_slice %arg5[%dma_start3A_194, %dma_start3A_197] : memref<50x128xi32, #tpu.memory_space<vmem>> -> memref<1x128xi32, #tpu.memory_space<vmem>>
    %dma_start3A_199 = tpu.memref_squeeze %dma_start3A_198 : memref<1x128xi32, #tpu.memory_space<vmem>> -> memref<128xi32, #tpu.memory_space<vmem>>
    %dma_start3A_200 = arith.constant 0 : i32
    %dma_start3A_201 = tpu.memref_slice %arg3[%dma_start3A_200] : memref<100000xf32, #tpu.memory_space<hbm>> -> memref<100000xf32, #tpu.memory_space<hbm>>
    tpu.enqueue_indirect_dma source(%dma_start3A_201 : memref<100000xf32, #tpu.memory_space<hbm>>) target(%dma_start3A_196 : memref<128xf32, #tpu.memory_space<vmem>>) offsets(%dma_start3A_199 : memref<128xi32, #tpu.memory_space<vmem>>) semaphore(%arg8 : memref<!tpu.dma_semaphore, #tpu.memory_space<semaphore_mem>>)
    %dma_start3A_202 = arith.constant 25 : i32
    %dma_start3A_203 = arith.constant 3200 : i32
    %dma_start3A_204 = tpu.memref_slice %arg6[%dma_start3A_203] : memref<6400xf32, #tpu.memory_space<vmem>> -> memref<128xf32, #tpu.memory_space<vmem>>
    %dma_start3A_205 = arith.constant 0 : i32
    %dma_start3A_206 = tpu.memref_slice %arg5[%dma_start3A_202, %dma_start3A_205] : memref<50x128xi32, #tpu.memory_space<vmem>> -> memref<1x128xi32, #tpu.memory_space<vmem>>
    %dma_start3A_207 = tpu.memref_squeeze %dma_start3A_206 : memref<1x128xi32, #tpu.memory_space<vmem>> -> memref<128xi32, #tpu.memory_space<vmem>>
    %dma_start3A_208 = arith.constant 0 : i32
    %dma_start3A_209 = tpu.memref_slice %arg3[%dma_start3A_208] : memref<100000xf32, #tpu.memory_space<hbm>> -> memref<100000xf32, #tpu.memory_space<hbm>>
    tpu.enqueue_indirect_dma source(%dma_start3A_209 : memref<100000xf32, #tpu.memory_space<hbm>>) target(%dma_start3A_204 : memref<128xf32, #tpu.memory_space<vmem>>) offsets(%dma_start3A_207 : memref<128xi32, #tpu.memory_space<vmem>>) semaphore(%arg8 : memref<!tpu.dma_semaphore, #tpu.memory_space<semaphore_mem>>)
    %dma_start3A_210 = arith.constant 26 : i32
    %dma_start3A_211 = arith.constant 3328 : i32
    %dma_start3A_212 = tpu.memref_slice %arg6[%dma_start3A_211] : memref<6400xf32, #tpu.memory_space<vmem>> -> memref<128xf32, #tpu.memory_space<vmem>>
    %dma_start3A_213 = arith.constant 0 : i32
    %dma_start3A_214 = tpu.memref_slice %arg5[%dma_start3A_210, %dma_start3A_213] : memref<50x128xi32, #tpu.memory_space<vmem>> -> memref<1x128xi32, #tpu.memory_space<vmem>>
    %dma_start3A_215 = tpu.memref_squeeze %dma_start3A_214 : memref<1x128xi32, #tpu.memory_space<vmem>> -> memref<128xi32, #tpu.memory_space<vmem>>
    %dma_start3A_216 = arith.constant 0 : i32
    %dma_start3A_217 = tpu.memref_slice %arg3[%dma_start3A_216] : memref<100000xf32, #tpu.memory_space<hbm>> -> memref<100000xf32, #tpu.memory_space<hbm>>
    tpu.enqueue_indirect_dma source(%dma_start3A_217 : memref<100000xf32, #tpu.memory_space<hbm>>) target(%dma_start3A_212 : memref<128xf32, #tpu.memory_space<vmem>>) offsets(%dma_start3A_215 : memref<128xi32, #tpu.memory_space<vmem>>) semaphore(%arg8 : memref<!tpu.dma_semaphore, #tpu.memory_space<semaphore_mem>>)
    %dma_start3A_218 = arith.constant 27 : i32
    %dma_start3A_219 = arith.constant 3456 : i32
    %dma_start3A_220 = tpu.memref_slice %arg6[%dma_start3A_219] : memref<6400xf32, #tpu.memory_space<vmem>> -> memref<128xf32, #tpu.memory_space<vmem>>
    %dma_start3A_221 = arith.constant 0 : i32
    %dma_start3A_222 = tpu.memref_slice %arg5[%dma_start3A_218, %dma_start3A_221] : memref<50x128xi32, #tpu.memory_space<vmem>> -> memref<1x128xi32, #tpu.memory_space<vmem>>
    %dma_start3A_223 = tpu.memref_squeeze %dma_start3A_222 : memref<1x128xi32, #tpu.memory_space<vmem>> -> memref<128xi32, #tpu.memory_space<vmem>>
    %dma_start3A_224 = arith.constant 0 : i32
    %dma_start3A_225 = tpu.memref_slice %arg3[%dma_start3A_224] : memref<100000xf32, #tpu.memory_space<hbm>> -> memref<100000xf32, #tpu.memory_space<hbm>>
    tpu.enqueue_indirect_dma source(%dma_start3A_225 : memref<100000xf32, #tpu.memory_space<hbm>>) target(%dma_start3A_220 : memref<128xf32, #tpu.memory_space<vmem>>) offsets(%dma_start3A_223 : memref<128xi32, #tpu.memory_space<vmem>>) semaphore(%arg8 : memref<!tpu.dma_semaphore, #tpu.memory_space<semaphore_mem>>)
    %dma_start3A_226 = arith.constant 28 : i32
    %dma_start3A_227 = arith.constant 3584 : i32
    %dma_start3A_228 = tpu.memref_slice %arg6[%dma_start3A_227] : memref<6400xf32, #tpu.memory_space<vmem>> -> memref<128xf32, #tpu.memory_space<vmem>>
    %dma_start3A_229 = arith.constant 0 : i32
    %dma_start3A_230 = tpu.memref_slice %arg5[%dma_start3A_226, %dma_start3A_229] : memref<50x128xi32, #tpu.memory_space<vmem>> -> memref<1x128xi32, #tpu.memory_space<vmem>>
    %dma_start3A_231 = tpu.memref_squeeze %dma_start3A_230 : memref<1x128xi32, #tpu.memory_space<vmem>> -> memref<128xi32, #tpu.memory_space<vmem>>
    %dma_start3A_232 = arith.constant 0 : i32
    %dma_start3A_233 = tpu.memref_slice %arg3[%dma_start3A_232] : memref<100000xf32, #tpu.memory_space<hbm>> -> memref<100000xf32, #tpu.memory_space<hbm>>
    tpu.enqueue_indirect_dma source(%dma_start3A_233 : memref<100000xf32, #tpu.memory_space<hbm>>) target(%dma_start3A_228 : memref<128xf32, #tpu.memory_space<vmem>>) offsets(%dma_start3A_231 : memref<128xi32, #tpu.memory_space<vmem>>) semaphore(%arg8 : memref<!tpu.dma_semaphore, #tpu.memory_space<semaphore_mem>>)
    %dma_start3A_234 = arith.constant 29 : i32
    %dma_start3A_235 = arith.constant 3712 : i32
    %dma_start3A_236 = tpu.memref_slice %arg6[%dma_start3A_235] : memref<6400xf32, #tpu.memory_space<vmem>> -> memref<128xf32, #tpu.memory_space<vmem>>
    %dma_start3A_237 = arith.constant 0 : i32
    %dma_start3A_238 = tpu.memref_slice %arg5[%dma_start3A_234, %dma_start3A_237] : memref<50x128xi32, #tpu.memory_space<vmem>> -> memref<1x128xi32, #tpu.memory_space<vmem>>
    %dma_start3A_239 = tpu.memref_squeeze %dma_start3A_238 : memref<1x128xi32, #tpu.memory_space<vmem>> -> memref<128xi32, #tpu.memory_space<vmem>>
    %dma_start3A_240 = arith.constant 0 : i32
    %dma_start3A_241 = tpu.memref_slice %arg3[%dma_start3A_240] : memref<100000xf32, #tpu.memory_space<hbm>> -> memref<100000xf32, #tpu.memory_space<hbm>>
    tpu.enqueue_indirect_dma source(%dma_start3A_241 : memref<100000xf32, #tpu.memory_space<hbm>>) target(%dma_start3A_236 : memref<128xf32, #tpu.memory_space<vmem>>) offsets(%dma_start3A_239 : memref<128xi32, #tpu.memory_space<vmem>>) semaphore(%arg8 : memref<!tpu.dma_semaphore, #tpu.memory_space<semaphore_mem>>)
    %dma_start3A_242 = arith.constant 30 : i32
    %dma_start3A_243 = arith.constant 3840 : i32
    %dma_start3A_244 = tpu.memref_slice %arg6[%dma_start3A_243] : memref<6400xf32, #tpu.memory_space<vmem>> -> memref<128xf32, #tpu.memory_space<vmem>>
    %dma_start3A_245 = arith.constant 0 : i32
    %dma_start3A_246 = tpu.memref_slice %arg5[%dma_start3A_242, %dma_start3A_245] : memref<50x128xi32, #tpu.memory_space<vmem>> -> memref<1x128xi32, #tpu.memory_space<vmem>>
    %dma_start3A_247 = tpu.memref_squeeze %dma_start3A_246 : memref<1x128xi32, #tpu.memory_space<vmem>> -> memref<128xi32, #tpu.memory_space<vmem>>
    %dma_start3A_248 = arith.constant 0 : i32
    %dma_start3A_249 = tpu.memref_slice %arg3[%dma_start3A_248] : memref<100000xf32, #tpu.memory_space<hbm>> -> memref<100000xf32, #tpu.memory_space<hbm>>
    tpu.enqueue_indirect_dma source(%dma_start3A_249 : memref<100000xf32, #tpu.memory_space<hbm>>) target(%dma_start3A_244 : memref<128xf32, #tpu.memory_space<vmem>>) offsets(%dma_start3A_247 : memref<128xi32, #tpu.memory_space<vmem>>) semaphore(%arg8 : memref<!tpu.dma_semaphore, #tpu.memory_space<semaphore_mem>>)
    %dma_start3A_250 = arith.constant 31 : i32
    %dma_start3A_251 = arith.constant 3968 : i32
    %dma_start3A_252 = tpu.memref_slice %arg6[%dma_start3A_251] : memref<6400xf32, #tpu.memory_space<vmem>> -> memref<128xf32, #tpu.memory_space<vmem>>
    %dma_start3A_253 = arith.constant 0 : i32
    %dma_start3A_254 = tpu.memref_slice %arg5[%dma_start3A_250, %dma_start3A_253] : memref<50x128xi32, #tpu.memory_space<vmem>> -> memref<1x128xi32, #tpu.memory_space<vmem>>
    %dma_start3A_255 = tpu.memref_squeeze %dma_start3A_254 : memref<1x128xi32, #tpu.memory_space<vmem>> -> memref<128xi32, #tpu.memory_space<vmem>>
    %dma_start3A_256 = arith.constant 0 : i32
    %dma_start3A_257 = tpu.memref_slice %arg3[%dma_start3A_256] : memref<100000xf32, #tpu.memory_space<hbm>> -> memref<100000xf32, #tpu.memory_space<hbm>>
    tpu.enqueue_indirect_dma source(%dma_start3A_257 : memref<100000xf32, #tpu.memory_space<hbm>>) target(%dma_start3A_252 : memref<128xf32, #tpu.memory_space<vmem>>) offsets(%dma_start3A_255 : memref<128xi32, #tpu.memory_space<vmem>>) semaphore(%arg8 : memref<!tpu.dma_semaphore, #tpu.memory_space<semaphore_mem>>)
    %dma_start3A_258 = arith.constant 32 : i32
    %dma_start3A_259 = arith.constant 4096 : i32
    %dma_start3A_260 = tpu.memref_slice %arg6[%dma_start3A_259] : memref<6400xf32, #tpu.memory_space<vmem>> -> memref<128xf32, #tpu.memory_space<vmem>>
    %dma_start3A_261 = arith.constant 0 : i32
    %dma_start3A_262 = tpu.memref_slice %arg5[%dma_start3A_258, %dma_start3A_261] : memref<50x128xi32, #tpu.memory_space<vmem>> -> memref<1x128xi32, #tpu.memory_space<vmem>>
    %dma_start3A_263 = tpu.memref_squeeze %dma_start3A_262 : memref<1x128xi32, #tpu.memory_space<vmem>> -> memref<128xi32, #tpu.memory_space<vmem>>
    %dma_start3A_264 = arith.constant 0 : i32
    %dma_start3A_265 = tpu.memref_slice %arg3[%dma_start3A_264] : memref<100000xf32, #tpu.memory_space<hbm>> -> memref<100000xf32, #tpu.memory_space<hbm>>
    tpu.enqueue_indirect_dma source(%dma_start3A_265 : memref<100000xf32, #tpu.memory_space<hbm>>) target(%dma_start3A_260 : memref<128xf32, #tpu.memory_space<vmem>>) offsets(%dma_start3A_263 : memref<128xi32, #tpu.memory_space<vmem>>) semaphore(%arg8 : memref<!tpu.dma_semaphore, #tpu.memory_space<semaphore_mem>>)
    %dma_start3A_266 = arith.constant 33 : i32
    %dma_start3A_267 = arith.constant 4224 : i32
    %dma_start3A_268 = tpu.memref_slice %arg6[%dma_start3A_267] : memref<6400xf32, #tpu.memory_space<vmem>> -> memref<128xf32, #tpu.memory_space<vmem>>
    %dma_start3A_269 = arith.constant 0 : i32
    %dma_start3A_270 = tpu.memref_slice %arg5[%dma_start3A_266, %dma_start3A_269] : memref<50x128xi32, #tpu.memory_space<vmem>> -> memref<1x128xi32, #tpu.memory_space<vmem>>
    %dma_start3A_271 = tpu.memref_squeeze %dma_start3A_270 : memref<1x128xi32, #tpu.memory_space<vmem>> -> memref<128xi32, #tpu.memory_space<vmem>>
    %dma_start3A_272 = arith.constant 0 : i32
    %dma_start3A_273 = tpu.memref_slice %arg3[%dma_start3A_272] : memref<100000xf32, #tpu.memory_space<hbm>> -> memref<100000xf32, #tpu.memory_space<hbm>>
    tpu.enqueue_indirect_dma source(%dma_start3A_273 : memref<100000xf32, #tpu.memory_space<hbm>>) target(%dma_start3A_268 : memref<128xf32, #tpu.memory_space<vmem>>) offsets(%dma_start3A_271 : memref<128xi32, #tpu.memory_space<vmem>>) semaphore(%arg8 : memref<!tpu.dma_semaphore, #tpu.memory_space<semaphore_mem>>)
    %dma_start3A_274 = arith.constant 34 : i32
    %dma_start3A_275 = arith.constant 4352 : i32
    %dma_start3A_276 = tpu.memref_slice %arg6[%dma_start3A_275] : memref<6400xf32, #tpu.memory_space<vmem>> -> memref<128xf32, #tpu.memory_space<vmem>>
    %dma_start3A_277 = arith.constant 0 : i32
    %dma_start3A_278 = tpu.memref_slice %arg5[%dma_start3A_274, %dma_start3A_277] : memref<50x128xi32, #tpu.memory_space<vmem>> -> memref<1x128xi32, #tpu.memory_space<vmem>>
    %dma_start3A_279 = tpu.memref_squeeze %dma_start3A_278 : memref<1x128xi32, #tpu.memory_space<vmem>> -> memref<128xi32, #tpu.memory_space<vmem>>
    %dma_start3A_280 = arith.constant 0 : i32
    %dma_start3A_281 = tpu.memref_slice %arg3[%dma_start3A_280] : memref<100000xf32, #tpu.memory_space<hbm>> -> memref<100000xf32, #tpu.memory_space<hbm>>
    tpu.enqueue_indirect_dma source(%dma_start3A_281 : memref<100000xf32, #tpu.memory_space<hbm>>) target(%dma_start3A_276 : memref<128xf32, #tpu.memory_space<vmem>>) offsets(%dma_start3A_279 : memref<128xi32, #tpu.memory_space<vmem>>) semaphore(%arg8 : memref<!tpu.dma_semaphore, #tpu.memory_space<semaphore_mem>>)
    %dma_start3A_282 = arith.constant 35 : i32
    %dma_start3A_283 = arith.constant 4480 : i32
    %dma_start3A_284 = tpu.memref_slice %arg6[%dma_start3A_283] : memref<6400xf32, #tpu.memory_space<vmem>> -> memref<128xf32, #tpu.memory_space<vmem>>
    %dma_start3A_285 = arith.constant 0 : i32
    %dma_start3A_286 = tpu.memref_slice %arg5[%dma_start3A_282, %dma_start3A_285] : memref<50x128xi32, #tpu.memory_space<vmem>> -> memref<1x128xi32, #tpu.memory_space<vmem>>
    %dma_start3A_287 = tpu.memref_squeeze %dma_start3A_286 : memref<1x128xi32, #tpu.memory_space<vmem>> -> memref<128xi32, #tpu.memory_space<vmem>>
    %dma_start3A_288 = arith.constant 0 : i32
    %dma_start3A_289 = tpu.memref_slice %arg3[%dma_start3A_288] : memref<100000xf32, #tpu.memory_space<hbm>> -> memref<100000xf32, #tpu.memory_space<hbm>>
    tpu.enqueue_indirect_dma source(%dma_start3A_289 : memref<100000xf32, #tpu.memory_space<hbm>>) target(%dma_start3A_284 : memref<128xf32, #tpu.memory_space<vmem>>) offsets(%dma_start3A_287 : memref<128xi32, #tpu.memory_space<vmem>>) semaphore(%arg8 : memref<!tpu.dma_semaphore, #tpu.memory_space<semaphore_mem>>)
    %dma_start3A_290 = arith.constant 36 : i32
    %dma_start3A_291 = arith.constant 4608 : i32
    %dma_start3A_292 = tpu.memref_slice %arg6[%dma_start3A_291] : memref<6400xf32, #tpu.memory_space<vmem>> -> memref<128xf32, #tpu.memory_space<vmem>>
    %dma_start3A_293 = arith.constant 0 : i32
    %dma_start3A_294 = tpu.memref_slice %arg5[%dma_start3A_290, %dma_start3A_293] : memref<50x128xi32, #tpu.memory_space<vmem>> -> memref<1x128xi32, #tpu.memory_space<vmem>>
    %dma_start3A_295 = tpu.memref_squeeze %dma_start3A_294 : memref<1x128xi32, #tpu.memory_space<vmem>> -> memref<128xi32, #tpu.memory_space<vmem>>
    %dma_start3A_296 = arith.constant 0 : i32
    %dma_start3A_297 = tpu.memref_slice %arg3[%dma_start3A_296] : memref<100000xf32, #tpu.memory_space<hbm>> -> memref<100000xf32, #tpu.memory_space<hbm>>
    tpu.enqueue_indirect_dma source(%dma_start3A_297 : memref<100000xf32, #tpu.memory_space<hbm>>) target(%dma_start3A_292 : memref<128xf32, #tpu.memory_space<vmem>>) offsets(%dma_start3A_295 : memref<128xi32, #tpu.memory_space<vmem>>) semaphore(%arg8 : memref<!tpu.dma_semaphore, #tpu.memory_space<semaphore_mem>>)
    %dma_start3A_298 = arith.constant 37 : i32
    %dma_start3A_299 = arith.constant 4736 : i32
    %dma_start3A_300 = tpu.memref_slice %arg6[%dma_start3A_299] : memref<6400xf32, #tpu.memory_space<vmem>> -> memref<128xf32, #tpu.memory_space<vmem>>
    %dma_start3A_301 = arith.constant 0 : i32
    %dma_start3A_302 = tpu.memref_slice %arg5[%dma_start3A_298, %dma_start3A_301] : memref<50x128xi32, #tpu.memory_space<vmem>> -> memref<1x128xi32, #tpu.memory_space<vmem>>
    %dma_start3A_303 = tpu.memref_squeeze %dma_start3A_302 : memref<1x128xi32, #tpu.memory_space<vmem>> -> memref<128xi32, #tpu.memory_space<vmem>>
    %dma_start3A_304 = arith.constant 0 : i32
    %dma_start3A_305 = tpu.memref_slice %arg3[%dma_start3A_304] : memref<100000xf32, #tpu.memory_space<hbm>> -> memref<100000xf32, #tpu.memory_space<hbm>>
    tpu.enqueue_indirect_dma source(%dma_start3A_305 : memref<100000xf32, #tpu.memory_space<hbm>>) target(%dma_start3A_300 : memref<128xf32, #tpu.memory_space<vmem>>) offsets(%dma_start3A_303 : memref<128xi32, #tpu.memory_space<vmem>>) semaphore(%arg8 : memref<!tpu.dma_semaphore, #tpu.memory_space<semaphore_mem>>)
    %dma_start3A_306 = arith.constant 38 : i32
    %dma_start3A_307 = arith.constant 4864 : i32
    %dma_start3A_308 = tpu.memref_slice %arg6[%dma_start3A_307] : memref<6400xf32, #tpu.memory_space<vmem>> -> memref<128xf32, #tpu.memory_space<vmem>>
    %dma_start3A_309 = arith.constant 0 : i32
    %dma_start3A_310 = tpu.memref_slice %arg5[%dma_start3A_306, %dma_start3A_309] : memref<50x128xi32, #tpu.memory_space<vmem>> -> memref<1x128xi32, #tpu.memory_space<vmem>>
    %dma_start3A_311 = tpu.memref_squeeze %dma_start3A_310 : memref<1x128xi32, #tpu.memory_space<vmem>> -> memref<128xi32, #tpu.memory_space<vmem>>
    %dma_start3A_312 = arith.constant 0 : i32
    %dma_start3A_313 = tpu.memref_slice %arg3[%dma_start3A_312] : memref<100000xf32, #tpu.memory_space<hbm>> -> memref<100000xf32, #tpu.memory_space<hbm>>
    tpu.enqueue_indirect_dma source(%dma_start3A_313 : memref<100000xf32, #tpu.memory_space<hbm>>) target(%dma_start3A_308 : memref<128xf32, #tpu.memory_space<vmem>>) offsets(%dma_start3A_311 : memref<128xi32, #tpu.memory_space<vmem>>) semaphore(%arg8 : memref<!tpu.dma_semaphore, #tpu.memory_space<semaphore_mem>>)
    %dma_start3A_314 = arith.constant 39 : i32
    %dma_start3A_315 = arith.constant 4992 : i32
    %dma_start3A_316 = tpu.memref_slice %arg6[%dma_start3A_315] : memref<6400xf32, #tpu.memory_space<vmem>> -> memref<128xf32, #tpu.memory_space<vmem>>
    %dma_start3A_317 = arith.constant 0 : i32
    %dma_start3A_318 = tpu.memref_slice %arg5[%dma_start3A_314, %dma_start3A_317] : memref<50x128xi32, #tpu.memory_space<vmem>> -> memref<1x128xi32, #tpu.memory_space<vmem>>
    %dma_start3A_319 = tpu.memref_squeeze %dma_start3A_318 : memref<1x128xi32, #tpu.memory_space<vmem>> -> memref<128xi32, #tpu.memory_space<vmem>>
    %dma_start3A_320 = arith.constant 0 : i32
    %dma_start3A_321 = tpu.memref_slice %arg3[%dma_start3A_320] : memref<100000xf32, #tpu.memory_space<hbm>> -> memref<100000xf32, #tpu.memory_space<hbm>>
    tpu.enqueue_indirect_dma source(%dma_start3A_321 : memref<100000xf32, #tpu.memory_space<hbm>>) target(%dma_start3A_316 : memref<128xf32, #tpu.memory_space<vmem>>) offsets(%dma_start3A_319 : memref<128xi32, #tpu.memory_space<vmem>>) semaphore(%arg8 : memref<!tpu.dma_semaphore, #tpu.memory_space<semaphore_mem>>)
    %dma_start3A_322 = arith.constant 40 : i32
    %dma_start3A_323 = arith.constant 5120 : i32
    %dma_start3A_324 = tpu.memref_slice %arg6[%dma_start3A_323] : memref<6400xf32, #tpu.memory_space<vmem>> -> memref<128xf32, #tpu.memory_space<vmem>>
    %dma_start3A_325 = arith.constant 0 : i32
    %dma_start3A_326 = tpu.memref_slice %arg5[%dma_start3A_322, %dma_start3A_325] : memref<50x128xi32, #tpu.memory_space<vmem>> -> memref<1x128xi32, #tpu.memory_space<vmem>>
    %dma_start3A_327 = tpu.memref_squeeze %dma_start3A_326 : memref<1x128xi32, #tpu.memory_space<vmem>> -> memref<128xi32, #tpu.memory_space<vmem>>
    %dma_start3A_328 = arith.constant 0 : i32
    %dma_start3A_329 = tpu.memref_slice %arg3[%dma_start3A_328] : memref<100000xf32, #tpu.memory_space<hbm>> -> memref<100000xf32, #tpu.memory_space<hbm>>
    tpu.enqueue_indirect_dma source(%dma_start3A_329 : memref<100000xf32, #tpu.memory_space<hbm>>) target(%dma_start3A_324 : memref<128xf32, #tpu.memory_space<vmem>>) offsets(%dma_start3A_327 : memref<128xi32, #tpu.memory_space<vmem>>) semaphore(%arg8 : memref<!tpu.dma_semaphore, #tpu.memory_space<semaphore_mem>>)
    %dma_start3A_330 = arith.constant 41 : i32
    %dma_start3A_331 = arith.constant 5248 : i32
    %dma_start3A_332 = tpu.memref_slice %arg6[%dma_start3A_331] : memref<6400xf32, #tpu.memory_space<vmem>> -> memref<128xf32, #tpu.memory_space<vmem>>
    %dma_start3A_333 = arith.constant 0 : i32
    %dma_start3A_334 = tpu.memref_slice %arg5[%dma_start3A_330, %dma_start3A_333] : memref<50x128xi32, #tpu.memory_space<vmem>> -> memref<1x128xi32, #tpu.memory_space<vmem>>
    %dma_start3A_335 = tpu.memref_squeeze %dma_start3A_334 : memref<1x128xi32, #tpu.memory_space<vmem>> -> memref<128xi32, #tpu.memory_space<vmem>>
    %dma_start3A_336 = arith.constant 0 : i32
    %dma_start3A_337 = tpu.memref_slice %arg3[%dma_start3A_336] : memref<100000xf32, #tpu.memory_space<hbm>> -> memref<100000xf32, #tpu.memory_space<hbm>>
    tpu.enqueue_indirect_dma source(%dma_start3A_337 : memref<100000xf32, #tpu.memory_space<hbm>>) target(%dma_start3A_332 : memref<128xf32, #tpu.memory_space<vmem>>) offsets(%dma_start3A_335 : memref<128xi32, #tpu.memory_space<vmem>>) semaphore(%arg8 : memref<!tpu.dma_semaphore, #tpu.memory_space<semaphore_mem>>)
    %dma_start3A_338 = arith.constant 42 : i32
    %dma_start3A_339 = arith.constant 5376 : i32
    %dma_start3A_340 = tpu.memref_slice %arg6[%dma_start3A_339] : memref<6400xf32, #tpu.memory_space<vmem>> -> memref<128xf32, #tpu.memory_space<vmem>>
    %dma_start3A_341 = arith.constant 0 : i32
    %dma_start3A_342 = tpu.memref_slice %arg5[%dma_start3A_338, %dma_start3A_341] : memref<50x128xi32, #tpu.memory_space<vmem>> -> memref<1x128xi32, #tpu.memory_space<vmem>>
    %dma_start3A_343 = tpu.memref_squeeze %dma_start3A_342 : memref<1x128xi32, #tpu.memory_space<vmem>> -> memref<128xi32, #tpu.memory_space<vmem>>
    %dma_start3A_344 = arith.constant 0 : i32
    %dma_start3A_345 = tpu.memref_slice %arg3[%dma_start3A_344] : memref<100000xf32, #tpu.memory_space<hbm>> -> memref<100000xf32, #tpu.memory_space<hbm>>
    tpu.enqueue_indirect_dma source(%dma_start3A_345 : memref<100000xf32, #tpu.memory_space<hbm>>) target(%dma_start3A_340 : memref<128xf32, #tpu.memory_space<vmem>>) offsets(%dma_start3A_343 : memref<128xi32, #tpu.memory_space<vmem>>) semaphore(%arg8 : memref<!tpu.dma_semaphore, #tpu.memory_space<semaphore_mem>>)
    %dma_start3A_346 = arith.constant 43 : i32
    %dma_start3A_347 = arith.constant 5504 : i32
    %dma_start3A_348 = tpu.memref_slice %arg6[%dma_start3A_347] : memref<6400xf32, #tpu.memory_space<vmem>> -> memref<128xf32, #tpu.memory_space<vmem>>
    %dma_start3A_349 = arith.constant 0 : i32
    %dma_start3A_350 = tpu.memref_slice %arg5[%dma_start3A_346, %dma_start3A_349] : memref<50x128xi32, #tpu.memory_space<vmem>> -> memref<1x128xi32, #tpu.memory_space<vmem>>
    %dma_start3A_351 = tpu.memref_squeeze %dma_start3A_350 : memref<1x128xi32, #tpu.memory_space<vmem>> -> memref<128xi32, #tpu.memory_space<vmem>>
    %dma_start3A_352 = arith.constant 0 : i32
    %dma_start3A_353 = tpu.memref_slice %arg3[%dma_start3A_352] : memref<100000xf32, #tpu.memory_space<hbm>> -> memref<100000xf32, #tpu.memory_space<hbm>>
    tpu.enqueue_indirect_dma source(%dma_start3A_353 : memref<100000xf32, #tpu.memory_space<hbm>>) target(%dma_start3A_348 : memref<128xf32, #tpu.memory_space<vmem>>) offsets(%dma_start3A_351 : memref<128xi32, #tpu.memory_space<vmem>>) semaphore(%arg8 : memref<!tpu.dma_semaphore, #tpu.memory_space<semaphore_mem>>)
    %dma_start3A_354 = arith.constant 44 : i32
    %dma_start3A_355 = arith.constant 5632 : i32
    %dma_start3A_356 = tpu.memref_slice %arg6[%dma_start3A_355] : memref<6400xf32, #tpu.memory_space<vmem>> -> memref<128xf32, #tpu.memory_space<vmem>>
    %dma_start3A_357 = arith.constant 0 : i32
    %dma_start3A_358 = tpu.memref_slice %arg5[%dma_start3A_354, %dma_start3A_357] : memref<50x128xi32, #tpu.memory_space<vmem>> -> memref<1x128xi32, #tpu.memory_space<vmem>>
    %dma_start3A_359 = tpu.memref_squeeze %dma_start3A_358 : memref<1x128xi32, #tpu.memory_space<vmem>> -> memref<128xi32, #tpu.memory_space<vmem>>
    %dma_start3A_360 = arith.constant 0 : i32
    %dma_start3A_361 = tpu.memref_slice %arg3[%dma_start3A_360] : memref<100000xf32, #tpu.memory_space<hbm>> -> memref<100000xf32, #tpu.memory_space<hbm>>
    tpu.enqueue_indirect_dma source(%dma_start3A_361 : memref<100000xf32, #tpu.memory_space<hbm>>) target(%dma_start3A_356 : memref<128xf32, #tpu.memory_space<vmem>>) offsets(%dma_start3A_359 : memref<128xi32, #tpu.memory_space<vmem>>) semaphore(%arg8 : memref<!tpu.dma_semaphore, #tpu.memory_space<semaphore_mem>>)
    %dma_start3A_362 = arith.constant 45 : i32
    %dma_start3A_363 = arith.constant 5760 : i32
    %dma_start3A_364 = tpu.memref_slice %arg6[%dma_start3A_363] : memref<6400xf32, #tpu.memory_space<vmem>> -> memref<128xf32, #tpu.memory_space<vmem>>
    %dma_start3A_365 = arith.constant 0 : i32
    %dma_start3A_366 = tpu.memref_slice %arg5[%dma_start3A_362, %dma_start3A_365] : memref<50x128xi32, #tpu.memory_space<vmem>> -> memref<1x128xi32, #tpu.memory_space<vmem>>
    %dma_start3A_367 = tpu.memref_squeeze %dma_start3A_366 : memref<1x128xi32, #tpu.memory_space<vmem>> -> memref<128xi32, #tpu.memory_space<vmem>>
    %dma_start3A_368 = arith.constant 0 : i32
    %dma_start3A_369 = tpu.memref_slice %arg3[%dma_start3A_368] : memref<100000xf32, #tpu.memory_space<hbm>> -> memref<100000xf32, #tpu.memory_space<hbm>>
    tpu.enqueue_indirect_dma source(%dma_start3A_369 : memref<100000xf32, #tpu.memory_space<hbm>>) target(%dma_start3A_364 : memref<128xf32, #tpu.memory_space<vmem>>) offsets(%dma_start3A_367 : memref<128xi32, #tpu.memory_space<vmem>>) semaphore(%arg8 : memref<!tpu.dma_semaphore, #tpu.memory_space<semaphore_mem>>)
    %dma_start3A_370 = arith.constant 46 : i32
    %dma_start3A_371 = arith.constant 5888 : i32
    %dma_start3A_372 = tpu.memref_slice %arg6[%dma_start3A_371] : memref<6400xf32, #tpu.memory_space<vmem>> -> memref<128xf32, #tpu.memory_space<vmem>>
    %dma_start3A_373 = arith.constant 0 : i32
    %dma_start3A_374 = tpu.memref_slice %arg5[%dma_start3A_370, %dma_start3A_373] : memref<50x128xi32, #tpu.memory_space<vmem>> -> memref<1x128xi32, #tpu.memory_space<vmem>>
    %dma_start3A_375 = tpu.memref_squeeze %dma_start3A_374 : memref<1x128xi32, #tpu.memory_space<vmem>> -> memref<128xi32, #tpu.memory_space<vmem>>
    %dma_start3A_376 = arith.constant 0 : i32
    %dma_start3A_377 = tpu.memref_slice %arg3[%dma_start3A_376] : memref<100000xf32, #tpu.memory_space<hbm>> -> memref<100000xf32, #tpu.memory_space<hbm>>
    tpu.enqueue_indirect_dma source(%dma_start3A_377 : memref<100000xf32, #tpu.memory_space<hbm>>) target(%dma_start3A_372 : memref<128xf32, #tpu.memory_space<vmem>>) offsets(%dma_start3A_375 : memref<128xi32, #tpu.memory_space<vmem>>) semaphore(%arg8 : memref<!tpu.dma_semaphore, #tpu.memory_space<semaphore_mem>>)
    %dma_start3A_378 = arith.constant 47 : i32
    %dma_start3A_379 = arith.constant 6016 : i32
    %dma_start3A_380 = tpu.memref_slice %arg6[%dma_start3A_379] : memref<6400xf32, #tpu.memory_space<vmem>> -> memref<128xf32, #tpu.memory_space<vmem>>
    %dma_start3A_381 = arith.constant 0 : i32
    %dma_start3A_382 = tpu.memref_slice %arg5[%dma_start3A_378, %dma_start3A_381] : memref<50x128xi32, #tpu.memory_space<vmem>> -> memref<1x128xi32, #tpu.memory_space<vmem>>
    %dma_start3A_383 = tpu.memref_squeeze %dma_start3A_382 : memref<1x128xi32, #tpu.memory_space<vmem>> -> memref<128xi32, #tpu.memory_space<vmem>>
    %dma_start3A_384 = arith.constant 0 : i32
    %dma_start3A_385 = tpu.memref_slice %arg3[%dma_start3A_384] : memref<100000xf32, #tpu.memory_space<hbm>> -> memref<100000xf32, #tpu.memory_space<hbm>>
    tpu.enqueue_indirect_dma source(%dma_start3A_385 : memref<100000xf32, #tpu.memory_space<hbm>>) target(%dma_start3A_380 : memref<128xf32, #tpu.memory_space<vmem>>) offsets(%dma_start3A_383 : memref<128xi32, #tpu.memory_space<vmem>>) semaphore(%arg8 : memref<!tpu.dma_semaphore, #tpu.memory_space<semaphore_mem>>)
    %dma_start3A_386 = arith.constant 48 : i32
    %dma_start3A_387 = arith.constant 6144 : i32
    %dma_start3A_388 = tpu.memref_slice %arg6[%dma_start3A_387] : memref<6400xf32, #tpu.memory_space<vmem>> -> memref<128xf32, #tpu.memory_space<vmem>>
    %dma_start3A_389 = arith.constant 0 : i32
    %dma_start3A_390 = tpu.memref_slice %arg5[%dma_start3A_386, %dma_start3A_389] : memref<50x128xi32, #tpu.memory_space<vmem>> -> memref<1x128xi32, #tpu.memory_space<vmem>>
    %dma_start3A_391 = tpu.memref_squeeze %dma_start3A_390 : memref<1x128xi32, #tpu.memory_space<vmem>> -> memref<128xi32, #tpu.memory_space<vmem>>
    %dma_start3A_392 = arith.constant 0 : i32
    %dma_start3A_393 = tpu.memref_slice %arg3[%dma_start3A_392] : memref<100000xf32, #tpu.memory_space<hbm>> -> memref<100000xf32, #tpu.memory_space<hbm>>
    tpu.enqueue_indirect_dma source(%dma_start3A_393 : memref<100000xf32, #tpu.memory_space<hbm>>) target(%dma_start3A_388 : memref<128xf32, #tpu.memory_space<vmem>>) offsets(%dma_start3A_391 : memref<128xi32, #tpu.memory_space<vmem>>) semaphore(%arg8 : memref<!tpu.dma_semaphore, #tpu.memory_space<semaphore_mem>>)
    %dma_start3A_394 = arith.constant 49 : i32
    %dma_start3A_395 = arith.constant 6272 : i32
    %dma_start3A_396 = tpu.memref_slice %arg6[%dma_start3A_395] : memref<6400xf32, #tpu.memory_space<vmem>> -> memref<128xf32, #tpu.memory_space<vmem>>
    %dma_start3A_397 = arith.constant 0 : i32
    %dma_start3A_398 = tpu.memref_slice %arg5[%dma_start3A_394, %dma_start3A_397] : memref<50x128xi32, #tpu.memory_space<vmem>> -> memref<1x128xi32, #tpu.memory_space<vmem>>
    %dma_start3A_399 = tpu.memref_squeeze %dma_start3A_398 : memref<1x128xi32, #tpu.memory_space<vmem>> -> memref<128xi32, #tpu.memory_space<vmem>>
    %dma_start3A_400 = arith.constant 0 : i32
    %dma_start3A_401 = tpu.memref_slice %arg3[%dma_start3A_400] : memref<100000xf32, #tpu.memory_space<hbm>> -> memref<100000xf32, #tpu.memory_space<hbm>>
    tpu.enqueue_indirect_dma source(%dma_start3A_401 : memref<100000xf32, #tpu.memory_space<hbm>>) target(%dma_start3A_396 : memref<128xf32, #tpu.memory_space<vmem>>) offsets(%dma_start3A_399 : memref<128xi32, #tpu.memory_space<vmem>>) semaphore(%arg8 : memref<!tpu.dma_semaphore, #tpu.memory_space<semaphore_mem>>)
    %broadcast_in_dim3A = arith.constant 0.000000e+00 : f32
    %broadcast_in_dim3A_402 = vector.broadcast %broadcast_in_dim3A : f32 to vector<16xf32>
    %broadcast_in_dim3A_403 = arith.constant 0.000000e+00 : f32
    %broadcast_in_dim3A_404 = vector.broadcast %broadcast_in_dim3A_403 : f32 to vector<16xf32>
    %broadcast_in_dim3A_405 = arith.constant 0.000000e+00 : f32
    %broadcast_in_dim3A_406 = vector.broadcast %broadcast_in_dim3A_405 : f32 to vector<16xf32>
    %broadcast_in_dim3A_407 = arith.constant 0.000000e+00 : f32
    %broadcast_in_dim3A_408 = vector.broadcast %broadcast_in_dim3A_407 : f32 to vector<16xf32>
    %broadcast_in_dim3A_409 = arith.constant 0.000000e+00 : f32
    %broadcast_in_dim3A_410 = vector.broadcast %broadcast_in_dim3A_409 : f32 to vector<16xf32>
    %broadcast_in_dim3A_411 = arith.constant 0.000000e+00 : f32
    %broadcast_in_dim3A_412 = vector.broadcast %broadcast_in_dim3A_411 : f32 to vector<16xf32>
    %broadcast_in_dim3A_413 = arith.constant 0.000000e+00 : f32
    %broadcast_in_dim3A_414 = vector.broadcast %broadcast_in_dim3A_413 : f32 to vector<16xf32>
    %broadcast_in_dim3A_415 = arith.constant 0.000000e+00 : f32
    %broadcast_in_dim3A_416 = vector.broadcast %broadcast_in_dim3A_415 : f32 to vector<16xf32>
    %dma_wait3A = arith.constant 0 : i32
    %dma_wait3A_417 = arith.constant 0 : i32
    %dma_wait3A_418 = tpu.memref_slice %arg6[%dma_wait3A_417] : memref<6400xf32, #tpu.memory_space<vmem>> -> memref<128xf32, #tpu.memory_space<vmem>>
    %dma_wait3A_419 = arith.constant 0 : i32
    %dma_wait3A_420 = tpu.memref_slice %arg5[%dma_wait3A, %dma_wait3A_419] : memref<50x128xi32, #tpu.memory_space<vmem>> -> memref<1x128xi32, #tpu.memory_space<vmem>>
    %dma_wait3A_421 = tpu.memref_squeeze %dma_wait3A_420 : memref<1x128xi32, #tpu.memory_space<vmem>> -> memref<128xi32, #tpu.memory_space<vmem>>
    %dma_wait3A_422 = arith.constant 0 : i32
    %dma_wait3A_423 = tpu.memref_slice %arg3[%dma_wait3A_422] : memref<100000xf32, #tpu.memory_space<hbm>> -> memref<100000xf32, #tpu.memory_space<hbm>>
    tpu.wait_indirect_dma semaphore(%arg8 : memref<!tpu.dma_semaphore, #tpu.memory_space<semaphore_mem>>) src(%dma_wait3A_423 : memref<100000xf32, #tpu.memory_space<hbm>>) dst(%dma_wait3A_418 : memref<128xf32, #tpu.memory_space<vmem>>)
    %get3A = arith.constant 0 : index
    %get3A_424 = tpu.vector_load %arg6[%get3A] {strides = array<i32>} : memref<6400xf32, #tpu.memory_space<vmem>>, vector<16xf32>,
    %get3A_425 = vector.shape_cast %get3A_424 : vector<16xf32> to vector<16xf32>
    %add3A_426 = arith.addf %broadcast_in_dim3A_402, %get3A_425 : vector<16xf32>
    %get3A_427 = arith.constant 16 : index
    %get3A_428 = tpu.vector_load %arg6[%get3A_427] {strides = array<i32>} : memref<6400xf32, #tpu.memory_space<vmem>>, vector<16xf32>,
    %get3A_429 = vector.shape_cast %get3A_428 : vector<16xf32> to vector<16xf32>
    %add3A_430 = arith.addf %broadcast_in_dim3A_404, %get3A_429 : vector<16xf32>
    %get3A_431 = arith.constant 32 : index
    %get3A_432 = tpu.vector_load %arg6[%get3A_431] {strides = array<i32>} : memref<6400xf32, #tpu.memory_space<vmem>>, vector<16xf32>,
    %get3A_433 = vector.shape_cast %get3A_432 : vector<16xf32> to vector<16xf32>
    %add3A_434 = arith.addf %broadcast_in_dim3A_406, %get3A_433 : vector<16xf32>
    %get3A_435 = arith.constant 48 : index
    %get3A_436 = tpu.vector_load %arg6[%get3A_435] {strides = array<i32>} : memref<6400xf32, #tpu.memory_space<vmem>>, vector<16xf32>,
    %get3A_437 = vector.shape_cast %get3A_436 : vector<16xf32> to vector<16xf32>
    %add3A_438 = arith.addf %broadcast_in_dim3A_408, %get3A_437 : vector<16xf32>
    %get3A_439 = arith.constant 64 : index
    %get3A_440 = tpu.vector_load %arg6[%get3A_439] {strides = array<i32>} : memref<6400xf32, #tpu.memory_space<vmem>>, vector<16xf32>,
    %get3A_441 = vector.shape_cast %get3A_440 : vector<16xf32> to vector<16xf32>
    %add3A_442 = arith.addf %broadcast_in_dim3A_410, %get3A_441 : vector<16xf32>
    %get3A_443 = arith.constant 80 : index
    %get3A_444 = tpu.vector_load %arg6[%get3A_443] {strides = array<i32>} : memref<6400xf32, #tpu.memory_space<vmem>>, vector<16xf32>,
    %get3A_445 = vector.shape_cast %get3A_444 : vector<16xf32> to vector<16xf32>
    %add3A_446 = arith.addf %broadcast_in_dim3A_412, %get3A_445 : vector<16xf32>
    %get3A_447 = arith.constant 96 : index
    %get3A_448 = tpu.vector_load %arg6[%get3A_447] {strides = array<i32>} : memref<6400xf32, #tpu.memory_space<vmem>>, vector<16xf32>,
    %get3A_449 = vector.shape_cast %get3A_448 : vector<16xf32> to vector<16xf32>
    %add3A_450 = arith.addf %broadcast_in_dim3A_414, %get3A_449 : vector<16xf32>
    %get3A_451 = arith.constant 112 : index
    %get3A_452 = tpu.vector_load %arg6[%get3A_451] {strides = array<i32>} : memref<6400xf32, #tpu.memory_space<vmem>>, vector<16xf32>,
    %get3A_453 = vector.shape_cast %get3A_452 : vector<16xf32> to vector<16xf32>
    %add3A_454 = arith.addf %broadcast_in_dim3A_416, %get3A_453 : vector<16xf32>
    %dma_wait3A_455 = arith.constant 1 : i32
    %dma_wait3A_456 = arith.constant 128 : i32
    %dma_wait3A_457 = tpu.memref_slice %arg6[%dma_wait3A_456] : memref<6400xf32, #tpu.memory_space<vmem>> -> memref<128xf32, #tpu.memory_space<vmem>>
    %dma_wait3A_458 = arith.constant 0 : i32
    %dma_wait3A_459 = tpu.memref_slice %arg5[%dma_wait3A_455, %dma_wait3A_458] : memref<50x128xi32, #tpu.memory_space<vmem>> -> memref<1x128xi32, #tpu.memory_space<vmem>>
    %dma_wait3A_460 = tpu.memref_squeeze %dma_wait3A_459 : memref<1x128xi32, #tpu.memory_space<vmem>> -> memref<128xi32, #tpu.memory_space<vmem>>
    %dma_wait3A_461 = arith.constant 0 : i32
    %dma_wait3A_462 = tpu.memref_slice %arg3[%dma_wait3A_461] : memref<100000xf32, #tpu.memory_space<hbm>> -> memref<100000xf32, #tpu.memory_space<hbm>>
    tpu.wait_indirect_dma semaphore(%arg8 : memref<!tpu.dma_semaphore, #tpu.memory_space<semaphore_mem>>) src(%dma_wait3A_462 : memref<100000xf32, #tpu.memory_space<hbm>>) dst(%dma_wait3A_457 : memref<128xf32, #tpu.memory_space<vmem>>)
    %get3A_463 = arith.constant 128 : index
    %get3A_464 = tpu.vector_load %arg6[%get3A_463] {strides = array<i32>} : memref<6400xf32, #tpu.memory_space<vmem>>, vector<16xf32>,
    %get3A_465 = vector.shape_cast %get3A_464 : vector<16xf32> to vector<16xf32>
    %add3A_466 = arith.addf %add3A_426, %get3A_465 : vector<16xf32>
    %get3A_467 = arith.constant 144 : index
    %get3A_468 = tpu.vector_load %arg6[%get3A_467] {strides = array<i32>} : memref<6400xf32, #tpu.memory_space<vmem>>, vector<16xf32>,
    %get3A_469 = vector.shape_cast %get3A_468 : vector<16xf32> to vector<16xf32>
    %add3A_470 = arith.addf %add3A_430, %get3A_469 : vector<16xf32>
    %get3A_471 = arith.constant 160 : index
    %get3A_472 = tpu.vector_load %arg6[%get3A_471] {strides = array<i32>} : memref<6400xf32, #tpu.memory_space<vmem>>, vector<16xf32>,
    %get3A_473 = vector.shape_cast %get3A_472 : vector<16xf32> to vector<16xf32>
    %add3A_474 = arith.addf %add3A_434, %get3A_473 : vector<16xf32>
    %get3A_475 = arith.constant 176 : index
    %get3A_476 = tpu.vector_load %arg6[%get3A_475] {strides = array<i32>} : memref<6400xf32, #tpu.memory_space<vmem>>, vector<16xf32>,
    %get3A_477 = vector.shape_cast %get3A_476 : vector<16xf32> to vector<16xf32>
    %add3A_478 = arith.addf %add3A_438, %get3A_477 : vector<16xf32>
    %get3A_479 = arith.constant 192 : index
    %get3A_480 = tpu.vector_load %arg6[%get3A_479] {strides = array<i32>} : memref<6400xf32, #tpu.memory_space<vmem>>, vector<16xf32>,
    %get3A_481 = vector.shape_cast %get3A_480 : vector<16xf32> to vector<16xf32>
    %add3A_482 = arith.addf %add3A_442, %get3A_481 : vector<16xf32>
    %get3A_483 = arith.constant 208 : index
    %get3A_484 = tpu.vector_load %arg6[%get3A_483] {strides = array<i32>} : memref<6400xf32, #tpu.memory_space<vmem>>, vector<16xf32>,
    %get3A_485 = vector.shape_cast %get3A_484 : vector<16xf32> to vector<16xf32>
    %add3A_486 = arith.addf %add3A_446, %get3A_485 : vector<16xf32>
    %get3A_487 = arith.constant 224 : index
    %get3A_488 = tpu.vector_load %arg6[%get3A_487] {strides = array<i32>} : memref<6400xf32, #tpu.memory_space<vmem>>, vector<16xf32>,
    %get3A_489 = vector.shape_cast %get3A_488 : vector<16xf32> to vector<16xf32>
    %add3A_490 = arith.addf %add3A_450, %get3A_489 : vector<16xf32>
    %get3A_491 = arith.constant 240 : index
    %get3A_492 = tpu.vector_load %arg6[%get3A_491] {strides = array<i32>} : memref<6400xf32, #tpu.memory_space<vmem>>, vector<16xf32>,
    %get3A_493 = vector.shape_cast %get3A_492 : vector<16xf32> to vector<16xf32>
    %add3A_494 = arith.addf %add3A_454, %get3A_493 : vector<16xf32>
    %dma_wait3A_495 = arith.constant 2 : i32
    %dma_wait3A_496 = arith.constant 256 : i32
    %dma_wait3A_497 = tpu.memref_slice %arg6[%dma_wait3A_496] : memref<6400xf32, #tpu.memory_space<vmem>> -> memref<128xf32, #tpu.memory_space<vmem>>
    %dma_wait3A_498 = arith.constant 0 : i32
    %dma_wait3A_499 = tpu.memref_slice %arg5[%dma_wait3A_495, %dma_wait3A_498] : memref<50x128xi32, #tpu.memory_space<vmem>> -> memref<1x128xi32, #tpu.memory_space<vmem>>
    %dma_wait3A_500 = tpu.memref_squeeze %dma_wait3A_499 : memref<1x128xi32, #tpu.memory_space<vmem>> -> memref<128xi32, #tpu.memory_space<vmem>>
    %dma_wait3A_501 = arith.constant 0 : i32
    %dma_wait3A_502 = tpu.memref_slice %arg3[%dma_wait3A_501] : memref<100000xf32, #tpu.memory_space<hbm>> -> memref<100000xf32, #tpu.memory_space<hbm>>
    tpu.wait_indirect_dma semaphore(%arg8 : memref<!tpu.dma_semaphore, #tpu.memory_space<semaphore_mem>>) src(%dma_wait3A_502 : memref<100000xf32, #tpu.memory_space<hbm>>) dst(%dma_wait3A_497 : memref<128xf32, #tpu.memory_space<vmem>>)
    %get3A_503 = arith.constant 256 : index
    %get3A_504 = tpu.vector_load %arg6[%get3A_503] {strides = array<i32>} : memref<6400xf32, #tpu.memory_space<vmem>>, vector<16xf32>,
    %get3A_505 = vector.shape_cast %get3A_504 : vector<16xf32> to vector<16xf32>
    %add3A_506 = arith.addf %add3A_466, %get3A_505 : vector<16xf32>
    %get3A_507 = arith.constant 272 : index
    %get3A_508 = tpu.vector_load %arg6[%get3A_507] {strides = array<i32>} : memref<6400xf32, #tpu.memory_space<vmem>>, vector<16xf32>,
    %get3A_509 = vector.shape_cast %get3A_508 : vector<16xf32> to vector<16xf32>
    %add3A_510 = arith.addf %add3A_470, %get3A_509 : vector<16xf32>
    %get3A_511 = arith.constant 288 : index
    %get3A_512 = tpu.vector_load %arg6[%get3A_511] {strides = array<i32>} : memref<6400xf32, #tpu.memory_space<vmem>>, vector<16xf32>,
    %get3A_513 = vector.shape_cast %get3A_512 : vector<16xf32> to vector<16xf32>
    %add3A_514 = arith.addf %add3A_474, %get3A_513 : vector<16xf32>
    %get3A_515 = arith.constant 304 : index
    %get3A_516 = tpu.vector_load %arg6[%get3A_515] {strides = array<i32>} : memref<6400xf32, #tpu.memory_space<vmem>>, vector<16xf32>,
    %get3A_517 = vector.shape_cast %get3A_516 : vector<16xf32> to vector<16xf32>
    %add3A_518 = arith.addf %add3A_478, %get3A_517 : vector<16xf32>
    %get3A_519 = arith.constant 320 : index
    %get3A_520 = tpu.vector_load %arg6[%get3A_519] {strides = array<i32>} : memref<6400xf32, #tpu.memory_space<vmem>>, vector<16xf32>,
    %get3A_521 = vector.shape_cast %get3A_520 : vector<16xf32> to vector<16xf32>
    %add3A_522 = arith.addf %add3A_482, %get3A_521 : vector<16xf32>
    %get3A_523 = arith.constant 336 : index
    %get3A_524 = tpu.vector_load %arg6[%get3A_523] {strides = array<i32>} : memref<6400xf32, #tpu.memory_space<vmem>>, vector<16xf32>,
    %get3A_525 = vector.shape_cast %get3A_524 : vector<16xf32> to vector<16xf32>
    %add3A_526 = arith.addf %add3A_486, %get3A_525 : vector<16xf32>
    %get3A_527 = arith.constant 352 : index
    %get3A_528 = tpu.vector_load %arg6[%get3A_527] {strides = array<i32>} : memref<6400xf32, #tpu.memory_space<vmem>>, vector<16xf32>,
    %get3A_529 = vector.shape_cast %get3A_528 : vector<16xf32> to vector<16xf32>
    %add3A_530 = arith.addf %add3A_490, %get3A_529 : vector<16xf32>
    %get3A_531 = arith.constant 368 : index
    %get3A_532 = tpu.vector_load %arg6[%get3A_531] {strides = array<i32>} : memref<6400xf32, #tpu.memory_space<vmem>>, vector<16xf32>,
    %get3A_533 = vector.shape_cast %get3A_532 : vector<16xf32> to vector<16xf32>
    %add3A_534 = arith.addf %add3A_494, %get3A_533 : vector<16xf32>
    %dma_wait3A_535 = arith.constant 3 : i32
    %dma_wait3A_536 = arith.constant 384 : i32
    %dma_wait3A_537 = tpu.memref_slice %arg6[%dma_wait3A_536] : memref<6400xf32, #tpu.memory_space<vmem>> -> memref<128xf32, #tpu.memory_space<vmem>>
    %dma_wait3A_538 = arith.constant 0 : i32
    %dma_wait3A_539 = tpu.memref_slice %arg5[%dma_wait3A_535, %dma_wait3A_538] : memref<50x128xi32, #tpu.memory_space<vmem>> -> memref<1x128xi32, #tpu.memory_space<vmem>>
    %dma_wait3A_540 = tpu.memref_squeeze %dma_wait3A_539 : memref<1x128xi32, #tpu.memory_space<vmem>> -> memref<128xi32, #tpu.memory_space<vmem>>
    %dma_wait3A_541 = arith.constant 0 : i32
    %dma_wait3A_542 = tpu.memref_slice %arg3[%dma_wait3A_541] : memref<100000xf32, #tpu.memory_space<hbm>> -> memref<100000xf32, #tpu.memory_space<hbm>>
    tpu.wait_indirect_dma semaphore(%arg8 : memref<!tpu.dma_semaphore, #tpu.memory_space<semaphore_mem>>) src(%dma_wait3A_542 : memref<100000xf32, #tpu.memory_space<hbm>>) dst(%dma_wait3A_537 : memref<128xf32, #tpu.memory_space<vmem>>)
    %get3A_543 = arith.constant 384 : index
    %get3A_544 = tpu.vector_load %arg6[%get3A_543] {strides = array<i32>} : memref<6400xf32, #tpu.memory_space<vmem>>, vector<16xf32>,
    %get3A_545 = vector.shape_cast %get3A_544 : vector<16xf32> to vector<16xf32>
    %add3A_546 = arith.addf %add3A_506, %get3A_545 : vector<16xf32>
    %get3A_547 = arith.constant 400 : index
    %get3A_548 = tpu.vector_load %arg6[%get3A_547] {strides = array<i32>} : memref<6400xf32, #tpu.memory_space<vmem>>, vector<16xf32>,
    %get3A_549 = vector.shape_cast %get3A_548 : vector<16xf32> to vector<16xf32>
    %add3A_550 = arith.addf %add3A_510, %get3A_549 : vector<16xf32>
    %get3A_551 = arith.constant 416 : index
    %get3A_552 = tpu.vector_load %arg6[%get3A_551] {strides = array<i32>} : memref<6400xf32, #tpu.memory_space<vmem>>, vector<16xf32>,
    %get3A_553 = vector.shape_cast %get3A_552 : vector<16xf32> to vector<16xf32>
    %add3A_554 = arith.addf %add3A_514, %get3A_553 : vector<16xf32>
    %get3A_555 = arith.constant 432 : index
    %get3A_556 = tpu.vector_load %arg6[%get3A_555] {strides = array<i32>} : memref<6400xf32, #tpu.memory_space<vmem>>, vector<16xf32>,
    %get3A_557 = vector.shape_cast %get3A_556 : vector<16xf32> to vector<16xf32>
    %add3A_558 = arith.addf %add3A_518, %get3A_557 : vector<16xf32>
    %get3A_559 = arith.constant 448 : index
    %get3A_560 = tpu.vector_load %arg6[%get3A_559] {strides = array<i32>} : memref<6400xf32, #tpu.memory_space<vmem>>, vector<16xf32>,
    %get3A_561 = vector.shape_cast %get3A_560 : vector<16xf32> to vector<16xf32>
    %add3A_562 = arith.addf %add3A_522, %get3A_561 : vector<16xf32>
    %get3A_563 = arith.constant 464 : index
    %get3A_564 = tpu.vector_load %arg6[%get3A_563] {strides = array<i32>} : memref<6400xf32, #tpu.memory_space<vmem>>, vector<16xf32>,
    %get3A_565 = vector.shape_cast %get3A_564 : vector<16xf32> to vector<16xf32>
    %add3A_566 = arith.addf %add3A_526, %get3A_565 : vector<16xf32>
    %get3A_567 = arith.constant 480 : index
    %get3A_568 = tpu.vector_load %arg6[%get3A_567] {strides = array<i32>} : memref<6400xf32, #tpu.memory_space<vmem>>, vector<16xf32>,
    %get3A_569 = vector.shape_cast %get3A_568 : vector<16xf32> to vector<16xf32>
    %add3A_570 = arith.addf %add3A_530, %get3A_569 : vector<16xf32>
    %get3A_571 = arith.constant 496 : index
    %get3A_572 = tpu.vector_load %arg6[%get3A_571] {strides = array<i32>} : memref<6400xf32, #tpu.memory_space<vmem>>, vector<16xf32>,
    %get3A_573 = vector.shape_cast %get3A_572 : vector<16xf32> to vector<16xf32>
    %add3A_574 = arith.addf %add3A_534, %get3A_573 : vector<16xf32>
    %dma_wait3A_575 = arith.constant 4 : i32
    %dma_wait3A_576 = arith.constant 512 : i32
    %dma_wait3A_577 = tpu.memref_slice %arg6[%dma_wait3A_576] : memref<6400xf32, #tpu.memory_space<vmem>> -> memref<128xf32, #tpu.memory_space<vmem>>
    %dma_wait3A_578 = arith.constant 0 : i32
    %dma_wait3A_579 = tpu.memref_slice %arg5[%dma_wait3A_575, %dma_wait3A_578] : memref<50x128xi32, #tpu.memory_space<vmem>> -> memref<1x128xi32, #tpu.memory_space<vmem>>
    %dma_wait3A_580 = tpu.memref_squeeze %dma_wait3A_579 : memref<1x128xi32, #tpu.memory_space<vmem>> -> memref<128xi32, #tpu.memory_space<vmem>>
    %dma_wait3A_581 = arith.constant 0 : i32
    %dma_wait3A_582 = tpu.memref_slice %arg3[%dma_wait3A_581] : memref<100000xf32, #tpu.memory_space<hbm>> -> memref<100000xf32, #tpu.memory_space<hbm>>
    tpu.wait_indirect_dma semaphore(%arg8 : memref<!tpu.dma_semaphore, #tpu.memory_space<semaphore_mem>>) src(%dma_wait3A_582 : memref<100000xf32, #tpu.memory_space<hbm>>) dst(%dma_wait3A_577 : memref<128xf32, #tpu.memory_space<vmem>>)
    %get3A_583 = arith.constant 512 : index
    %get3A_584 = tpu.vector_load %arg6[%get3A_583] {strides = array<i32>} : memref<6400xf32, #tpu.memory_space<vmem>>, vector<16xf32>,
    %get3A_585 = vector.shape_cast %get3A_584 : vector<16xf32> to vector<16xf32>
    %add3A_586 = arith.addf %add3A_546, %get3A_585 : vector<16xf32>
    %get3A_587 = arith.constant 528 : index
    %get3A_588 = tpu.vector_load %arg6[%get3A_587] {strides = array<i32>} : memref<6400xf32, #tpu.memory_space<vmem>>, vector<16xf32>,
    %get3A_589 = vector.shape_cast %get3A_588 : vector<16xf32> to vector<16xf32>
    %add3A_590 = arith.addf %add3A_550, %get3A_589 : vector<16xf32>
    %get3A_591 = arith.constant 544 : index
    %get3A_592 = tpu.vector_load %arg6[%get3A_591] {strides = array<i32>} : memref<6400xf32, #tpu.memory_space<vmem>>, vector<16xf32>,
    %get3A_593 = vector.shape_cast %get3A_592 : vector<16xf32> to vector<16xf32>
    %add3A_594 = arith.addf %add3A_554, %get3A_593 : vector<16xf32>
    %get3A_595 = arith.constant 560 : index
    %get3A_596 = tpu.vector_load %arg6[%get3A_595] {strides = array<i32>} : memref<6400xf32, #tpu.memory_space<vmem>>, vector<16xf32>,
    %get3A_597 = vector.shape_cast %get3A_596 : vector<16xf32> to vector<16xf32>
    %add3A_598 = arith.addf %add3A_558, %get3A_597 : vector<16xf32>
    %get3A_599 = arith.constant 576 : index
    %get3A_600 = tpu.vector_load %arg6[%get3A_599] {strides = array<i32>} : memref<6400xf32, #tpu.memory_space<vmem>>, vector<16xf32>,
    %get3A_601 = vector.shape_cast %get3A_600 : vector<16xf32> to vector<16xf32>
    %add3A_602 = arith.addf %add3A_562, %get3A_601 : vector<16xf32>
    %get3A_603 = arith.constant 592 : index
    %get3A_604 = tpu.vector_load %arg6[%get3A_603] {strides = array<i32>} : memref<6400xf32, #tpu.memory_space<vmem>>, vector<16xf32>,
    %get3A_605 = vector.shape_cast %get3A_604 : vector<16xf32> to vector<16xf32>
    %add3A_606 = arith.addf %add3A_566, %get3A_605 : vector<16xf32>
    %get3A_607 = arith.constant 608 : index
    %get3A_608 = tpu.vector_load %arg6[%get3A_607] {strides = array<i32>} : memref<6400xf32, #tpu.memory_space<vmem>>, vector<16xf32>,
    %get3A_609 = vector.shape_cast %get3A_608 : vector<16xf32> to vector<16xf32>
    %add3A_610 = arith.addf %add3A_570, %get3A_609 : vector<16xf32>
    %get3A_611 = arith.constant 624 : index
    %get3A_612 = tpu.vector_load %arg6[%get3A_611] {strides = array<i32>} : memref<6400xf32, #tpu.memory_space<vmem>>, vector<16xf32>,
    %get3A_613 = vector.shape_cast %get3A_612 : vector<16xf32> to vector<16xf32>
    %add3A_614 = arith.addf %add3A_574, %get3A_613 : vector<16xf32>
    %dma_wait3A_615 = arith.constant 5 : i32
    %dma_wait3A_616 = arith.constant 640 : i32
    %dma_wait3A_617 = tpu.memref_slice %arg6[%dma_wait3A_616] : memref<6400xf32, #tpu.memory_space<vmem>> -> memref<128xf32, #tpu.memory_space<vmem>>
    %dma_wait3A_618 = arith.constant 0 : i32
    %dma_wait3A_619 = tpu.memref_slice %arg5[%dma_wait3A_615, %dma_wait3A_618] : memref<50x128xi32, #tpu.memory_space<vmem>> -> memref<1x128xi32, #tpu.memory_space<vmem>>
    %dma_wait3A_620 = tpu.memref_squeeze %dma_wait3A_619 : memref<1x128xi32, #tpu.memory_space<vmem>> -> memref<128xi32, #tpu.memory_space<vmem>>
    %dma_wait3A_621 = arith.constant 0 : i32
    %dma_wait3A_622 = tpu.memref_slice %arg3[%dma_wait3A_621] : memref<100000xf32, #tpu.memory_space<hbm>> -> memref<100000xf32, #tpu.memory_space<hbm>>
    tpu.wait_indirect_dma semaphore(%arg8 : memref<!tpu.dma_semaphore, #tpu.memory_space<semaphore_mem>>) src(%dma_wait3A_622 : memref<100000xf32, #tpu.memory_space<hbm>>) dst(%dma_wait3A_617 : memref<128xf32, #tpu.memory_space<vmem>>)
    %get3A_623 = arith.constant 640 : index
    %get3A_624 = tpu.vector_load %arg6[%get3A_623] {strides = array<i32>} : memref<6400xf32, #tpu.memory_space<vmem>>, vector<16xf32>,
    %get3A_625 = vector.shape_cast %get3A_624 : vector<16xf32> to vector<16xf32>
    %add3A_626 = arith.addf %add3A_586, %get3A_625 : vector<16xf32>
    %get3A_627 = arith.constant 656 : index
    %get3A_628 = tpu.vector_load %arg6[%get3A_627] {strides = array<i32>} : memref<6400xf32, #tpu.memory_space<vmem>>, vector<16xf32>,
    %get3A_629 = vector.shape_cast %get3A_628 : vector<16xf32> to vector<16xf32>
    %add3A_630 = arith.addf %add3A_590, %get3A_629 : vector<16xf32>
    %get3A_631 = arith.constant 672 : index
    %get3A_632 = tpu.vector_load %arg6[%get3A_631] {strides = array<i32>} : memref<6400xf32, #tpu.memory_space<vmem>>, vector<16xf32>,
    %get3A_633 = vector.shape_cast %get3A_632 : vector<16xf32> to vector<16xf32>
    %add3A_634 = arith.addf %add3A_594, %get3A_633 : vector<16xf32>
    %get3A_635 = arith.constant 688 : index
    %get3A_636 = tpu.vector_load %arg6[%get3A_635] {strides = array<i32>} : memref<6400xf32, #tpu.memory_space<vmem>>, vector<16xf32>,
    %get3A_637 = vector.shape_cast %get3A_636 : vector<16xf32> to vector<16xf32>
    %add3A_638 = arith.addf %add3A_598, %get3A_637 : vector<16xf32>
    %get3A_639 = arith.constant 704 : index
    %get3A_640 = tpu.vector_load %arg6[%get3A_639] {strides = array<i32>} : memref<6400xf32, #tpu.memory_space<vmem>>, vector<16xf32>,
    %get3A_641 = vector.shape_cast %get3A_640 : vector<16xf32> to vector<16xf32>
    %add3A_642 = arith.addf %add3A_602, %get3A_641 : vector<16xf32>
    %get3A_643 = arith.constant 720 : index
    %get3A_644 = tpu.vector_load %arg6[%get3A_643] {strides = array<i32>} : memref<6400xf32, #tpu.memory_space<vmem>>, vector<16xf32>,
    %get3A_645 = vector.shape_cast %get3A_644 : vector<16xf32> to vector<16xf32>
    %add3A_646 = arith.addf %add3A_606, %get3A_645 : vector<16xf32>
    %get3A_647 = arith.constant 736 : index
    %get3A_648 = tpu.vector_load %arg6[%get3A_647] {strides = array<i32>} : memref<6400xf32, #tpu.memory_space<vmem>>, vector<16xf32>,
    %get3A_649 = vector.shape_cast %get3A_648 : vector<16xf32> to vector<16xf32>
    %add3A_650 = arith.addf %add3A_610, %get3A_649 : vector<16xf32>
    %get3A_651 = arith.constant 752 : index
    %get3A_652 = tpu.vector_load %arg6[%get3A_651] {strides = array<i32>} : memref<6400xf32, #tpu.memory_space<vmem>>, vector<16xf32>,
    %get3A_653 = vector.shape_cast %get3A_652 : vector<16xf32> to vector<16xf32>
    %add3A_654 = arith.addf %add3A_614, %get3A_653 : vector<16xf32>
    %dma_wait3A_655 = arith.constant 6 : i32
    %dma_wait3A_656 = arith.constant 768 : i32
    %dma_wait3A_657 = tpu.memref_slice %arg6[%dma_wait3A_656] : memref<6400xf32, #tpu.memory_space<vmem>> -> memref<128xf32, #tpu.memory_space<vmem>>
    %dma_wait3A_658 = arith.constant 0 : i32
    %dma_wait3A_659 = tpu.memref_slice %arg5[%dma_wait3A_655, %dma_wait3A_658] : memref<50x128xi32, #tpu.memory_space<vmem>> -> memref<1x128xi32, #tpu.memory_space<vmem>>
    %dma_wait3A_660 = tpu.memref_squeeze %dma_wait3A_659 : memref<1x128xi32, #tpu.memory_space<vmem>> -> memref<128xi32, #tpu.memory_space<vmem>>
    %dma_wait3A_661 = arith.constant 0 : i32
    %dma_wait3A_662 = tpu.memref_slice %arg3[%dma_wait3A_661] : memref<100000xf32, #tpu.memory_space<hbm>> -> memref<100000xf32, #tpu.memory_space<hbm>>
    tpu.wait_indirect_dma semaphore(%arg8 : memref<!tpu.dma_semaphore, #tpu.memory_space<semaphore_mem>>) src(%dma_wait3A_662 : memref<100000xf32, #tpu.memory_space<hbm>>) dst(%dma_wait3A_657 : memref<128xf32, #tpu.memory_space<vmem>>)
    %get3A_663 = arith.constant 768 : index
    %get3A_664 = tpu.vector_load %arg6[%get3A_663] {strides = array<i32>} : memref<6400xf32, #tpu.memory_space<vmem>>, vector<16xf32>,
    %get3A_665 = vector.shape_cast %get3A_664 : vector<16xf32> to vector<16xf32>
    %add3A_666 = arith.addf %add3A_626, %get3A_665 : vector<16xf32>
    %get3A_667 = arith.constant 784 : index
    %get3A_668 = tpu.vector_load %arg6[%get3A_667] {strides = array<i32>} : memref<6400xf32, #tpu.memory_space<vmem>>, vector<16xf32>,
    %get3A_669 = vector.shape_cast %get3A_668 : vector<16xf32> to vector<16xf32>
    %add3A_670 = arith.addf %add3A_630, %get3A_669 : vector<16xf32>
    %get3A_671 = arith.constant 800 : index
    %get3A_672 = tpu.vector_load %arg6[%get3A_671] {strides = array<i32>} : memref<6400xf32, #tpu.memory_space<vmem>>, vector<16xf32>,
    %get3A_673 = vector.shape_cast %get3A_672 : vector<16xf32> to vector<16xf32>
    %add3A_674 = arith.addf %add3A_634, %get3A_673 : vector<16xf32>
    %get3A_675 = arith.constant 816 : index
    %get3A_676 = tpu.vector_load %arg6[%get3A_675] {strides = array<i32>} : memref<6400xf32, #tpu.memory_space<vmem>>, vector<16xf32>,
    %get3A_677 = vector.shape_cast %get3A_676 : vector<16xf32> to vector<16xf32>
    %add3A_678 = arith.addf %add3A_638, %get3A_677 : vector<16xf32>
    %get3A_679 = arith.constant 832 : index
    %get3A_680 = tpu.vector_load %arg6[%get3A_679] {strides = array<i32>} : memref<6400xf32, #tpu.memory_space<vmem>>, vector<16xf32>,
    %get3A_681 = vector.shape_cast %get3A_680 : vector<16xf32> to vector<16xf32>
    %add3A_682 = arith.addf %add3A_642, %get3A_681 : vector<16xf32>
    %get3A_683 = arith.constant 848 : index
    %get3A_684 = tpu.vector_load %arg6[%get3A_683] {strides = array<i32>} : memref<6400xf32, #tpu.memory_space<vmem>>, vector<16xf32>,
    %get3A_685 = vector.shape_cast %get3A_684 : vector<16xf32> to vector<16xf32>
    %add3A_686 = arith.addf %add3A_646, %get3A_685 : vector<16xf32>
    %get3A_687 = arith.constant 864 : index
    %get3A_688 = tpu.vector_load %arg6[%get3A_687] {strides = array<i32>} : memref<6400xf32, #tpu.memory_space<vmem>>, vector<16xf32>,
    %get3A_689 = vector.shape_cast %get3A_688 : vector<16xf32> to vector<16xf32>
    %add3A_690 = arith.addf %add3A_650, %get3A_689 : vector<16xf32>
    %get3A_691 = arith.constant 880 : index
    %get3A_692 = tpu.vector_load %arg6[%get3A_691] {strides = array<i32>} : memref<6400xf32, #tpu.memory_space<vmem>>, vector<16xf32>,
    %get3A_693 = vector.shape_cast %get3A_692 : vector<16xf32> to vector<16xf32>
    %add3A_694 = arith.addf %add3A_654, %get3A_693 : vector<16xf32>
    %dma_wait3A_695 = arith.constant 7 : i32
    %dma_wait3A_696 = arith.constant 896 : i32
    %dma_wait3A_697 = tpu.memref_slice %arg6[%dma_wait3A_696] : memref<6400xf32, #tpu.memory_space<vmem>> -> memref<128xf32, #tpu.memory_space<vmem>>
    %dma_wait3A_698 = arith.constant 0 : i32
    %dma_wait3A_699 = tpu.memref_slice %arg5[%dma_wait3A_695, %dma_wait3A_698] : memref<50x128xi32, #tpu.memory_space<vmem>> -> memref<1x128xi32, #tpu.memory_space<vmem>>
    %dma_wait3A_700 = tpu.memref_squeeze %dma_wait3A_699 : memref<1x128xi32, #tpu.memory_space<vmem>> -> memref<128xi32, #tpu.memory_space<vmem>>
    %dma_wait3A_701 = arith.constant 0 : i32
    %dma_wait3A_702 = tpu.memref_slice %arg3[%dma_wait3A_701] : memref<100000xf32, #tpu.memory_space<hbm>> -> memref<100000xf32, #tpu.memory_space<hbm>>
    tpu.wait_indirect_dma semaphore(%arg8 : memref<!tpu.dma_semaphore, #tpu.memory_space<semaphore_mem>>) src(%dma_wait3A_702 : memref<100000xf32, #tpu.memory_space<hbm>>) dst(%dma_wait3A_697 : memref<128xf32, #tpu.memory_space<vmem>>)
    %get3A_703 = arith.constant 896 : index
    %get3A_704 = tpu.vector_load %arg6[%get3A_703] {strides = array<i32>} : memref<6400xf32, #tpu.memory_space<vmem>>, vector<16xf32>,
    %get3A_705 = vector.shape_cast %get3A_704 : vector<16xf32> to vector<16xf32>
    %add3A_706 = arith.addf %add3A_666, %get3A_705 : vector<16xf32>
    %get3A_707 = arith.constant 912 : index
    %get3A_708 = tpu.vector_load %arg6[%get3A_707] {strides = array<i32>} : memref<6400xf32, #tpu.memory_space<vmem>>, vector<16xf32>,
    %get3A_709 = vector.shape_cast %get3A_708 : vector<16xf32> to vector<16xf32>
    %add3A_710 = arith.addf %add3A_670, %get3A_709 : vector<16xf32>
    %get3A_711 = arith.constant 928 : index
    %get3A_712 = tpu.vector_load %arg6[%get3A_711] {strides = array<i32>} : memref<6400xf32, #tpu.memory_space<vmem>>, vector<16xf32>,
    %get3A_713 = vector.shape_cast %get3A_712 : vector<16xf32> to vector<16xf32>
    %add3A_714 = arith.addf %add3A_674, %get3A_713 : vector<16xf32>
    %get3A_715 = arith.constant 944 : index
    %get3A_716 = tpu.vector_load %arg6[%get3A_715] {strides = array<i32>} : memref<6400xf32, #tpu.memory_space<vmem>>, vector<16xf32>,
    %get3A_717 = vector.shape_cast %get3A_716 : vector<16xf32> to vector<16xf32>
    %add3A_718 = arith.addf %add3A_678, %get3A_717 : vector<16xf32>
    %get3A_719 = arith.constant 960 : index
    %get3A_720 = tpu.vector_load %arg6[%get3A_719] {strides = array<i32>} : memref<6400xf32, #tpu.memory_space<vmem>>, vector<16xf32>,
    %get3A_721 = vector.shape_cast %get3A_720 : vector<16xf32> to vector<16xf32>
    %add3A_722 = arith.addf %add3A_682, %get3A_721 : vector<16xf32>
    %get3A_723 = arith.constant 976 : index
    %get3A_724 = tpu.vector_load %arg6[%get3A_723] {strides = array<i32>} : memref<6400xf32, #tpu.memory_space<vmem>>, vector<16xf32>,
    %get3A_725 = vector.shape_cast %get3A_724 : vector<16xf32> to vector<16xf32>
    %add3A_726 = arith.addf %add3A_686, %get3A_725 : vector<16xf32>
    %get3A_727 = arith.constant 992 : index
    %get3A_728 = tpu.vector_load %arg6[%get3A_727] {strides = array<i32>} : memref<6400xf32, #tpu.memory_space<vmem>>, vector<16xf32>,
    %get3A_729 = vector.shape_cast %get3A_728 : vector<16xf32> to vector<16xf32>
    %add3A_730 = arith.addf %add3A_690, %get3A_729 : vector<16xf32>
    %get3A_731 = arith.constant 1008 : index
    %get3A_732 = tpu.vector_load %arg6[%get3A_731] {strides = array<i32>} : memref<6400xf32, #tpu.memory_space<vmem>>, vector<16xf32>,
    %get3A_733 = vector.shape_cast %get3A_732 : vector<16xf32> to vector<16xf32>
    %add3A_734 = arith.addf %add3A_694, %get3A_733 : vector<16xf32>
    %dma_wait3A_735 = arith.constant 8 : i32
    %dma_wait3A_736 = arith.constant 1024 : i32
    %dma_wait3A_737 = tpu.memref_slice %arg6[%dma_wait3A_736] : memref<6400xf32, #tpu.memory_space<vmem>> -> memref<128xf32, #tpu.memory_space<vmem>>
    %dma_wait3A_738 = arith.constant 0 : i32
    %dma_wait3A_739 = tpu.memref_slice %arg5[%dma_wait3A_735, %dma_wait3A_738] : memref<50x128xi32, #tpu.memory_space<vmem>> -> memref<1x128xi32, #tpu.memory_space<vmem>>
    %dma_wait3A_740 = tpu.memref_squeeze %dma_wait3A_739 : memref<1x128xi32, #tpu.memory_space<vmem>> -> memref<128xi32, #tpu.memory_space<vmem>>
    %dma_wait3A_741 = arith.constant 0 : i32
    %dma_wait3A_742 = tpu.memref_slice %arg3[%dma_wait3A_741] : memref<100000xf32, #tpu.memory_space<hbm>> -> memref<100000xf32, #tpu.memory_space<hbm>>
    tpu.wait_indirect_dma semaphore(%arg8 : memref<!tpu.dma_semaphore, #tpu.memory_space<semaphore_mem>>) src(%dma_wait3A_742 : memref<100000xf32, #tpu.memory_space<hbm>>) dst(%dma_wait3A_737 : memref<128xf32, #tpu.memory_space<vmem>>)
    %get3A_743 = arith.constant 1024 : index
    %get3A_744 = tpu.vector_load %arg6[%get3A_743] {strides = array<i32>} : memref<6400xf32, #tpu.memory_space<vmem>>, vector<16xf32>,
    %get3A_745 = vector.shape_cast %get3A_744 : vector<16xf32> to vector<16xf32>
    %add3A_746 = arith.addf %add3A_706, %get3A_745 : vector<16xf32>
    %get3A_747 = arith.constant 1040 : index
    %get3A_748 = tpu.vector_load %arg6[%get3A_747] {strides = array<i32>} : memref<6400xf32, #tpu.memory_space<vmem>>, vector<16xf32>,
    %get3A_749 = vector.shape_cast %get3A_748 : vector<16xf32> to vector<16xf32>
    %add3A_750 = arith.addf %add3A_710, %get3A_749 : vector<16xf32>
    %get3A_751 = arith.constant 1056 : index
    %get3A_752 = tpu.vector_load %arg6[%get3A_751] {strides = array<i32>} : memref<6400xf32, #tpu.memory_space<vmem>>, vector<16xf32>,
    %get3A_753 = vector.shape_cast %get3A_752 : vector<16xf32> to vector<16xf32>
    %add3A_754 = arith.addf %add3A_714, %get3A_753 : vector<16xf32>
    %get3A_755 = arith.constant 1072 : index
    %get3A_756 = tpu.vector_load %arg6[%get3A_755] {strides = array<i32>} : memref<6400xf32, #tpu.memory_space<vmem>>, vector<16xf32>,
    %get3A_757 = vector.shape_cast %get3A_756 : vector<16xf32> to vector<16xf32>
    %add3A_758 = arith.addf %add3A_718, %get3A_757 : vector<16xf32>
    %get3A_759 = arith.constant 1088 : index
    %get3A_760 = tpu.vector_load %arg6[%get3A_759] {strides = array<i32>} : memref<6400xf32, #tpu.memory_space<vmem>>, vector<16xf32>,
    %get3A_761 = vector.shape_cast %get3A_760 : vector<16xf32> to vector<16xf32>
    %add3A_762 = arith.addf %add3A_722, %get3A_761 : vector<16xf32>
    %get3A_763 = arith.constant 1104 : index
    %get3A_764 = tpu.vector_load %arg6[%get3A_763] {strides = array<i32>} : memref<6400xf32, #tpu.memory_space<vmem>>, vector<16xf32>,
    %get3A_765 = vector.shape_cast %get3A_764 : vector<16xf32> to vector<16xf32>
    %add3A_766 = arith.addf %add3A_726, %get3A_765 : vector<16xf32>
    %get3A_767 = arith.constant 1120 : index
    %get3A_768 = tpu.vector_load %arg6[%get3A_767] {strides = array<i32>} : memref<6400xf32, #tpu.memory_space<vmem>>, vector<16xf32>,
    %get3A_769 = vector.shape_cast %get3A_768 : vector<16xf32> to vector<16xf32>
    %add3A_770 = arith.addf %add3A_730, %get3A_769 : vector<16xf32>
    %get3A_771 = arith.constant 1136 : index
    %get3A_772 = tpu.vector_load %arg6[%get3A_771] {strides = array<i32>} : memref<6400xf32, #tpu.memory_space<vmem>>, vector<16xf32>,
    %get3A_773 = vector.shape_cast %get3A_772 : vector<16xf32> to vector<16xf32>
    %add3A_774 = arith.addf %add3A_734, %get3A_773 : vector<16xf32>
    %dma_wait3A_775 = arith.constant 9 : i32
    %dma_wait3A_776 = arith.constant 1152 : i32
    %dma_wait3A_777 = tpu.memref_slice %arg6[%dma_wait3A_776] : memref<6400xf32, #tpu.memory_space<vmem>> -> memref<128xf32, #tpu.memory_space<vmem>>
    %dma_wait3A_778 = arith.constant 0 : i32
    %dma_wait3A_779 = tpu.memref_slice %arg5[%dma_wait3A_775, %dma_wait3A_778] : memref<50x128xi32, #tpu.memory_space<vmem>> -> memref<1x128xi32, #tpu.memory_space<vmem>>
    %dma_wait3A_780 = tpu.memref_squeeze %dma_wait3A_779 : memref<1x128xi32, #tpu.memory_space<vmem>> -> memref<128xi32, #tpu.memory_space<vmem>>
    %dma_wait3A_781 = arith.constant 0 : i32
    %dma_wait3A_782 = tpu.memref_slice %arg3[%dma_wait3A_781] : memref<100000xf32, #tpu.memory_space<hbm>> -> memref<100000xf32, #tpu.memory_space<hbm>>
    tpu.wait_indirect_dma semaphore(%arg8 : memref<!tpu.dma_semaphore, #tpu.memory_space<semaphore_mem>>) src(%dma_wait3A_782 : memref<100000xf32, #tpu.memory_space<hbm>>) dst(%dma_wait3A_777 : memref<128xf32, #tpu.memory_space<vmem>>)
    %get3A_783 = arith.constant 1152 : index
    %get3A_784 = tpu.vector_load %arg6[%get3A_783] {strides = array<i32>} : memref<6400xf32, #tpu.memory_space<vmem>>, vector<16xf32>,
    %get3A_785 = vector.shape_cast %get3A_784 : vector<16xf32> to vector<16xf32>
    %add3A_786 = arith.addf %add3A_746, %get3A_785 : vector<16xf32>
    %get3A_787 = arith.constant 1168 : index
    %get3A_788 = tpu.vector_load %arg6[%get3A_787] {strides = array<i32>} : memref<6400xf32, #tpu.memory_space<vmem>>, vector<16xf32>,
    %get3A_789 = vector.shape_cast %get3A_788 : vector<16xf32> to vector<16xf32>
    %add3A_790 = arith.addf %add3A_750, %get3A_789 : vector<16xf32>
    %get3A_791 = arith.constant 1184 : index
    %get3A_792 = tpu.vector_load %arg6[%get3A_791] {strides = array<i32>} : memref<6400xf32, #tpu.memory_space<vmem>>, vector<16xf32>,
    %get3A_793 = vector.shape_cast %get3A_792 : vector<16xf32> to vector<16xf32>
    %add3A_794 = arith.addf %add3A_754, %get3A_793 : vector<16xf32>
    %get3A_795 = arith.constant 1200 : index
    %get3A_796 = tpu.vector_load %arg6[%get3A_795] {strides = array<i32>} : memref<6400xf32, #tpu.memory_space<vmem>>, vector<16xf32>,
    %get3A_797 = vector.shape_cast %get3A_796 : vector<16xf32> to vector<16xf32>
    %add3A_798 = arith.addf %add3A_758, %get3A_797 : vector<16xf32>
    %get3A_799 = arith.constant 1216 : index
    %get3A_800 = tpu.vector_load %arg6[%get3A_799] {strides = array<i32>} : memref<6400xf32, #tpu.memory_space<vmem>>, vector<16xf32>,
    %get3A_801 = vector.shape_cast %get3A_800 : vector<16xf32> to vector<16xf32>
    %add3A_802 = arith.addf %add3A_762, %get3A_801 : vector<16xf32>
    %get3A_803 = arith.constant 1232 : index
    %get3A_804 = tpu.vector_load %arg6[%get3A_803] {strides = array<i32>} : memref<6400xf32, #tpu.memory_space<vmem>>, vector<16xf32>,
    %get3A_805 = vector.shape_cast %get3A_804 : vector<16xf32> to vector<16xf32>
    %add3A_806 = arith.addf %add3A_766, %get3A_805 : vector<16xf32>
    %get3A_807 = arith.constant 1248 : index
    %get3A_808 = tpu.vector_load %arg6[%get3A_807] {strides = array<i32>} : memref<6400xf32, #tpu.memory_space<vmem>>, vector<16xf32>,
    %get3A_809 = vector.shape_cast %get3A_808 : vector<16xf32> to vector<16xf32>
    %add3A_810 = arith.addf %add3A_770, %get3A_809 : vector<16xf32>
    %get3A_811 = arith.constant 1264 : index
    %get3A_812 = tpu.vector_load %arg6[%get3A_811] {strides = array<i32>} : memref<6400xf32, #tpu.memory_space<vmem>>, vector<16xf32>,
    %get3A_813 = vector.shape_cast %get3A_812 : vector<16xf32> to vector<16xf32>
    %add3A_814 = arith.addf %add3A_774, %get3A_813 : vector<16xf32>
    %dma_wait3A_815 = arith.constant 10 : i32
    %dma_wait3A_816 = arith.constant 1280 : i32
    %dma_wait3A_817 = tpu.memref_slice %arg6[%dma_wait3A_816] : memref<6400xf32, #tpu.memory_space<vmem>> -> memref<128xf32, #tpu.memory_space<vmem>>
    %dma_wait3A_818 = arith.constant 0 : i32
    %dma_wait3A_819 = tpu.memref_slice %arg5[%dma_wait3A_815, %dma_wait3A_818] : memref<50x128xi32, #tpu.memory_space<vmem>> -> memref<1x128xi32, #tpu.memory_space<vmem>>
    %dma_wait3A_820 = tpu.memref_squeeze %dma_wait3A_819 : memref<1x128xi32, #tpu.memory_space<vmem>> -> memref<128xi32, #tpu.memory_space<vmem>>
    %dma_wait3A_821 = arith.constant 0 : i32
    %dma_wait3A_822 = tpu.memref_slice %arg3[%dma_wait3A_821] : memref<100000xf32, #tpu.memory_space<hbm>> -> memref<100000xf32, #tpu.memory_space<hbm>>
    tpu.wait_indirect_dma semaphore(%arg8 : memref<!tpu.dma_semaphore, #tpu.memory_space<semaphore_mem>>) src(%dma_wait3A_822 : memref<100000xf32, #tpu.memory_space<hbm>>) dst(%dma_wait3A_817 : memref<128xf32, #tpu.memory_space<vmem>>)
    %get3A_823 = arith.constant 1280 : index
    %get3A_824 = tpu.vector_load %arg6[%get3A_823] {strides = array<i32>} : memref<6400xf32, #tpu.memory_space<vmem>>, vector<16xf32>,
    %get3A_825 = vector.shape_cast %get3A_824 : vector<16xf32> to vector<16xf32>
    %add3A_826 = arith.addf %add3A_786, %get3A_825 : vector<16xf32>
    %get3A_827 = arith.constant 1296 : index
    %get3A_828 = tpu.vector_load %arg6[%get3A_827] {strides = array<i32>} : memref<6400xf32, #tpu.memory_space<vmem>>, vector<16xf32>,
    %get3A_829 = vector.shape_cast %get3A_828 : vector<16xf32> to vector<16xf32>
    %add3A_830 = arith.addf %add3A_790, %get3A_829 : vector<16xf32>
    %get3A_831 = arith.constant 1312 : index
    %get3A_832 = tpu.vector_load %arg6[%get3A_831] {strides = array<i32>} : memref<6400xf32, #tpu.memory_space<vmem>>, vector<16xf32>,
    %get3A_833 = vector.shape_cast %get3A_832 : vector<16xf32> to vector<16xf32>
    %add3A_834 = arith.addf %add3A_794, %get3A_833 : vector<16xf32>
    %get3A_835 = arith.constant 1328 : index
    %get3A_836 = tpu.vector_load %arg6[%get3A_835] {strides = array<i32>} : memref<6400xf32, #tpu.memory_space<vmem>>, vector<16xf32>,
    %get3A_837 = vector.shape_cast %get3A_836 : vector<16xf32> to vector<16xf32>
    %add3A_838 = arith.addf %add3A_798, %get3A_837 : vector<16xf32>
    %get3A_839 = arith.constant 1344 : index
    %get3A_840 = tpu.vector_load %arg6[%get3A_839] {strides = array<i32>} : memref<6400xf32, #tpu.memory_space<vmem>>, vector<16xf32>,
    %get3A_841 = vector.shape_cast %get3A_840 : vector<16xf32> to vector<16xf32>
    %add3A_842 = arith.addf %add3A_802, %get3A_841 : vector<16xf32>
    %get3A_843 = arith.constant 1360 : index
    %get3A_844 = tpu.vector_load %arg6[%get3A_843] {strides = array<i32>} : memref<6400xf32, #tpu.memory_space<vmem>>, vector<16xf32>,
    %get3A_845 = vector.shape_cast %get3A_844 : vector<16xf32> to vector<16xf32>
    %add3A_846 = arith.addf %add3A_806, %get3A_845 : vector<16xf32>
    %get3A_847 = arith.constant 1376 : index
    %get3A_848 = tpu.vector_load %arg6[%get3A_847] {strides = array<i32>} : memref<6400xf32, #tpu.memory_space<vmem>>, vector<16xf32>,
    %get3A_849 = vector.shape_cast %get3A_848 : vector<16xf32> to vector<16xf32>
    %add3A_850 = arith.addf %add3A_810, %get3A_849 : vector<16xf32>
    %get3A_851 = arith.constant 1392 : index
    %get3A_852 = tpu.vector_load %arg6[%get3A_851] {strides = array<i32>} : memref<6400xf32, #tpu.memory_space<vmem>>, vector<16xf32>,
    %get3A_853 = vector.shape_cast %get3A_852 : vector<16xf32> to vector<16xf32>
    %add3A_854 = arith.addf %add3A_814, %get3A_853 : vector<16xf32>
    %dma_wait3A_855 = arith.constant 11 : i32
    %dma_wait3A_856 = arith.constant 1408 : i32
    %dma_wait3A_857 = tpu.memref_slice %arg6[%dma_wait3A_856] : memref<6400xf32, #tpu.memory_space<vmem>> -> memref<128xf32, #tpu.memory_space<vmem>>
    %dma_wait3A_858 = arith.constant 0 : i32
    %dma_wait3A_859 = tpu.memref_slice %arg5[%dma_wait3A_855, %dma_wait3A_858] : memref<50x128xi32, #tpu.memory_space<vmem>> -> memref<1x128xi32, #tpu.memory_space<vmem>>
    %dma_wait3A_860 = tpu.memref_squeeze %dma_wait3A_859 : memref<1x128xi32, #tpu.memory_space<vmem>> -> memref<128xi32, #tpu.memory_space<vmem>>
    %dma_wait3A_861 = arith.constant 0 : i32
    %dma_wait3A_862 = tpu.memref_slice %arg3[%dma_wait3A_861] : memref<100000xf32, #tpu.memory_space<hbm>> -> memref<100000xf32, #tpu.memory_space<hbm>>
    tpu.wait_indirect_dma semaphore(%arg8 : memref<!tpu.dma_semaphore, #tpu.memory_space<semaphore_mem>>) src(%dma_wait3A_862 : memref<100000xf32, #tpu.memory_space<hbm>>) dst(%dma_wait3A_857 : memref<128xf32, #tpu.memory_space<vmem>>)
    %get3A_863 = arith.constant 1408 : index
    %get3A_864 = tpu.vector_load %arg6[%get3A_863] {strides = array<i32>} : memref<6400xf32, #tpu.memory_space<vmem>>, vector<16xf32>,
    %get3A_865 = vector.shape_cast %get3A_864 : vector<16xf32> to vector<16xf32>
    %add3A_866 = arith.addf %add3A_826, %get3A_865 : vector<16xf32>
    %get3A_867 = arith.constant 1424 : index
    %get3A_868 = tpu.vector_load %arg6[%get3A_867] {strides = array<i32>} : memref<6400xf32, #tpu.memory_space<vmem>>, vector<16xf32>,
    %get3A_869 = vector.shape_cast %get3A_868 : vector<16xf32> to vector<16xf32>
    %add3A_870 = arith.addf %add3A_830, %get3A_869 : vector<16xf32>
    %get3A_871 = arith.constant 1440 : index
    %get3A_872 = tpu.vector_load %arg6[%get3A_871] {strides = array<i32>} : memref<6400xf32, #tpu.memory_space<vmem>>, vector<16xf32>,
    %get3A_873 = vector.shape_cast %get3A_872 : vector<16xf32> to vector<16xf32>
    %add3A_874 = arith.addf %add3A_834, %get3A_873 : vector<16xf32>
    %get3A_875 = arith.constant 1456 : index
    %get3A_876 = tpu.vector_load %arg6[%get3A_875] {strides = array<i32>} : memref<6400xf32, #tpu.memory_space<vmem>>, vector<16xf32>,
    %get3A_877 = vector.shape_cast %get3A_876 : vector<16xf32> to vector<16xf32>
    %add3A_878 = arith.addf %add3A_838, %get3A_877 : vector<16xf32>
    %get3A_879 = arith.constant 1472 : index
    %get3A_880 = tpu.vector_load %arg6[%get3A_879] {strides = array<i32>} : memref<6400xf32, #tpu.memory_space<vmem>>, vector<16xf32>,
    %get3A_881 = vector.shape_cast %get3A_880 : vector<16xf32> to vector<16xf32>
    %add3A_882 = arith.addf %add3A_842, %get3A_881 : vector<16xf32>
    %get3A_883 = arith.constant 1488 : index
    %get3A_884 = tpu.vector_load %arg6[%get3A_883] {strides = array<i32>} : memref<6400xf32, #tpu.memory_space<vmem>>, vector<16xf32>,
    %get3A_885 = vector.shape_cast %get3A_884 : vector<16xf32> to vector<16xf32>
    %add3A_886 = arith.addf %add3A_846, %get3A_885 : vector<16xf32>
    %get3A_887 = arith.constant 1504 : index
    %get3A_888 = tpu.vector_load %arg6[%get3A_887] {strides = array<i32>} : memref<6400xf32, #tpu.memory_space<vmem>>, vector<16xf32>,
    %get3A_889 = vector.shape_cast %get3A_888 : vector<16xf32> to vector<16xf32>
    %add3A_890 = arith.addf %add3A_850, %get3A_889 : vector<16xf32>
    %get3A_891 = arith.constant 1520 : index
    %get3A_892 = tpu.vector_load %arg6[%get3A_891] {strides = array<i32>} : memref<6400xf32, #tpu.memory_space<vmem>>, vector<16xf32>,
    %get3A_893 = vector.shape_cast %get3A_892 : vector<16xf32> to vector<16xf32>
    %add3A_894 = arith.addf %add3A_854, %get3A_893 : vector<16xf32>
    %dma_wait3A_895 = arith.constant 12 : i32
    %dma_wait3A_896 = arith.constant 1536 : i32
    %dma_wait3A_897 = tpu.memref_slice %arg6[%dma_wait3A_896] : memref<6400xf32, #tpu.memory_space<vmem>> -> memref<128xf32, #tpu.memory_space<vmem>>
    %dma_wait3A_898 = arith.constant 0 : i32
    %dma_wait3A_899 = tpu.memref_slice %arg5[%dma_wait3A_895, %dma_wait3A_898] : memref<50x128xi32, #tpu.memory_space<vmem>> -> memref<1x128xi32, #tpu.memory_space<vmem>>
    %dma_wait3A_900 = tpu.memref_squeeze %dma_wait3A_899 : memref<1x128xi32, #tpu.memory_space<vmem>> -> memref<128xi32, #tpu.memory_space<vmem>>
    %dma_wait3A_901 = arith.constant 0 : i32
    %dma_wait3A_902 = tpu.memref_slice %arg3[%dma_wait3A_901] : memref<100000xf32, #tpu.memory_space<hbm>> -> memref<100000xf32, #tpu.memory_space<hbm>>
    tpu.wait_indirect_dma semaphore(%arg8 : memref<!tpu.dma_semaphore, #tpu.memory_space<semaphore_mem>>) src(%dma_wait3A_902 : memref<100000xf32, #tpu.memory_space<hbm>>) dst(%dma_wait3A_897 : memref<128xf32, #tpu.memory_space<vmem>>)
    %get3A_903 = arith.constant 1536 : index
    %get3A_904 = tpu.vector_load %arg6[%get3A_903] {strides = array<i32>} : memref<6400xf32, #tpu.memory_space<vmem>>, vector<16xf32>,
    %get3A_905 = vector.shape_cast %get3A_904 : vector<16xf32> to vector<16xf32>
    %add3A_906 = arith.addf %add3A_866, %get3A_905 : vector<16xf32>
    %get3A_907 = arith.constant 1552 : index
    %get3A_908 = tpu.vector_load %arg6[%get3A_907] {strides = array<i32>} : memref<6400xf32, #tpu.memory_space<vmem>>, vector<16xf32>,
    %get3A_909 = vector.shape_cast %get3A_908 : vector<16xf32> to vector<16xf32>
    %add3A_910 = arith.addf %add3A_870, %get3A_909 : vector<16xf32>
    %get3A_911 = arith.constant 1568 : index
    %get3A_912 = tpu.vector_load %arg6[%get3A_911] {strides = array<i32>} : memref<6400xf32, #tpu.memory_space<vmem>>, vector<16xf32>,
    %get3A_913 = vector.shape_cast %get3A_912 : vector<16xf32> to vector<16xf32>
    %add3A_914 = arith.addf %add3A_874, %get3A_913 : vector<16xf32>
    %get3A_915 = arith.constant 1584 : index
    %get3A_916 = tpu.vector_load %arg6[%get3A_915] {strides = array<i32>} : memref<6400xf32, #tpu.memory_space<vmem>>, vector<16xf32>,
    %get3A_917 = vector.shape_cast %get3A_916 : vector<16xf32> to vector<16xf32>
    %add3A_918 = arith.addf %add3A_878, %get3A_917 : vector<16xf32>
    %get3A_919 = arith.constant 1600 : index
    %get3A_920 = tpu.vector_load %arg6[%get3A_919] {strides = array<i32>} : memref<6400xf32, #tpu.memory_space<vmem>>, vector<16xf32>,
    %get3A_921 = vector.shape_cast %get3A_920 : vector<16xf32> to vector<16xf32>
    %add3A_922 = arith.addf %add3A_882, %get3A_921 : vector<16xf32>
    %get3A_923 = arith.constant 1616 : index
    %get3A_924 = tpu.vector_load %arg6[%get3A_923] {strides = array<i32>} : memref<6400xf32, #tpu.memory_space<vmem>>, vector<16xf32>,
    %get3A_925 = vector.shape_cast %get3A_924 : vector<16xf32> to vector<16xf32>
    %add3A_926 = arith.addf %add3A_886, %get3A_925 : vector<16xf32>
    %get3A_927 = arith.constant 1632 : index
    %get3A_928 = tpu.vector_load %arg6[%get3A_927] {strides = array<i32>} : memref<6400xf32, #tpu.memory_space<vmem>>, vector<16xf32>,
    %get3A_929 = vector.shape_cast %get3A_928 : vector<16xf32> to vector<16xf32>
    %add3A_930 = arith.addf %add3A_890, %get3A_929 : vector<16xf32>
    %get3A_931 = arith.constant 1648 : index
    %get3A_932 = tpu.vector_load %arg6[%get3A_931] {strides = array<i32>} : memref<6400xf32, #tpu.memory_space<vmem>>, vector<16xf32>,
    %get3A_933 = vector.shape_cast %get3A_932 : vector<16xf32> to vector<16xf32>
    %add3A_934 = arith.addf %add3A_894, %get3A_933 : vector<16xf32>
    %dma_wait3A_935 = arith.constant 13 : i32
    %dma_wait3A_936 = arith.constant 1664 : i32
    %dma_wait3A_937 = tpu.memref_slice %arg6[%dma_wait3A_936] : memref<6400xf32, #tpu.memory_space<vmem>> -> memref<128xf32, #tpu.memory_space<vmem>>
    %dma_wait3A_938 = arith.constant 0 : i32
    %dma_wait3A_939 = tpu.memref_slice %arg5[%dma_wait3A_935, %dma_wait3A_938] : memref<50x128xi32, #tpu.memory_space<vmem>> -> memref<1x128xi32, #tpu.memory_space<vmem>>
    %dma_wait3A_940 = tpu.memref_squeeze %dma_wait3A_939 : memref<1x128xi32, #tpu.memory_space<vmem>> -> memref<128xi32, #tpu.memory_space<vmem>>
    %dma_wait3A_941 = arith.constant 0 : i32
    %dma_wait3A_942 = tpu.memref_slice %arg3[%dma_wait3A_941] : memref<100000xf32, #tpu.memory_space<hbm>> -> memref<100000xf32, #tpu.memory_space<hbm>>
    tpu.wait_indirect_dma semaphore(%arg8 : memref<!tpu.dma_semaphore, #tpu.memory_space<semaphore_mem>>) src(%dma_wait3A_942 : memref<100000xf32, #tpu.memory_space<hbm>>) dst(%dma_wait3A_937 : memref<128xf32, #tpu.memory_space<vmem>>)
    %get3A_943 = arith.constant 1664 : index
    %get3A_944 = tpu.vector_load %arg6[%get3A_943] {strides = array<i32>} : memref<6400xf32, #tpu.memory_space<vmem>>, vector<16xf32>,
    %get3A_945 = vector.shape_cast %get3A_944 : vector<16xf32> to vector<16xf32>
    %add3A_946 = arith.addf %add3A_906, %get3A_945 : vector<16xf32>
    %get3A_947 = arith.constant 1680 : index
    %get3A_948 = tpu.vector_load %arg6[%get3A_947] {strides = array<i32>} : memref<6400xf32, #tpu.memory_space<vmem>>, vector<16xf32>,
    %get3A_949 = vector.shape_cast %get3A_948 : vector<16xf32> to vector<16xf32>
    %add3A_950 = arith.addf %add3A_910, %get3A_949 : vector<16xf32>
    %get3A_951 = arith.constant 1696 : index
    %get3A_952 = tpu.vector_load %arg6[%get3A_951] {strides = array<i32>} : memref<6400xf32, #tpu.memory_space<vmem>>, vector<16xf32>,
    %get3A_953 = vector.shape_cast %get3A_952 : vector<16xf32> to vector<16xf32>
    %add3A_954 = arith.addf %add3A_914, %get3A_953 : vector<16xf32>
    %get3A_955 = arith.constant 1712 : index
    %get3A_956 = tpu.vector_load %arg6[%get3A_955] {strides = array<i32>} : memref<6400xf32, #tpu.memory_space<vmem>>, vector<16xf32>,
    %get3A_957 = vector.shape_cast %get3A_956 : vector<16xf32> to vector<16xf32>
    %add3A_958 = arith.addf %add3A_918, %get3A_957 : vector<16xf32>
    %get3A_959 = arith.constant 1728 : index
    %get3A_960 = tpu.vector_load %arg6[%get3A_959] {strides = array<i32>} : memref<6400xf32, #tpu.memory_space<vmem>>, vector<16xf32>,
    %get3A_961 = vector.shape_cast %get3A_960 : vector<16xf32> to vector<16xf32>
    %add3A_962 = arith.addf %add3A_922, %get3A_961 : vector<16xf32>
    %get3A_963 = arith.constant 1744 : index
    %get3A_964 = tpu.vector_load %arg6[%get3A_963] {strides = array<i32>} : memref<6400xf32, #tpu.memory_space<vmem>>, vector<16xf32>,
    %get3A_965 = vector.shape_cast %get3A_964 : vector<16xf32> to vector<16xf32>
    %add3A_966 = arith.addf %add3A_926, %get3A_965 : vector<16xf32>
    %get3A_967 = arith.constant 1760 : index
    %get3A_968 = tpu.vector_load %arg6[%get3A_967] {strides = array<i32>} : memref<6400xf32, #tpu.memory_space<vmem>>, vector<16xf32>,
    %get3A_969 = vector.shape_cast %get3A_968 : vector<16xf32> to vector<16xf32>
    %add3A_970 = arith.addf %add3A_930, %get3A_969 : vector<16xf32>
    %get3A_971 = arith.constant 1776 : index
    %get3A_972 = tpu.vector_load %arg6[%get3A_971] {strides = array<i32>} : memref<6400xf32, #tpu.memory_space<vmem>>, vector<16xf32>,
    %get3A_973 = vector.shape_cast %get3A_972 : vector<16xf32> to vector<16xf32>
    %add3A_974 = arith.addf %add3A_934, %get3A_973 : vector<16xf32>
    %dma_wait3A_975 = arith.constant 14 : i32
    %dma_wait3A_976 = arith.constant 1792 : i32
    %dma_wait3A_977 = tpu.memref_slice %arg6[%dma_wait3A_976] : memref<6400xf32, #tpu.memory_space<vmem>> -> memref<128xf32, #tpu.memory_space<vmem>>
    %dma_wait3A_978 = arith.constant 0 : i32
    %dma_wait3A_979 = tpu.memref_slice %arg5[%dma_wait3A_975, %dma_wait3A_978] : memref<50x128xi32, #tpu.memory_space<vmem>> -> memref<1x128xi32, #tpu.memory_space<vmem>>
    %dma_wait3A_980 = tpu.memref_squeeze %dma_wait3A_979 : memref<1x128xi32, #tpu.memory_space<vmem>> -> memref<128xi32, #tpu.memory_space<vmem>>
    %dma_wait3A_981 = arith.constant 0 : i32
    %dma_wait3A_982 = tpu.memref_slice %arg3[%dma_wait3A_981] : memref<100000xf32, #tpu.memory_space<hbm>> -> memref<100000xf32, #tpu.memory_space<hbm>>
    tpu.wait_indirect_dma semaphore(%arg8 : memref<!tpu.dma_semaphore, #tpu.memory_space<semaphore_mem>>) src(%dma_wait3A_982 : memref<100000xf32, #tpu.memory_space<hbm>>) dst(%dma_wait3A_977 : memref<128xf32, #tpu.memory_space<vmem>>)
    %get3A_983 = arith.constant 1792 : index
    %get3A_984 = tpu.vector_load %arg6[%get3A_983] {strides = array<i32>} : memref<6400xf32, #tpu.memory_space<vmem>>, vector<16xf32>,
    %get3A_985 = vector.shape_cast %get3A_984 : vector<16xf32> to vector<16xf32>
    %add3A_986 = arith.addf %add3A_946, %get3A_985 : vector<16xf32>
    %get3A_987 = arith.constant 1808 : index
    %get3A_988 = tpu.vector_load %arg6[%get3A_987] {strides = array<i32>} : memref<6400xf32, #tpu.memory_space<vmem>>, vector<16xf32>,
    %get3A_989 = vector.shape_cast %get3A_988 : vector<16xf32> to vector<16xf32>
    %add3A_990 = arith.addf %add3A_950, %get3A_989 : vector<16xf32>
    %get3A_991 = arith.constant 1824 : index
    %get3A_992 = tpu.vector_load %arg6[%get3A_991] {strides = array<i32>} : memref<6400xf32, #tpu.memory_space<vmem>>, vector<16xf32>,
    %get3A_993 = vector.shape_cast %get3A_992 : vector<16xf32> to vector<16xf32>
    %add3A_994 = arith.addf %add3A_954, %get3A_993 : vector<16xf32>
    %get3A_995 = arith.constant 1840 : index
    %get3A_996 = tpu.vector_load %arg6[%get3A_995] {strides = array<i32>} : memref<6400xf32, #tpu.memory_space<vmem>>, vector<16xf32>,
    %get3A_997 = vector.shape_cast %get3A_996 : vector<16xf32> to vector<16xf32>
    %add3A_998 = arith.addf %add3A_958, %get3A_997 : vector<16xf32>
    %get3A_999 = arith.constant 1856 : index
    %get3A_1000 = tpu.vector_load %arg6[%get3A_999] {strides = array<i32>} : memref<6400xf32, #tpu.memory_space<vmem>>, vector<16xf32>,
    %get3A_1001 = vector.shape_cast %get3A_1000 : vector<16xf32> to vector<16xf32>
    %add3A_1002 = arith.addf %add3A_962, %get3A_1001 : vector<16xf32>
    %get3A_1003 = arith.constant 1872 : index
    %get3A_1004 = tpu.vector_load %arg6[%get3A_1003] {strides = array<i32>} : memref<6400xf32, #tpu.memory_space<vmem>>, vector<16xf32>,
    %get3A_1005 = vector.shape_cast %get3A_1004 : vector<16xf32> to vector<16xf32>
    %add3A_1006 = arith.addf %add3A_966, %get3A_1005 : vector<16xf32>
    %get3A_1007 = arith.constant 1888 : index
    %get3A_1008 = tpu.vector_load %arg6[%get3A_1007] {strides = array<i32>} : memref<6400xf32, #tpu.memory_space<vmem>>, vector<16xf32>,
    %get3A_1009 = vector.shape_cast %get3A_1008 : vector<16xf32> to vector<16xf32>
    %add3A_1010 = arith.addf %add3A_970, %get3A_1009 : vector<16xf32>
    %get3A_1011 = arith.constant 1904 : index
    %get3A_1012 = tpu.vector_load %arg6[%get3A_1011] {strides = array<i32>} : memref<6400xf32, #tpu.memory_space<vmem>>, vector<16xf32>,
    %get3A_1013 = vector.shape_cast %get3A_1012 : vector<16xf32> to vector<16xf32>
    %add3A_1014 = arith.addf %add3A_974, %get3A_1013 : vector<16xf32>
    %dma_wait3A_1015 = arith.constant 15 : i32
    %dma_wait3A_1016 = arith.constant 1920 : i32
    %dma_wait3A_1017 = tpu.memref_slice %arg6[%dma_wait3A_1016] : memref<6400xf32, #tpu.memory_space<vmem>> -> memref<128xf32, #tpu.memory_space<vmem>>
    %dma_wait3A_1018 = arith.constant 0 : i32
    %dma_wait3A_1019 = tpu.memref_slice %arg5[%dma_wait3A_1015, %dma_wait3A_1018] : memref<50x128xi32, #tpu.memory_space<vmem>> -> memref<1x128xi32, #tpu.memory_space<vmem>>
    %dma_wait3A_1020 = tpu.memref_squeeze %dma_wait3A_1019 : memref<1x128xi32, #tpu.memory_space<vmem>> -> memref<128xi32, #tpu.memory_space<vmem>>
    %dma_wait3A_1021 = arith.constant 0 : i32
    %dma_wait3A_1022 = tpu.memref_slice %arg3[%dma_wait3A_1021] : memref<100000xf32, #tpu.memory_space<hbm>> -> memref<100000xf32, #tpu.memory_space<hbm>>
    tpu.wait_indirect_dma semaphore(%arg8 : memref<!tpu.dma_semaphore, #tpu.memory_space<semaphore_mem>>) src(%dma_wait3A_1022 : memref<100000xf32, #tpu.memory_space<hbm>>) dst(%dma_wait3A_1017 : memref<128xf32, #tpu.memory_space<vmem>>)
    %get3A_1023 = arith.constant 1920 : index
    %get3A_1024 = tpu.vector_load %arg6[%get3A_1023] {strides = array<i32>} : memref<6400xf32, #tpu.memory_space<vmem>>, vector<16xf32>,
    %get3A_1025 = vector.shape_cast %get3A_1024 : vector<16xf32> to vector<16xf32>
    %add3A_1026 = arith.addf %add3A_986, %get3A_1025 : vector<16xf32>
    %get3A_1027 = arith.constant 1936 : index
    %get3A_1028 = tpu.vector_load %arg6[%get3A_1027] {strides = array<i32>} : memref<6400xf32, #tpu.memory_space<vmem>>, vector<16xf32>,
    %get3A_1029 = vector.shape_cast %get3A_1028 : vector<16xf32> to vector<16xf32>
    %add3A_1030 = arith.addf %add3A_990, %get3A_1029 : vector<16xf32>
    %get3A_1031 = arith.constant 1952 : index
    %get3A_1032 = tpu.vector_load %arg6[%get3A_1031] {strides = array<i32>} : memref<6400xf32, #tpu.memory_space<vmem>>, vector<16xf32>,
    %get3A_1033 = vector.shape_cast %get3A_1032 : vector<16xf32> to vector<16xf32>
    %add3A_1034 = arith.addf %add3A_994, %get3A_1033 : vector<16xf32>
    %get3A_1035 = arith.constant 1968 : index
    %get3A_1036 = tpu.vector_load %arg6[%get3A_1035] {strides = array<i32>} : memref<6400xf32, #tpu.memory_space<vmem>>, vector<16xf32>,
    %get3A_1037 = vector.shape_cast %get3A_1036 : vector<16xf32> to vector<16xf32>
    %add3A_1038 = arith.addf %add3A_998, %get3A_1037 : vector<16xf32>
    %get3A_1039 = arith.constant 1984 : index
    %get3A_1040 = tpu.vector_load %arg6[%get3A_1039] {strides = array<i32>} : memref<6400xf32, #tpu.memory_space<vmem>>, vector<16xf32>,
    %get3A_1041 = vector.shape_cast %get3A_1040 : vector<16xf32> to vector<16xf32>
    %add3A_1042 = arith.addf %add3A_1002, %get3A_1041 : vector<16xf32>
    %get3A_1043 = arith.constant 2000 : index
    %get3A_1044 = tpu.vector_load %arg6[%get3A_1043] {strides = array<i32>} : memref<6400xf32, #tpu.memory_space<vmem>>, vector<16xf32>,
    %get3A_1045 = vector.shape_cast %get3A_1044 : vector<16xf32> to vector<16xf32>
    %add3A_1046 = arith.addf %add3A_1006, %get3A_1045 : vector<16xf32>
    %get3A_1047 = arith.constant 2016 : index
    %get3A_1048 = tpu.vector_load %arg6[%get3A_1047] {strides = array<i32>} : memref<6400xf32, #tpu.memory_space<vmem>>, vector<16xf32>,
    %get3A_1049 = vector.shape_cast %get3A_1048 : vector<16xf32> to vector<16xf32>
    %add3A_1050 = arith.addf %add3A_1010, %get3A_1049 : vector<16xf32>
    %get3A_1051 = arith.constant 2032 : index
    %get3A_1052 = tpu.vector_load %arg6[%get3A_1051] {strides = array<i32>} : memref<6400xf32, #tpu.memory_space<vmem>>, vector<16xf32>,
    %get3A_1053 = vector.shape_cast %get3A_1052 : vector<16xf32> to vector<16xf32>
    %add3A_1054 = arith.addf %add3A_1014, %get3A_1053 : vector<16xf32>
    %dma_wait3A_1055 = arith.constant 16 : i32
    %dma_wait3A_1056 = arith.constant 2048 : i32
    %dma_wait3A_1057 = tpu.memref_slice %arg6[%dma_wait3A_1056] : memref<6400xf32, #tpu.memory_space<vmem>> -> memref<128xf32, #tpu.memory_space<vmem>>
    %dma_wait3A_1058 = arith.constant 0 : i32
    %dma_wait3A_1059 = tpu.memref_slice %arg5[%dma_wait3A_1055, %dma_wait3A_1058] : memref<50x128xi32, #tpu.memory_space<vmem>> -> memref<1x128xi32, #tpu.memory_space<vmem>>
    %dma_wait3A_1060 = tpu.memref_squeeze %dma_wait3A_1059 : memref<1x128xi32, #tpu.memory_space<vmem>> -> memref<128xi32, #tpu.memory_space<vmem>>
    %dma_wait3A_1061 = arith.constant 0 : i32
    %dma_wait3A_1062 = tpu.memref_slice %arg3[%dma_wait3A_1061] : memref<100000xf32, #tpu.memory_space<hbm>> -> memref<100000xf32, #tpu.memory_space<hbm>>
    tpu.wait_indirect_dma semaphore(%arg8 : memref<!tpu.dma_semaphore, #tpu.memory_space<semaphore_mem>>) src(%dma_wait3A_1062 : memref<100000xf32, #tpu.memory_space<hbm>>) dst(%dma_wait3A_1057 : memref<128xf32, #tpu.memory_space<vmem>>)
    %get3A_1063 = arith.constant 2048 : index
    %get3A_1064 = tpu.vector_load %arg6[%get3A_1063] {strides = array<i32>} : memref<6400xf32, #tpu.memory_space<vmem>>, vector<16xf32>,
    %get3A_1065 = vector.shape_cast %get3A_1064 : vector<16xf32> to vector<16xf32>
    %add3A_1066 = arith.addf %add3A_1026, %get3A_1065 : vector<16xf32>
    %get3A_1067 = arith.constant 2064 : index
    %get3A_1068 = tpu.vector_load %arg6[%get3A_1067] {strides = array<i32>} : memref<6400xf32, #tpu.memory_space<vmem>>, vector<16xf32>,
    %get3A_1069 = vector.shape_cast %get3A_1068 : vector<16xf32> to vector<16xf32>
    %add3A_1070 = arith.addf %add3A_1030, %get3A_1069 : vector<16xf32>
    %get3A_1071 = arith.constant 2080 : index
    %get3A_1072 = tpu.vector_load %arg6[%get3A_1071] {strides = array<i32>} : memref<6400xf32, #tpu.memory_space<vmem>>, vector<16xf32>,
    %get3A_1073 = vector.shape_cast %get3A_1072 : vector<16xf32> to vector<16xf32>
    %add3A_1074 = arith.addf %add3A_1034, %get3A_1073 : vector<16xf32>
    %get3A_1075 = arith.constant 2096 : index
    %get3A_1076 = tpu.vector_load %arg6[%get3A_1075] {strides = array<i32>} : memref<6400xf32, #tpu.memory_space<vmem>>, vector<16xf32>,
    %get3A_1077 = vector.shape_cast %get3A_1076 : vector<16xf32> to vector<16xf32>
    %add3A_1078 = arith.addf %add3A_1038, %get3A_1077 : vector<16xf32>
    %get3A_1079 = arith.constant 2112 : index
    %get3A_1080 = tpu.vector_load %arg6[%get3A_1079] {strides = array<i32>} : memref<6400xf32, #tpu.memory_space<vmem>>, vector<16xf32>,
    %get3A_1081 = vector.shape_cast %get3A_1080 : vector<16xf32> to vector<16xf32>
    %add3A_1082 = arith.addf %add3A_1042, %get3A_1081 : vector<16xf32>
    %get3A_1083 = arith.constant 2128 : index
    %get3A_1084 = tpu.vector_load %arg6[%get3A_1083] {strides = array<i32>} : memref<6400xf32, #tpu.memory_space<vmem>>, vector<16xf32>,
    %get3A_1085 = vector.shape_cast %get3A_1084 : vector<16xf32> to vector<16xf32>
    %add3A_1086 = arith.addf %add3A_1046, %get3A_1085 : vector<16xf32>
    %get3A_1087 = arith.constant 2144 : index
    %get3A_1088 = tpu.vector_load %arg6[%get3A_1087] {strides = array<i32>} : memref<6400xf32, #tpu.memory_space<vmem>>, vector<16xf32>,
    %get3A_1089 = vector.shape_cast %get3A_1088 : vector<16xf32> to vector<16xf32>
    %add3A_1090 = arith.addf %add3A_1050, %get3A_1089 : vector<16xf32>
    %get3A_1091 = arith.constant 2160 : index
    %get3A_1092 = tpu.vector_load %arg6[%get3A_1091] {strides = array<i32>} : memref<6400xf32, #tpu.memory_space<vmem>>, vector<16xf32>,
    %get3A_1093 = vector.shape_cast %get3A_1092 : vector<16xf32> to vector<16xf32>
    %add3A_1094 = arith.addf %add3A_1054, %get3A_1093 : vector<16xf32>
    %dma_wait3A_1095 = arith.constant 17 : i32
    %dma_wait3A_1096 = arith.constant 2176 : i32
    %dma_wait3A_1097 = tpu.memref_slice %arg6[%dma_wait3A_1096] : memref<6400xf32, #tpu.memory_space<vmem>> -> memref<128xf32, #tpu.memory_space<vmem>>
    %dma_wait3A_1098 = arith.constant 0 : i32
    %dma_wait3A_1099 = tpu.memref_slice %arg5[%dma_wait3A_1095, %dma_wait3A_1098] : memref<50x128xi32, #tpu.memory_space<vmem>> -> memref<1x128xi32, #tpu.memory_space<vmem>>
    %dma_wait3A_1100 = tpu.memref_squeeze %dma_wait3A_1099 : memref<1x128xi32, #tpu.memory_space<vmem>> -> memref<128xi32, #tpu.memory_space<vmem>>
    %dma_wait3A_1101 = arith.constant 0 : i32
    %dma_wait3A_1102 = tpu.memref_slice %arg3[%dma_wait3A_1101] : memref<100000xf32, #tpu.memory_space<hbm>> -> memref<100000xf32, #tpu.memory_space<hbm>>
    tpu.wait_indirect_dma semaphore(%arg8 : memref<!tpu.dma_semaphore, #tpu.memory_space<semaphore_mem>>) src(%dma_wait3A_1102 : memref<100000xf32, #tpu.memory_space<hbm>>) dst(%dma_wait3A_1097 : memref<128xf32, #tpu.memory_space<vmem>>)
    %get3A_1103 = arith.constant 2176 : index
    %get3A_1104 = tpu.vector_load %arg6[%get3A_1103] {strides = array<i32>} : memref<6400xf32, #tpu.memory_space<vmem>>, vector<16xf32>,
    %get3A_1105 = vector.shape_cast %get3A_1104 : vector<16xf32> to vector<16xf32>
    %add3A_1106 = arith.addf %add3A_1066, %get3A_1105 : vector<16xf32>
    %get3A_1107 = arith.constant 2192 : index
    %get3A_1108 = tpu.vector_load %arg6[%get3A_1107] {strides = array<i32>} : memref<6400xf32, #tpu.memory_space<vmem>>, vector<16xf32>,
    %get3A_1109 = vector.shape_cast %get3A_1108 : vector<16xf32> to vector<16xf32>
    %add3A_1110 = arith.addf %add3A_1070, %get3A_1109 : vector<16xf32>
    %get3A_1111 = arith.constant 2208 : index
    %get3A_1112 = tpu.vector_load %arg6[%get3A_1111] {strides = array<i32>} : memref<6400xf32, #tpu.memory_space<vmem>>, vector<16xf32>,
    %get3A_1113 = vector.shape_cast %get3A_1112 : vector<16xf32> to vector<16xf32>
    %add3A_1114 = arith.addf %add3A_1074, %get3A_1113 : vector<16xf32>
    %get3A_1115 = arith.constant 2224 : index
    %get3A_1116 = tpu.vector_load %arg6[%get3A_1115] {strides = array<i32>} : memref<6400xf32, #tpu.memory_space<vmem>>, vector<16xf32>,
    %get3A_1117 = vector.shape_cast %get3A_1116 : vector<16xf32> to vector<16xf32>
    %add3A_1118 = arith.addf %add3A_1078, %get3A_1117 : vector<16xf32>
    %get3A_1119 = arith.constant 2240 : index
    %get3A_1120 = tpu.vector_load %arg6[%get3A_1119] {strides = array<i32>} : memref<6400xf32, #tpu.memory_space<vmem>>, vector<16xf32>,
    %get3A_1121 = vector.shape_cast %get3A_1120 : vector<16xf32> to vector<16xf32>
    %add3A_1122 = arith.addf %add3A_1082, %get3A_1121 : vector<16xf32>
    %get3A_1123 = arith.constant 2256 : index
    %get3A_1124 = tpu.vector_load %arg6[%get3A_1123] {strides = array<i32>} : memref<6400xf32, #tpu.memory_space<vmem>>, vector<16xf32>,
    %get3A_1125 = vector.shape_cast %get3A_1124 : vector<16xf32> to vector<16xf32>
    %add3A_1126 = arith.addf %add3A_1086, %get3A_1125 : vector<16xf32>
    %get3A_1127 = arith.constant 2272 : index
    %get3A_1128 = tpu.vector_load %arg6[%get3A_1127] {strides = array<i32>} : memref<6400xf32, #tpu.memory_space<vmem>>, vector<16xf32>,
    %get3A_1129 = vector.shape_cast %get3A_1128 : vector<16xf32> to vector<16xf32>
    %add3A_1130 = arith.addf %add3A_1090, %get3A_1129 : vector<16xf32>
    %get3A_1131 = arith.constant 2288 : index
    %get3A_1132 = tpu.vector_load %arg6[%get3A_1131] {strides = array<i32>} : memref<6400xf32, #tpu.memory_space<vmem>>, vector<16xf32>,
    %get3A_1133 = vector.shape_cast %get3A_1132 : vector<16xf32> to vector<16xf32>
    %add3A_1134 = arith.addf %add3A_1094, %get3A_1133 : vector<16xf32>
    %dma_wait3A_1135 = arith.constant 18 : i32
    %dma_wait3A_1136 = arith.constant 2304 : i32
    %dma_wait3A_1137 = tpu.memref_slice %arg6[%dma_wait3A_1136] : memref<6400xf32, #tpu.memory_space<vmem>> -> memref<128xf32, #tpu.memory_space<vmem>>
    %dma_wait3A_1138 = arith.constant 0 : i32
    %dma_wait3A_1139 = tpu.memref_slice %arg5[%dma_wait3A_1135, %dma_wait3A_1138] : memref<50x128xi32, #tpu.memory_space<vmem>> -> memref<1x128xi32, #tpu.memory_space<vmem>>
    %dma_wait3A_1140 = tpu.memref_squeeze %dma_wait3A_1139 : memref<1x128xi32, #tpu.memory_space<vmem>> -> memref<128xi32, #tpu.memory_space<vmem>>
    %dma_wait3A_1141 = arith.constant 0 : i32
    %dma_wait3A_1142 = tpu.memref_slice %arg3[%dma_wait3A_1141] : memref<100000xf32, #tpu.memory_space<hbm>> -> memref<100000xf32, #tpu.memory_space<hbm>>
    tpu.wait_indirect_dma semaphore(%arg8 : memref<!tpu.dma_semaphore, #tpu.memory_space<semaphore_mem>>) src(%dma_wait3A_1142 : memref<100000xf32, #tpu.memory_space<hbm>>) dst(%dma_wait3A_1137 : memref<128xf32, #tpu.memory_space<vmem>>)
    %get3A_1143 = arith.constant 2304 : index
    %get3A_1144 = tpu.vector_load %arg6[%get3A_1143] {strides = array<i32>} : memref<6400xf32, #tpu.memory_space<vmem>>, vector<16xf32>,
    %get3A_1145 = vector.shape_cast %get3A_1144 : vector<16xf32> to vector<16xf32>
    %add3A_1146 = arith.addf %add3A_1106, %get3A_1145 : vector<16xf32>
    %get3A_1147 = arith.constant 2320 : index
    %get3A_1148 = tpu.vector_load %arg6[%get3A_1147] {strides = array<i32>} : memref<6400xf32, #tpu.memory_space<vmem>>, vector<16xf32>,
    %get3A_1149 = vector.shape_cast %get3A_1148 : vector<16xf32> to vector<16xf32>
    %add3A_1150 = arith.addf %add3A_1110, %get3A_1149 : vector<16xf32>
    %get3A_1151 = arith.constant 2336 : index
    %get3A_1152 = tpu.vector_load %arg6[%get3A_1151] {strides = array<i32>} : memref<6400xf32, #tpu.memory_space<vmem>>, vector<16xf32>,
    %get3A_1153 = vector.shape_cast %get3A_1152 : vector<16xf32> to vector<16xf32>
    %add3A_1154 = arith.addf %add3A_1114, %get3A_1153 : vector<16xf32>
    %get3A_1155 = arith.constant 2352 : index
    %get3A_1156 = tpu.vector_load %arg6[%get3A_1155] {strides = array<i32>} : memref<6400xf32, #tpu.memory_space<vmem>>, vector<16xf32>,
    %get3A_1157 = vector.shape_cast %get3A_1156 : vector<16xf32> to vector<16xf32>
    %add3A_1158 = arith.addf %add3A_1118, %get3A_1157 : vector<16xf32>
    %get3A_1159 = arith.constant 2368 : index
    %get3A_1160 = tpu.vector_load %arg6[%get3A_1159] {strides = array<i32>} : memref<6400xf32, #tpu.memory_space<vmem>>, vector<16xf32>,
    %get3A_1161 = vector.shape_cast %get3A_1160 : vector<16xf32> to vector<16xf32>
    %add3A_1162 = arith.addf %add3A_1122, %get3A_1161 : vector<16xf32>
    %get3A_1163 = arith.constant 2384 : index
    %get3A_1164 = tpu.vector_load %arg6[%get3A_1163] {strides = array<i32>} : memref<6400xf32, #tpu.memory_space<vmem>>, vector<16xf32>,
    %get3A_1165 = vector.shape_cast %get3A_1164 : vector<16xf32> to vector<16xf32>
    %add3A_1166 = arith.addf %add3A_1126, %get3A_1165 : vector<16xf32>
    %get3A_1167 = arith.constant 2400 : index
    %get3A_1168 = tpu.vector_load %arg6[%get3A_1167] {strides = array<i32>} : memref<6400xf32, #tpu.memory_space<vmem>>, vector<16xf32>,
    %get3A_1169 = vector.shape_cast %get3A_1168 : vector<16xf32> to vector<16xf32>
    %add3A_1170 = arith.addf %add3A_1130, %get3A_1169 : vector<16xf32>
    %get3A_1171 = arith.constant 2416 : index
    %get3A_1172 = tpu.vector_load %arg6[%get3A_1171] {strides = array<i32>} : memref<6400xf32, #tpu.memory_space<vmem>>, vector<16xf32>,
    %get3A_1173 = vector.shape_cast %get3A_1172 : vector<16xf32> to vector<16xf32>
    %add3A_1174 = arith.addf %add3A_1134, %get3A_1173 : vector<16xf32>
    %dma_wait3A_1175 = arith.constant 19 : i32
    %dma_wait3A_1176 = arith.constant 2432 : i32
    %dma_wait3A_1177 = tpu.memref_slice %arg6[%dma_wait3A_1176] : memref<6400xf32, #tpu.memory_space<vmem>> -> memref<128xf32, #tpu.memory_space<vmem>>
    %dma_wait3A_1178 = arith.constant 0 : i32
    %dma_wait3A_1179 = tpu.memref_slice %arg5[%dma_wait3A_1175, %dma_wait3A_1178] : memref<50x128xi32, #tpu.memory_space<vmem>> -> memref<1x128xi32, #tpu.memory_space<vmem>>
    %dma_wait3A_1180 = tpu.memref_squeeze %dma_wait3A_1179 : memref<1x128xi32, #tpu.memory_space<vmem>> -> memref<128xi32, #tpu.memory_space<vmem>>
    %dma_wait3A_1181 = arith.constant 0 : i32
    %dma_wait3A_1182 = tpu.memref_slice %arg3[%dma_wait3A_1181] : memref<100000xf32, #tpu.memory_space<hbm>> -> memref<100000xf32, #tpu.memory_space<hbm>>
    tpu.wait_indirect_dma semaphore(%arg8 : memref<!tpu.dma_semaphore, #tpu.memory_space<semaphore_mem>>) src(%dma_wait3A_1182 : memref<100000xf32, #tpu.memory_space<hbm>>) dst(%dma_wait3A_1177 : memref<128xf32, #tpu.memory_space<vmem>>)
    %get3A_1183 = arith.constant 2432 : index
    %get3A_1184 = tpu.vector_load %arg6[%get3A_1183] {strides = array<i32>} : memref<6400xf32, #tpu.memory_space<vmem>>, vector<16xf32>,
    %get3A_1185 = vector.shape_cast %get3A_1184 : vector<16xf32> to vector<16xf32>
    %add3A_1186 = arith.addf %add3A_1146, %get3A_1185 : vector<16xf32>
    %get3A_1187 = arith.constant 2448 : index
    %get3A_1188 = tpu.vector_load %arg6[%get3A_1187] {strides = array<i32>} : memref<6400xf32, #tpu.memory_space<vmem>>, vector<16xf32>,
    %get3A_1189 = vector.shape_cast %get3A_1188 : vector<16xf32> to vector<16xf32>
    %add3A_1190 = arith.addf %add3A_1150, %get3A_1189 : vector<16xf32>
    %get3A_1191 = arith.constant 2464 : index
    %get3A_1192 = tpu.vector_load %arg6[%get3A_1191] {strides = array<i32>} : memref<6400xf32, #tpu.memory_space<vmem>>, vector<16xf32>,
    %get3A_1193 = vector.shape_cast %get3A_1192 : vector<16xf32> to vector<16xf32>
    %add3A_1194 = arith.addf %add3A_1154, %get3A_1193 : vector<16xf32>
    %get3A_1195 = arith.constant 2480 : index
    %get3A_1196 = tpu.vector_load %arg6[%get3A_1195] {strides = array<i32>} : memref<6400xf32, #tpu.memory_space<vmem>>, vector<16xf32>,
    %get3A_1197 = vector.shape_cast %get3A_1196 : vector<16xf32> to vector<16xf32>
    %add3A_1198 = arith.addf %add3A_1158, %get3A_1197 : vector<16xf32>
    %get3A_1199 = arith.constant 2496 : index
    %get3A_1200 = tpu.vector_load %arg6[%get3A_1199] {strides = array<i32>} : memref<6400xf32, #tpu.memory_space<vmem>>, vector<16xf32>,
    %get3A_1201 = vector.shape_cast %get3A_1200 : vector<16xf32> to vector<16xf32>
    %add3A_1202 = arith.addf %add3A_1162, %get3A_1201 : vector<16xf32>
    %get3A_1203 = arith.constant 2512 : index
    %get3A_1204 = tpu.vector_load %arg6[%get3A_1203] {strides = array<i32>} : memref<6400xf32, #tpu.memory_space<vmem>>, vector<16xf32>,
    %get3A_1205 = vector.shape_cast %get3A_1204 : vector<16xf32> to vector<16xf32>
    %add3A_1206 = arith.addf %add3A_1166, %get3A_1205 : vector<16xf32>
    %get3A_1207 = arith.constant 2528 : index
    %get3A_1208 = tpu.vector_load %arg6[%get3A_1207] {strides = array<i32>} : memref<6400xf32, #tpu.memory_space<vmem>>, vector<16xf32>,
    %get3A_1209 = vector.shape_cast %get3A_1208 : vector<16xf32> to vector<16xf32>
    %add3A_1210 = arith.addf %add3A_1170, %get3A_1209 : vector<16xf32>
    %get3A_1211 = arith.constant 2544 : index
    %get3A_1212 = tpu.vector_load %arg6[%get3A_1211] {strides = array<i32>} : memref<6400xf32, #tpu.memory_space<vmem>>, vector<16xf32>,
    %get3A_1213 = vector.shape_cast %get3A_1212 : vector<16xf32> to vector<16xf32>
    %add3A_1214 = arith.addf %add3A_1174, %get3A_1213 : vector<16xf32>
    %dma_wait3A_1215 = arith.constant 20 : i32
    %dma_wait3A_1216 = arith.constant 2560 : i32
    %dma_wait3A_1217 = tpu.memref_slice %arg6[%dma_wait3A_1216] : memref<6400xf32, #tpu.memory_space<vmem>> -> memref<128xf32, #tpu.memory_space<vmem>>
    %dma_wait3A_1218 = arith.constant 0 : i32
    %dma_wait3A_1219 = tpu.memref_slice %arg5[%dma_wait3A_1215, %dma_wait3A_1218] : memref<50x128xi32, #tpu.memory_space<vmem>> -> memref<1x128xi32, #tpu.memory_space<vmem>>
    %dma_wait3A_1220 = tpu.memref_squeeze %dma_wait3A_1219 : memref<1x128xi32, #tpu.memory_space<vmem>> -> memref<128xi32, #tpu.memory_space<vmem>>
    %dma_wait3A_1221 = arith.constant 0 : i32
    %dma_wait3A_1222 = tpu.memref_slice %arg3[%dma_wait3A_1221] : memref<100000xf32, #tpu.memory_space<hbm>> -> memref<100000xf32, #tpu.memory_space<hbm>>
    tpu.wait_indirect_dma semaphore(%arg8 : memref<!tpu.dma_semaphore, #tpu.memory_space<semaphore_mem>>) src(%dma_wait3A_1222 : memref<100000xf32, #tpu.memory_space<hbm>>) dst(%dma_wait3A_1217 : memref<128xf32, #tpu.memory_space<vmem>>)
    %get3A_1223 = arith.constant 2560 : index
    %get3A_1224 = tpu.vector_load %arg6[%get3A_1223] {strides = array<i32>} : memref<6400xf32, #tpu.memory_space<vmem>>, vector<16xf32>,
    %get3A_1225 = vector.shape_cast %get3A_1224 : vector<16xf32> to vector<16xf32>
    %add3A_1226 = arith.addf %add3A_1186, %get3A_1225 : vector<16xf32>
    %get3A_1227 = arith.constant 2576 : index
    %get3A_1228 = tpu.vector_load %arg6[%get3A_1227] {strides = array<i32>} : memref<6400xf32, #tpu.memory_space<vmem>>, vector<16xf32>,
    %get3A_1229 = vector.shape_cast %get3A_1228 : vector<16xf32> to vector<16xf32>
    %add3A_1230 = arith.addf %add3A_1190, %get3A_1229 : vector<16xf32>
    %get3A_1231 = arith.constant 2592 : index
    %get3A_1232 = tpu.vector_load %arg6[%get3A_1231] {strides = array<i32>} : memref<6400xf32, #tpu.memory_space<vmem>>, vector<16xf32>,
    %get3A_1233 = vector.shape_cast %get3A_1232 : vector<16xf32> to vector<16xf32>
    %add3A_1234 = arith.addf %add3A_1194, %get3A_1233 : vector<16xf32>
    %get3A_1235 = arith.constant 2608 : index
    %get3A_1236 = tpu.vector_load %arg6[%get3A_1235] {strides = array<i32>} : memref<6400xf32, #tpu.memory_space<vmem>>, vector<16xf32>,
    %get3A_1237 = vector.shape_cast %get3A_1236 : vector<16xf32> to vector<16xf32>
    %add3A_1238 = arith.addf %add3A_1198, %get3A_1237 : vector<16xf32>
    %get3A_1239 = arith.constant 2624 : index
    %get3A_1240 = tpu.vector_load %arg6[%get3A_1239] {strides = array<i32>} : memref<6400xf32, #tpu.memory_space<vmem>>, vector<16xf32>,
    %get3A_1241 = vector.shape_cast %get3A_1240 : vector<16xf32> to vector<16xf32>
    %add3A_1242 = arith.addf %add3A_1202, %get3A_1241 : vector<16xf32>
    %get3A_1243 = arith.constant 2640 : index
    %get3A_1244 = tpu.vector_load %arg6[%get3A_1243] {strides = array<i32>} : memref<6400xf32, #tpu.memory_space<vmem>>, vector<16xf32>,
    %get3A_1245 = vector.shape_cast %get3A_1244 : vector<16xf32> to vector<16xf32>
    %add3A_1246 = arith.addf %add3A_1206, %get3A_1245 : vector<16xf32>
    %get3A_1247 = arith.constant 2656 : index
    %get3A_1248 = tpu.vector_load %arg6[%get3A_1247] {strides = array<i32>} : memref<6400xf32, #tpu.memory_space<vmem>>, vector<16xf32>,
    %get3A_1249 = vector.shape_cast %get3A_1248 : vector<16xf32> to vector<16xf32>
    %add3A_1250 = arith.addf %add3A_1210, %get3A_1249 : vector<16xf32>
    %get3A_1251 = arith.constant 2672 : index
    %get3A_1252 = tpu.vector_load %arg6[%get3A_1251] {strides = array<i32>} : memref<6400xf32, #tpu.memory_space<vmem>>, vector<16xf32>,
    %get3A_1253 = vector.shape_cast %get3A_1252 : vector<16xf32> to vector<16xf32>
    %add3A_1254 = arith.addf %add3A_1214, %get3A_1253 : vector<16xf32>
    %dma_wait3A_1255 = arith.constant 21 : i32
    %dma_wait3A_1256 = arith.constant 2688 : i32
    %dma_wait3A_1257 = tpu.memref_slice %arg6[%dma_wait3A_1256] : memref<6400xf32, #tpu.memory_space<vmem>> -> memref<128xf32, #tpu.memory_space<vmem>>
    %dma_wait3A_1258 = arith.constant 0 : i32
    %dma_wait3A_1259 = tpu.memref_slice %arg5[%dma_wait3A_1255, %dma_wait3A_1258] : memref<50x128xi32, #tpu.memory_space<vmem>> -> memref<1x128xi32, #tpu.memory_space<vmem>>
    %dma_wait3A_1260 = tpu.memref_squeeze %dma_wait3A_1259 : memref<1x128xi32, #tpu.memory_space<vmem>> -> memref<128xi32, #tpu.memory_space<vmem>>
    %dma_wait3A_1261 = arith.constant 0 : i32
    %dma_wait3A_1262 = tpu.memref_slice %arg3[%dma_wait3A_1261] : memref<100000xf32, #tpu.memory_space<hbm>> -> memref<100000xf32, #tpu.memory_space<hbm>>
    tpu.wait_indirect_dma semaphore(%arg8 : memref<!tpu.dma_semaphore, #tpu.memory_space<semaphore_mem>>) src(%dma_wait3A_1262 : memref<100000xf32, #tpu.memory_space<hbm>>) dst(%dma_wait3A_1257 : memref<128xf32, #tpu.memory_space<vmem>>)
    %get3A_1263 = arith.constant 2688 : index
    %get3A_1264 = tpu.vector_load %arg6[%get3A_1263] {strides = array<i32>} : memref<6400xf32, #tpu.memory_space<vmem>>, vector<16xf32>,
    %get3A_1265 = vector.shape_cast %get3A_1264 : vector<16xf32> to vector<16xf32>
    %add3A_1266 = arith.addf %add3A_1226, %get3A_1265 : vector<16xf32>
    %get3A_1267 = arith.constant 2704 : index
    %get3A_1268 = tpu.vector_load %arg6[%get3A_1267] {strides = array<i32>} : memref<6400xf32, #tpu.memory_space<vmem>>, vector<16xf32>,
    %get3A_1269 = vector.shape_cast %get3A_1268 : vector<16xf32> to vector<16xf32>
    %add3A_1270 = arith.addf %add3A_1230, %get3A_1269 : vector<16xf32>
    %get3A_1271 = arith.constant 2720 : index
    %get3A_1272 = tpu.vector_load %arg6[%get3A_1271] {strides = array<i32>} : memref<6400xf32, #tpu.memory_space<vmem>>, vector<16xf32>,
    %get3A_1273 = vector.shape_cast %get3A_1272 : vector<16xf32> to vector<16xf32>
    %add3A_1274 = arith.addf %add3A_1234, %get3A_1273 : vector<16xf32>
    %get3A_1275 = arith.constant 2736 : index
    %get3A_1276 = tpu.vector_load %arg6[%get3A_1275] {strides = array<i32>} : memref<6400xf32, #tpu.memory_space<vmem>>, vector<16xf32>,
    %get3A_1277 = vector.shape_cast %get3A_1276 : vector<16xf32> to vector<16xf32>
    %add3A_1278 = arith.addf %add3A_1238, %get3A_1277 : vector<16xf32>
    %get3A_1279 = arith.constant 2752 : index
    %get3A_1280 = tpu.vector_load %arg6[%get3A_1279] {strides = array<i32>} : memref<6400xf32, #tpu.memory_space<vmem>>, vector<16xf32>,
    %get3A_1281 = vector.shape_cast %get3A_1280 : vector<16xf32> to vector<16xf32>
    %add3A_1282 = arith.addf %add3A_1242, %get3A_1281 : vector<16xf32>
    %get3A_1283 = arith.constant 2768 : index
    %get3A_1284 = tpu.vector_load %arg6[%get3A_1283] {strides = array<i32>} : memref<6400xf32, #tpu.memory_space<vmem>>, vector<16xf32>,
    %get3A_1285 = vector.shape_cast %get3A_1284 : vector<16xf32> to vector<16xf32>
    %add3A_1286 = arith.addf %add3A_1246, %get3A_1285 : vector<16xf32>
    %get3A_1287 = arith.constant 2784 : index
    %get3A_1288 = tpu.vector_load %arg6[%get3A_1287] {strides = array<i32>} : memref<6400xf32, #tpu.memory_space<vmem>>, vector<16xf32>,
    %get3A_1289 = vector.shape_cast %get3A_1288 : vector<16xf32> to vector<16xf32>
    %add3A_1290 = arith.addf %add3A_1250, %get3A_1289 : vector<16xf32>
    %get3A_1291 = arith.constant 2800 : index
    %get3A_1292 = tpu.vector_load %arg6[%get3A_1291] {strides = array<i32>} : memref<6400xf32, #tpu.memory_space<vmem>>, vector<16xf32>,
    %get3A_1293 = vector.shape_cast %get3A_1292 : vector<16xf32> to vector<16xf32>
    %add3A_1294 = arith.addf %add3A_1254, %get3A_1293 : vector<16xf32>
    %dma_wait3A_1295 = arith.constant 22 : i32
    %dma_wait3A_1296 = arith.constant 2816 : i32
    %dma_wait3A_1297 = tpu.memref_slice %arg6[%dma_wait3A_1296] : memref<6400xf32, #tpu.memory_space<vmem>> -> memref<128xf32, #tpu.memory_space<vmem>>
    %dma_wait3A_1298 = arith.constant 0 : i32
    %dma_wait3A_1299 = tpu.memref_slice %arg5[%dma_wait3A_1295, %dma_wait3A_1298] : memref<50x128xi32, #tpu.memory_space<vmem>> -> memref<1x128xi32, #tpu.memory_space<vmem>>
    %dma_wait3A_1300 = tpu.memref_squeeze %dma_wait3A_1299 : memref<1x128xi32, #tpu.memory_space<vmem>> -> memref<128xi32, #tpu.memory_space<vmem>>
    %dma_wait3A_1301 = arith.constant 0 : i32
    %dma_wait3A_1302 = tpu.memref_slice %arg3[%dma_wait3A_1301] : memref<100000xf32, #tpu.memory_space<hbm>> -> memref<100000xf32, #tpu.memory_space<hbm>>
    tpu.wait_indirect_dma semaphore(%arg8 : memref<!tpu.dma_semaphore, #tpu.memory_space<semaphore_mem>>) src(%dma_wait3A_1302 : memref<100000xf32, #tpu.memory_space<hbm>>) dst(%dma_wait3A_1297 : memref<128xf32, #tpu.memory_space<vmem>>)
    %get3A_1303 = arith.constant 2816 : index
    %get3A_1304 = tpu.vector_load %arg6[%get3A_1303] {strides = array<i32>} : memref<6400xf32, #tpu.memory_space<vmem>>, vector<16xf32>,
    %get3A_1305 = vector.shape_cast %get3A_1304 : vector<16xf32> to vector<16xf32>
    %add3A_1306 = arith.addf %add3A_1266, %get3A_1305 : vector<16xf32>
    %get3A_1307 = arith.constant 2832 : index
    %get3A_1308 = tpu.vector_load %arg6[%get3A_1307] {strides = array<i32>} : memref<6400xf32, #tpu.memory_space<vmem>>, vector<16xf32>,
    %get3A_1309 = vector.shape_cast %get3A_1308 : vector<16xf32> to vector<16xf32>
    %add3A_1310 = arith.addf %add3A_1270, %get3A_1309 : vector<16xf32>
    %get3A_1311 = arith.constant 2848 : index
    %get3A_1312 = tpu.vector_load %arg6[%get3A_1311] {strides = array<i32>} : memref<6400xf32, #tpu.memory_space<vmem>>, vector<16xf32>,
    %get3A_1313 = vector.shape_cast %get3A_1312 : vector<16xf32> to vector<16xf32>
    %add3A_1314 = arith.addf %add3A_1274, %get3A_1313 : vector<16xf32>
    %get3A_1315 = arith.constant 2864 : index
    %get3A_1316 = tpu.vector_load %arg6[%get3A_1315] {strides = array<i32>} : memref<6400xf32, #tpu.memory_space<vmem>>, vector<16xf32>,
    %get3A_1317 = vector.shape_cast %get3A_1316 : vector<16xf32> to vector<16xf32>
    %add3A_1318 = arith.addf %add3A_1278, %get3A_1317 : vector<16xf32>
    %get3A_1319 = arith.constant 2880 : index
    %get3A_1320 = tpu.vector_load %arg6[%get3A_1319] {strides = array<i32>} : memref<6400xf32, #tpu.memory_space<vmem>>, vector<16xf32>,
    %get3A_1321 = vector.shape_cast %get3A_1320 : vector<16xf32> to vector<16xf32>
    %add3A_1322 = arith.addf %add3A_1282, %get3A_1321 : vector<16xf32>
    %get3A_1323 = arith.constant 2896 : index
    %get3A_1324 = tpu.vector_load %arg6[%get3A_1323] {strides = array<i32>} : memref<6400xf32, #tpu.memory_space<vmem>>, vector<16xf32>,
    %get3A_1325 = vector.shape_cast %get3A_1324 : vector<16xf32> to vector<16xf32>
    %add3A_1326 = arith.addf %add3A_1286, %get3A_1325 : vector<16xf32>
    %get3A_1327 = arith.constant 2912 : index
    %get3A_1328 = tpu.vector_load %arg6[%get3A_1327] {strides = array<i32>} : memref<6400xf32, #tpu.memory_space<vmem>>, vector<16xf32>,
    %get3A_1329 = vector.shape_cast %get3A_1328 : vector<16xf32> to vector<16xf32>
    %add3A_1330 = arith.addf %add3A_1290, %get3A_1329 : vector<16xf32>
    %get3A_1331 = arith.constant 2928 : index
    %get3A_1332 = tpu.vector_load %arg6[%get3A_1331] {strides = array<i32>} : memref<6400xf32, #tpu.memory_space<vmem>>, vector<16xf32>,
    %get3A_1333 = vector.shape_cast %get3A_1332 : vector<16xf32> to vector<16xf32>
    %add3A_1334 = arith.addf %add3A_1294, %get3A_1333 : vector<16xf32>
    %dma_wait3A_1335 = arith.constant 23 : i32
    %dma_wait3A_1336 = arith.constant 2944 : i32
    %dma_wait3A_1337 = tpu.memref_slice %arg6[%dma_wait3A_1336] : memref<6400xf32, #tpu.memory_space<vmem>> -> memref<128xf32, #tpu.memory_space<vmem>>
    %dma_wait3A_1338 = arith.constant 0 : i32
    %dma_wait3A_1339 = tpu.memref_slice %arg5[%dma_wait3A_1335, %dma_wait3A_1338] : memref<50x128xi32, #tpu.memory_space<vmem>> -> memref<1x128xi32, #tpu.memory_space<vmem>>
    %dma_wait3A_1340 = tpu.memref_squeeze %dma_wait3A_1339 : memref<1x128xi32, #tpu.memory_space<vmem>> -> memref<128xi32, #tpu.memory_space<vmem>>
    %dma_wait3A_1341 = arith.constant 0 : i32
    %dma_wait3A_1342 = tpu.memref_slice %arg3[%dma_wait3A_1341] : memref<100000xf32, #tpu.memory_space<hbm>> -> memref<100000xf32, #tpu.memory_space<hbm>>
    tpu.wait_indirect_dma semaphore(%arg8 : memref<!tpu.dma_semaphore, #tpu.memory_space<semaphore_mem>>) src(%dma_wait3A_1342 : memref<100000xf32, #tpu.memory_space<hbm>>) dst(%dma_wait3A_1337 : memref<128xf32, #tpu.memory_space<vmem>>)
    %get3A_1343 = arith.constant 2944 : index
    %get3A_1344 = tpu.vector_load %arg6[%get3A_1343] {strides = array<i32>} : memref<6400xf32, #tpu.memory_space<vmem>>, vector<16xf32>,
    %get3A_1345 = vector.shape_cast %get3A_1344 : vector<16xf32> to vector<16xf32>
    %add3A_1346 = arith.addf %add3A_1306, %get3A_1345 : vector<16xf32>
    %get3A_1347 = arith.constant 2960 : index
    %get3A_1348 = tpu.vector_load %arg6[%get3A_1347] {strides = array<i32>} : memref<6400xf32, #tpu.memory_space<vmem>>, vector<16xf32>,
    %get3A_1349 = vector.shape_cast %get3A_1348 : vector<16xf32> to vector<16xf32>
    %add3A_1350 = arith.addf %add3A_1310, %get3A_1349 : vector<16xf32>
    %get3A_1351 = arith.constant 2976 : index
    %get3A_1352 = tpu.vector_load %arg6[%get3A_1351] {strides = array<i32>} : memref<6400xf32, #tpu.memory_space<vmem>>, vector<16xf32>,
    %get3A_1353 = vector.shape_cast %get3A_1352 : vector<16xf32> to vector<16xf32>
    %add3A_1354 = arith.addf %add3A_1314, %get3A_1353 : vector<16xf32>
    %get3A_1355 = arith.constant 2992 : index
    %get3A_1356 = tpu.vector_load %arg6[%get3A_1355] {strides = array<i32>} : memref<6400xf32, #tpu.memory_space<vmem>>, vector<16xf32>,
    %get3A_1357 = vector.shape_cast %get3A_1356 : vector<16xf32> to vector<16xf32>
    %add3A_1358 = arith.addf %add3A_1318, %get3A_1357 : vector<16xf32>
    %get3A_1359 = arith.constant 3008 : index
    %get3A_1360 = tpu.vector_load %arg6[%get3A_1359] {strides = array<i32>} : memref<6400xf32, #tpu.memory_space<vmem>>, vector<16xf32>,
    %get3A_1361 = vector.shape_cast %get3A_1360 : vector<16xf32> to vector<16xf32>
    %add3A_1362 = arith.addf %add3A_1322, %get3A_1361 : vector<16xf32>
    %get3A_1363 = arith.constant 3024 : index
    %get3A_1364 = tpu.vector_load %arg6[%get3A_1363] {strides = array<i32>} : memref<6400xf32, #tpu.memory_space<vmem>>, vector<16xf32>,
    %get3A_1365 = vector.shape_cast %get3A_1364 : vector<16xf32> to vector<16xf32>
    %add3A_1366 = arith.addf %add3A_1326, %get3A_1365 : vector<16xf32>
    %get3A_1367 = arith.constant 3040 : index
    %get3A_1368 = tpu.vector_load %arg6[%get3A_1367] {strides = array<i32>} : memref<6400xf32, #tpu.memory_space<vmem>>, vector<16xf32>,
    %get3A_1369 = vector.shape_cast %get3A_1368 : vector<16xf32> to vector<16xf32>
    %add3A_1370 = arith.addf %add3A_1330, %get3A_1369 : vector<16xf32>
    %get3A_1371 = arith.constant 3056 : index
    %get3A_1372 = tpu.vector_load %arg6[%get3A_1371] {strides = array<i32>} : memref<6400xf32, #tpu.memory_space<vmem>>, vector<16xf32>,
    %get3A_1373 = vector.shape_cast %get3A_1372 : vector<16xf32> to vector<16xf32>
    %add3A_1374 = arith.addf %add3A_1334, %get3A_1373 : vector<16xf32>
    %dma_wait3A_1375 = arith.constant 24 : i32
    %dma_wait3A_1376 = arith.constant 3072 : i32
    %dma_wait3A_1377 = tpu.memref_slice %arg6[%dma_wait3A_1376] : memref<6400xf32, #tpu.memory_space<vmem>> -> memref<128xf32, #tpu.memory_space<vmem>>
    %dma_wait3A_1378 = arith.constant 0 : i32
    %dma_wait3A_1379 = tpu.memref_slice %arg5[%dma_wait3A_1375, %dma_wait3A_1378] : memref<50x128xi32, #tpu.memory_space<vmem>> -> memref<1x128xi32, #tpu.memory_space<vmem>>
    %dma_wait3A_1380 = tpu.memref_squeeze %dma_wait3A_1379 : memref<1x128xi32, #tpu.memory_space<vmem>> -> memref<128xi32, #tpu.memory_space<vmem>>
    %dma_wait3A_1381 = arith.constant 0 : i32
    %dma_wait3A_1382 = tpu.memref_slice %arg3[%dma_wait3A_1381] : memref<100000xf32, #tpu.memory_space<hbm>> -> memref<100000xf32, #tpu.memory_space<hbm>>
    tpu.wait_indirect_dma semaphore(%arg8 : memref<!tpu.dma_semaphore, #tpu.memory_space<semaphore_mem>>) src(%dma_wait3A_1382 : memref<100000xf32, #tpu.memory_space<hbm>>) dst(%dma_wait3A_1377 : memref<128xf32, #tpu.memory_space<vmem>>)
    %get3A_1383 = arith.constant 3072 : index
    %get3A_1384 = tpu.vector_load %arg6[%get3A_1383] {strides = array<i32>} : memref<6400xf32, #tpu.memory_space<vmem>>, vector<16xf32>,
    %get3A_1385 = vector.shape_cast %get3A_1384 : vector<16xf32> to vector<16xf32>
    %add3A_1386 = arith.addf %add3A_1346, %get3A_1385 : vector<16xf32>
    %get3A_1387 = arith.constant 3088 : index
    %get3A_1388 = tpu.vector_load %arg6[%get3A_1387] {strides = array<i32>} : memref<6400xf32, #tpu.memory_space<vmem>>, vector<16xf32>,
    %get3A_1389 = vector.shape_cast %get3A_1388 : vector<16xf32> to vector<16xf32>
    %add3A_1390 = arith.addf %add3A_1350, %get3A_1389 : vector<16xf32>
    %get3A_1391 = arith.constant 3104 : index
    %get3A_1392 = tpu.vector_load %arg6[%get3A_1391] {strides = array<i32>} : memref<6400xf32, #tpu.memory_space<vmem>>, vector<16xf32>,
    %get3A_1393 = vector.shape_cast %get3A_1392 : vector<16xf32> to vector<16xf32>
    %add3A_1394 = arith.addf %add3A_1354, %get3A_1393 : vector<16xf32>
    %get3A_1395 = arith.constant 3120 : index
    %get3A_1396 = tpu.vector_load %arg6[%get3A_1395] {strides = array<i32>} : memref<6400xf32, #tpu.memory_space<vmem>>, vector<16xf32>,
    %get3A_1397 = vector.shape_cast %get3A_1396 : vector<16xf32> to vector<16xf32>
    %add3A_1398 = arith.addf %add3A_1358, %get3A_1397 : vector<16xf32>
    %get3A_1399 = arith.constant 3136 : index
    %get3A_1400 = tpu.vector_load %arg6[%get3A_1399] {strides = array<i32>} : memref<6400xf32, #tpu.memory_space<vmem>>, vector<16xf32>,
    %get3A_1401 = vector.shape_cast %get3A_1400 : vector<16xf32> to vector<16xf32>
    %add3A_1402 = arith.addf %add3A_1362, %get3A_1401 : vector<16xf32>
    %get3A_1403 = arith.constant 3152 : index
    %get3A_1404 = tpu.vector_load %arg6[%get3A_1403] {strides = array<i32>} : memref<6400xf32, #tpu.memory_space<vmem>>, vector<16xf32>,
    %get3A_1405 = vector.shape_cast %get3A_1404 : vector<16xf32> to vector<16xf32>
    %add3A_1406 = arith.addf %add3A_1366, %get3A_1405 : vector<16xf32>
    %get3A_1407 = arith.constant 3168 : index
    %get3A_1408 = tpu.vector_load %arg6[%get3A_1407] {strides = array<i32>} : memref<6400xf32, #tpu.memory_space<vmem>>, vector<16xf32>,
    %get3A_1409 = vector.shape_cast %get3A_1408 : vector<16xf32> to vector<16xf32>
    %add3A_1410 = arith.addf %add3A_1370, %get3A_1409 : vector<16xf32>
    %get3A_1411 = arith.constant 3184 : index
    %get3A_1412 = tpu.vector_load %arg6[%get3A_1411] {strides = array<i32>} : memref<6400xf32, #tpu.memory_space<vmem>>, vector<16xf32>,
    %get3A_1413 = vector.shape_cast %get3A_1412 : vector<16xf32> to vector<16xf32>
    %add3A_1414 = arith.addf %add3A_1374, %get3A_1413 : vector<16xf32>
    %dma_wait3A_1415 = arith.constant 25 : i32
    %dma_wait3A_1416 = arith.constant 3200 : i32
    %dma_wait3A_1417 = tpu.memref_slice %arg6[%dma_wait3A_1416] : memref<6400xf32, #tpu.memory_space<vmem>> -> memref<128xf32, #tpu.memory_space<vmem>>
    %dma_wait3A_1418 = arith.constant 0 : i32
    %dma_wait3A_1419 = tpu.memref_slice %arg5[%dma_wait3A_1415, %dma_wait3A_1418] : memref<50x128xi32, #tpu.memory_space<vmem>> -> memref<1x128xi32, #tpu.memory_space<vmem>>
    %dma_wait3A_1420 = tpu.memref_squeeze %dma_wait3A_1419 : memref<1x128xi32, #tpu.memory_space<vmem>> -> memref<128xi32, #tpu.memory_space<vmem>>
    %dma_wait3A_1421 = arith.constant 0 : i32
    %dma_wait3A_1422 = tpu.memref_slice %arg3[%dma_wait3A_1421] : memref<100000xf32, #tpu.memory_space<hbm>> -> memref<100000xf32, #tpu.memory_space<hbm>>
    tpu.wait_indirect_dma semaphore(%arg8 : memref<!tpu.dma_semaphore, #tpu.memory_space<semaphore_mem>>) src(%dma_wait3A_1422 : memref<100000xf32, #tpu.memory_space<hbm>>) dst(%dma_wait3A_1417 : memref<128xf32, #tpu.memory_space<vmem>>)
    %get3A_1423 = arith.constant 3200 : index
    %get3A_1424 = tpu.vector_load %arg6[%get3A_1423] {strides = array<i32>} : memref<6400xf32, #tpu.memory_space<vmem>>, vector<16xf32>,
    %get3A_1425 = vector.shape_cast %get3A_1424 : vector<16xf32> to vector<16xf32>
    %add3A_1426 = arith.addf %add3A_1386, %get3A_1425 : vector<16xf32>
    %get3A_1427 = arith.constant 3216 : index
    %get3A_1428 = tpu.vector_load %arg6[%get3A_1427] {strides = array<i32>} : memref<6400xf32, #tpu.memory_space<vmem>>, vector<16xf32>,
    %get3A_1429 = vector.shape_cast %get3A_1428 : vector<16xf32> to vector<16xf32>
    %add3A_1430 = arith.addf %add3A_1390, %get3A_1429 : vector<16xf32>
    %get3A_1431 = arith.constant 3232 : index
    %get3A_1432 = tpu.vector_load %arg6[%get3A_1431] {strides = array<i32>} : memref<6400xf32, #tpu.memory_space<vmem>>, vector<16xf32>,
    %get3A_1433 = vector.shape_cast %get3A_1432 : vector<16xf32> to vector<16xf32>
    %add3A_1434 = arith.addf %add3A_1394, %get3A_1433 : vector<16xf32>
    %get3A_1435 = arith.constant 3248 : index
    %get3A_1436 = tpu.vector_load %arg6[%get3A_1435] {strides = array<i32>} : memref<6400xf32, #tpu.memory_space<vmem>>, vector<16xf32>,
    %get3A_1437 = vector.shape_cast %get3A_1436 : vector<16xf32> to vector<16xf32>
    %add3A_1438 = arith.addf %add3A_1398, %get3A_1437 : vector<16xf32>
    %get3A_1439 = arith.constant 3264 : index
    %get3A_1440 = tpu.vector_load %arg6[%get3A_1439] {strides = array<i32>} : memref<6400xf32, #tpu.memory_space<vmem>>, vector<16xf32>,
    %get3A_1441 = vector.shape_cast %get3A_1440 : vector<16xf32> to vector<16xf32>
    %add3A_1442 = arith.addf %add3A_1402, %get3A_1441 : vector<16xf32>
    %get3A_1443 = arith.constant 3280 : index
    %get3A_1444 = tpu.vector_load %arg6[%get3A_1443] {strides = array<i32>} : memref<6400xf32, #tpu.memory_space<vmem>>, vector<16xf32>,
    %get3A_1445 = vector.shape_cast %get3A_1444 : vector<16xf32> to vector<16xf32>
    %add3A_1446 = arith.addf %add3A_1406, %get3A_1445 : vector<16xf32>
    %get3A_1447 = arith.constant 3296 : index
    %get3A_1448 = tpu.vector_load %arg6[%get3A_1447] {strides = array<i32>} : memref<6400xf32, #tpu.memory_space<vmem>>, vector<16xf32>,
    %get3A_1449 = vector.shape_cast %get3A_1448 : vector<16xf32> to vector<16xf32>
    %add3A_1450 = arith.addf %add3A_1410, %get3A_1449 : vector<16xf32>
    %get3A_1451 = arith.constant 3312 : index
    %get3A_1452 = tpu.vector_load %arg6[%get3A_1451] {strides = array<i32>} : memref<6400xf32, #tpu.memory_space<vmem>>, vector<16xf32>,
    %get3A_1453 = vector.shape_cast %get3A_1452 : vector<16xf32> to vector<16xf32>
    %add3A_1454 = arith.addf %add3A_1414, %get3A_1453 : vector<16xf32>
    %dma_wait3A_1455 = arith.constant 26 : i32
    %dma_wait3A_1456 = arith.constant 3328 : i32
    %dma_wait3A_1457 = tpu.memref_slice %arg6[%dma_wait3A_1456] : memref<6400xf32, #tpu.memory_space<vmem>> -> memref<128xf32, #tpu.memory_space<vmem>>
    %dma_wait3A_1458 = arith.constant 0 : i32
    %dma_wait3A_1459 = tpu.memref_slice %arg5[%dma_wait3A_1455, %dma_wait3A_1458] : memref<50x128xi32, #tpu.memory_space<vmem>> -> memref<1x128xi32, #tpu.memory_space<vmem>>
    %dma_wait3A_1460 = tpu.memref_squeeze %dma_wait3A_1459 : memref<1x128xi32, #tpu.memory_space<vmem>> -> memref<128xi32, #tpu.memory_space<vmem>>
    %dma_wait3A_1461 = arith.constant 0 : i32
    %dma_wait3A_1462 = tpu.memref_slice %arg3[%dma_wait3A_1461] : memref<100000xf32, #tpu.memory_space<hbm>> -> memref<100000xf32, #tpu.memory_space<hbm>>
    tpu.wait_indirect_dma semaphore(%arg8 : memref<!tpu.dma_semaphore, #tpu.memory_space<semaphore_mem>>) src(%dma_wait3A_1462 : memref<100000xf32, #tpu.memory_space<hbm>>) dst(%dma_wait3A_1457 : memref<128xf32, #tpu.memory_space<vmem>>)
    %get3A_1463 = arith.constant 3328 : index
    %get3A_1464 = tpu.vector_load %arg6[%get3A_1463] {strides = array<i32>} : memref<6400xf32, #tpu.memory_space<vmem>>, vector<16xf32>,
    %get3A_1465 = vector.shape_cast %get3A_1464 : vector<16xf32> to vector<16xf32>
    %add3A_1466 = arith.addf %add3A_1426, %get3A_1465 : vector<16xf32>
    %get3A_1467 = arith.constant 3344 : index
    %get3A_1468 = tpu.vector_load %arg6[%get3A_1467] {strides = array<i32>} : memref<6400xf32, #tpu.memory_space<vmem>>, vector<16xf32>,
    %get3A_1469 = vector.shape_cast %get3A_1468 : vector<16xf32> to vector<16xf32>
    %add3A_1470 = arith.addf %add3A_1430, %get3A_1469 : vector<16xf32>
    %get3A_1471 = arith.constant 3360 : index
    %get3A_1472 = tpu.vector_load %arg6[%get3A_1471] {strides = array<i32>} : memref<6400xf32, #tpu.memory_space<vmem>>, vector<16xf32>,
    %get3A_1473 = vector.shape_cast %get3A_1472 : vector<16xf32> to vector<16xf32>
    %add3A_1474 = arith.addf %add3A_1434, %get3A_1473 : vector<16xf32>
    %get3A_1475 = arith.constant 3376 : index
    %get3A_1476 = tpu.vector_load %arg6[%get3A_1475] {strides = array<i32>} : memref<6400xf32, #tpu.memory_space<vmem>>, vector<16xf32>,
    %get3A_1477 = vector.shape_cast %get3A_1476 : vector<16xf32> to vector<16xf32>
    %add3A_1478 = arith.addf %add3A_1438, %get3A_1477 : vector<16xf32>
    %get3A_1479 = arith.constant 3392 : index
    %get3A_1480 = tpu.vector_load %arg6[%get3A_1479] {strides = array<i32>} : memref<6400xf32, #tpu.memory_space<vmem>>, vector<16xf32>,
    %get3A_1481 = vector.shape_cast %get3A_1480 : vector<16xf32> to vector<16xf32>
    %add3A_1482 = arith.addf %add3A_1442, %get3A_1481 : vector<16xf32>
    %get3A_1483 = arith.constant 3408 : index
    %get3A_1484 = tpu.vector_load %arg6[%get3A_1483] {strides = array<i32>} : memref<6400xf32, #tpu.memory_space<vmem>>, vector<16xf32>,
    %get3A_1485 = vector.shape_cast %get3A_1484 : vector<16xf32> to vector<16xf32>
    %add3A_1486 = arith.addf %add3A_1446, %get3A_1485 : vector<16xf32>
    %get3A_1487 = arith.constant 3424 : index
    %get3A_1488 = tpu.vector_load %arg6[%get3A_1487] {strides = array<i32>} : memref<6400xf32, #tpu.memory_space<vmem>>, vector<16xf32>,
    %get3A_1489 = vector.shape_cast %get3A_1488 : vector<16xf32> to vector<16xf32>
    %add3A_1490 = arith.addf %add3A_1450, %get3A_1489 : vector<16xf32>
    %get3A_1491 = arith.constant 3440 : index
    %get3A_1492 = tpu.vector_load %arg6[%get3A_1491] {strides = array<i32>} : memref<6400xf32, #tpu.memory_space<vmem>>, vector<16xf32>,
    %get3A_1493 = vector.shape_cast %get3A_1492 : vector<16xf32> to vector<16xf32>
    %add3A_1494 = arith.addf %add3A_1454, %get3A_1493 : vector<16xf32>
    %dma_wait3A_1495 = arith.constant 27 : i32
    %dma_wait3A_1496 = arith.constant 3456 : i32
    %dma_wait3A_1497 = tpu.memref_slice %arg6[%dma_wait3A_1496] : memref<6400xf32, #tpu.memory_space<vmem>> -> memref<128xf32, #tpu.memory_space<vmem>>
    %dma_wait3A_1498 = arith.constant 0 : i32
    %dma_wait3A_1499 = tpu.memref_slice %arg5[%dma_wait3A_1495, %dma_wait3A_1498] : memref<50x128xi32, #tpu.memory_space<vmem>> -> memref<1x128xi32, #tpu.memory_space<vmem>>
    %dma_wait3A_1500 = tpu.memref_squeeze %dma_wait3A_1499 : memref<1x128xi32, #tpu.memory_space<vmem>> -> memref<128xi32, #tpu.memory_space<vmem>>
    %dma_wait3A_1501 = arith.constant 0 : i32
    %dma_wait3A_1502 = tpu.memref_slice %arg3[%dma_wait3A_1501] : memref<100000xf32, #tpu.memory_space<hbm>> -> memref<100000xf32, #tpu.memory_space<hbm>>
    tpu.wait_indirect_dma semaphore(%arg8 : memref<!tpu.dma_semaphore, #tpu.memory_space<semaphore_mem>>) src(%dma_wait3A_1502 : memref<100000xf32, #tpu.memory_space<hbm>>) dst(%dma_wait3A_1497 : memref<128xf32, #tpu.memory_space<vmem>>)
    %get3A_1503 = arith.constant 3456 : index
    %get3A_1504 = tpu.vector_load %arg6[%get3A_1503] {strides = array<i32>} : memref<6400xf32, #tpu.memory_space<vmem>>, vector<16xf32>,
    %get3A_1505 = vector.shape_cast %get3A_1504 : vector<16xf32> to vector<16xf32>
    %add3A_1506 = arith.addf %add3A_1466, %get3A_1505 : vector<16xf32>
    %get3A_1507 = arith.constant 3472 : index
    %get3A_1508 = tpu.vector_load %arg6[%get3A_1507] {strides = array<i32>} : memref<6400xf32, #tpu.memory_space<vmem>>, vector<16xf32>,
    %get3A_1509 = vector.shape_cast %get3A_1508 : vector<16xf32> to vector<16xf32>
    %add3A_1510 = arith.addf %add3A_1470, %get3A_1509 : vector<16xf32>
    %get3A_1511 = arith.constant 3488 : index
    %get3A_1512 = tpu.vector_load %arg6[%get3A_1511] {strides = array<i32>} : memref<6400xf32, #tpu.memory_space<vmem>>, vector<16xf32>,
    %get3A_1513 = vector.shape_cast %get3A_1512 : vector<16xf32> to vector<16xf32>
    %add3A_1514 = arith.addf %add3A_1474, %get3A_1513 : vector<16xf32>
    %get3A_1515 = arith.constant 3504 : index
    %get3A_1516 = tpu.vector_load %arg6[%get3A_1515] {strides = array<i32>} : memref<6400xf32, #tpu.memory_space<vmem>>, vector<16xf32>,
    %get3A_1517 = vector.shape_cast %get3A_1516 : vector<16xf32> to vector<16xf32>
    %add3A_1518 = arith.addf %add3A_1478, %get3A_1517 : vector<16xf32>
    %get3A_1519 = arith.constant 3520 : index
    %get3A_1520 = tpu.vector_load %arg6[%get3A_1519] {strides = array<i32>} : memref<6400xf32, #tpu.memory_space<vmem>>, vector<16xf32>,
    %get3A_1521 = vector.shape_cast %get3A_1520 : vector<16xf32> to vector<16xf32>
    %add3A_1522 = arith.addf %add3A_1482, %get3A_1521 : vector<16xf32>
    %get3A_1523 = arith.constant 3536 : index
    %get3A_1524 = tpu.vector_load %arg6[%get3A_1523] {strides = array<i32>} : memref<6400xf32, #tpu.memory_space<vmem>>, vector<16xf32>,
    %get3A_1525 = vector.shape_cast %get3A_1524 : vector<16xf32> to vector<16xf32>
    %add3A_1526 = arith.addf %add3A_1486, %get3A_1525 : vector<16xf32>
    %get3A_1527 = arith.constant 3552 : index
    %get3A_1528 = tpu.vector_load %arg6[%get3A_1527] {strides = array<i32>} : memref<6400xf32, #tpu.memory_space<vmem>>, vector<16xf32>,
    %get3A_1529 = vector.shape_cast %get3A_1528 : vector<16xf32> to vector<16xf32>
    %add3A_1530 = arith.addf %add3A_1490, %get3A_1529 : vector<16xf32>
    %get3A_1531 = arith.constant 3568 : index
    %get3A_1532 = tpu.vector_load %arg6[%get3A_1531] {strides = array<i32>} : memref<6400xf32, #tpu.memory_space<vmem>>, vector<16xf32>,
    %get3A_1533 = vector.shape_cast %get3A_1532 : vector<16xf32> to vector<16xf32>
    %add3A_1534 = arith.addf %add3A_1494, %get3A_1533 : vector<16xf32>
    %dma_wait3A_1535 = arith.constant 28 : i32
    %dma_wait3A_1536 = arith.constant 3584 : i32
    %dma_wait3A_1537 = tpu.memref_slice %arg6[%dma_wait3A_1536] : memref<6400xf32, #tpu.memory_space<vmem>> -> memref<128xf32, #tpu.memory_space<vmem>>
    %dma_wait3A_1538 = arith.constant 0 : i32
    %dma_wait3A_1539 = tpu.memref_slice %arg5[%dma_wait3A_1535, %dma_wait3A_1538] : memref<50x128xi32, #tpu.memory_space<vmem>> -> memref<1x128xi32, #tpu.memory_space<vmem>>
    %dma_wait3A_1540 = tpu.memref_squeeze %dma_wait3A_1539 : memref<1x128xi32, #tpu.memory_space<vmem>> -> memref<128xi32, #tpu.memory_space<vmem>>
    %dma_wait3A_1541 = arith.constant 0 : i32
    %dma_wait3A_1542 = tpu.memref_slice %arg3[%dma_wait3A_1541] : memref<100000xf32, #tpu.memory_space<hbm>> -> memref<100000xf32, #tpu.memory_space<hbm>>
    tpu.wait_indirect_dma semaphore(%arg8 : memref<!tpu.dma_semaphore, #tpu.memory_space<semaphore_mem>>) src(%dma_wait3A_1542 : memref<100000xf32, #tpu.memory_space<hbm>>) dst(%dma_wait3A_1537 : memref<128xf32, #tpu.memory_space<vmem>>)
    %get3A_1543 = arith.constant 3584 : index
    %get3A_1544 = tpu.vector_load %arg6[%get3A_1543] {strides = array<i32>} : memref<6400xf32, #tpu.memory_space<vmem>>, vector<16xf32>,
    %get3A_1545 = vector.shape_cast %get3A_1544 : vector<16xf32> to vector<16xf32>
    %add3A_1546 = arith.addf %add3A_1506, %get3A_1545 : vector<16xf32>
    %get3A_1547 = arith.constant 3600 : index
    %get3A_1548 = tpu.vector_load %arg6[%get3A_1547] {strides = array<i32>} : memref<6400xf32, #tpu.memory_space<vmem>>, vector<16xf32>,
    %get3A_1549 = vector.shape_cast %get3A_1548 : vector<16xf32> to vector<16xf32>
    %add3A_1550 = arith.addf %add3A_1510, %get3A_1549 : vector<16xf32>
    %get3A_1551 = arith.constant 3616 : index
    %get3A_1552 = tpu.vector_load %arg6[%get3A_1551] {strides = array<i32>} : memref<6400xf32, #tpu.memory_space<vmem>>, vector<16xf32>,
    %get3A_1553 = vector.shape_cast %get3A_1552 : vector<16xf32> to vector<16xf32>
    %add3A_1554 = arith.addf %add3A_1514, %get3A_1553 : vector<16xf32>
    %get3A_1555 = arith.constant 3632 : index
    %get3A_1556 = tpu.vector_load %arg6[%get3A_1555] {strides = array<i32>} : memref<6400xf32, #tpu.memory_space<vmem>>, vector<16xf32>,
    %get3A_1557 = vector.shape_cast %get3A_1556 : vector<16xf32> to vector<16xf32>
    %add3A_1558 = arith.addf %add3A_1518, %get3A_1557 : vector<16xf32>
    %get3A_1559 = arith.constant 3648 : index
    %get3A_1560 = tpu.vector_load %arg6[%get3A_1559] {strides = array<i32>} : memref<6400xf32, #tpu.memory_space<vmem>>, vector<16xf32>,
    %get3A_1561 = vector.shape_cast %get3A_1560 : vector<16xf32> to vector<16xf32>
    %add3A_1562 = arith.addf %add3A_1522, %get3A_1561 : vector<16xf32>
    %get3A_1563 = arith.constant 3664 : index
    %get3A_1564 = tpu.vector_load %arg6[%get3A_1563] {strides = array<i32>} : memref<6400xf32, #tpu.memory_space<vmem>>, vector<16xf32>,
    %get3A_1565 = vector.shape_cast %get3A_1564 : vector<16xf32> to vector<16xf32>
    %add3A_1566 = arith.addf %add3A_1526, %get3A_1565 : vector<16xf32>
    %get3A_1567 = arith.constant 3680 : index
    %get3A_1568 = tpu.vector_load %arg6[%get3A_1567] {strides = array<i32>} : memref<6400xf32, #tpu.memory_space<vmem>>, vector<16xf32>,
    %get3A_1569 = vector.shape_cast %get3A_1568 : vector<16xf32> to vector<16xf32>
    %add3A_1570 = arith.addf %add3A_1530, %get3A_1569 : vector<16xf32>
    %get3A_1571 = arith.constant 3696 : index
    %get3A_1572 = tpu.vector_load %arg6[%get3A_1571] {strides = array<i32>} : memref<6400xf32, #tpu.memory_space<vmem>>, vector<16xf32>,
    %get3A_1573 = vector.shape_cast %get3A_1572 : vector<16xf32> to vector<16xf32>
    %add3A_1574 = arith.addf %add3A_1534, %get3A_1573 : vector<16xf32>
    %dma_wait3A_1575 = arith.constant 29 : i32
    %dma_wait3A_1576 = arith.constant 3712 : i32
    %dma_wait3A_1577 = tpu.memref_slice %arg6[%dma_wait3A_1576] : memref<6400xf32, #tpu.memory_space<vmem>> -> memref<128xf32, #tpu.memory_space<vmem>>
    %dma_wait3A_1578 = arith.constant 0 : i32
    %dma_wait3A_1579 = tpu.memref_slice %arg5[%dma_wait3A_1575, %dma_wait3A_1578] : memref<50x128xi32, #tpu.memory_space<vmem>> -> memref<1x128xi32, #tpu.memory_space<vmem>>
    %dma_wait3A_1580 = tpu.memref_squeeze %dma_wait3A_1579 : memref<1x128xi32, #tpu.memory_space<vmem>> -> memref<128xi32, #tpu.memory_space<vmem>>
    %dma_wait3A_1581 = arith.constant 0 : i32
    %dma_wait3A_1582 = tpu.memref_slice %arg3[%dma_wait3A_1581] : memref<100000xf32, #tpu.memory_space<hbm>> -> memref<100000xf32, #tpu.memory_space<hbm>>
    tpu.wait_indirect_dma semaphore(%arg8 : memref<!tpu.dma_semaphore, #tpu.memory_space<semaphore_mem>>) src(%dma_wait3A_1582 : memref<100000xf32, #tpu.memory_space<hbm>>) dst(%dma_wait3A_1577 : memref<128xf32, #tpu.memory_space<vmem>>)
    %get3A_1583 = arith.constant 3712 : index
    %get3A_1584 = tpu.vector_load %arg6[%get3A_1583] {strides = array<i32>} : memref<6400xf32, #tpu.memory_space<vmem>>, vector<16xf32>,
    %get3A_1585 = vector.shape_cast %get3A_1584 : vector<16xf32> to vector<16xf32>
    %add3A_1586 = arith.addf %add3A_1546, %get3A_1585 : vector<16xf32>
    %get3A_1587 = arith.constant 3728 : index
    %get3A_1588 = tpu.vector_load %arg6[%get3A_1587] {strides = array<i32>} : memref<6400xf32, #tpu.memory_space<vmem>>, vector<16xf32>,
    %get3A_1589 = vector.shape_cast %get3A_1588 : vector<16xf32> to vector<16xf32>
    %add3A_1590 = arith.addf %add3A_1550, %get3A_1589 : vector<16xf32>
    %get3A_1591 = arith.constant 3744 : index
    %get3A_1592 = tpu.vector_load %arg6[%get3A_1591] {strides = array<i32>} : memref<6400xf32, #tpu.memory_space<vmem>>, vector<16xf32>,
    %get3A_1593 = vector.shape_cast %get3A_1592 : vector<16xf32> to vector<16xf32>
    %add3A_1594 = arith.addf %add3A_1554, %get3A_1593 : vector<16xf32>
    %get3A_1595 = arith.constant 3760 : index
    %get3A_1596 = tpu.vector_load %arg6[%get3A_1595] {strides = array<i32>} : memref<6400xf32, #tpu.memory_space<vmem>>, vector<16xf32>,
    %get3A_1597 = vector.shape_cast %get3A_1596 : vector<16xf32> to vector<16xf32>
    %add3A_1598 = arith.addf %add3A_1558, %get3A_1597 : vector<16xf32>
    %get3A_1599 = arith.constant 3776 : index
    %get3A_1600 = tpu.vector_load %arg6[%get3A_1599] {strides = array<i32>} : memref<6400xf32, #tpu.memory_space<vmem>>, vector<16xf32>,
    %get3A_1601 = vector.shape_cast %get3A_1600 : vector<16xf32> to vector<16xf32>
    %add3A_1602 = arith.addf %add3A_1562, %get3A_1601 : vector<16xf32>
    %get3A_1603 = arith.constant 3792 : index
    %get3A_1604 = tpu.vector_load %arg6[%get3A_1603] {strides = array<i32>} : memref<6400xf32, #tpu.memory_space<vmem>>, vector<16xf32>,
    %get3A_1605 = vector.shape_cast %get3A_1604 : vector<16xf32> to vector<16xf32>
    %add3A_1606 = arith.addf %add3A_1566, %get3A_1605 : vector<16xf32>
    %get3A_1607 = arith.constant 3808 : index
    %get3A_1608 = tpu.vector_load %arg6[%get3A_1607] {strides = array<i32>} : memref<6400xf32, #tpu.memory_space<vmem>>, vector<16xf32>,
    %get3A_1609 = vector.shape_cast %get3A_1608 : vector<16xf32> to vector<16xf32>
    %add3A_1610 = arith.addf %add3A_1570, %get3A_1609 : vector<16xf32>
    %get3A_1611 = arith.constant 3824 : index
    %get3A_1612 = tpu.vector_load %arg6[%get3A_1611] {strides = array<i32>} : memref<6400xf32, #tpu.memory_space<vmem>>, vector<16xf32>,
    %get3A_1613 = vector.shape_cast %get3A_1612 : vector<16xf32> to vector<16xf32>
    %add3A_1614 = arith.addf %add3A_1574, %get3A_1613 : vector<16xf32>
    %dma_wait3A_1615 = arith.constant 30 : i32
    %dma_wait3A_1616 = arith.constant 3840 : i32
    %dma_wait3A_1617 = tpu.memref_slice %arg6[%dma_wait3A_1616] : memref<6400xf32, #tpu.memory_space<vmem>> -> memref<128xf32, #tpu.memory_space<vmem>>
    %dma_wait3A_1618 = arith.constant 0 : i32
    %dma_wait3A_1619 = tpu.memref_slice %arg5[%dma_wait3A_1615, %dma_wait3A_1618] : memref<50x128xi32, #tpu.memory_space<vmem>> -> memref<1x128xi32, #tpu.memory_space<vmem>>
    %dma_wait3A_1620 = tpu.memref_squeeze %dma_wait3A_1619 : memref<1x128xi32, #tpu.memory_space<vmem>> -> memref<128xi32, #tpu.memory_space<vmem>>
    %dma_wait3A_1621 = arith.constant 0 : i32
    %dma_wait3A_1622 = tpu.memref_slice %arg3[%dma_wait3A_1621] : memref<100000xf32, #tpu.memory_space<hbm>> -> memref<100000xf32, #tpu.memory_space<hbm>>
    tpu.wait_indirect_dma semaphore(%arg8 : memref<!tpu.dma_semaphore, #tpu.memory_space<semaphore_mem>>) src(%dma_wait3A_1622 : memref<100000xf32, #tpu.memory_space<hbm>>) dst(%dma_wait3A_1617 : memref<128xf32, #tpu.memory_space<vmem>>)
    %get3A_1623 = arith.constant 3840 : index
    %get3A_1624 = tpu.vector_load %arg6[%get3A_1623] {strides = array<i32>} : memref<6400xf32, #tpu.memory_space<vmem>>, vector<16xf32>,
    %get3A_1625 = vector.shape_cast %get3A_1624 : vector<16xf32> to vector<16xf32>
    %add3A_1626 = arith.addf %add3A_1586, %get3A_1625 : vector<16xf32>
    %get3A_1627 = arith.constant 3856 : index
    %get3A_1628 = tpu.vector_load %arg6[%get3A_1627] {strides = array<i32>} : memref<6400xf32, #tpu.memory_space<vmem>>, vector<16xf32>,
    %get3A_1629 = vector.shape_cast %get3A_1628 : vector<16xf32> to vector<16xf32>
    %add3A_1630 = arith.addf %add3A_1590, %get3A_1629 : vector<16xf32>
    %get3A_1631 = arith.constant 3872 : index
    %get3A_1632 = tpu.vector_load %arg6[%get3A_1631] {strides = array<i32>} : memref<6400xf32, #tpu.memory_space<vmem>>, vector<16xf32>,
    %get3A_1633 = vector.shape_cast %get3A_1632 : vector<16xf32> to vector<16xf32>
    %add3A_1634 = arith.addf %add3A_1594, %get3A_1633 : vector<16xf32>
    %get3A_1635 = arith.constant 3888 : index
    %get3A_1636 = tpu.vector_load %arg6[%get3A_1635] {strides = array<i32>} : memref<6400xf32, #tpu.memory_space<vmem>>, vector<16xf32>,
    %get3A_1637 = vector.shape_cast %get3A_1636 : vector<16xf32> to vector<16xf32>
    %add3A_1638 = arith.addf %add3A_1598, %get3A_1637 : vector<16xf32>
    %get3A_1639 = arith.constant 3904 : index
    %get3A_1640 = tpu.vector_load %arg6[%get3A_1639] {strides = array<i32>} : memref<6400xf32, #tpu.memory_space<vmem>>, vector<16xf32>,
    %get3A_1641 = vector.shape_cast %get3A_1640 : vector<16xf32> to vector<16xf32>
    %add3A_1642 = arith.addf %add3A_1602, %get3A_1641 : vector<16xf32>
    %get3A_1643 = arith.constant 3920 : index
    %get3A_1644 = tpu.vector_load %arg6[%get3A_1643] {strides = array<i32>} : memref<6400xf32, #tpu.memory_space<vmem>>, vector<16xf32>,
    %get3A_1645 = vector.shape_cast %get3A_1644 : vector<16xf32> to vector<16xf32>
    %add3A_1646 = arith.addf %add3A_1606, %get3A_1645 : vector<16xf32>
    %get3A_1647 = arith.constant 3936 : index
    %get3A_1648 = tpu.vector_load %arg6[%get3A_1647] {strides = array<i32>} : memref<6400xf32, #tpu.memory_space<vmem>>, vector<16xf32>,
    %get3A_1649 = vector.shape_cast %get3A_1648 : vector<16xf32> to vector<16xf32>
    %add3A_1650 = arith.addf %add3A_1610, %get3A_1649 : vector<16xf32>
    %get3A_1651 = arith.constant 3952 : index
    %get3A_1652 = tpu.vector_load %arg6[%get3A_1651] {strides = array<i32>} : memref<6400xf32, #tpu.memory_space<vmem>>, vector<16xf32>,
    %get3A_1653 = vector.shape_cast %get3A_1652 : vector<16xf32> to vector<16xf32>
    %add3A_1654 = arith.addf %add3A_1614, %get3A_1653 : vector<16xf32>
    %dma_wait3A_1655 = arith.constant 31 : i32
    %dma_wait3A_1656 = arith.constant 3968 : i32
    %dma_wait3A_1657 = tpu.memref_slice %arg6[%dma_wait3A_1656] : memref<6400xf32, #tpu.memory_space<vmem>> -> memref<128xf32, #tpu.memory_space<vmem>>
    %dma_wait3A_1658 = arith.constant 0 : i32
    %dma_wait3A_1659 = tpu.memref_slice %arg5[%dma_wait3A_1655, %dma_wait3A_1658] : memref<50x128xi32, #tpu.memory_space<vmem>> -> memref<1x128xi32, #tpu.memory_space<vmem>>
    %dma_wait3A_1660 = tpu.memref_squeeze %dma_wait3A_1659 : memref<1x128xi32, #tpu.memory_space<vmem>> -> memref<128xi32, #tpu.memory_space<vmem>>
    %dma_wait3A_1661 = arith.constant 0 : i32
    %dma_wait3A_1662 = tpu.memref_slice %arg3[%dma_wait3A_1661] : memref<100000xf32, #tpu.memory_space<hbm>> -> memref<100000xf32, #tpu.memory_space<hbm>>
    tpu.wait_indirect_dma semaphore(%arg8 : memref<!tpu.dma_semaphore, #tpu.memory_space<semaphore_mem>>) src(%dma_wait3A_1662 : memref<100000xf32, #tpu.memory_space<hbm>>) dst(%dma_wait3A_1657 : memref<128xf32, #tpu.memory_space<vmem>>)
    %get3A_1663 = arith.constant 3968 : index
    %get3A_1664 = tpu.vector_load %arg6[%get3A_1663] {strides = array<i32>} : memref<6400xf32, #tpu.memory_space<vmem>>, vector<16xf32>,
    %get3A_1665 = vector.shape_cast %get3A_1664 : vector<16xf32> to vector<16xf32>
    %add3A_1666 = arith.addf %add3A_1626, %get3A_1665 : vector<16xf32>
    %get3A_1667 = arith.constant 3984 : index
    %get3A_1668 = tpu.vector_load %arg6[%get3A_1667] {strides = array<i32>} : memref<6400xf32, #tpu.memory_space<vmem>>, vector<16xf32>,
    %get3A_1669 = vector.shape_cast %get3A_1668 : vector<16xf32> to vector<16xf32>
    %add3A_1670 = arith.addf %add3A_1630, %get3A_1669 : vector<16xf32>
    %get3A_1671 = arith.constant 4000 : index
    %get3A_1672 = tpu.vector_load %arg6[%get3A_1671] {strides = array<i32>} : memref<6400xf32, #tpu.memory_space<vmem>>, vector<16xf32>,
    %get3A_1673 = vector.shape_cast %get3A_1672 : vector<16xf32> to vector<16xf32>
    %add3A_1674 = arith.addf %add3A_1634, %get3A_1673 : vector<16xf32>
    %get3A_1675 = arith.constant 4016 : index
    %get3A_1676 = tpu.vector_load %arg6[%get3A_1675] {strides = array<i32>} : memref<6400xf32, #tpu.memory_space<vmem>>, vector<16xf32>,
    %get3A_1677 = vector.shape_cast %get3A_1676 : vector<16xf32> to vector<16xf32>
    %add3A_1678 = arith.addf %add3A_1638, %get3A_1677 : vector<16xf32>
    %get3A_1679 = arith.constant 4032 : index
    %get3A_1680 = tpu.vector_load %arg6[%get3A_1679] {strides = array<i32>} : memref<6400xf32, #tpu.memory_space<vmem>>, vector<16xf32>,
    %get3A_1681 = vector.shape_cast %get3A_1680 : vector<16xf32> to vector<16xf32>
    %add3A_1682 = arith.addf %add3A_1642, %get3A_1681 : vector<16xf32>
    %get3A_1683 = arith.constant 4048 : index
    %get3A_1684 = tpu.vector_load %arg6[%get3A_1683] {strides = array<i32>} : memref<6400xf32, #tpu.memory_space<vmem>>, vector<16xf32>,
    %get3A_1685 = vector.shape_cast %get3A_1684 : vector<16xf32> to vector<16xf32>
    %add3A_1686 = arith.addf %add3A_1646, %get3A_1685 : vector<16xf32>
    %get3A_1687 = arith.constant 4064 : index
    %get3A_1688 = tpu.vector_load %arg6[%get3A_1687] {strides = array<i32>} : memref<6400xf32, #tpu.memory_space<vmem>>, vector<16xf32>,
    %get3A_1689 = vector.shape_cast %get3A_1688 : vector<16xf32> to vector<16xf32>
    %add3A_1690 = arith.addf %add3A_1650, %get3A_1689 : vector<16xf32>
    %get3A_1691 = arith.constant 4080 : index
    %get3A_1692 = tpu.vector_load %arg6[%get3A_1691] {strides = array<i32>} : memref<6400xf32, #tpu.memory_space<vmem>>, vector<16xf32>,
    %get3A_1693 = vector.shape_cast %get3A_1692 : vector<16xf32> to vector<16xf32>
    %add3A_1694 = arith.addf %add3A_1654, %get3A_1693 : vector<16xf32>
    %dma_wait3A_1695 = arith.constant 32 : i32
    %dma_wait3A_1696 = arith.constant 4096 : i32
    %dma_wait3A_1697 = tpu.memref_slice %arg6[%dma_wait3A_1696] : memref<6400xf32, #tpu.memory_space<vmem>> -> memref<128xf32, #tpu.memory_space<vmem>>
    %dma_wait3A_1698 = arith.constant 0 : i32
    %dma_wait3A_1699 = tpu.memref_slice %arg5[%dma_wait3A_1695, %dma_wait3A_1698] : memref<50x128xi32, #tpu.memory_space<vmem>> -> memref<1x128xi32, #tpu.memory_space<vmem>>
    %dma_wait3A_1700 = tpu.memref_squeeze %dma_wait3A_1699 : memref<1x128xi32, #tpu.memory_space<vmem>> -> memref<128xi32, #tpu.memory_space<vmem>>
    %dma_wait3A_1701 = arith.constant 0 : i32
    %dma_wait3A_1702 = tpu.memref_slice %arg3[%dma_wait3A_1701] : memref<100000xf32, #tpu.memory_space<hbm>> -> memref<100000xf32, #tpu.memory_space<hbm>>
    tpu.wait_indirect_dma semaphore(%arg8 : memref<!tpu.dma_semaphore, #tpu.memory_space<semaphore_mem>>) src(%dma_wait3A_1702 : memref<100000xf32, #tpu.memory_space<hbm>>) dst(%dma_wait3A_1697 : memref<128xf32, #tpu.memory_space<vmem>>)
    %get3A_1703 = arith.constant 4096 : index
    %get3A_1704 = tpu.vector_load %arg6[%get3A_1703] {strides = array<i32>} : memref<6400xf32, #tpu.memory_space<vmem>>, vector<16xf32>,
    %get3A_1705 = vector.shape_cast %get3A_1704 : vector<16xf32> to vector<16xf32>
    %add3A_1706 = arith.addf %add3A_1666, %get3A_1705 : vector<16xf32>
    %get3A_1707 = arith.constant 4112 : index
    %get3A_1708 = tpu.vector_load %arg6[%get3A_1707] {strides = array<i32>} : memref<6400xf32, #tpu.memory_space<vmem>>, vector<16xf32>,
    %get3A_1709 = vector.shape_cast %get3A_1708 : vector<16xf32> to vector<16xf32>
    %add3A_1710 = arith.addf %add3A_1670, %get3A_1709 : vector<16xf32>
    %get3A_1711 = arith.constant 4128 : index
    %get3A_1712 = tpu.vector_load %arg6[%get3A_1711] {strides = array<i32>} : memref<6400xf32, #tpu.memory_space<vmem>>, vector<16xf32>,
    %get3A_1713 = vector.shape_cast %get3A_1712 : vector<16xf32> to vector<16xf32>
    %add3A_1714 = arith.addf %add3A_1674, %get3A_1713 : vector<16xf32>
    %get3A_1715 = arith.constant 4144 : index
    %get3A_1716 = tpu.vector_load %arg6[%get3A_1715] {strides = array<i32>} : memref<6400xf32, #tpu.memory_space<vmem>>, vector<16xf32>,
    %get3A_1717 = vector.shape_cast %get3A_1716 : vector<16xf32> to vector<16xf32>
    %add3A_1718 = arith.addf %add3A_1678, %get3A_1717 : vector<16xf32>
    %get3A_1719 = arith.constant 4160 : index
    %get3A_1720 = tpu.vector_load %arg6[%get3A_1719] {strides = array<i32>} : memref<6400xf32, #tpu.memory_space<vmem>>, vector<16xf32>,
    %get3A_1721 = vector.shape_cast %get3A_1720 : vector<16xf32> to vector<16xf32>
    %add3A_1722 = arith.addf %add3A_1682, %get3A_1721 : vector<16xf32>
    %get3A_1723 = arith.constant 4176 : index
    %get3A_1724 = tpu.vector_load %arg6[%get3A_1723] {strides = array<i32>} : memref<6400xf32, #tpu.memory_space<vmem>>, vector<16xf32>,
    %get3A_1725 = vector.shape_cast %get3A_1724 : vector<16xf32> to vector<16xf32>
    %add3A_1726 = arith.addf %add3A_1686, %get3A_1725 : vector<16xf32>
    %get3A_1727 = arith.constant 4192 : index
    %get3A_1728 = tpu.vector_load %arg6[%get3A_1727] {strides = array<i32>} : memref<6400xf32, #tpu.memory_space<vmem>>, vector<16xf32>,
    %get3A_1729 = vector.shape_cast %get3A_1728 : vector<16xf32> to vector<16xf32>
    %add3A_1730 = arith.addf %add3A_1690, %get3A_1729 : vector<16xf32>
    %get3A_1731 = arith.constant 4208 : index
    %get3A_1732 = tpu.vector_load %arg6[%get3A_1731] {strides = array<i32>} : memref<6400xf32, #tpu.memory_space<vmem>>, vector<16xf32>,
    %get3A_1733 = vector.shape_cast %get3A_1732 : vector<16xf32> to vector<16xf32>
    %add3A_1734 = arith.addf %add3A_1694, %get3A_1733 : vector<16xf32>
    %dma_wait3A_1735 = arith.constant 33 : i32
    %dma_wait3A_1736 = arith.constant 4224 : i32
    %dma_wait3A_1737 = tpu.memref_slice %arg6[%dma_wait3A_1736] : memref<6400xf32, #tpu.memory_space<vmem>> -> memref<128xf32, #tpu.memory_space<vmem>>
    %dma_wait3A_1738 = arith.constant 0 : i32
    %dma_wait3A_1739 = tpu.memref_slice %arg5[%dma_wait3A_1735, %dma_wait3A_1738] : memref<50x128xi32, #tpu.memory_space<vmem>> -> memref<1x128xi32, #tpu.memory_space<vmem>>
    %dma_wait3A_1740 = tpu.memref_squeeze %dma_wait3A_1739 : memref<1x128xi32, #tpu.memory_space<vmem>> -> memref<128xi32, #tpu.memory_space<vmem>>
    %dma_wait3A_1741 = arith.constant 0 : i32
    %dma_wait3A_1742 = tpu.memref_slice %arg3[%dma_wait3A_1741] : memref<100000xf32, #tpu.memory_space<hbm>> -> memref<100000xf32, #tpu.memory_space<hbm>>
    tpu.wait_indirect_dma semaphore(%arg8 : memref<!tpu.dma_semaphore, #tpu.memory_space<semaphore_mem>>) src(%dma_wait3A_1742 : memref<100000xf32, #tpu.memory_space<hbm>>) dst(%dma_wait3A_1737 : memref<128xf32, #tpu.memory_space<vmem>>)
    %get3A_1743 = arith.constant 4224 : index
    %get3A_1744 = tpu.vector_load %arg6[%get3A_1743] {strides = array<i32>} : memref<6400xf32, #tpu.memory_space<vmem>>, vector<16xf32>,
    %get3A_1745 = vector.shape_cast %get3A_1744 : vector<16xf32> to vector<16xf32>
    %add3A_1746 = arith.addf %add3A_1706, %get3A_1745 : vector<16xf32>
    %get3A_1747 = arith.constant 4240 : index
    %get3A_1748 = tpu.vector_load %arg6[%get3A_1747] {strides = array<i32>} : memref<6400xf32, #tpu.memory_space<vmem>>, vector<16xf32>,
    %get3A_1749 = vector.shape_cast %get3A_1748 : vector<16xf32> to vector<16xf32>
    %add3A_1750 = arith.addf %add3A_1710, %get3A_1749 : vector<16xf32>
    %get3A_1751 = arith.constant 4256 : index
    %get3A_1752 = tpu.vector_load %arg6[%get3A_1751] {strides = array<i32>} : memref<6400xf32, #tpu.memory_space<vmem>>, vector<16xf32>,
    %get3A_1753 = vector.shape_cast %get3A_1752 : vector<16xf32> to vector<16xf32>
    %add3A_1754 = arith.addf %add3A_1714, %get3A_1753 : vector<16xf32>
    %get3A_1755 = arith.constant 4272 : index
    %get3A_1756 = tpu.vector_load %arg6[%get3A_1755] {strides = array<i32>} : memref<6400xf32, #tpu.memory_space<vmem>>, vector<16xf32>,
    %get3A_1757 = vector.shape_cast %get3A_1756 : vector<16xf32> to vector<16xf32>
    %add3A_1758 = arith.addf %add3A_1718, %get3A_1757 : vector<16xf32>
    %get3A_1759 = arith.constant 4288 : index
    %get3A_1760 = tpu.vector_load %arg6[%get3A_1759] {strides = array<i32>} : memref<6400xf32, #tpu.memory_space<vmem>>, vector<16xf32>,
    %get3A_1761 = vector.shape_cast %get3A_1760 : vector<16xf32> to vector<16xf32>
    %add3A_1762 = arith.addf %add3A_1722, %get3A_1761 : vector<16xf32>
    %get3A_1763 = arith.constant 4304 : index
    %get3A_1764 = tpu.vector_load %arg6[%get3A_1763] {strides = array<i32>} : memref<6400xf32, #tpu.memory_space<vmem>>, vector<16xf32>,
    %get3A_1765 = vector.shape_cast %get3A_1764 : vector<16xf32> to vector<16xf32>
    %add3A_1766 = arith.addf %add3A_1726, %get3A_1765 : vector<16xf32>
    %get3A_1767 = arith.constant 4320 : index
    %get3A_1768 = tpu.vector_load %arg6[%get3A_1767] {strides = array<i32>} : memref<6400xf32, #tpu.memory_space<vmem>>, vector<16xf32>,
    %get3A_1769 = vector.shape_cast %get3A_1768 : vector<16xf32> to vector<16xf32>
    %add3A_1770 = arith.addf %add3A_1730, %get3A_1769 : vector<16xf32>
    %get3A_1771 = arith.constant 4336 : index
    %get3A_1772 = tpu.vector_load %arg6[%get3A_1771] {strides = array<i32>} : memref<6400xf32, #tpu.memory_space<vmem>>, vector<16xf32>,
    %get3A_1773 = vector.shape_cast %get3A_1772 : vector<16xf32> to vector<16xf32>
    %add3A_1774 = arith.addf %add3A_1734, %get3A_1773 : vector<16xf32>
    %dma_wait3A_1775 = arith.constant 34 : i32
    %dma_wait3A_1776 = arith.constant 4352 : i32
    %dma_wait3A_1777 = tpu.memref_slice %arg6[%dma_wait3A_1776] : memref<6400xf32, #tpu.memory_space<vmem>> -> memref<128xf32, #tpu.memory_space<vmem>>
    %dma_wait3A_1778 = arith.constant 0 : i32
    %dma_wait3A_1779 = tpu.memref_slice %arg5[%dma_wait3A_1775, %dma_wait3A_1778] : memref<50x128xi32, #tpu.memory_space<vmem>> -> memref<1x128xi32, #tpu.memory_space<vmem>>
    %dma_wait3A_1780 = tpu.memref_squeeze %dma_wait3A_1779 : memref<1x128xi32, #tpu.memory_space<vmem>> -> memref<128xi32, #tpu.memory_space<vmem>>
    %dma_wait3A_1781 = arith.constant 0 : i32
    %dma_wait3A_1782 = tpu.memref_slice %arg3[%dma_wait3A_1781] : memref<100000xf32, #tpu.memory_space<hbm>> -> memref<100000xf32, #tpu.memory_space<hbm>>
    tpu.wait_indirect_dma semaphore(%arg8 : memref<!tpu.dma_semaphore, #tpu.memory_space<semaphore_mem>>) src(%dma_wait3A_1782 : memref<100000xf32, #tpu.memory_space<hbm>>) dst(%dma_wait3A_1777 : memref<128xf32, #tpu.memory_space<vmem>>)
    %get3A_1783 = arith.constant 4352 : index
    %get3A_1784 = tpu.vector_load %arg6[%get3A_1783] {strides = array<i32>} : memref<6400xf32, #tpu.memory_space<vmem>>, vector<16xf32>,
    %get3A_1785 = vector.shape_cast %get3A_1784 : vector<16xf32> to vector<16xf32>
    %add3A_1786 = arith.addf %add3A_1746, %get3A_1785 : vector<16xf32>
    %get3A_1787 = arith.constant 4368 : index
    %get3A_1788 = tpu.vector_load %arg6[%get3A_1787] {strides = array<i32>} : memref<6400xf32, #tpu.memory_space<vmem>>, vector<16xf32>,
    %get3A_1789 = vector.shape_cast %get3A_1788 : vector<16xf32> to vector<16xf32>
    %add3A_1790 = arith.addf %add3A_1750, %get3A_1789 : vector<16xf32>
    %get3A_1791 = arith.constant 4384 : index
    %get3A_1792 = tpu.vector_load %arg6[%get3A_1791] {strides = array<i32>} : memref<6400xf32, #tpu.memory_space<vmem>>, vector<16xf32>,
    %get3A_1793 = vector.shape_cast %get3A_1792 : vector<16xf32> to vector<16xf32>
    %add3A_1794 = arith.addf %add3A_1754, %get3A_1793 : vector<16xf32>
    %get3A_1795 = arith.constant 4400 : index
    %get3A_1796 = tpu.vector_load %arg6[%get3A_1795] {strides = array<i32>} : memref<6400xf32, #tpu.memory_space<vmem>>, vector<16xf32>,
    %get3A_1797 = vector.shape_cast %get3A_1796 : vector<16xf32> to vector<16xf32>
    %add3A_1798 = arith.addf %add3A_1758, %get3A_1797 : vector<16xf32>
    %get3A_1799 = arith.constant 4416 : index
    %get3A_1800 = tpu.vector_load %arg6[%get3A_1799] {strides = array<i32>} : memref<6400xf32, #tpu.memory_space<vmem>>, vector<16xf32>,
    %get3A_1801 = vector.shape_cast %get3A_1800 : vector<16xf32> to vector<16xf32>
    %add3A_1802 = arith.addf %add3A_1762, %get3A_1801 : vector<16xf32>
    %get3A_1803 = arith.constant 4432 : index
    %get3A_1804 = tpu.vector_load %arg6[%get3A_1803] {strides = array<i32>} : memref<6400xf32, #tpu.memory_space<vmem>>, vector<16xf32>,
    %get3A_1805 = vector.shape_cast %get3A_1804 : vector<16xf32> to vector<16xf32>
    %add3A_1806 = arith.addf %add3A_1766, %get3A_1805 : vector<16xf32>
    %get3A_1807 = arith.constant 4448 : index
    %get3A_1808 = tpu.vector_load %arg6[%get3A_1807] {strides = array<i32>} : memref<6400xf32, #tpu.memory_space<vmem>>, vector<16xf32>,
    %get3A_1809 = vector.shape_cast %get3A_1808 : vector<16xf32> to vector<16xf32>
    %add3A_1810 = arith.addf %add3A_1770, %get3A_1809 : vector<16xf32>
    %get3A_1811 = arith.constant 4464 : index
    %get3A_1812 = tpu.vector_load %arg6[%get3A_1811] {strides = array<i32>} : memref<6400xf32, #tpu.memory_space<vmem>>, vector<16xf32>,
    %get3A_1813 = vector.shape_cast %get3A_1812 : vector<16xf32> to vector<16xf32>
    %add3A_1814 = arith.addf %add3A_1774, %get3A_1813 : vector<16xf32>
    %dma_wait3A_1815 = arith.constant 35 : i32
    %dma_wait3A_1816 = arith.constant 4480 : i32
    %dma_wait3A_1817 = tpu.memref_slice %arg6[%dma_wait3A_1816] : memref<6400xf32, #tpu.memory_space<vmem>> -> memref<128xf32, #tpu.memory_space<vmem>>
    %dma_wait3A_1818 = arith.constant 0 : i32
    %dma_wait3A_1819 = tpu.memref_slice %arg5[%dma_wait3A_1815, %dma_wait3A_1818] : memref<50x128xi32, #tpu.memory_space<vmem>> -> memref<1x128xi32, #tpu.memory_space<vmem>>
    %dma_wait3A_1820 = tpu.memref_squeeze %dma_wait3A_1819 : memref<1x128xi32, #tpu.memory_space<vmem>> -> memref<128xi32, #tpu.memory_space<vmem>>
    %dma_wait3A_1821 = arith.constant 0 : i32
    %dma_wait3A_1822 = tpu.memref_slice %arg3[%dma_wait3A_1821] : memref<100000xf32, #tpu.memory_space<hbm>> -> memref<100000xf32, #tpu.memory_space<hbm>>
    tpu.wait_indirect_dma semaphore(%arg8 : memref<!tpu.dma_semaphore, #tpu.memory_space<semaphore_mem>>) src(%dma_wait3A_1822 : memref<100000xf32, #tpu.memory_space<hbm>>) dst(%dma_wait3A_1817 : memref<128xf32, #tpu.memory_space<vmem>>)
    %get3A_1823 = arith.constant 4480 : index
    %get3A_1824 = tpu.vector_load %arg6[%get3A_1823] {strides = array<i32>} : memref<6400xf32, #tpu.memory_space<vmem>>, vector<16xf32>,
    %get3A_1825 = vector.shape_cast %get3A_1824 : vector<16xf32> to vector<16xf32>
    %add3A_1826 = arith.addf %add3A_1786, %get3A_1825 : vector<16xf32>
    %get3A_1827 = arith.constant 4496 : index
    %get3A_1828 = tpu.vector_load %arg6[%get3A_1827] {strides = array<i32>} : memref<6400xf32, #tpu.memory_space<vmem>>, vector<16xf32>,
    %get3A_1829 = vector.shape_cast %get3A_1828 : vector<16xf32> to vector<16xf32>
    %add3A_1830 = arith.addf %add3A_1790, %get3A_1829 : vector<16xf32>
    %get3A_1831 = arith.constant 4512 : index
    %get3A_1832 = tpu.vector_load %arg6[%get3A_1831] {strides = array<i32>} : memref<6400xf32, #tpu.memory_space<vmem>>, vector<16xf32>,
    %get3A_1833 = vector.shape_cast %get3A_1832 : vector<16xf32> to vector<16xf32>
    %add3A_1834 = arith.addf %add3A_1794, %get3A_1833 : vector<16xf32>
    %get3A_1835 = arith.constant 4528 : index
    %get3A_1836 = tpu.vector_load %arg6[%get3A_1835] {strides = array<i32>} : memref<6400xf32, #tpu.memory_space<vmem>>, vector<16xf32>,
    %get3A_1837 = vector.shape_cast %get3A_1836 : vector<16xf32> to vector<16xf32>
    %add3A_1838 = arith.addf %add3A_1798, %get3A_1837 : vector<16xf32>
    %get3A_1839 = arith.constant 4544 : index
    %get3A_1840 = tpu.vector_load %arg6[%get3A_1839] {strides = array<i32>} : memref<6400xf32, #tpu.memory_space<vmem>>, vector<16xf32>,
    %get3A_1841 = vector.shape_cast %get3A_1840 : vector<16xf32> to vector<16xf32>
    %add3A_1842 = arith.addf %add3A_1802, %get3A_1841 : vector<16xf32>
    %get3A_1843 = arith.constant 4560 : index
    %get3A_1844 = tpu.vector_load %arg6[%get3A_1843] {strides = array<i32>} : memref<6400xf32, #tpu.memory_space<vmem>>, vector<16xf32>,
    %get3A_1845 = vector.shape_cast %get3A_1844 : vector<16xf32> to vector<16xf32>
    %add3A_1846 = arith.addf %add3A_1806, %get3A_1845 : vector<16xf32>
    %get3A_1847 = arith.constant 4576 : index
    %get3A_1848 = tpu.vector_load %arg6[%get3A_1847] {strides = array<i32>} : memref<6400xf32, #tpu.memory_space<vmem>>, vector<16xf32>,
    %get3A_1849 = vector.shape_cast %get3A_1848 : vector<16xf32> to vector<16xf32>
    %add3A_1850 = arith.addf %add3A_1810, %get3A_1849 : vector<16xf32>
    %get3A_1851 = arith.constant 4592 : index
    %get3A_1852 = tpu.vector_load %arg6[%get3A_1851] {strides = array<i32>} : memref<6400xf32, #tpu.memory_space<vmem>>, vector<16xf32>,
    %get3A_1853 = vector.shape_cast %get3A_1852 : vector<16xf32> to vector<16xf32>
    %add3A_1854 = arith.addf %add3A_1814, %get3A_1853 : vector<16xf32>
    %dma_wait3A_1855 = arith.constant 36 : i32
    %dma_wait3A_1856 = arith.constant 4608 : i32
    %dma_wait3A_1857 = tpu.memref_slice %arg6[%dma_wait3A_1856] : memref<6400xf32, #tpu.memory_space<vmem>> -> memref<128xf32, #tpu.memory_space<vmem>>
    %dma_wait3A_1858 = arith.constant 0 : i32
    %dma_wait3A_1859 = tpu.memref_slice %arg5[%dma_wait3A_1855, %dma_wait3A_1858] : memref<50x128xi32, #tpu.memory_space<vmem>> -> memref<1x128xi32, #tpu.memory_space<vmem>>
    %dma_wait3A_1860 = tpu.memref_squeeze %dma_wait3A_1859 : memref<1x128xi32, #tpu.memory_space<vmem>> -> memref<128xi32, #tpu.memory_space<vmem>>
    %dma_wait3A_1861 = arith.constant 0 : i32
    %dma_wait3A_1862 = tpu.memref_slice %arg3[%dma_wait3A_1861] : memref<100000xf32, #tpu.memory_space<hbm>> -> memref<100000xf32, #tpu.memory_space<hbm>>
    tpu.wait_indirect_dma semaphore(%arg8 : memref<!tpu.dma_semaphore, #tpu.memory_space<semaphore_mem>>) src(%dma_wait3A_1862 : memref<100000xf32, #tpu.memory_space<hbm>>) dst(%dma_wait3A_1857 : memref<128xf32, #tpu.memory_space<vmem>>)
    %get3A_1863 = arith.constant 4608 : index
    %get3A_1864 = tpu.vector_load %arg6[%get3A_1863] {strides = array<i32>} : memref<6400xf32, #tpu.memory_space<vmem>>, vector<16xf32>,
    %get3A_1865 = vector.shape_cast %get3A_1864 : vector<16xf32> to vector<16xf32>
    %add3A_1866 = arith.addf %add3A_1826, %get3A_1865 : vector<16xf32>
    %get3A_1867 = arith.constant 4624 : index
    %get3A_1868 = tpu.vector_load %arg6[%get3A_1867] {strides = array<i32>} : memref<6400xf32, #tpu.memory_space<vmem>>, vector<16xf32>,
    %get3A_1869 = vector.shape_cast %get3A_1868 : vector<16xf32> to vector<16xf32>
    %add3A_1870 = arith.addf %add3A_1830, %get3A_1869 : vector<16xf32>
    %get3A_1871 = arith.constant 4640 : index
    %get3A_1872 = tpu.vector_load %arg6[%get3A_1871] {strides = array<i32>} : memref<6400xf32, #tpu.memory_space<vmem>>, vector<16xf32>,
    %get3A_1873 = vector.shape_cast %get3A_1872 : vector<16xf32> to vector<16xf32>
    %add3A_1874 = arith.addf %add3A_1834, %get3A_1873 : vector<16xf32>
    %get3A_1875 = arith.constant 4656 : index
    %get3A_1876 = tpu.vector_load %arg6[%get3A_1875] {strides = array<i32>} : memref<6400xf32, #tpu.memory_space<vmem>>, vector<16xf32>,
    %get3A_1877 = vector.shape_cast %get3A_1876 : vector<16xf32> to vector<16xf32>
    %add3A_1878 = arith.addf %add3A_1838, %get3A_1877 : vector<16xf32>
    %get3A_1879 = arith.constant 4672 : index
    %get3A_1880 = tpu.vector_load %arg6[%get3A_1879] {strides = array<i32>} : memref<6400xf32, #tpu.memory_space<vmem>>, vector<16xf32>,
    %get3A_1881 = vector.shape_cast %get3A_1880 : vector<16xf32> to vector<16xf32>
    %add3A_1882 = arith.addf %add3A_1842, %get3A_1881 : vector<16xf32>
    %get3A_1883 = arith.constant 4688 : index
    %get3A_1884 = tpu.vector_load %arg6[%get3A_1883] {strides = array<i32>} : memref<6400xf32, #tpu.memory_space<vmem>>, vector<16xf32>,
    %get3A_1885 = vector.shape_cast %get3A_1884 : vector<16xf32> to vector<16xf32>
    %add3A_1886 = arith.addf %add3A_1846, %get3A_1885 : vector<16xf32>
    %get3A_1887 = arith.constant 4704 : index
    %get3A_1888 = tpu.vector_load %arg6[%get3A_1887] {strides = array<i32>} : memref<6400xf32, #tpu.memory_space<vmem>>, vector<16xf32>,
    %get3A_1889 = vector.shape_cast %get3A_1888 : vector<16xf32> to vector<16xf32>
    %add3A_1890 = arith.addf %add3A_1850, %get3A_1889 : vector<16xf32>
    %get3A_1891 = arith.constant 4720 : index
    %get3A_1892 = tpu.vector_load %arg6[%get3A_1891] {strides = array<i32>} : memref<6400xf32, #tpu.memory_space<vmem>>, vector<16xf32>,
    %get3A_1893 = vector.shape_cast %get3A_1892 : vector<16xf32> to vector<16xf32>
    %add3A_1894 = arith.addf %add3A_1854, %get3A_1893 : vector<16xf32>
    %dma_wait3A_1895 = arith.constant 37 : i32
    %dma_wait3A_1896 = arith.constant 4736 : i32
    %dma_wait3A_1897 = tpu.memref_slice %arg6[%dma_wait3A_1896] : memref<6400xf32, #tpu.memory_space<vmem>> -> memref<128xf32, #tpu.memory_space<vmem>>
    %dma_wait3A_1898 = arith.constant 0 : i32
    %dma_wait3A_1899 = tpu.memref_slice %arg5[%dma_wait3A_1895, %dma_wait3A_1898] : memref<50x128xi32, #tpu.memory_space<vmem>> -> memref<1x128xi32, #tpu.memory_space<vmem>>
    %dma_wait3A_1900 = tpu.memref_squeeze %dma_wait3A_1899 : memref<1x128xi32, #tpu.memory_space<vmem>> -> memref<128xi32, #tpu.memory_space<vmem>>
    %dma_wait3A_1901 = arith.constant 0 : i32
    %dma_wait3A_1902 = tpu.memref_slice %arg3[%dma_wait3A_1901] : memref<100000xf32, #tpu.memory_space<hbm>> -> memref<100000xf32, #tpu.memory_space<hbm>>
    tpu.wait_indirect_dma semaphore(%arg8 : memref<!tpu.dma_semaphore, #tpu.memory_space<semaphore_mem>>) src(%dma_wait3A_1902 : memref<100000xf32, #tpu.memory_space<hbm>>) dst(%dma_wait3A_1897 : memref<128xf32, #tpu.memory_space<vmem>>)
    %get3A_1903 = arith.constant 4736 : index
    %get3A_1904 = tpu.vector_load %arg6[%get3A_1903] {strides = array<i32>} : memref<6400xf32, #tpu.memory_space<vmem>>, vector<16xf32>,
    %get3A_1905 = vector.shape_cast %get3A_1904 : vector<16xf32> to vector<16xf32>
    %add3A_1906 = arith.addf %add3A_1866, %get3A_1905 : vector<16xf32>
    %get3A_1907 = arith.constant 4752 : index
    %get3A_1908 = tpu.vector_load %arg6[%get3A_1907] {strides = array<i32>} : memref<6400xf32, #tpu.memory_space<vmem>>, vector<16xf32>,
    %get3A_1909 = vector.shape_cast %get3A_1908 : vector<16xf32> to vector<16xf32>
    %add3A_1910 = arith.addf %add3A_1870, %get3A_1909 : vector<16xf32>
    %get3A_1911 = arith.constant 4768 : index
    %get3A_1912 = tpu.vector_load %arg6[%get3A_1911] {strides = array<i32>} : memref<6400xf32, #tpu.memory_space<vmem>>, vector<16xf32>,
    %get3A_1913 = vector.shape_cast %get3A_1912 : vector<16xf32> to vector<16xf32>
    %add3A_1914 = arith.addf %add3A_1874, %get3A_1913 : vector<16xf32>
    %get3A_1915 = arith.constant 4784 : index
    %get3A_1916 = tpu.vector_load %arg6[%get3A_1915] {strides = array<i32>} : memref<6400xf32, #tpu.memory_space<vmem>>, vector<16xf32>,
    %get3A_1917 = vector.shape_cast %get3A_1916 : vector<16xf32> to vector<16xf32>
    %add3A_1918 = arith.addf %add3A_1878, %get3A_1917 : vector<16xf32>
    %get3A_1919 = arith.constant 4800 : index
    %get3A_1920 = tpu.vector_load %arg6[%get3A_1919] {strides = array<i32>} : memref<6400xf32, #tpu.memory_space<vmem>>, vector<16xf32>,
    %get3A_1921 = vector.shape_cast %get3A_1920 : vector<16xf32> to vector<16xf32>
    %add3A_1922 = arith.addf %add3A_1882, %get3A_1921 : vector<16xf32>
    %get3A_1923 = arith.constant 4816 : index
    %get3A_1924 = tpu.vector_load %arg6[%get3A_1923] {strides = array<i32>} : memref<6400xf32, #tpu.memory_space<vmem>>, vector<16xf32>,
    %get3A_1925 = vector.shape_cast %get3A_1924 : vector<16xf32> to vector<16xf32>
    %add3A_1926 = arith.addf %add3A_1886, %get3A_1925 : vector<16xf32>
    %get3A_1927 = arith.constant 4832 : index
    %get3A_1928 = tpu.vector_load %arg6[%get3A_1927] {strides = array<i32>} : memref<6400xf32, #tpu.memory_space<vmem>>, vector<16xf32>,
    %get3A_1929 = vector.shape_cast %get3A_1928 : vector<16xf32> to vector<16xf32>
    %add3A_1930 = arith.addf %add3A_1890, %get3A_1929 : vector<16xf32>
    %get3A_1931 = arith.constant 4848 : index
    %get3A_1932 = tpu.vector_load %arg6[%get3A_1931] {strides = array<i32>} : memref<6400xf32, #tpu.memory_space<vmem>>, vector<16xf32>,
    %get3A_1933 = vector.shape_cast %get3A_1932 : vector<16xf32> to vector<16xf32>
    %add3A_1934 = arith.addf %add3A_1894, %get3A_1933 : vector<16xf32>
    %dma_wait3A_1935 = arith.constant 38 : i32
    %dma_wait3A_1936 = arith.constant 4864 : i32
    %dma_wait3A_1937 = tpu.memref_slice %arg6[%dma_wait3A_1936] : memref<6400xf32, #tpu.memory_space<vmem>> -> memref<128xf32, #tpu.memory_space<vmem>>
    %dma_wait3A_1938 = arith.constant 0 : i32
    %dma_wait3A_1939 = tpu.memref_slice %arg5[%dma_wait3A_1935, %dma_wait3A_1938] : memref<50x128xi32, #tpu.memory_space<vmem>> -> memref<1x128xi32, #tpu.memory_space<vmem>>
    %dma_wait3A_1940 = tpu.memref_squeeze %dma_wait3A_1939 : memref<1x128xi32, #tpu.memory_space<vmem>> -> memref<128xi32, #tpu.memory_space<vmem>>
    %dma_wait3A_1941 = arith.constant 0 : i32
    %dma_wait3A_1942 = tpu.memref_slice %arg3[%dma_wait3A_1941] : memref<100000xf32, #tpu.memory_space<hbm>> -> memref<100000xf32, #tpu.memory_space<hbm>>
    tpu.wait_indirect_dma semaphore(%arg8 : memref<!tpu.dma_semaphore, #tpu.memory_space<semaphore_mem>>) src(%dma_wait3A_1942 : memref<100000xf32, #tpu.memory_space<hbm>>) dst(%dma_wait3A_1937 : memref<128xf32, #tpu.memory_space<vmem>>)
    %get3A_1943 = arith.constant 4864 : index
    %get3A_1944 = tpu.vector_load %arg6[%get3A_1943] {strides = array<i32>} : memref<6400xf32, #tpu.memory_space<vmem>>, vector<16xf32>,
    %get3A_1945 = vector.shape_cast %get3A_1944 : vector<16xf32> to vector<16xf32>
    %add3A_1946 = arith.addf %add3A_1906, %get3A_1945 : vector<16xf32>
    %get3A_1947 = arith.constant 4880 : index
    %get3A_1948 = tpu.vector_load %arg6[%get3A_1947] {strides = array<i32>} : memref<6400xf32, #tpu.memory_space<vmem>>, vector<16xf32>,
    %get3A_1949 = vector.shape_cast %get3A_1948 : vector<16xf32> to vector<16xf32>
    %add3A_1950 = arith.addf %add3A_1910, %get3A_1949 : vector<16xf32>
    %get3A_1951 = arith.constant 4896 : index
    %get3A_1952 = tpu.vector_load %arg6[%get3A_1951] {strides = array<i32>} : memref<6400xf32, #tpu.memory_space<vmem>>, vector<16xf32>,
    %get3A_1953 = vector.shape_cast %get3A_1952 : vector<16xf32> to vector<16xf32>
    %add3A_1954 = arith.addf %add3A_1914, %get3A_1953 : vector<16xf32>
    %get3A_1955 = arith.constant 4912 : index
    %get3A_1956 = tpu.vector_load %arg6[%get3A_1955] {strides = array<i32>} : memref<6400xf32, #tpu.memory_space<vmem>>, vector<16xf32>,
    %get3A_1957 = vector.shape_cast %get3A_1956 : vector<16xf32> to vector<16xf32>
    %add3A_1958 = arith.addf %add3A_1918, %get3A_1957 : vector<16xf32>
    %get3A_1959 = arith.constant 4928 : index
    %get3A_1960 = tpu.vector_load %arg6[%get3A_1959] {strides = array<i32>} : memref<6400xf32, #tpu.memory_space<vmem>>, vector<16xf32>,
    %get3A_1961 = vector.shape_cast %get3A_1960 : vector<16xf32> to vector<16xf32>
    %add3A_1962 = arith.addf %add3A_1922, %get3A_1961 : vector<16xf32>
    %get3A_1963 = arith.constant 4944 : index
    %get3A_1964 = tpu.vector_load %arg6[%get3A_1963] {strides = array<i32>} : memref<6400xf32, #tpu.memory_space<vmem>>, vector<16xf32>,
    %get3A_1965 = vector.shape_cast %get3A_1964 : vector<16xf32> to vector<16xf32>
    %add3A_1966 = arith.addf %add3A_1926, %get3A_1965 : vector<16xf32>
    %get3A_1967 = arith.constant 4960 : index
    %get3A_1968 = tpu.vector_load %arg6[%get3A_1967] {strides = array<i32>} : memref<6400xf32, #tpu.memory_space<vmem>>, vector<16xf32>,
    %get3A_1969 = vector.shape_cast %get3A_1968 : vector<16xf32> to vector<16xf32>
    %add3A_1970 = arith.addf %add3A_1930, %get3A_1969 : vector<16xf32>
    %get3A_1971 = arith.constant 4976 : index
    %get3A_1972 = tpu.vector_load %arg6[%get3A_1971] {strides = array<i32>} : memref<6400xf32, #tpu.memory_space<vmem>>, vector<16xf32>,
    %get3A_1973 = vector.shape_cast %get3A_1972 : vector<16xf32> to vector<16xf32>
    %add3A_1974 = arith.addf %add3A_1934, %get3A_1973 : vector<16xf32>
    %dma_wait3A_1975 = arith.constant 39 : i32
    %dma_wait3A_1976 = arith.constant 4992 : i32
    %dma_wait3A_1977 = tpu.memref_slice %arg6[%dma_wait3A_1976] : memref<6400xf32, #tpu.memory_space<vmem>> -> memref<128xf32, #tpu.memory_space<vmem>>
    %dma_wait3A_1978 = arith.constant 0 : i32
    %dma_wait3A_1979 = tpu.memref_slice %arg5[%dma_wait3A_1975, %dma_wait3A_1978] : memref<50x128xi32, #tpu.memory_space<vmem>> -> memref<1x128xi32, #tpu.memory_space<vmem>>
    %dma_wait3A_1980 = tpu.memref_squeeze %dma_wait3A_1979 : memref<1x128xi32, #tpu.memory_space<vmem>> -> memref<128xi32, #tpu.memory_space<vmem>>
    %dma_wait3A_1981 = arith.constant 0 : i32
    %dma_wait3A_1982 = tpu.memref_slice %arg3[%dma_wait3A_1981] : memref<100000xf32, #tpu.memory_space<hbm>> -> memref<100000xf32, #tpu.memory_space<hbm>>
    tpu.wait_indirect_dma semaphore(%arg8 : memref<!tpu.dma_semaphore, #tpu.memory_space<semaphore_mem>>) src(%dma_wait3A_1982 : memref<100000xf32, #tpu.memory_space<hbm>>) dst(%dma_wait3A_1977 : memref<128xf32, #tpu.memory_space<vmem>>)
    %get3A_1983 = arith.constant 4992 : index
    %get3A_1984 = tpu.vector_load %arg6[%get3A_1983] {strides = array<i32>} : memref<6400xf32, #tpu.memory_space<vmem>>, vector<16xf32>,
    %get3A_1985 = vector.shape_cast %get3A_1984 : vector<16xf32> to vector<16xf32>
    %add3A_1986 = arith.addf %add3A_1946, %get3A_1985 : vector<16xf32>
    %get3A_1987 = arith.constant 5008 : index
    %get3A_1988 = tpu.vector_load %arg6[%get3A_1987] {strides = array<i32>} : memref<6400xf32, #tpu.memory_space<vmem>>, vector<16xf32>,
    %get3A_1989 = vector.shape_cast %get3A_1988 : vector<16xf32> to vector<16xf32>
    %add3A_1990 = arith.addf %add3A_1950, %get3A_1989 : vector<16xf32>
    %get3A_1991 = arith.constant 5024 : index
    %get3A_1992 = tpu.vector_load %arg6[%get3A_1991] {strides = array<i32>} : memref<6400xf32, #tpu.memory_space<vmem>>, vector<16xf32>,
    %get3A_1993 = vector.shape_cast %get3A_1992 : vector<16xf32> to vector<16xf32>
    %add3A_1994 = arith.addf %add3A_1954, %get3A_1993 : vector<16xf32>
    %get3A_1995 = arith.constant 5040 : index
    %get3A_1996 = tpu.vector_load %arg6[%get3A_1995] {strides = array<i32>} : memref<6400xf32, #tpu.memory_space<vmem>>, vector<16xf32>,
    %get3A_1997 = vector.shape_cast %get3A_1996 : vector<16xf32> to vector<16xf32>
    %add3A_1998 = arith.addf %add3A_1958, %get3A_1997 : vector<16xf32>
    %get3A_1999 = arith.constant 5056 : index
    %get3A_2000 = tpu.vector_load %arg6[%get3A_1999] {strides = array<i32>} : memref<6400xf32, #tpu.memory_space<vmem>>, vector<16xf32>,
    %get3A_2001 = vector.shape_cast %get3A_2000 : vector<16xf32> to vector<16xf32>
    %add3A_2002 = arith.addf %add3A_1962, %get3A_2001 : vector<16xf32>
    %get3A_2003 = arith.constant 5072 : index
    %get3A_2004 = tpu.vector_load %arg6[%get3A_2003] {strides = array<i32>} : memref<6400xf32, #tpu.memory_space<vmem>>, vector<16xf32>,
    %get3A_2005 = vector.shape_cast %get3A_2004 : vector<16xf32> to vector<16xf32>
    %add3A_2006 = arith.addf %add3A_1966, %get3A_2005 : vector<16xf32>
    %get3A_2007 = arith.constant 5088 : index
    %get3A_2008 = tpu.vector_load %arg6[%get3A_2007] {strides = array<i32>} : memref<6400xf32, #tpu.memory_space<vmem>>, vector<16xf32>,
    %get3A_2009 = vector.shape_cast %get3A_2008 : vector<16xf32> to vector<16xf32>
    %add3A_2010 = arith.addf %add3A_1970, %get3A_2009 : vector<16xf32>
    %get3A_2011 = arith.constant 5104 : index
    %get3A_2012 = tpu.vector_load %arg6[%get3A_2011] {strides = array<i32>} : memref<6400xf32, #tpu.memory_space<vmem>>, vector<16xf32>,
    %get3A_2013 = vector.shape_cast %get3A_2012 : vector<16xf32> to vector<16xf32>
    %add3A_2014 = arith.addf %add3A_1974, %get3A_2013 : vector<16xf32>
    %dma_wait3A_2015 = arith.constant 40 : i32
    %dma_wait3A_2016 = arith.constant 5120 : i32
    %dma_wait3A_2017 = tpu.memref_slice %arg6[%dma_wait3A_2016] : memref<6400xf32, #tpu.memory_space<vmem>> -> memref<128xf32, #tpu.memory_space<vmem>>
    %dma_wait3A_2018 = arith.constant 0 : i32
    %dma_wait3A_2019 = tpu.memref_slice %arg5[%dma_wait3A_2015, %dma_wait3A_2018] : memref<50x128xi32, #tpu.memory_space<vmem>> -> memref<1x128xi32, #tpu.memory_space<vmem>>
    %dma_wait3A_2020 = tpu.memref_squeeze %dma_wait3A_2019 : memref<1x128xi32, #tpu.memory_space<vmem>> -> memref<128xi32, #tpu.memory_space<vmem>>
    %dma_wait3A_2021 = arith.constant 0 : i32
    %dma_wait3A_2022 = tpu.memref_slice %arg3[%dma_wait3A_2021] : memref<100000xf32, #tpu.memory_space<hbm>> -> memref<100000xf32, #tpu.memory_space<hbm>>
    tpu.wait_indirect_dma semaphore(%arg8 : memref<!tpu.dma_semaphore, #tpu.memory_space<semaphore_mem>>) src(%dma_wait3A_2022 : memref<100000xf32, #tpu.memory_space<hbm>>) dst(%dma_wait3A_2017 : memref<128xf32, #tpu.memory_space<vmem>>)
    %get3A_2023 = arith.constant 5120 : index
    %get3A_2024 = tpu.vector_load %arg6[%get3A_2023] {strides = array<i32>} : memref<6400xf32, #tpu.memory_space<vmem>>, vector<16xf32>,
    %get3A_2025 = vector.shape_cast %get3A_2024 : vector<16xf32> to vector<16xf32>
    %add3A_2026 = arith.addf %add3A_1986, %get3A_2025 : vector<16xf32>
    %get3A_2027 = arith.constant 5136 : index
    %get3A_2028 = tpu.vector_load %arg6[%get3A_2027] {strides = array<i32>} : memref<6400xf32, #tpu.memory_space<vmem>>, vector<16xf32>,
    %get3A_2029 = vector.shape_cast %get3A_2028 : vector<16xf32> to vector<16xf32>
    %add3A_2030 = arith.addf %add3A_1990, %get3A_2029 : vector<16xf32>
    %get3A_2031 = arith.constant 5152 : index
    %get3A_2032 = tpu.vector_load %arg6[%get3A_2031] {strides = array<i32>} : memref<6400xf32, #tpu.memory_space<vmem>>, vector<16xf32>,
    %get3A_2033 = vector.shape_cast %get3A_2032 : vector<16xf32> to vector<16xf32>
    %add3A_2034 = arith.addf %add3A_1994, %get3A_2033 : vector<16xf32>
    %get3A_2035 = arith.constant 5168 : index
    %get3A_2036 = tpu.vector_load %arg6[%get3A_2035] {strides = array<i32>} : memref<6400xf32, #tpu.memory_space<vmem>>, vector<16xf32>,
    %get3A_2037 = vector.shape_cast %get3A_2036 : vector<16xf32> to vector<16xf32>
    %add3A_2038 = arith.addf %add3A_1998, %get3A_2037 : vector<16xf32>
    %get3A_2039 = arith.constant 5184 : index
    %get3A_2040 = tpu.vector_load %arg6[%get3A_2039] {strides = array<i32>} : memref<6400xf32, #tpu.memory_space<vmem>>, vector<16xf32>,
    %get3A_2041 = vector.shape_cast %get3A_2040 : vector<16xf32> to vector<16xf32>
    %add3A_2042 = arith.addf %add3A_2002, %get3A_2041 : vector<16xf32>
    %get3A_2043 = arith.constant 5200 : index
    %get3A_2044 = tpu.vector_load %arg6[%get3A_2043] {strides = array<i32>} : memref<6400xf32, #tpu.memory_space<vmem>>, vector<16xf32>,
    %get3A_2045 = vector.shape_cast %get3A_2044 : vector<16xf32> to vector<16xf32>
    %add3A_2046 = arith.addf %add3A_2006, %get3A_2045 : vector<16xf32>
    %get3A_2047 = arith.constant 5216 : index
    %get3A_2048 = tpu.vector_load %arg6[%get3A_2047] {strides = array<i32>} : memref<6400xf32, #tpu.memory_space<vmem>>, vector<16xf32>,
    %get3A_2049 = vector.shape_cast %get3A_2048 : vector<16xf32> to vector<16xf32>
    %add3A_2050 = arith.addf %add3A_2010, %get3A_2049 : vector<16xf32>
    %get3A_2051 = arith.constant 5232 : index
    %get3A_2052 = tpu.vector_load %arg6[%get3A_2051] {strides = array<i32>} : memref<6400xf32, #tpu.memory_space<vmem>>, vector<16xf32>,
    %get3A_2053 = vector.shape_cast %get3A_2052 : vector<16xf32> to vector<16xf32>
    %add3A_2054 = arith.addf %add3A_2014, %get3A_2053 : vector<16xf32>
    %dma_wait3A_2055 = arith.constant 41 : i32
    %dma_wait3A_2056 = arith.constant 5248 : i32
    %dma_wait3A_2057 = tpu.memref_slice %arg6[%dma_wait3A_2056] : memref<6400xf32, #tpu.memory_space<vmem>> -> memref<128xf32, #tpu.memory_space<vmem>>
    %dma_wait3A_2058 = arith.constant 0 : i32
    %dma_wait3A_2059 = tpu.memref_slice %arg5[%dma_wait3A_2055, %dma_wait3A_2058] : memref<50x128xi32, #tpu.memory_space<vmem>> -> memref<1x128xi32, #tpu.memory_space<vmem>>
    %dma_wait3A_2060 = tpu.memref_squeeze %dma_wait3A_2059 : memref<1x128xi32, #tpu.memory_space<vmem>> -> memref<128xi32, #tpu.memory_space<vmem>>
    %dma_wait3A_2061 = arith.constant 0 : i32
    %dma_wait3A_2062 = tpu.memref_slice %arg3[%dma_wait3A_2061] : memref<100000xf32, #tpu.memory_space<hbm>> -> memref<100000xf32, #tpu.memory_space<hbm>>
    tpu.wait_indirect_dma semaphore(%arg8 : memref<!tpu.dma_semaphore, #tpu.memory_space<semaphore_mem>>) src(%dma_wait3A_2062 : memref<100000xf32, #tpu.memory_space<hbm>>) dst(%dma_wait3A_2057 : memref<128xf32, #tpu.memory_space<vmem>>)
    %get3A_2063 = arith.constant 5248 : index
    %get3A_2064 = tpu.vector_load %arg6[%get3A_2063] {strides = array<i32>} : memref<6400xf32, #tpu.memory_space<vmem>>, vector<16xf32>,
    %get3A_2065 = vector.shape_cast %get3A_2064 : vector<16xf32> to vector<16xf32>
    %add3A_2066 = arith.addf %add3A_2026, %get3A_2065 : vector<16xf32>
    %get3A_2067 = arith.constant 5264 : index
    %get3A_2068 = tpu.vector_load %arg6[%get3A_2067] {strides = array<i32>} : memref<6400xf32, #tpu.memory_space<vmem>>, vector<16xf32>,
    %get3A_2069 = vector.shape_cast %get3A_2068 : vector<16xf32> to vector<16xf32>
    %add3A_2070 = arith.addf %add3A_2030, %get3A_2069 : vector<16xf32>
    %get3A_2071 = arith.constant 5280 : index
    %get3A_2072 = tpu.vector_load %arg6[%get3A_2071] {strides = array<i32>} : memref<6400xf32, #tpu.memory_space<vmem>>, vector<16xf32>,
    %get3A_2073 = vector.shape_cast %get3A_2072 : vector<16xf32> to vector<16xf32>
    %add3A_2074 = arith.addf %add3A_2034, %get3A_2073 : vector<16xf32>
    %get3A_2075 = arith.constant 5296 : index
    %get3A_2076 = tpu.vector_load %arg6[%get3A_2075] {strides = array<i32>} : memref<6400xf32, #tpu.memory_space<vmem>>, vector<16xf32>,
    %get3A_2077 = vector.shape_cast %get3A_2076 : vector<16xf32> to vector<16xf32>
    %add3A_2078 = arith.addf %add3A_2038, %get3A_2077 : vector<16xf32>
    %get3A_2079 = arith.constant 5312 : index
    %get3A_2080 = tpu.vector_load %arg6[%get3A_2079] {strides = array<i32>} : memref<6400xf32, #tpu.memory_space<vmem>>, vector<16xf32>,
    %get3A_2081 = vector.shape_cast %get3A_2080 : vector<16xf32> to vector<16xf32>
    %add3A_2082 = arith.addf %add3A_2042, %get3A_2081 : vector<16xf32>
    %get3A_2083 = arith.constant 5328 : index
    %get3A_2084 = tpu.vector_load %arg6[%get3A_2083] {strides = array<i32>} : memref<6400xf32, #tpu.memory_space<vmem>>, vector<16xf32>,
    %get3A_2085 = vector.shape_cast %get3A_2084 : vector<16xf32> to vector<16xf32>
    %add3A_2086 = arith.addf %add3A_2046, %get3A_2085 : vector<16xf32>
    %get3A_2087 = arith.constant 5344 : index
    %get3A_2088 = tpu.vector_load %arg6[%get3A_2087] {strides = array<i32>} : memref<6400xf32, #tpu.memory_space<vmem>>, vector<16xf32>,
    %get3A_2089 = vector.shape_cast %get3A_2088 : vector<16xf32> to vector<16xf32>
    %add3A_2090 = arith.addf %add3A_2050, %get3A_2089 : vector<16xf32>
    %get3A_2091 = arith.constant 5360 : index
    %get3A_2092 = tpu.vector_load %arg6[%get3A_2091] {strides = array<i32>} : memref<6400xf32, #tpu.memory_space<vmem>>, vector<16xf32>,
    %get3A_2093 = vector.shape_cast %get3A_2092 : vector<16xf32> to vector<16xf32>
    %add3A_2094 = arith.addf %add3A_2054, %get3A_2093 : vector<16xf32>
    %dma_wait3A_2095 = arith.constant 42 : i32
    %dma_wait3A_2096 = arith.constant 5376 : i32
    %dma_wait3A_2097 = tpu.memref_slice %arg6[%dma_wait3A_2096] : memref<6400xf32, #tpu.memory_space<vmem>> -> memref<128xf32, #tpu.memory_space<vmem>>
    %dma_wait3A_2098 = arith.constant 0 : i32
    %dma_wait3A_2099 = tpu.memref_slice %arg5[%dma_wait3A_2095, %dma_wait3A_2098] : memref<50x128xi32, #tpu.memory_space<vmem>> -> memref<1x128xi32, #tpu.memory_space<vmem>>
    %dma_wait3A_2100 = tpu.memref_squeeze %dma_wait3A_2099 : memref<1x128xi32, #tpu.memory_space<vmem>> -> memref<128xi32, #tpu.memory_space<vmem>>
    %dma_wait3A_2101 = arith.constant 0 : i32
    %dma_wait3A_2102 = tpu.memref_slice %arg3[%dma_wait3A_2101] : memref<100000xf32, #tpu.memory_space<hbm>> -> memref<100000xf32, #tpu.memory_space<hbm>>
    tpu.wait_indirect_dma semaphore(%arg8 : memref<!tpu.dma_semaphore, #tpu.memory_space<semaphore_mem>>) src(%dma_wait3A_2102 : memref<100000xf32, #tpu.memory_space<hbm>>) dst(%dma_wait3A_2097 : memref<128xf32, #tpu.memory_space<vmem>>)
    %get3A_2103 = arith.constant 5376 : index
    %get3A_2104 = tpu.vector_load %arg6[%get3A_2103] {strides = array<i32>} : memref<6400xf32, #tpu.memory_space<vmem>>, vector<16xf32>,
    %get3A_2105 = vector.shape_cast %get3A_2104 : vector<16xf32> to vector<16xf32>
    %add3A_2106 = arith.addf %add3A_2066, %get3A_2105 : vector<16xf32>
    %get3A_2107 = arith.constant 5392 : index
    %get3A_2108 = tpu.vector_load %arg6[%get3A_2107] {strides = array<i32>} : memref<6400xf32, #tpu.memory_space<vmem>>, vector<16xf32>,
    %get3A_2109 = vector.shape_cast %get3A_2108 : vector<16xf32> to vector<16xf32>
    %add3A_2110 = arith.addf %add3A_2070, %get3A_2109 : vector<16xf32>
    %get3A_2111 = arith.constant 5408 : index
    %get3A_2112 = tpu.vector_load %arg6[%get3A_2111] {strides = array<i32>} : memref<6400xf32, #tpu.memory_space<vmem>>, vector<16xf32>,
    %get3A_2113 = vector.shape_cast %get3A_2112 : vector<16xf32> to vector<16xf32>
    %add3A_2114 = arith.addf %add3A_2074, %get3A_2113 : vector<16xf32>
    %get3A_2115 = arith.constant 5424 : index
    %get3A_2116 = tpu.vector_load %arg6[%get3A_2115] {strides = array<i32>} : memref<6400xf32, #tpu.memory_space<vmem>>, vector<16xf32>,
    %get3A_2117 = vector.shape_cast %get3A_2116 : vector<16xf32> to vector<16xf32>
    %add3A_2118 = arith.addf %add3A_2078, %get3A_2117 : vector<16xf32>
    %get3A_2119 = arith.constant 5440 : index
    %get3A_2120 = tpu.vector_load %arg6[%get3A_2119] {strides = array<i32>} : memref<6400xf32, #tpu.memory_space<vmem>>, vector<16xf32>,
    %get3A_2121 = vector.shape_cast %get3A_2120 : vector<16xf32> to vector<16xf32>
    %add3A_2122 = arith.addf %add3A_2082, %get3A_2121 : vector<16xf32>
    %get3A_2123 = arith.constant 5456 : index
    %get3A_2124 = tpu.vector_load %arg6[%get3A_2123] {strides = array<i32>} : memref<6400xf32, #tpu.memory_space<vmem>>, vector<16xf32>,
    %get3A_2125 = vector.shape_cast %get3A_2124 : vector<16xf32> to vector<16xf32>
    %add3A_2126 = arith.addf %add3A_2086, %get3A_2125 : vector<16xf32>
    %get3A_2127 = arith.constant 5472 : index
    %get3A_2128 = tpu.vector_load %arg6[%get3A_2127] {strides = array<i32>} : memref<6400xf32, #tpu.memory_space<vmem>>, vector<16xf32>,
    %get3A_2129 = vector.shape_cast %get3A_2128 : vector<16xf32> to vector<16xf32>
    %add3A_2130 = arith.addf %add3A_2090, %get3A_2129 : vector<16xf32>
    %get3A_2131 = arith.constant 5488 : index
    %get3A_2132 = tpu.vector_load %arg6[%get3A_2131] {strides = array<i32>} : memref<6400xf32, #tpu.memory_space<vmem>>, vector<16xf32>,
    %get3A_2133 = vector.shape_cast %get3A_2132 : vector<16xf32> to vector<16xf32>
    %add3A_2134 = arith.addf %add3A_2094, %get3A_2133 : vector<16xf32>
    %dma_wait3A_2135 = arith.constant 43 : i32
    %dma_wait3A_2136 = arith.constant 5504 : i32
    %dma_wait3A_2137 = tpu.memref_slice %arg6[%dma_wait3A_2136] : memref<6400xf32, #tpu.memory_space<vmem>> -> memref<128xf32, #tpu.memory_space<vmem>>
    %dma_wait3A_2138 = arith.constant 0 : i32
    %dma_wait3A_2139 = tpu.memref_slice %arg5[%dma_wait3A_2135, %dma_wait3A_2138] : memref<50x128xi32, #tpu.memory_space<vmem>> -> memref<1x128xi32, #tpu.memory_space<vmem>>
    %dma_wait3A_2140 = tpu.memref_squeeze %dma_wait3A_2139 : memref<1x128xi32, #tpu.memory_space<vmem>> -> memref<128xi32, #tpu.memory_space<vmem>>
    %dma_wait3A_2141 = arith.constant 0 : i32
    %dma_wait3A_2142 = tpu.memref_slice %arg3[%dma_wait3A_2141] : memref<100000xf32, #tpu.memory_space<hbm>> -> memref<100000xf32, #tpu.memory_space<hbm>>
    tpu.wait_indirect_dma semaphore(%arg8 : memref<!tpu.dma_semaphore, #tpu.memory_space<semaphore_mem>>) src(%dma_wait3A_2142 : memref<100000xf32, #tpu.memory_space<hbm>>) dst(%dma_wait3A_2137 : memref<128xf32, #tpu.memory_space<vmem>>)
    %get3A_2143 = arith.constant 5504 : index
    %get3A_2144 = tpu.vector_load %arg6[%get3A_2143] {strides = array<i32>} : memref<6400xf32, #tpu.memory_space<vmem>>, vector<16xf32>,
    %get3A_2145 = vector.shape_cast %get3A_2144 : vector<16xf32> to vector<16xf32>
    %add3A_2146 = arith.addf %add3A_2106, %get3A_2145 : vector<16xf32>
    %get3A_2147 = arith.constant 5520 : index
    %get3A_2148 = tpu.vector_load %arg6[%get3A_2147] {strides = array<i32>} : memref<6400xf32, #tpu.memory_space<vmem>>, vector<16xf32>,
    %get3A_2149 = vector.shape_cast %get3A_2148 : vector<16xf32> to vector<16xf32>
    %add3A_2150 = arith.addf %add3A_2110, %get3A_2149 : vector<16xf32>
    %get3A_2151 = arith.constant 5536 : index
    %get3A_2152 = tpu.vector_load %arg6[%get3A_2151] {strides = array<i32>} : memref<6400xf32, #tpu.memory_space<vmem>>, vector<16xf32>,
    %get3A_2153 = vector.shape_cast %get3A_2152 : vector<16xf32> to vector<16xf32>
    %add3A_2154 = arith.addf %add3A_2114, %get3A_2153 : vector<16xf32>
    %get3A_2155 = arith.constant 5552 : index
    %get3A_2156 = tpu.vector_load %arg6[%get3A_2155] {strides = array<i32>} : memref<6400xf32, #tpu.memory_space<vmem>>, vector<16xf32>,
    %get3A_2157 = vector.shape_cast %get3A_2156 : vector<16xf32> to vector<16xf32>
    %add3A_2158 = arith.addf %add3A_2118, %get3A_2157 : vector<16xf32>
    %get3A_2159 = arith.constant 5568 : index
    %get3A_2160 = tpu.vector_load %arg6[%get3A_2159] {strides = array<i32>} : memref<6400xf32, #tpu.memory_space<vmem>>, vector<16xf32>,
    %get3A_2161 = vector.shape_cast %get3A_2160 : vector<16xf32> to vector<16xf32>
    %add3A_2162 = arith.addf %add3A_2122, %get3A_2161 : vector<16xf32>
    %get3A_2163 = arith.constant 5584 : index
    %get3A_2164 = tpu.vector_load %arg6[%get3A_2163] {strides = array<i32>} : memref<6400xf32, #tpu.memory_space<vmem>>, vector<16xf32>,
    %get3A_2165 = vector.shape_cast %get3A_2164 : vector<16xf32> to vector<16xf32>
    %add3A_2166 = arith.addf %add3A_2126, %get3A_2165 : vector<16xf32>
    %get3A_2167 = arith.constant 5600 : index
    %get3A_2168 = tpu.vector_load %arg6[%get3A_2167] {strides = array<i32>} : memref<6400xf32, #tpu.memory_space<vmem>>, vector<16xf32>,
    %get3A_2169 = vector.shape_cast %get3A_2168 : vector<16xf32> to vector<16xf32>
    %add3A_2170 = arith.addf %add3A_2130, %get3A_2169 : vector<16xf32>
    %get3A_2171 = arith.constant 5616 : index
    %get3A_2172 = tpu.vector_load %arg6[%get3A_2171] {strides = array<i32>} : memref<6400xf32, #tpu.memory_space<vmem>>, vector<16xf32>,
    %get3A_2173 = vector.shape_cast %get3A_2172 : vector<16xf32> to vector<16xf32>
    %add3A_2174 = arith.addf %add3A_2134, %get3A_2173 : vector<16xf32>
    %dma_wait3A_2175 = arith.constant 44 : i32
    %dma_wait3A_2176 = arith.constant 5632 : i32
    %dma_wait3A_2177 = tpu.memref_slice %arg6[%dma_wait3A_2176] : memref<6400xf32, #tpu.memory_space<vmem>> -> memref<128xf32, #tpu.memory_space<vmem>>
    %dma_wait3A_2178 = arith.constant 0 : i32
    %dma_wait3A_2179 = tpu.memref_slice %arg5[%dma_wait3A_2175, %dma_wait3A_2178] : memref<50x128xi32, #tpu.memory_space<vmem>> -> memref<1x128xi32, #tpu.memory_space<vmem>>
    %dma_wait3A_2180 = tpu.memref_squeeze %dma_wait3A_2179 : memref<1x128xi32, #tpu.memory_space<vmem>> -> memref<128xi32, #tpu.memory_space<vmem>>
    %dma_wait3A_2181 = arith.constant 0 : i32
    %dma_wait3A_2182 = tpu.memref_slice %arg3[%dma_wait3A_2181] : memref<100000xf32, #tpu.memory_space<hbm>> -> memref<100000xf32, #tpu.memory_space<hbm>>
    tpu.wait_indirect_dma semaphore(%arg8 : memref<!tpu.dma_semaphore, #tpu.memory_space<semaphore_mem>>) src(%dma_wait3A_2182 : memref<100000xf32, #tpu.memory_space<hbm>>) dst(%dma_wait3A_2177 : memref<128xf32, #tpu.memory_space<vmem>>)
    %get3A_2183 = arith.constant 5632 : index
    %get3A_2184 = tpu.vector_load %arg6[%get3A_2183] {strides = array<i32>} : memref<6400xf32, #tpu.memory_space<vmem>>, vector<16xf32>,
    %get3A_2185 = vector.shape_cast %get3A_2184 : vector<16xf32> to vector<16xf32>
    %add3A_2186 = arith.addf %add3A_2146, %get3A_2185 : vector<16xf32>
    %get3A_2187 = arith.constant 5648 : index
    %get3A_2188 = tpu.vector_load %arg6[%get3A_2187] {strides = array<i32>} : memref<6400xf32, #tpu.memory_space<vmem>>, vector<16xf32>,
    %get3A_2189 = vector.shape_cast %get3A_2188 : vector<16xf32> to vector<16xf32>
    %add3A_2190 = arith.addf %add3A_2150, %get3A_2189 : vector<16xf32>
    %get3A_2191 = arith.constant 5664 : index
    %get3A_2192 = tpu.vector_load %arg6[%get3A_2191] {strides = array<i32>} : memref<6400xf32, #tpu.memory_space<vmem>>, vector<16xf32>,
    %get3A_2193 = vector.shape_cast %get3A_2192 : vector<16xf32> to vector<16xf32>
    %add3A_2194 = arith.addf %add3A_2154, %get3A_2193 : vector<16xf32>
    %get3A_2195 = arith.constant 5680 : index
    %get3A_2196 = tpu.vector_load %arg6[%get3A_2195] {strides = array<i32>} : memref<6400xf32, #tpu.memory_space<vmem>>, vector<16xf32>,
    %get3A_2197 = vector.shape_cast %get3A_2196 : vector<16xf32> to vector<16xf32>
    %add3A_2198 = arith.addf %add3A_2158, %get3A_2197 : vector<16xf32>
    %get3A_2199 = arith.constant 5696 : index
    %get3A_2200 = tpu.vector_load %arg6[%get3A_2199] {strides = array<i32>} : memref<6400xf32, #tpu.memory_space<vmem>>, vector<16xf32>,
    %get3A_2201 = vector.shape_cast %get3A_2200 : vector<16xf32> to vector<16xf32>
    %add3A_2202 = arith.addf %add3A_2162, %get3A_2201 : vector<16xf32>
    %get3A_2203 = arith.constant 5712 : index
    %get3A_2204 = tpu.vector_load %arg6[%get3A_2203] {strides = array<i32>} : memref<6400xf32, #tpu.memory_space<vmem>>, vector<16xf32>,
    %get3A_2205 = vector.shape_cast %get3A_2204 : vector<16xf32> to vector<16xf32>
    %add3A_2206 = arith.addf %add3A_2166, %get3A_2205 : vector<16xf32>
    %get3A_2207 = arith.constant 5728 : index
    %get3A_2208 = tpu.vector_load %arg6[%get3A_2207] {strides = array<i32>} : memref<6400xf32, #tpu.memory_space<vmem>>, vector<16xf32>,
    %get3A_2209 = vector.shape_cast %get3A_2208 : vector<16xf32> to vector<16xf32>
    %add3A_2210 = arith.addf %add3A_2170, %get3A_2209 : vector<16xf32>
    %get3A_2211 = arith.constant 5744 : index
    %get3A_2212 = tpu.vector_load %arg6[%get3A_2211] {strides = array<i32>} : memref<6400xf32, #tpu.memory_space<vmem>>, vector<16xf32>,
    %get3A_2213 = vector.shape_cast %get3A_2212 : vector<16xf32> to vector<16xf32>
    %add3A_2214 = arith.addf %add3A_2174, %get3A_2213 : vector<16xf32>
    %dma_wait3A_2215 = arith.constant 45 : i32
    %dma_wait3A_2216 = arith.constant 5760 : i32
    %dma_wait3A_2217 = tpu.memref_slice %arg6[%dma_wait3A_2216] : memref<6400xf32, #tpu.memory_space<vmem>> -> memref<128xf32, #tpu.memory_space<vmem>>
    %dma_wait3A_2218 = arith.constant 0 : i32
    %dma_wait3A_2219 = tpu.memref_slice %arg5[%dma_wait3A_2215, %dma_wait3A_2218] : memref<50x128xi32, #tpu.memory_space<vmem>> -> memref<1x128xi32, #tpu.memory_space<vmem>>
    %dma_wait3A_2220 = tpu.memref_squeeze %dma_wait3A_2219 : memref<1x128xi32, #tpu.memory_space<vmem>> -> memref<128xi32, #tpu.memory_space<vmem>>
    %dma_wait3A_2221 = arith.constant 0 : i32
    %dma_wait3A_2222 = tpu.memref_slice %arg3[%dma_wait3A_2221] : memref<100000xf32, #tpu.memory_space<hbm>> -> memref<100000xf32, #tpu.memory_space<hbm>>
    tpu.wait_indirect_dma semaphore(%arg8 : memref<!tpu.dma_semaphore, #tpu.memory_space<semaphore_mem>>) src(%dma_wait3A_2222 : memref<100000xf32, #tpu.memory_space<hbm>>) dst(%dma_wait3A_2217 : memref<128xf32, #tpu.memory_space<vmem>>)
    %get3A_2223 = arith.constant 5760 : index
    %get3A_2224 = tpu.vector_load %arg6[%get3A_2223] {strides = array<i32>} : memref<6400xf32, #tpu.memory_space<vmem>>, vector<16xf32>,
    %get3A_2225 = vector.shape_cast %get3A_2224 : vector<16xf32> to vector<16xf32>
    %add3A_2226 = arith.addf %add3A_2186, %get3A_2225 : vector<16xf32>
    %get3A_2227 = arith.constant 5776 : index
    %get3A_2228 = tpu.vector_load %arg6[%get3A_2227] {strides = array<i32>} : memref<6400xf32, #tpu.memory_space<vmem>>, vector<16xf32>,
    %get3A_2229 = vector.shape_cast %get3A_2228 : vector<16xf32> to vector<16xf32>
    %add3A_2230 = arith.addf %add3A_2190, %get3A_2229 : vector<16xf32>
    %get3A_2231 = arith.constant 5792 : index
    %get3A_2232 = tpu.vector_load %arg6[%get3A_2231] {strides = array<i32>} : memref<6400xf32, #tpu.memory_space<vmem>>, vector<16xf32>,
    %get3A_2233 = vector.shape_cast %get3A_2232 : vector<16xf32> to vector<16xf32>
    %add3A_2234 = arith.addf %add3A_2194, %get3A_2233 : vector<16xf32>
    %get3A_2235 = arith.constant 5808 : index
    %get3A_2236 = tpu.vector_load %arg6[%get3A_2235] {strides = array<i32>} : memref<6400xf32, #tpu.memory_space<vmem>>, vector<16xf32>,
    %get3A_2237 = vector.shape_cast %get3A_2236 : vector<16xf32> to vector<16xf32>
    %add3A_2238 = arith.addf %add3A_2198, %get3A_2237 : vector<16xf32>
    %get3A_2239 = arith.constant 5824 : index
    %get3A_2240 = tpu.vector_load %arg6[%get3A_2239] {strides = array<i32>} : memref<6400xf32, #tpu.memory_space<vmem>>, vector<16xf32>,
    %get3A_2241 = vector.shape_cast %get3A_2240 : vector<16xf32> to vector<16xf32>
    %add3A_2242 = arith.addf %add3A_2202, %get3A_2241 : vector<16xf32>
    %get3A_2243 = arith.constant 5840 : index
    %get3A_2244 = tpu.vector_load %arg6[%get3A_2243] {strides = array<i32>} : memref<6400xf32, #tpu.memory_space<vmem>>, vector<16xf32>,
    %get3A_2245 = vector.shape_cast %get3A_2244 : vector<16xf32> to vector<16xf32>
    %add3A_2246 = arith.addf %add3A_2206, %get3A_2245 : vector<16xf32>
    %get3A_2247 = arith.constant 5856 : index
    %get3A_2248 = tpu.vector_load %arg6[%get3A_2247] {strides = array<i32>} : memref<6400xf32, #tpu.memory_space<vmem>>, vector<16xf32>,
    %get3A_2249 = vector.shape_cast %get3A_2248 : vector<16xf32> to vector<16xf32>
    %add3A_2250 = arith.addf %add3A_2210, %get3A_2249 : vector<16xf32>
    %get3A_2251 = arith.constant 5872 : index
    %get3A_2252 = tpu.vector_load %arg6[%get3A_2251] {strides = array<i32>} : memref<6400xf32, #tpu.memory_space<vmem>>, vector<16xf32>,
    %get3A_2253 = vector.shape_cast %get3A_2252 : vector<16xf32> to vector<16xf32>
    %add3A_2254 = arith.addf %add3A_2214, %get3A_2253 : vector<16xf32>
    %dma_wait3A_2255 = arith.constant 46 : i32
    %dma_wait3A_2256 = arith.constant 5888 : i32
    %dma_wait3A_2257 = tpu.memref_slice %arg6[%dma_wait3A_2256] : memref<6400xf32, #tpu.memory_space<vmem>> -> memref<128xf32, #tpu.memory_space<vmem>>
    %dma_wait3A_2258 = arith.constant 0 : i32
    %dma_wait3A_2259 = tpu.memref_slice %arg5[%dma_wait3A_2255, %dma_wait3A_2258] : memref<50x128xi32, #tpu.memory_space<vmem>> -> memref<1x128xi32, #tpu.memory_space<vmem>>
    %dma_wait3A_2260 = tpu.memref_squeeze %dma_wait3A_2259 : memref<1x128xi32, #tpu.memory_space<vmem>> -> memref<128xi32, #tpu.memory_space<vmem>>
    %dma_wait3A_2261 = arith.constant 0 : i32
    %dma_wait3A_2262 = tpu.memref_slice %arg3[%dma_wait3A_2261] : memref<100000xf32, #tpu.memory_space<hbm>> -> memref<100000xf32, #tpu.memory_space<hbm>>
    tpu.wait_indirect_dma semaphore(%arg8 : memref<!tpu.dma_semaphore, #tpu.memory_space<semaphore_mem>>) src(%dma_wait3A_2262 : memref<100000xf32, #tpu.memory_space<hbm>>) dst(%dma_wait3A_2257 : memref<128xf32, #tpu.memory_space<vmem>>)
    %get3A_2263 = arith.constant 5888 : index
    %get3A_2264 = tpu.vector_load %arg6[%get3A_2263] {strides = array<i32>} : memref<6400xf32, #tpu.memory_space<vmem>>, vector<16xf32>,
    %get3A_2265 = vector.shape_cast %get3A_2264 : vector<16xf32> to vector<16xf32>
    %add3A_2266 = arith.addf %add3A_2226, %get3A_2265 : vector<16xf32>
    %get3A_2267 = arith.constant 5904 : index
    %get3A_2268 = tpu.vector_load %arg6[%get3A_2267] {strides = array<i32>} : memref<6400xf32, #tpu.memory_space<vmem>>, vector<16xf32>,
    %get3A_2269 = vector.shape_cast %get3A_2268 : vector<16xf32> to vector<16xf32>
    %add3A_2270 = arith.addf %add3A_2230, %get3A_2269 : vector<16xf32>
    %get3A_2271 = arith.constant 5920 : index
    %get3A_2272 = tpu.vector_load %arg6[%get3A_2271] {strides = array<i32>} : memref<6400xf32, #tpu.memory_space<vmem>>, vector<16xf32>,
    %get3A_2273 = vector.shape_cast %get3A_2272 : vector<16xf32> to vector<16xf32>
    %add3A_2274 = arith.addf %add3A_2234, %get3A_2273 : vector<16xf32>
    %get3A_2275 = arith.constant 5936 : index
    %get3A_2276 = tpu.vector_load %arg6[%get3A_2275] {strides = array<i32>} : memref<6400xf32, #tpu.memory_space<vmem>>, vector<16xf32>,
    %get3A_2277 = vector.shape_cast %get3A_2276 : vector<16xf32> to vector<16xf32>
    %add3A_2278 = arith.addf %add3A_2238, %get3A_2277 : vector<16xf32>
    %get3A_2279 = arith.constant 5952 : index
    %get3A_2280 = tpu.vector_load %arg6[%get3A_2279] {strides = array<i32>} : memref<6400xf32, #tpu.memory_space<vmem>>, vector<16xf32>,
    %get3A_2281 = vector.shape_cast %get3A_2280 : vector<16xf32> to vector<16xf32>
    %add3A_2282 = arith.addf %add3A_2242, %get3A_2281 : vector<16xf32>
    %get3A_2283 = arith.constant 5968 : index
    %get3A_2284 = tpu.vector_load %arg6[%get3A_2283] {strides = array<i32>} : memref<6400xf32, #tpu.memory_space<vmem>>, vector<16xf32>,
    %get3A_2285 = vector.shape_cast %get3A_2284 : vector<16xf32> to vector<16xf32>
    %add3A_2286 = arith.addf %add3A_2246, %get3A_2285 : vector<16xf32>
    %get3A_2287 = arith.constant 5984 : index
    %get3A_2288 = tpu.vector_load %arg6[%get3A_2287] {strides = array<i32>} : memref<6400xf32, #tpu.memory_space<vmem>>, vector<16xf32>,
    %get3A_2289 = vector.shape_cast %get3A_2288 : vector<16xf32> to vector<16xf32>
    %add3A_2290 = arith.addf %add3A_2250, %get3A_2289 : vector<16xf32>
    %get3A_2291 = arith.constant 6000 : index
    %get3A_2292 = tpu.vector_load %arg6[%get3A_2291] {strides = array<i32>} : memref<6400xf32, #tpu.memory_space<vmem>>, vector<16xf32>,
    %get3A_2293 = vector.shape_cast %get3A_2292 : vector<16xf32> to vector<16xf32>
    %add3A_2294 = arith.addf %add3A_2254, %get3A_2293 : vector<16xf32>
    %dma_wait3A_2295 = arith.constant 47 : i32
    %dma_wait3A_2296 = arith.constant 6016 : i32
    %dma_wait3A_2297 = tpu.memref_slice %arg6[%dma_wait3A_2296] : memref<6400xf32, #tpu.memory_space<vmem>> -> memref<128xf32, #tpu.memory_space<vmem>>
    %dma_wait3A_2298 = arith.constant 0 : i32
    %dma_wait3A_2299 = tpu.memref_slice %arg5[%dma_wait3A_2295, %dma_wait3A_2298] : memref<50x128xi32, #tpu.memory_space<vmem>> -> memref<1x128xi32, #tpu.memory_space<vmem>>
    %dma_wait3A_2300 = tpu.memref_squeeze %dma_wait3A_2299 : memref<1x128xi32, #tpu.memory_space<vmem>> -> memref<128xi32, #tpu.memory_space<vmem>>
    %dma_wait3A_2301 = arith.constant 0 : i32
    %dma_wait3A_2302 = tpu.memref_slice %arg3[%dma_wait3A_2301] : memref<100000xf32, #tpu.memory_space<hbm>> -> memref<100000xf32, #tpu.memory_space<hbm>>
    tpu.wait_indirect_dma semaphore(%arg8 : memref<!tpu.dma_semaphore, #tpu.memory_space<semaphore_mem>>) src(%dma_wait3A_2302 : memref<100000xf32, #tpu.memory_space<hbm>>) dst(%dma_wait3A_2297 : memref<128xf32, #tpu.memory_space<vmem>>)
    %get3A_2303 = arith.constant 6016 : index
    %get3A_2304 = tpu.vector_load %arg6[%get3A_2303] {strides = array<i32>} : memref<6400xf32, #tpu.memory_space<vmem>>, vector<16xf32>,
    %get3A_2305 = vector.shape_cast %get3A_2304 : vector<16xf32> to vector<16xf32>
    %add3A_2306 = arith.addf %add3A_2266, %get3A_2305 : vector<16xf32>
    %get3A_2307 = arith.constant 6032 : index
    %get3A_2308 = tpu.vector_load %arg6[%get3A_2307] {strides = array<i32>} : memref<6400xf32, #tpu.memory_space<vmem>>, vector<16xf32>,
    %get3A_2309 = vector.shape_cast %get3A_2308 : vector<16xf32> to vector<16xf32>
    %add3A_2310 = arith.addf %add3A_2270, %get3A_2309 : vector<16xf32>
    %get3A_2311 = arith.constant 6048 : index
    %get3A_2312 = tpu.vector_load %arg6[%get3A_2311] {strides = array<i32>} : memref<6400xf32, #tpu.memory_space<vmem>>, vector<16xf32>,
    %get3A_2313 = vector.shape_cast %get3A_2312 : vector<16xf32> to vector<16xf32>
    %add3A_2314 = arith.addf %add3A_2274, %get3A_2313 : vector<16xf32>
    %get3A_2315 = arith.constant 6064 : index
    %get3A_2316 = tpu.vector_load %arg6[%get3A_2315] {strides = array<i32>} : memref<6400xf32, #tpu.memory_space<vmem>>, vector<16xf32>,
    %get3A_2317 = vector.shape_cast %get3A_2316 : vector<16xf32> to vector<16xf32>
    %add3A_2318 = arith.addf %add3A_2278, %get3A_2317 : vector<16xf32>
    %get3A_2319 = arith.constant 6080 : index
    %get3A_2320 = tpu.vector_load %arg6[%get3A_2319] {strides = array<i32>} : memref<6400xf32, #tpu.memory_space<vmem>>, vector<16xf32>,
    %get3A_2321 = vector.shape_cast %get3A_2320 : vector<16xf32> to vector<16xf32>
    %add3A_2322 = arith.addf %add3A_2282, %get3A_2321 : vector<16xf32>
    %get3A_2323 = arith.constant 6096 : index
    %get3A_2324 = tpu.vector_load %arg6[%get3A_2323] {strides = array<i32>} : memref<6400xf32, #tpu.memory_space<vmem>>, vector<16xf32>,
    %get3A_2325 = vector.shape_cast %get3A_2324 : vector<16xf32> to vector<16xf32>
    %add3A_2326 = arith.addf %add3A_2286, %get3A_2325 : vector<16xf32>
    %get3A_2327 = arith.constant 6112 : index
    %get3A_2328 = tpu.vector_load %arg6[%get3A_2327] {strides = array<i32>} : memref<6400xf32, #tpu.memory_space<vmem>>, vector<16xf32>,
    %get3A_2329 = vector.shape_cast %get3A_2328 : vector<16xf32> to vector<16xf32>
    %add3A_2330 = arith.addf %add3A_2290, %get3A_2329 : vector<16xf32>
    %get3A_2331 = arith.constant 6128 : index
    %get3A_2332 = tpu.vector_load %arg6[%get3A_2331] {strides = array<i32>} : memref<6400xf32, #tpu.memory_space<vmem>>, vector<16xf32>,
    %get3A_2333 = vector.shape_cast %get3A_2332 : vector<16xf32> to vector<16xf32>
    %add3A_2334 = arith.addf %add3A_2294, %get3A_2333 : vector<16xf32>
    %dma_wait3A_2335 = arith.constant 48 : i32
    %dma_wait3A_2336 = arith.constant 6144 : i32
    %dma_wait3A_2337 = tpu.memref_slice %arg6[%dma_wait3A_2336] : memref<6400xf32, #tpu.memory_space<vmem>> -> memref<128xf32, #tpu.memory_space<vmem>>
    %dma_wait3A_2338 = arith.constant 0 : i32
    %dma_wait3A_2339 = tpu.memref_slice %arg5[%dma_wait3A_2335, %dma_wait3A_2338] : memref<50x128xi32, #tpu.memory_space<vmem>> -> memref<1x128xi32, #tpu.memory_space<vmem>>
    %dma_wait3A_2340 = tpu.memref_squeeze %dma_wait3A_2339 : memref<1x128xi32, #tpu.memory_space<vmem>> -> memref<128xi32, #tpu.memory_space<vmem>>
    %dma_wait3A_2341 = arith.constant 0 : i32
    %dma_wait3A_2342 = tpu.memref_slice %arg3[%dma_wait3A_2341] : memref<100000xf32, #tpu.memory_space<hbm>> -> memref<100000xf32, #tpu.memory_space<hbm>>
    tpu.wait_indirect_dma semaphore(%arg8 : memref<!tpu.dma_semaphore, #tpu.memory_space<semaphore_mem>>) src(%dma_wait3A_2342 : memref<100000xf32, #tpu.memory_space<hbm>>) dst(%dma_wait3A_2337 : memref<128xf32, #tpu.memory_space<vmem>>)
    %get3A_2343 = arith.constant 6144 : index
    %get3A_2344 = tpu.vector_load %arg6[%get3A_2343] {strides = array<i32>} : memref<6400xf32, #tpu.memory_space<vmem>>, vector<16xf32>,
    %get3A_2345 = vector.shape_cast %get3A_2344 : vector<16xf32> to vector<16xf32>
    %add3A_2346 = arith.addf %add3A_2306, %get3A_2345 : vector<16xf32>
    %get3A_2347 = arith.constant 6160 : index
    %get3A_2348 = tpu.vector_load %arg6[%get3A_2347] {strides = array<i32>} : memref<6400xf32, #tpu.memory_space<vmem>>, vector<16xf32>,
    %get3A_2349 = vector.shape_cast %get3A_2348 : vector<16xf32> to vector<16xf32>
    %add3A_2350 = arith.addf %add3A_2310, %get3A_2349 : vector<16xf32>
    %get3A_2351 = arith.constant 6176 : index
    %get3A_2352 = tpu.vector_load %arg6[%get3A_2351] {strides = array<i32>} : memref<6400xf32, #tpu.memory_space<vmem>>, vector<16xf32>,
    %get3A_2353 = vector.shape_cast %get3A_2352 : vector<16xf32> to vector<16xf32>
    %add3A_2354 = arith.addf %add3A_2314, %get3A_2353 : vector<16xf32>
    %get3A_2355 = arith.constant 6192 : index
    %get3A_2356 = tpu.vector_load %arg6[%get3A_2355] {strides = array<i32>} : memref<6400xf32, #tpu.memory_space<vmem>>, vector<16xf32>,
    %get3A_2357 = vector.shape_cast %get3A_2356 : vector<16xf32> to vector<16xf32>
    %add3A_2358 = arith.addf %add3A_2318, %get3A_2357 : vector<16xf32>
    %get3A_2359 = arith.constant 6208 : index
    %get3A_2360 = tpu.vector_load %arg6[%get3A_2359] {strides = array<i32>} : memref<6400xf32, #tpu.memory_space<vmem>>, vector<16xf32>,
    %get3A_2361 = vector.shape_cast %get3A_2360 : vector<16xf32> to vector<16xf32>
    %add3A_2362 = arith.addf %add3A_2322, %get3A_2361 : vector<16xf32>
    %get3A_2363 = arith.constant 6224 : index
    %get3A_2364 = tpu.vector_load %arg6[%get3A_2363] {strides = array<i32>} : memref<6400xf32, #tpu.memory_space<vmem>>, vector<16xf32>,
    %get3A_2365 = vector.shape_cast %get3A_2364 : vector<16xf32> to vector<16xf32>
    %add3A_2366 = arith.addf %add3A_2326, %get3A_2365 : vector<16xf32>
    %get3A_2367 = arith.constant 6240 : index
    %get3A_2368 = tpu.vector_load %arg6[%get3A_2367] {strides = array<i32>} : memref<6400xf32, #tpu.memory_space<vmem>>, vector<16xf32>,
    %get3A_2369 = vector.shape_cast %get3A_2368 : vector<16xf32> to vector<16xf32>
    %add3A_2370 = arith.addf %add3A_2330, %get3A_2369 : vector<16xf32>
    %get3A_2371 = arith.constant 6256 : index
    %get3A_2372 = tpu.vector_load %arg6[%get3A_2371] {strides = array<i32>} : memref<6400xf32, #tpu.memory_space<vmem>>, vector<16xf32>,
    %get3A_2373 = vector.shape_cast %get3A_2372 : vector<16xf32> to vector<16xf32>
    %add3A_2374 = arith.addf %add3A_2334, %get3A_2373 : vector<16xf32>
    %dma_wait3A_2375 = arith.constant 49 : i32
    %dma_wait3A_2376 = arith.constant 6272 : i32
    %dma_wait3A_2377 = tpu.memref_slice %arg6[%dma_wait3A_2376] : memref<6400xf32, #tpu.memory_space<vmem>> -> memref<128xf32, #tpu.memory_space<vmem>>
    %dma_wait3A_2378 = arith.constant 0 : i32
    %dma_wait3A_2379 = tpu.memref_slice %arg5[%dma_wait3A_2375, %dma_wait3A_2378] : memref<50x128xi32, #tpu.memory_space<vmem>> -> memref<1x128xi32, #tpu.memory_space<vmem>>
    %dma_wait3A_2380 = tpu.memref_squeeze %dma_wait3A_2379 : memref<1x128xi32, #tpu.memory_space<vmem>> -> memref<128xi32, #tpu.memory_space<vmem>>
    %dma_wait3A_2381 = arith.constant 0 : i32
    %dma_wait3A_2382 = tpu.memref_slice %arg3[%dma_wait3A_2381] : memref<100000xf32, #tpu.memory_space<hbm>> -> memref<100000xf32, #tpu.memory_space<hbm>>
    tpu.wait_indirect_dma semaphore(%arg8 : memref<!tpu.dma_semaphore, #tpu.memory_space<semaphore_mem>>) src(%dma_wait3A_2382 : memref<100000xf32, #tpu.memory_space<hbm>>) dst(%dma_wait3A_2377 : memref<128xf32, #tpu.memory_space<vmem>>)
    %get3A_2383 = arith.constant 6272 : index
    %get3A_2384 = tpu.vector_load %arg6[%get3A_2383] {strides = array<i32>} : memref<6400xf32, #tpu.memory_space<vmem>>, vector<16xf32>,
    %get3A_2385 = vector.shape_cast %get3A_2384 : vector<16xf32> to vector<16xf32>
    %add3A_2386 = arith.addf %add3A_2346, %get3A_2385 : vector<16xf32>
    %get3A_2387 = arith.constant 6288 : index
    %get3A_2388 = tpu.vector_load %arg6[%get3A_2387] {strides = array<i32>} : memref<6400xf32, #tpu.memory_space<vmem>>, vector<16xf32>,
    %get3A_2389 = vector.shape_cast %get3A_2388 : vector<16xf32> to vector<16xf32>
    %add3A_2390 = arith.addf %add3A_2350, %get3A_2389 : vector<16xf32>
    %get3A_2391 = arith.constant 6304 : index
    %get3A_2392 = tpu.vector_load %arg6[%get3A_2391] {strides = array<i32>} : memref<6400xf32, #tpu.memory_space<vmem>>, vector<16xf32>,
    %get3A_2393 = vector.shape_cast %get3A_2392 : vector<16xf32> to vector<16xf32>
    %add3A_2394 = arith.addf %add3A_2354, %get3A_2393 : vector<16xf32>
    %get3A_2395 = arith.constant 6320 : index
    %get3A_2396 = tpu.vector_load %arg6[%get3A_2395] {strides = array<i32>} : memref<6400xf32, #tpu.memory_space<vmem>>, vector<16xf32>,
    %get3A_2397 = vector.shape_cast %get3A_2396 : vector<16xf32> to vector<16xf32>
    %add3A_2398 = arith.addf %add3A_2358, %get3A_2397 : vector<16xf32>
    %get3A_2399 = arith.constant 6336 : index
    %get3A_2400 = tpu.vector_load %arg6[%get3A_2399] {strides = array<i32>} : memref<6400xf32, #tpu.memory_space<vmem>>, vector<16xf32>,
    %get3A_2401 = vector.shape_cast %get3A_2400 : vector<16xf32> to vector<16xf32>
    %add3A_2402 = arith.addf %add3A_2362, %get3A_2401 : vector<16xf32>
    %get3A_2403 = arith.constant 6352 : index
    %get3A_2404 = tpu.vector_load %arg6[%get3A_2403] {strides = array<i32>} : memref<6400xf32, #tpu.memory_space<vmem>>, vector<16xf32>,
    %get3A_2405 = vector.shape_cast %get3A_2404 : vector<16xf32> to vector<16xf32>
    %add3A_2406 = arith.addf %add3A_2366, %get3A_2405 : vector<16xf32>
    %get3A_2407 = arith.constant 6368 : index
    %get3A_2408 = tpu.vector_load %arg6[%get3A_2407] {strides = array<i32>} : memref<6400xf32, #tpu.memory_space<vmem>>, vector<16xf32>,
    %get3A_2409 = vector.shape_cast %get3A_2408 : vector<16xf32> to vector<16xf32>
    %add3A_2410 = arith.addf %add3A_2370, %get3A_2409 : vector<16xf32>
    %get3A_2411 = arith.constant 6384 : index
    %get3A_2412 = tpu.vector_load %arg6[%get3A_2411] {strides = array<i32>} : memref<6400xf32, #tpu.memory_space<vmem>>, vector<16xf32>,
    %get3A_2413 = vector.shape_cast %get3A_2412 : vector<16xf32> to vector<16xf32>
    %add3A_2414 = arith.addf %add3A_2374, %get3A_2413 : vector<16xf32>
    %mul3A_2415 = arith.constant -2.000000e-02 : f32
    %mul3A_2416 = vector.broadcast %mul3A_2415 : f32 to vector<16xf32>
    %mul3A_2417 = arith.mulf %add3A_2386, %mul3A_2416 : vector<16xf32>
    %exp3A = math.exp %mul3A_2417 : vector<16xf32>
    %add3A_2418 = arith.constant 1.000000e+00 : f32
    %add3A_2419 = vector.broadcast %add3A_2418 : f32 to vector<16xf32>
    %add3A_2420 = arith.addf %add3A_2419, %exp3A : vector<16xf32>
    %div3A = arith.constant 1.000000e+00 : f32
    %div3A_2421 = vector.broadcast %div3A : f32 to vector<16xf32>
    %div3A_2422 = arith.divf %div3A_2421, %add3A_2420 : vector<16xf32>
    %swap3A = arith.constant 0 : index
    %swap3A_2423 = tpu.vector_load %arg7[%swap3A] {strides = array<i32>} : memref<128xf32, #tpu.memory_space<vmem>>, vector<16xf32>,
    %swap3A_2424 = vector.shape_cast %swap3A_2423 : vector<16xf32> to vector<16xf32>
    %swap3A_2425 = vector.shape_cast %div3A_2422 : vector<16xf32> to vector<16xf32>
    tpu.vector_store %arg7[%swap3A], %swap3A_2425 {strides = array<i32>} : memref<128xf32, #tpu.memory_space<vmem>>, vector<16xf32>,
    %mul3A_2426 = arith.constant -2.000000e-02 : f32
    %mul3A_2427 = vector.broadcast %mul3A_2426 : f32 to vector<16xf32>
    %mul3A_2428 = arith.mulf %add3A_2390, %mul3A_2427 : vector<16xf32>
    %exp3A_2429 = math.exp %mul3A_2428 : vector<16xf32>
    %add3A_2430 = arith.constant 1.000000e+00 : f32
    %add3A_2431 = vector.broadcast %add3A_2430 : f32 to vector<16xf32>
    %add3A_2432 = arith.addf %add3A_2431, %exp3A_2429 : vector<16xf32>
    %div3A_2433 = arith.constant 1.000000e+00 : f32
    %div3A_2434 = vector.broadcast %div3A_2433 : f32 to vector<16xf32>
    %div3A_2435 = arith.divf %div3A_2434, %add3A_2432 : vector<16xf32>
    %swap3A_2436 = arith.constant 16 : index
    %swap3A_2437 = tpu.vector_load %arg7[%swap3A_2436] {strides = array<i32>} : memref<128xf32, #tpu.memory_space<vmem>>, vector<16xf32>,
    %swap3A_2438 = vector.shape_cast %swap3A_2437 : vector<16xf32> to vector<16xf32>
    %swap3A_2439 = vector.shape_cast %div3A_2435 : vector<16xf32> to vector<16xf32>
    tpu.vector_store %arg7[%swap3A_2436], %swap3A_2439 {strides = array<i32>} : memref<128xf32, #tpu.memory_space<vmem>>, vector<16xf32>,
    %mul3A_2440 = arith.constant -2.000000e-02 : f32
    %mul3A_2441 = vector.broadcast %mul3A_2440 : f32 to vector<16xf32>
    %mul3A_2442 = arith.mulf %add3A_2394, %mul3A_2441 : vector<16xf32>
    %exp3A_2443 = math.exp %mul3A_2442 : vector<16xf32>
    %add3A_2444 = arith.constant 1.000000e+00 : f32
    %add3A_2445 = vector.broadcast %add3A_2444 : f32 to vector<16xf32>
    %add3A_2446 = arith.addf %add3A_2445, %exp3A_2443 : vector<16xf32>
    %div3A_2447 = arith.constant 1.000000e+00 : f32
    %div3A_2448 = vector.broadcast %div3A_2447 : f32 to vector<16xf32>
    %div3A_2449 = arith.divf %div3A_2448, %add3A_2446 : vector<16xf32>
    %swap3A_2450 = arith.constant 32 : index
    %swap3A_2451 = tpu.vector_load %arg7[%swap3A_2450] {strides = array<i32>} : memref<128xf32, #tpu.memory_space<vmem>>, vector<16xf32>,
    %swap3A_2452 = vector.shape_cast %swap3A_2451 : vector<16xf32> to vector<16xf32>
    %swap3A_2453 = vector.shape_cast %div3A_2449 : vector<16xf32> to vector<16xf32>
    tpu.vector_store %arg7[%swap3A_2450], %swap3A_2453 {strides = array<i32>} : memref<128xf32, #tpu.memory_space<vmem>>, vector<16xf32>,
    %mul3A_2454 = arith.constant -2.000000e-02 : f32
    %mul3A_2455 = vector.broadcast %mul3A_2454 : f32 to vector<16xf32>
    %mul3A_2456 = arith.mulf %add3A_2398, %mul3A_2455 : vector<16xf32>
    %exp3A_2457 = math.exp %mul3A_2456 : vector<16xf32>
    %add3A_2458 = arith.constant 1.000000e+00 : f32
    %add3A_2459 = vector.broadcast %add3A_2458 : f32 to vector<16xf32>
    %add3A_2460 = arith.addf %add3A_2459, %exp3A_2457 : vector<16xf32>
    %div3A_2461 = arith.constant 1.000000e+00 : f32
    %div3A_2462 = vector.broadcast %div3A_2461 : f32 to vector<16xf32>
    %div3A_2463 = arith.divf %div3A_2462, %add3A_2460 : vector<16xf32>
    %swap3A_2464 = arith.constant 48 : index
    %swap3A_2465 = tpu.vector_load %arg7[%swap3A_2464] {strides = array<i32>} : memref<128xf32, #tpu.memory_space<vmem>>, vector<16xf32>,
    %swap3A_2466 = vector.shape_cast %swap3A_2465 : vector<16xf32> to vector<16xf32>
    %swap3A_2467 = vector.shape_cast %div3A_2463 : vector<16xf32> to vector<16xf32>
    tpu.vector_store %arg7[%swap3A_2464], %swap3A_2467 {strides = array<i32>} : memref<128xf32, #tpu.memory_space<vmem>>, vector<16xf32>,
    %mul3A_2468 = arith.constant -2.000000e-02 : f32
    %mul3A_2469 = vector.broadcast %mul3A_2468 : f32 to vector<16xf32>
    %mul3A_2470 = arith.mulf %add3A_2402, %mul3A_2469 : vector<16xf32>
    %exp3A_2471 = math.exp %mul3A_2470 : vector<16xf32>
    %add3A_2472 = arith.constant 1.000000e+00 : f32
    %add3A_2473 = vector.broadcast %add3A_2472 : f32 to vector<16xf32>
    %add3A_2474 = arith.addf %add3A_2473, %exp3A_2471 : vector<16xf32>
    %div3A_2475 = arith.constant 1.000000e+00 : f32
    %div3A_2476 = vector.broadcast %div3A_2475 : f32 to vector<16xf32>
    %div3A_2477 = arith.divf %div3A_2476, %add3A_2474 : vector<16xf32>
    %swap3A_2478 = arith.constant 64 : index
    %swap3A_2479 = tpu.vector_load %arg7[%swap3A_2478] {strides = array<i32>} : memref<128xf32, #tpu.memory_space<vmem>>, vector<16xf32>,
    %swap3A_2480 = vector.shape_cast %swap3A_2479 : vector<16xf32> to vector<16xf32>
    %swap3A_2481 = vector.shape_cast %div3A_2477 : vector<16xf32> to vector<16xf32>
    tpu.vector_store %arg7[%swap3A_2478], %swap3A_2481 {strides = array<i32>} : memref<128xf32, #tpu.memory_space<vmem>>, vector<16xf32>,
    %mul3A_2482 = arith.constant -2.000000e-02 : f32
    %mul3A_2483 = vector.broadcast %mul3A_2482 : f32 to vector<16xf32>
    %mul3A_2484 = arith.mulf %add3A_2406, %mul3A_2483 : vector<16xf32>
    %exp3A_2485 = math.exp %mul3A_2484 : vector<16xf32>
    %add3A_2486 = arith.constant 1.000000e+00 : f32
    %add3A_2487 = vector.broadcast %add3A_2486 : f32 to vector<16xf32>
    %add3A_2488 = arith.addf %add3A_2487, %exp3A_2485 : vector<16xf32>
    %div3A_2489 = arith.constant 1.000000e+00 : f32
    %div3A_2490 = vector.broadcast %div3A_2489 : f32 to vector<16xf32>
    %div3A_2491 = arith.divf %div3A_2490, %add3A_2488 : vector<16xf32>
    %swap3A_2492 = arith.constant 80 : index
    %swap3A_2493 = tpu.vector_load %arg7[%swap3A_2492] {strides = array<i32>} : memref<128xf32, #tpu.memory_space<vmem>>, vector<16xf32>,
    %swap3A_2494 = vector.shape_cast %swap3A_2493 : vector<16xf32> to vector<16xf32>
    %swap3A_2495 = vector.shape_cast %div3A_2491 : vector<16xf32> to vector<16xf32>
    tpu.vector_store %arg7[%swap3A_2492], %swap3A_2495 {strides = array<i32>} : memref<128xf32, #tpu.memory_space<vmem>>, vector<16xf32>,
    %mul3A_2496 = arith.constant -2.000000e-02 : f32
    %mul3A_2497 = vector.broadcast %mul3A_2496 : f32 to vector<16xf32>
    %mul3A_2498 = arith.mulf %add3A_2410, %mul3A_2497 : vector<16xf32>
    %exp3A_2499 = math.exp %mul3A_2498 : vector<16xf32>
    %add3A_2500 = arith.constant 1.000000e+00 : f32
    %add3A_2501 = vector.broadcast %add3A_2500 : f32 to vector<16xf32>
    %add3A_2502 = arith.addf %add3A_2501, %exp3A_2499 : vector<16xf32>
    %div3A_2503 = arith.constant 1.000000e+00 : f32
    %div3A_2504 = vector.broadcast %div3A_2503 : f32 to vector<16xf32>
    %div3A_2505 = arith.divf %div3A_2504, %add3A_2502 : vector<16xf32>
    %swap3A_2506 = arith.constant 96 : index
    %swap3A_2507 = tpu.vector_load %arg7[%swap3A_2506] {strides = array<i32>} : memref<128xf32, #tpu.memory_space<vmem>>, vector<16xf32>,
    %swap3A_2508 = vector.shape_cast %swap3A_2507 : vector<16xf32> to vector<16xf32>
    %swap3A_2509 = vector.shape_cast %div3A_2505 : vector<16xf32> to vector<16xf32>
    tpu.vector_store %arg7[%swap3A_2506], %swap3A_2509 {strides = array<i32>} : memref<128xf32, #tpu.memory_space<vmem>>, vector<16xf32>,
    %mul3A_2510 = arith.constant -2.000000e-02 : f32
    %mul3A_2511 = vector.broadcast %mul3A_2510 : f32 to vector<16xf32>
    %mul3A_2512 = arith.mulf %add3A_2414, %mul3A_2511 : vector<16xf32>
    %exp3A_2513 = math.exp %mul3A_2512 : vector<16xf32>
    %add3A_2514 = arith.constant 1.000000e+00 : f32
    %add3A_2515 = vector.broadcast %add3A_2514 : f32 to vector<16xf32>
    %add3A_2516 = arith.addf %add3A_2515, %exp3A_2513 : vector<16xf32>
    %div3A_2517 = arith.constant 1.000000e+00 : f32
    %div3A_2518 = vector.broadcast %div3A_2517 : f32 to vector<16xf32>
    %div3A_2519 = arith.divf %div3A_2518, %add3A_2516 : vector<16xf32>
    %swap3A_2520 = arith.constant 112 : index
    %swap3A_2521 = tpu.vector_load %arg7[%swap3A_2520] {strides = array<i32>} : memref<128xf32, #tpu.memory_space<vmem>>, vector<16xf32>,
    %swap3A_2522 = vector.shape_cast %swap3A_2521 : vector<16xf32> to vector<16xf32>
    %swap3A_2523 = vector.shape_cast %div3A_2519 : vector<16xf32> to vector<16xf32>
    tpu.vector_store %arg7[%swap3A_2520], %swap3A_2523 {strides = array<i32>} : memref<128xf32, #tpu.memory_space<vmem>>, vector<16xf32>,
    %mul3A_2524 = arith.constant 128 : i32
    %mul3A_2525 = arith.muli %add3A, %mul3A_2524 : i32
    "tpu.region"() ({
      %run_scoped3A = tpu.sem_alloc : memref<!tpu.dma_semaphore, #tpu.memory_space<semaphore_mem>>
      %dma_start3A_2526 = tpu.memref_slice %arg4[%mul3A_2525] : memref<4096xf32, #tpu.memory_space<hbm>> -> memref<128xf32, #tpu.memory_space<hbm>>
      %dma_start3A_2527 = tpu.memref_slice %arg4[%mul3A_2525] : memref<4096xf32, #tpu.memory_space<hbm>> -> memref<128xf32, #tpu.memory_space<hbm>>
      tpu.enqueue_dma source(%arg7 : memref<128xf32, #tpu.memory_space<vmem>>) target(%dma_start3A_2527 : memref<128xf32, #tpu.memory_space<hbm>>) target_semaphore(%run_scoped3A : memref<!tpu.dma_semaphore, #tpu.memory_space<semaphore_mem>>)
      %dma_wait3A_2528 = tpu.memref_slice %arg4[%mul3A_2525] : memref<4096xf32, #tpu.memory_space<hbm>> -> memref<128xf32, #tpu.memory_space<hbm>>
      %dma_wait3A_2529 = tpu.memref_slice %arg4[%mul3A_2525] : memref<4096xf32, #tpu.memory_space<hbm>> -> memref<128xf32, #tpu.memory_space<hbm>>
      tpu.wait_dma2 semaphore(%run_scoped3A : memref<!tpu.dma_semaphore, #tpu.memory_space<semaphore_mem>>) src(%arg7 : memref<128xf32, #tpu.memory_space<vmem>>) dst(%dma_wait3A_2529 : memref<128xf32, #tpu.memory_space<hbm>>)
      tpu.yield
    }) : () -> ()
    return
  }
}

module attributes {stable_mosaic.version = 14 : i64} {
  func.func @_matvec_body(%arg0: i32, %arg1: memref<20x32768xf32, #tpu.memory_space<vmem>>, %arg2: memref<1x20xf32, #tpu.memory_space<vmem>>, %arg3: memref<1xf32, #tpu.memory_space<smem>>, %arg4: memref<32768xf32, #tpu.memory_space<vmem>>) attributes {dimension_semantics = [#tpu.dimension_semantics<arbitrary>], iteration_bounds = array<i64: 4>, scalar_prefetch = 0 : i64, scratch_operands = 0 : i64, tpu.core_type = #tpu.core_type<tc>, window_params = [{transform_indices = @transform_0, window_bounds = array<i64: 20, 32768>}, {pipeline_mode = #tpu.pipeline_mode<synchronous>, transform_indices = @transform_1, window_bounds = array<i64: 1, 20>}, {transform_indices = @transform_2, window_bounds = array<i64: 1>}, {transform_indices = @transform_3, window_bounds = array<i64: 32768>}]} {
    %get3A = arith.constant 0 : index
    %get3A_0 = arith.constant 0 : index
    %get3A_1 = vector.load %arg2[%get3A, %get3A_0] : memref<1x20xf32, #tpu.memory_space<vmem>>, vector<1x20xf32>
    %get3A_2 = arith.constant 0 : index
    %get3A_3 = arith.constant 0 : index
    %get3A_4 = vector.load %arg1[%get3A_2, %get3A_3] : memref<20x32768xf32, #tpu.memory_space<vmem>>, vector<20x32768xf32>
    %dot_general3A = arith.constant dense<0.000000e+00> : vector<1x32768xf32>
    %dot_general3A_5 = tpu.matmul %get3A_1, %get3A_4, %dot_general3A {dimension_numbers = #tpu.dot_dimension_numbers<[1], [0], [0], [1], [0, 0, 1, 1], [], []>, transpose_lhs_hint = false} : vector<1x20xf32>, vector<20x32768xf32>, vector<1x32768xf32> -> vector<1x32768xf32>
    %squeeze3A = vector.shape_cast %dot_general3A_5 : vector<1x32768xf32> to vector<32768xf32>
    %get3A_6 = arith.constant 0 : index
    %get3A_7 = memref.load %arg3[%get3A_6] : memref<1xf32, #tpu.memory_space<smem>>
    %add3A = vector.broadcast %get3A_7 : f32 to vector<32768xf32>
    %add3A_8 = arith.addf %squeeze3A, %add3A : vector<32768xf32>
    %swap3A = arith.constant 0 : index
    %swap3A_9 = vector.load %arg4[%swap3A] : memref<32768xf32, #tpu.memory_space<vmem>>, vector<32768xf32>
    tpu.vector_store %arg4[%swap3A], %add3A_8 {strides = array<i32>} : memref<32768xf32, #tpu.memory_space<vmem>>, vector<32768xf32>,
    return
  }
  func.func @transform_0(%arg0: i32) -> (i32, i32) {
    %c0_i32 = arith.constant 0 : i32
    %c0_i32_0 = arith.constant 0 : i32
    return %c0_i32, %arg0 : i32, i32
  }
  func.func @transform_1(%arg0: i32) -> (i32, i32) {
    %c0_i32 = arith.constant 0 : i32
    %c0_i32_0 = arith.constant 0 : i32
    %c0_i32_1 = arith.constant 0 : i32
    return %c0_i32, %c0_i32_0 : i32, i32
  }
  func.func @transform_2(%arg0: i32) -> i32 {
    %c0_i32 = arith.constant 0 : i32
    %c0_i32_0 = arith.constant 0 : i32
    return %c0_i32 : i32
  }
  func.func @transform_3(%arg0: i32) -> i32 {
    %c0_i32 = arith.constant 0 : i32
    return %arg0 : i32
  }
}

</mosaic_0001>

<sc_bundles>
// kernel: kernel.4.cloned.1.call-start
scs
__scs_entry_jumppad:
0x0: {  	(pc) =	sbr.rel $0x88, $3  }
0x1: {  	(tag) =	ssettag $0x0;
	lr =	simm.s32 $0x1  }
0x2: {  	[smem:$0x3F9D] =	sst lr;
	_ =	strace $0xD0000000  }
0x3: {  	_ = 	snop  }
0x4: {  	_ = 	snop  }
0x5: {  	_ = 	snop  }
0x6: {  	_ = 	snop  }
0x7: {  	_ = 	snop  }
__scs_overlays_trampoline_lowered:
0x8: {  	[smem:$0x3FAC] =	sst s0  }
0x9: {  	[smem:$0x3FAD] =	sst s1  }
0xa: {  	[smem:$0x3FAE] =	sst s2  }
0xb: {  	[smem:$0x3FAF] =	sst s3  }
0xc: {  	[smem:$0x3FB0] =	sst s4  }
0xd: {  	[smem:$0x3FB1] =	sst s5  }
0xe: {  	[smem:$0x3FB2] =	sst s6  }
0xf: {  	[smem:$0x3FB3] =	sst s7  }
0x10: {  	[smem:$0x3FB4] =	sst s8  }
0x11: {  	[smem:$0x3FB5] =	sst s9;
	s0 =	simm.s32 @!p0 $0x0  }
0x12: {  	s1 =	sld [smem:$0x3F9B];
	s0 =	simm.s32 @p0 $0x1  }
0x13: {  	[smem:$0x3FB6] =	sst s0;
	s0 =	simm.s32 @!p1 $0x0  }
0x14: {  	s2 =	sld [smem:$0x3F9A];
	s0 =	simm.s32 @p1 $0x1  }
0x15: {  	[smem:$0x3FB7] =	sst s0;
	s0 =	simm.s32 @!p2 $0x0  }
0x16: {  	s3 =	sld [smem:$0x3FDB];
	s0 =	simm.s32 @p2 $0x1  }
0x17: {  	s4 =	simm.s32 $0x1BF5;
	[smem:$0x3FB9] =	sst s0  }
0x18: {  	s0 =	sld [smem:$0x3F9C];
	_ =	swait.ge [sflag:s4], $0x0  }
0x19: {  	s7 =	sld [smem:$0x3F9D]  }
0x1a: {  	s8 =	sadd.s32 $0xFFFFE003, lr  }
0x1b: {  	s9 =	sadd.s32 $0xFFFFFEF7, lr;
	s5 =	simm.s32 $0xFFFFFFFF;
	p2 =	slt.u32 s8, $0xFFFFF086  }
0x1c: {  	p1 =	slt.u32 s9, $0xF7A;
	s5 =	simm.s32 @!p2 $0x0  }
0x1d: {  	s5 =	simm.s32 @p1 $0x1;
	p0 =	seq.s32 s7, s2  }
0x1e: {  	s7 =	smul.u32 @!p0 $0xF7A, s2;
	p2 =	seq.s32 @!p0 s5, $0x0  }
0x1f: {  	s9 =	smul.u32 $0xF7A, s1;
	s8 =	simm.s32 @!p0 $0x1BF5;
	p2 =	por !p2, p0  }
0x20: {  	[sflag:s8] =	ssyncset.s32 @!p0 $0xFFFFF086;
	s6 =	sadd.s32 @!p0 s3, s7;
	s7 =	simm.s32 @!p0 $0x108  }
0x21: {  	s3 =	sadd.s32 s3, s9;
	s6 =	sadd.s32 @!p0 $0x88, s6;
	s7 =	simm.s32 @p2 $0x1082  }
0x22: {  	[simem:s7], [sflag:s8] =	dma.local @!p0 [hbm:s6], $0xF7A  }
0x23: {  	s9 =	sor.u32 $0xD0000000, s2;
	s6 =	simm.s32 $0x108;
	_ =	swait.ge @!p0 [sflag:s8], $0x0  }
0x24: {  	s3 =	sadd.s32 $0x88, s3;
	s6 =	simm.s32 @!p1 $0x1082;
	[sflag:s4] =	ssyncset.s32 $0xFFFFF086  }
0x25: {  	[simem:s6], [sflag:s4] =	dma.local [hbm:s3], $0xF7A  }
0x26: {  	[smem:$0x3F9D] =	sst s1;
	(tag) =	ssettag s2;
	_ =	strace s9  }
0x27: {  	s1 =	sld [smem:$0x3FAD]  }
0x28: {  	s2 =	sld [smem:$0x3FAE]  }
0x29: {  	s4 =	sld [smem:$0x3FB0]  }
0x2a: {  	p0 =	seq.s32 s5, $0x0;
	s5 =	sld [smem:$0x3FB1]  }
0x2b: {  	s6 =	sld [smem:$0x3FB2]  }
0x2c: {  	s7 =	sld [smem:$0x3FB3]  }
0x2d: {  	s3 =	simm.s32 $0x108;
	s8 =	sld [smem:$0x3FB4]  }
0x2e: {  	s3 =	simm.s32 @!p0 $0x1082;
	s9 =	sld [smem:$0x3FB5]  }
0x2f: {  	lr =	sadd.s32 s0, s3;
	s0 =	sld [smem:$0x3FAC]  }
0x30: {  	s3 =	sld [smem:$0x3FAF]  }
0x31: {  	[smem:$0x3FB8] =	sst s10  }
0x32: {  	s10 =	sld [smem:$0x3FB6];
	_ =	sdelay $0x3  }
0x33: {  	p0 =	seq.s32 s10, $0x1;
	s10 =	sld [smem:$0x3FB8];
	_ =	sdelay $0x3  }
0x34: {  	[smem:$0x3FB8] =	sst s10  }
0x35: {  	s10 =	sld [smem:$0x3FB7];
	_ =	sdelay $0x3  }
0x36: {  	p1 =	seq.s32 s10, $0x1;
	s10 =	sld [smem:$0x3FB8];
	_ =	sdelay $0x3  }
0x37: {  	[smem:$0x3FB8] =	sst s10  }
0x38: {  	s10 =	sld [smem:$0x3FB9]  }
0x39: {  	_ = 	snop;
	(pc) =	sbr.ind lr, $3  }
0x3a: {  	_ = 	snop  }
0x3b: {  	_ = 	snop  }
0x3c: {  	p2 =	seq.s32 s10, $0x1;
	s10 =	sld [smem:$0x3FB8]  }
0x3d: {  	_ =	shalt  }
0x3e: {  	_ =	shalt  }
0x3f: {  	_ =	shalt  }
0x40: {  	_ =	shalt  }
0x41: {  	_ =	shalt  }
0x42: {  	_ =	shalt  }
0x43: {  	_ =	shalt  }
0x44: {  	_ =	shalt  }
0x45: {  	_ =	shalt  }
0x46: {  	_ =	shalt  }
0x47: {  	_ =	shalt  }
0x48: {  	_ =	shalt  }
0x49: {  	_ =	shalt  }
0x4a: {  	_ =	shalt  }
0x4b: {  	_ =	shalt  }
0x4c: {  	_ =	shalt  }
0x4d: {  	_ =	shalt  }
0x4e: {  	_ =	shalt  }
0x4f: {  	_ =	shalt  }
0x50: {  	_ =	shalt  }
0x51: {  	_ =	shalt  }
0x52: {  	_ =	shalt  }
0x53: {  	_ =	shalt  }
0x54: {  	_ =	shalt  }
0x55: {  	_ =	shalt  }
0x56: {  	_ =	shalt  }
0x57: {  	_ =	shalt  }
0x58: {  	_ =	shalt  }
0x59: {  	_ =	shalt  }
0x5a: {  	_ =	shalt  }
0x5b: {  	_ =	shalt  }
0x5c: {  	_ =	shalt  }
0x5d: {  	_ =	shalt  }
0x5e: {  	_ =	shalt  }
0x5f: {  	_ =	shalt  }
0x60: {  	_ =	shalt  }
0x61: {  	_ =	shalt  }
0x62: {  	_ =	shalt  }
0x63: {  	_ =	shalt  }
0x64: {  	_ =	shalt  }
0x65: {  	_ =	shalt  }
0x66: {  	_ =	shalt  }
0x67: {  	_ =	shalt  }
0x68: {  	_ =	shalt  }
0x69: {  	_ =	shalt  }
0x6a: {  	_ =	shalt  }
0x6b: {  	_ =	shalt  }
0x6c: {  	_ =	shalt  }
0x6d: {  	_ =	shalt  }
0x6e: {  	_ =	shalt  }
0x6f: {  	_ =	shalt  }
0x70: {  	_ =	shalt  }
0x71: {  	_ =	shalt  }
0x72: {  	_ =	shalt  }
0x73: {  	_ =	shalt  }
0x74: {  	_ =	shalt  }
0x75: {  	_ =	shalt  }
0x76: {  	_ =	shalt  }
0x77: {  	_ =	shalt  }
0x78: {  	_ =	shalt  }
0x79: {  	_ =	shalt  }
0x7a: {  	_ =	shalt  }
0x7b: {  	_ =	shalt  }
0x7c: {  	_ =	shalt  }
0x7d: {  	_ =	shalt  }
0x7e: {  	_ =	shalt  }
0x7f: {  	_ =	shalt  }
0x80: {  	_ =	shalt  }
0x81: {  	_ =	shalt  }
0x82: {  	_ =	shalt  }
0x83: {  	_ =	shalt  }
0x84: {  	_ =	shalt  }
0x85: {  	_ =	shalt  }
0x86: {  	_ =	shalt  }
0x87: {  	_ =	shalt  }
.Lfunc_end0:
.L_simem_size_0:
called_computation_lowered:
.L_overlay_start_0:
0x88: {  	s2 =	sld [smem:$0x3FD9]  }
0x89: {  	s3 =	sld [smem:$0x3FFE];
	_ =	sdelay $0x1  }
0x8a: {  	s1 =	srdreg.scid  }
0x8b: {  	s0 =	sand.u32 $0x1, s1  }
0x8c: {  	s17 =	sshll.u32 s0, $0xA;
	s2 =	sadd.s32 s3, s2  }
0x8d: {  	s2 =	sadd.s32 s2, s17  }
0x8e: {  	[smem:$0x3FC4] =	sst s2  }
0x8f: {  	_ = 	snop  }
0x90: {  	s2 =	sld [smem:$0x3FC9]  }
0x91: {  	s18 =	sld [smem:$0x3FD0];
	(tm) =	ssettm $0x1  }
0x92: {  	s4 =	sld [smem:$0x3FFB];
	_ =	sdelay $0x3  }
0x93: {  	_ =	strace s4  }
0x94: {  	s4 =	sld [smem:$0x3FFC];
	_ =	sdelay $0x3  }
0x95: {  	_ =	strace s4  }
0x96: {  	s4 =	sld [smem:$0x3FFD];
	_ =	sdelay $0x3  }
0x97: {  	_ =	strace s4  }
0x98: {  	_ =	strace $0x8FFFFFFF  }
0x99: {  	s19 =	sld [smem:$0x3FDB];
	_ =	sdelay $0x1  }
0x9a: {  	s5 =	simm.s32 $_scs_section_size  }
0x9b: {  	s6 =	simm.s32 $_size__tile_overlayer_lowered;
	s7 =	simm.s32 $_tile_overlayer_lowered  }
0x9c: {  	s22 =	simm.s32 $0x1BFF;
	s21 =	sshll.u32 s7, $0x1;
	s4 =	sadd.s32 s5, s19  }
0x9d: {  	s8 =	simm.s32 $0x0;
	s20 =	sshll.u32 s6, $0x1;
	s6 =	sadd.s32 s21, s4  }
0x9e: {  	[timem:s8], [sflag:s22] =	dma.local [hbm:s6], s20  }
0x9f: {  	_ =	swait.ge [sflag:s22], s20  }
0xa0: {  	s5 =	ssub.s32 $0x0, s20;
	[sflag:s22] =	ssyncset.done $0x0  }
0xa1: {  	[sflag:s22] =	ssyncadd.s32 s5;
	_ =	sdelay $0x1  }
0xa2: {  	s23 =	simm.s32 $0x1B8B  }
0xa3: {  	_ =	swait.ge [sflag:s23], $0x1  }
0xa4: {  	[sflag:s23] =	ssyncset.done $0x0  }
0xa5: {  	s25 =	simm.s32 $0x1B8E;
	s24 =	sld [smem:$0x3FFE];
	[sflag:s23] =	ssyncadd.s32 $0xFFFFFFFF  }
0xa6: {  	s26 =	simm.s32 $execute0_lowered;
	[smem:$0x3FD2] =	sst s25  }
0xa7: {  	s6 =	sshll.u32 s26, $0x1;
	_ =	strace $0x80000046;
	[dreg:$0x1] =	wrdreg $0xFFFFFFFF  }
0xa8: {  	s28 =	simm.s32 $_size_execute0_lowered;
	s4 =	sadd.s32 s4, s6;
	[dreg:$0x0] =	wrdreg $0x0  }
0xa9: {  	s6 =	sshll.u32 s28, $0x1;
	[dreg:$0x2] =	wrdreg s4  }
0xaa: {  	[dreg:$0x3] =	wrdreg s6  }
0xab: {  	[dreg:$0x4] =	wrdreg $0xC0  }
0xac: {  	_ =	task [dreg:s8], $0x5FFFF  }
0xad: {  	[dreg:$0x1] =	wrdreg $0xFFFFFFFF  }
0xae: {  	[dreg:$0x0] =	wrdreg $0x60  }
0xaf: {  	[dreg:$0x2] =	wrdreg s2  }
0xb0: {  	[dreg:$0x3] =	wrdreg s24  }
0xb1: {  	[dreg:$0x4] =	wrdreg s18  }
0xb2: {  	[dreg:$0x5] =	wrdreg $0x9  }
0xb3: {  	_ =	task.clear_ibuf [dreg:s8], $0x6FFFF;
	_ =	strace $0x90000046  }
0xb4: {  	s29 =	simm.s32 $0x9;
	_ =	strace $0x80000048  }
0xb5: {  	_ =	swait.ge [sflag:s29], $0x1  }
0xb6: {  	[sflag:s29] =	ssyncadd.s32 $0xFFFFFFFF  }
0xb7: {  	_ =	strace $0x90000048  }
0xb8: {  	_ =	sfence  }
0xb9: {  	s30 =	sld [smem:$0x0];
	_ =	sdelay $0x2  }
0xba: {  	s31 =	sshll.u32 s1, $0xD;
	s1 =	sshrl.u32 s1, $0x2  }
0xbb: {  	s3 =	sand.u32 $0x4000, s31;
	s1 =	sadd.s32 s1, s30  }
0xbc: {  	s0 =	sor.u32 s3, s0;
	s1 =	sshll.u32 s1, $0x11  }
0xbd: {  	s0 =	sor.u32 s1, s0  }
0xbe: {  	s0 =	sadd.s32 $0x8F2B, s0  }
0xbf: {  	[sflag:s0] =	ssyncadd.remote.s32 $0x1  }
0xc0: {  	_ =	sfence.sel $0xFFFF  }
0xc1: {  	[dreg:$0x0] =	wrdreg $0xFFFFFFFF;
	(pc) =	sbr.abs _section_cstart, $3  }
0xc2: {  	[dreg:$0x1] =	wrdreg $0xFFFFFFFF  }
0xc3: {  	_ =	task.clear_ibuf [dreg:s8], $0x2FFFF;
	_ =	strace $0x9FFFFFFF  }
0xc4: {  	(tm) =	ssettm $0x7FFFFFFF  }
0xc5: {  	_ =	shalt  }
tec
execute0_lowered:
.L_overlay_start_1:
0x0: {  	(tag) =	ssettag $0x1  }
0x1: {  	s3 =	rddreg [dreg:$0x0]  }
0x2: {  	s1 =	srdreg.scid;
	s0 =	stileid.u32  }
0x3: {  	s4 =	rddreg [dreg:$0x1];
	s1 =	sand.u32 $0x1, s1;
	s2 =	sshll.u32 s0, $0x1  }
0x4: {  	s5 =	rddreg [dreg:$0x2];
	s6 =	sor.u32 s1, s2;
	s2 =	simm.s32 $0x0  }
0x5: {  	s15 =	simm.s32 $0x8000;
	[smem:$0x7FF] =	sst s2  }
0x6: {  	s16 =	simm.s32 $0x1C00;
	_ =	strace $0x80000047;
	[dreg:$0x6] =	wrdreg s15  }
0x7: {  	s17 =	simm.s32 $0x1C80;
	[dreg:$0x7] =	wrdreg s16  }
0x8: {  	s18 =	simm.s32 $0x100;
	[dreg:$0x8] =	wrdreg s17  }
0x9: {  	s19 =	simm.s32 $0x1D00;
	[dreg:$0x9] =	wrdreg s18  }
0xa: {  	s20 =	simm.s32 $0x180;
	[dreg:$0xa] =	wrdreg s19  }
0xb: {  	s21 =	simm.s32 $0x1D80;
	[dreg:$0xb] =	wrdreg s20  }
0xc: {  	s22 =	simm.s32 $0x200;
	[dreg:$0xc] =	wrdreg s21  }
0xd: {  	s23 =	simm.s32 $0x1E00;
	[dreg:$0xd] =	wrdreg s22  }
0xe: {  	s24 =	simm.s32 $0x280;
	[dreg:$0xe] =	wrdreg s23  }
0xf: {  	s25 =	simm.s32 $0x1E80;
	[dreg:$0xf] =	wrdreg s24  }
0x10: {  	s26 =	simm.s32 $0x300;
	[dreg:$0x10] =	wrdreg s25  }
0x11: {  	s0 =	simm.s32 $0x1F00;
	[dreg:$0x11] =	wrdreg s26  }
0x12: {  	s8 =	simm.s32 $0x2000;
	[dreg:$0x12] =	wrdreg s0  }
0x13: {  	s9 =	simm.s32 $0x480;
	[dreg:$0x15] =	wrdreg s8  }
0x14: {  	s10 =	simm.s32 $0x2080;
	[dreg:$0x16] =	wrdreg s9  }
0x15: {  	s11 =	simm.s32 $0x500;
	[dreg:$0x17] =	wrdreg s10  }
0x16: {  	s12 =	simm.s32 $0x2100;
	[dreg:$0x18] =	wrdreg s11  }
0x17: {  	s13 =	simm.s32 $0x580;
	s14 =	simm.s32 $0x2180;
	[dreg:$0x19] =	wrdreg s12  }
0x18: {  	s7 =	sshll.u32 s6, $0x7;
	s6 =	sshll.u32 s6, $0x4;
	[dreg:$0x1a] =	wrdreg s13  }
0x19: {  	s5 =	sadd.s32 s5, s6;
	[dreg:$0x1b] =	wrdreg s14  }
0x1a: {  	s6 =	simm.s32 $0x380;
	[dreg:$0x5] =	wrdreg s5  }
0x1b: {  	s15 =	simm.s32 $0x600;
	[dreg:$0x13] =	wrdreg s6  }
0x1c: {  	s16 =	simm.s32 $0x2200;
	[dreg:$0x1c] =	wrdreg s15  }
0x1d: {  	s17 =	simm.s32 $0x680;
	[dreg:$0x1d] =	wrdreg s16  }
0x1e: {  	s18 =	simm.s32 $0x2280;
	[dreg:$0x1e] =	wrdreg s17  }
0x1f: {  	s19 =	simm.s32 $0x700;
	[dreg:$0x1f] =	wrdreg s18  }
0x20: {  	s20 =	simm.s32 $0x2300;
	[smem:$0x7CB] =	sst s19  }
0x21: {  	s21 =	simm.s32 $0x780;
	[smem:$0x7CC] =	sst s20  }
0x22: {  	s22 =	simm.s32 $0x2380;
	[smem:$0x7CD] =	sst s21  }
0x23: {  	s23 =	simm.s32 $0x800;
	[smem:$0x7CE] =	sst s22  }
0x24: {  	s24 =	simm.s32 $0x2400;
	[smem:$0x7CF] =	sst s23  }
0x25: {  	s25 =	simm.s32 $0x880;
	[smem:$0x7D0] =	sst s24  }
0x26: {  	s26 =	simm.s32 $0x2480;
	[smem:$0x7D1] =	sst s25  }
0x27: {  	s0 =	simm.s32 $0x900;
	[smem:$0x7D2] =	sst s26  }
0x28: {  	s8 =	simm.s32 $0x2580;
	[smem:$0x7D3] =	sst s0  }
0x29: {  	s9 =	simm.s32 $0xA00;
	[smem:$0x7D6] =	sst s8  }
0x2a: {  	s10 =	simm.s32 $0x2600;
	[smem:$0x7D7] =	sst s9  }
0x2b: {  	s11 =	simm.s32 $0xA80;
	[smem:$0x7D8] =	sst s10  }
0x2c: {  	s12 =	simm.s32 $0x2680;
	[smem:$0x7D9] =	sst s11  }
0x2d: {  	s13 =	simm.s32 $0xB00;
	[smem:$0x7DA] =	sst s12  }
0x2e: {  	s3 =	sadd.s32 s3, s7;
	s14 =	simm.s32 $0x2700;
	[smem:$0x7DB] =	sst s13  }
0x2f: {  	s7 =	sadd.s32 $0x6000, s3;
	[smem:$0x7DC] =	sst s14  }
0x30: {  	s6 =	simm.s32 $0x2500;
	[dreg:$0x4] =	wrdreg s7  }
0x31: {  	s15 =	simm.s32 $0xB80;
	[smem:$0x7D4] =	sst s6  }
0x32: {  	s16 =	simm.s32 $0x2780;
	[smem:$0x7DD] =	sst s15  }
0x33: {  	s17 =	simm.s32 $0xC00;
	[smem:$0x7DE] =	sst s16  }
0x34: {  	s18 =	simm.s32 $0x2800;
	[smem:$0x7DF] =	sst s17  }
0x35: {  	s19 =	simm.s32 $0xC80;
	[smem:$0x7E0] =	sst s18  }
0x36: {  	s20 =	simm.s32 $0x2880;
	[smem:$0x7E1] =	sst s19  }
0x37: {  	s21 =	simm.s32 $0xD00;
	[smem:$0x7E2] =	sst s20  }
0x38: {  	s22 =	simm.s32 $0x2900;
	[smem:$0x7E3] =	sst s21  }
0x39: {  	s23 =	simm.s32 $0xD80;
	[smem:$0x7E4] =	sst s22  }
0x3a: {  	s24 =	simm.s32 $0x2980;
	[smem:$0x7E5] =	sst s23  }
0x3b: {  	s25 =	simm.s32 $0xE00;
	[smem:$0x7E6] =	sst s24  }
0x3c: {  	s26 =	simm.s32 $0x2A00;
	[smem:$0x7E7] =	sst s25  }
0x3d: {  	s0 =	simm.s32 $0xE80;
	[smem:$0x7E8] =	sst s26  }
0x3e: {  	s8 =	simm.s32 $0x2B00;
	[smem:$0x7E9] =	sst s0  }
0x3f: {  	s9 =	simm.s32 $0xF80;
	[smem:$0x7EC] =	sst s8  }
0x40: {  	s10 =	simm.s32 $0x2B80;
	[smem:$0x7ED] =	sst s9  }
0x41: {  	s11 =	simm.s32 $0x1000;
	[smem:$0x7EE] =	sst s10  }
0x42: {  	s12 =	simm.s32 $0x2C00;
	[smem:$0x7EF] =	sst s11  }
0x43: {  	s13 =	simm.s32 $0x1080;
	[smem:$0x7F0] =	sst s12  }
0x44: {  	s14 =	simm.s32 $0x2C80;
	[smem:$0x7F1] =	sst s13  }
0x45: {  	s7 =	simm.s32 $0x1F80;
	[smem:$0x7F2] =	sst s14  }
0x46: {  	s28 =	simm.s32 $0x3400;
	s6 =	simm.s32 $0x2A80;
	[dreg:$0x14] =	wrdreg s7  }
0x47: {  	s29 =	simm.s32 $0x1880;
	s15 =	simm.s32 $0x1100;
	[smem:$0x7EA] =	sst s6  }
0x48: {  	s30 =	simm.s32 $0x3480;
	s16 =	simm.s32 $0x2D00;
	[smem:$0x7F3] =	sst s15  }
0x49: {  	s31 =	simm.s32 $0x1;
	s17 =	simm.s32 $0x1180;
	[smem:$0x7F4] =	sst s16  }
0x4a: {  	s4 =	sadd.s32 $0xA00, s4;
	s18 =	simm.s32 $0x2D80;
	[smem:$0x7F5] =	sst s17  }
0x4b: {  	s1 =	ssub.s32 $0x2, s1;
	s19 =	simm.s32 $0x1200;
	[smem:$0x7F6] =	sst s18  }
0x4c: {  	s20 =	sshrl.u32 s1, $0x1;
	s21 =	simm.s32 $0x2E00;
	[smem:$0x7F7] =	sst s19  }
0x4d: {  	s22 =	simm.s32 $0x1280;
	s23 =	simm.s32 $0x2E80;
	[smem:$0x7F8] =	sst s21  }
0x4e: {  	s24 =	simm.s32 $0x1300;
	s25 =	simm.s32 $0x2F00;
	[smem:$0x7F9] =	sst s22  }
0x4f: {  	s8 =	simm.s32 $0x2;
	s26 =	simm.s32 $0x1380;
	[smem:$0x7FA] =	sst s23  }
0x50: {  	s9 =	simm.s32 $0x80;
	s13 =	simm.s32 $0x1480;
	[smem:$0x7FB] =	sst s24  }
0x51: {  	s14 =	simm.s32 $0x3080;
	s7 =	simm.s32 $0x980;
	[smem:$0x7FC] =	sst s25  }
0x52: {  	s1 =	ssub.s32 s1, s20;
	s6 =	simm.s32 $0x400;
	[smem:$0x7FD] =	sst s26  }
0x53: {  	s15 =	simm.s32 $0x1500;
	s16 =	simm.s32 $0x3100;
	s17 =	simm.s32 $0x1580  }
0x54: {  	s18 =	simm.s32 $0x3180;
	s19 =	simm.s32 $0x1600;
	s20 =	simm.s32 $0x3200  }
0x55: {  	s21 =	simm.s32 $0x1680;
	s22 =	simm.s32 $0x3280;
	s23 =	simm.s32 $0x1700  }
0x56: {  	s24 =	simm.s32 $0x3300;
	s25 =	simm.s32 $0x1780;
	s26 =	simm.s32 $0x3380  }
0x57: {  	[smem:$0x7D5] =	sst s7;
	s7 =	simm.s32 $0xF00;
	s5 =	smax.u32 s1, $0x1  }
0x58: {  	s1 =	simm.s32 $0x3500;
	[smem:$0x7EB] =	sst s7;
	s7 =	simm.s32 $0x1800  }
.LBB2_1:
0x59: {  	s0 =	rddreg [dreg:$0x6]  }
0x5a: {  	[tilespmem:s2], [sflag:$0x2] =	stream.strided.gather [hbm4b:s3+s6], $0x1800, s0, s6, $0x38;
	[tilespmem:$0x3580] =	vst v63  }
0x5b: {  	s10 =	rddreg [dreg:$0x4]  }
0x5c: {  	[tilespmem:s7], [sflag:$0x2] =	stream.linear.gather [hbm4b:s10+s2], $0x100, $0x38;
	[tilespmem:$0x3580] =	vst v63  }
0x5d: {  	_ =	swait.ge [sflag:s8], $0x1900  }
0x5e: {  	s11 =	rddreg [dreg:$0x7]  }
0x5f: {  	s12 =	rddreg [dreg:$0x8]  }
0x60: {  	[sflag:s8] =	ssyncset.done $0x0;
	s0 =	rddreg [dreg:$0x9]  }
0x61: {  	s10 =	rddreg [dreg:$0xa];
	[sflag:s8] =	ssyncadd.s32 $0xFFFFE700  }
0x62: {  	[tilespmem:s11], [sflag:$0x1] =	stream.indirect.gather [hbm4b:s4+s9], $0x1, s2, s9, $0xb8;
	[tilespmem:$0x3580] =	vst v63  }
0x63: {  	s11 =	rddreg [dreg:$0xb]  }
0x64: {  	[tilespmem:s12], [sflag:$0x1] =	stream.indirect.gather [hbm4b:s4+s9], $0x1, s9, s9, $0xb8;
	[tilespmem:$0x3580] =	vst v63  }
0x65: {  	s12 =	rddreg [dreg:$0xc]  }
0x66: {  	[tilespmem:s10], [sflag:$0x1] =	stream.indirect.gather [hbm4b:s4+s9], $0x1, s0, s9, $0xb8;
	[tilespmem:$0x3580] =	vst v63  }
0x67: {  	s0 =	rddreg [dreg:$0xd]  }
0x68: {  	s10 =	rddreg [dreg:$0xe]  }
0x69: {  	[tilespmem:s12], [sflag:$0x1] =	stream.indirect.gather [hbm4b:s4+s9], $0x1, s11, s9, $0xb8;
	[tilespmem:$0x3580] =	vst v63  }
0x6a: {  	s11 =	rddreg [dreg:$0xf]  }
0x6b: {  	s12 =	rddreg [dreg:$0x10]  }
0x6c: {  	[tilespmem:s10], [sflag:$0x1] =	stream.indirect.gather [hbm4b:s4+s9], $0x1, s0, s9, $0xb8;
	[tilespmem:$0x3580] =	vst v63  }
0x6d: {  	s0 =	rddreg [dreg:$0x11]  }
0x6e: {  	s10 =	rddreg [dreg:$0x12]  }
0x6f: {  	[tilespmem:s12], [sflag:$0x1] =	stream.indirect.gather [hbm4b:s4+s9], $0x1, s11, s9, $0xb8;
	[tilespmem:$0x3580] =	vst v63  }
0x70: {  	s11 =	rddreg [dreg:$0x13]  }
0x71: {  	s12 =	rddreg [dreg:$0x14]  }
0x72: {  	[tilespmem:s10], [sflag:$0x1] =	stream.indirect.gather [hbm4b:s4+s9], $0x1, s0, s9, $0xb8;
	[tilespmem:$0x3580] =	vst v63  }
0x73: {  	s10 =	rddreg [dreg:$0x15]  }
0x74: {  	s0 =	rddreg [dreg:$0x16]  }
0x75: {  	[tilespmem:s12], [sflag:$0x1] =	stream.indirect.gather [hbm4b:s4+s9], $0x1, s11, s9, $0xb8;
	[tilespmem:$0x3580] =	vst v63  }
0x76: {  	s11 =	rddreg [dreg:$0x18]  }
0x77: {  	s12 =	rddreg [dreg:$0x19]  }
0x78: {  	[tilespmem:s10], [sflag:$0x1] =	stream.indirect.gather [hbm4b:s4+s9], $0x1, s6, s9, $0xb8;
	[tilespmem:$0x3580] =	vst v63  }
0x79: {  	s10 =	rddreg [dreg:$0x17]  }
0x7a: {  	[tilespmem:s10], [sflag:$0x1] =	stream.indirect.gather [hbm4b:s4+s9], $0x1, s0, s9, $0xb8;
	[tilespmem:$0x3580] =	vst v63  }
0x7b: {  	s0 =	rddreg [dreg:$0x1a]  }
0x7c: {  	s10 =	rddreg [dreg:$0x1b]  }
0x7d: {  	[tilespmem:s12], [sflag:$0x1] =	stream.indirect.gather [hbm4b:s4+s9], $0x1, s11, s9, $0xb8;
	[tilespmem:$0x3580] =	vst v63  }
0x7e: {  	s11 =	rddreg [dreg:$0x1c]  }
0x7f: {  	s12 =	rddreg [dreg:$0x1d]  }
0x80: {  	[tilespmem:s10], [sflag:$0x1] =	stream.indirect.gather [hbm4b:s4+s9], $0x1, s0, s9, $0xb8;
	[tilespmem:$0x3580] =	vst v63  }
0x81: {  	s0 =	rddreg [dreg:$0x1e]  }
0x82: {  	s10 =	rddreg [dreg:$0x1f]  }
0x83: {  	[tilespmem:s12], [sflag:$0x1] =	stream.indirect.gather [hbm4b:s4+s9], $0x1, s11, s9, $0xb8;
	[tilespmem:$0x3580] =	vst v63  }
0x84: {  	s11 =	sld [smem:$0x7CB]  }
0x85: {  	s12 =	sld [smem:$0x7CC]  }
0x86: {  	[tilespmem:s10], [sflag:$0x1] =	stream.indirect.gather [hbm4b:s4+s9], $0x1, s0, s9, $0xb8;
	[tilespmem:$0x3580] =	vst v63  }
0x87: {  	s0 =	sld [smem:$0x7CD]  }
0x88: {  	s10 =	sld [smem:$0x7CE]  }
0x89: {  	[tilespmem:s12], [sflag:$0x1] =	stream.indirect.gather [hbm4b:s4+s9], $0x1, s11, s9, $0xb8;
	[tilespmem:$0x3580] =	vst v63  }
0x8a: {  	s11 =	sld [smem:$0x7CF]  }
0x8b: {  	s12 =	sld [smem:$0x7D0]  }
0x8c: {  	[tilespmem:s10], [sflag:$0x1] =	stream.indirect.gather [hbm4b:s4+s9], $0x1, s0, s9, $0xb8;
	[tilespmem:$0x3580] =	vst v63  }
0x8d: {  	s0 =	sld [smem:$0x7D1]  }
0x8e: {  	s10 =	sld [smem:$0x7D2]  }
0x8f: {  	[tilespmem:s12], [sflag:$0x1] =	stream.indirect.gather [hbm4b:s4+s9], $0x1, s11, s9, $0xb8;
	[tilespmem:$0x3580] =	vst v63  }
0x90: {  	s11 =	sld [smem:$0x7D3]  }
0x91: {  	s12 =	sld [smem:$0x7D4]  }
0x92: {  	[tilespmem:s10], [sflag:$0x1] =	stream.indirect.gather [hbm4b:s4+s9], $0x1, s0, s9, $0xb8;
	[tilespmem:$0x3580] =	vst v63  }
0x93: {  	s0 =	sld [smem:$0x7D5]  }
0x94: {  	s10 =	sld [smem:$0x7D6]  }
0x95: {  	[tilespmem:s12], [sflag:$0x1] =	stream.indirect.gather [hbm4b:s4+s9], $0x1, s11, s9, $0xb8;
	[tilespmem:$0x3580] =	vst v63  }
0x96: {  	s11 =	sld [smem:$0x7D7]  }
0x97: {  	s12 =	sld [smem:$0x7D8]  }
0x98: {  	[tilespmem:s10], [sflag:$0x1] =	stream.indirect.gather [hbm4b:s4+s9], $0x1, s0, s9, $0xb8;
	[tilespmem:$0x3580] =	vst v63  }
0x99: {  	s0 =	sld [smem:$0x7D9]  }
0x9a: {  	s10 =	sld [smem:$0x7DA]  }
0x9b: {  	[tilespmem:s12], [sflag:$0x1] =	stream.indirect.gather [hbm4b:s4+s9], $0x1, s11, s9, $0xb8;
	[tilespmem:$0x3580] =	vst v63  }
0x9c: {  	s11 =	sld [smem:$0x7DB]  }
0x9d: {  	s12 =	sld [smem:$0x7DC]  }
0x9e: {  	[tilespmem:s10], [sflag:$0x1] =	stream.indirect.gather [hbm4b:s4+s9], $0x1, s0, s9, $0xb8;
	[tilespmem:$0x3580] =	vst v63  }
0x9f: {  	s0 =	sld [smem:$0x7DD]  }
0xa0: {  	s10 =	sld [smem:$0x7DE]  }
0xa1: {  	[tilespmem:s12], [sflag:$0x1] =	stream.indirect.gather [hbm4b:s4+s9], $0x1, s11, s9, $0xb8;
	[tilespmem:$0x3580] =	vst v63  }
0xa2: {  	s11 =	sld [smem:$0x7DF]  }
0xa3: {  	s12 =	sld [smem:$0x7E0]  }
0xa4: {  	[tilespmem:s10], [sflag:$0x1] =	stream.indirect.gather [hbm4b:s4+s9], $0x1, s0, s9, $0xb8;
	[tilespmem:$0x3580] =	vst v63  }
0xa5: {  	s0 =	sld [smem:$0x7E1]  }
0xa6: {  	s10 =	sld [smem:$0x7E2]  }
0xa7: {  	[tilespmem:s12], [sflag:$0x1] =	stream.indirect.gather [hbm4b:s4+s9], $0x1, s11, s9, $0xb8;
	[tilespmem:$0x3580] =	vst v63  }
0xa8: {  	s11 =	sld [smem:$0x7E3]  }
0xa9: {  	s12 =	sld [smem:$0x7E4]  }
0xaa: {  	[tilespmem:s10], [sflag:$0x1] =	stream.indirect.gather [hbm4b:s4+s9], $0x1, s0, s9, $0xb8;
	[tilespmem:$0x3580] =	vst v63  }
0xab: {  	s0 =	sld [smem:$0x7E5]  }
0xac: {  	s10 =	sld [smem:$0x7E6]  }
0xad: {  	[tilespmem:s12], [sflag:$0x1] =	stream.indirect.gather [hbm4b:s4+s9], $0x1, s11, s9, $0xb8;
	[tilespmem:$0x3580] =	vst v63  }
0xae: {  	s11 =	sld [smem:$0x7E7]  }
0xaf: {  	s12 =	sld [smem:$0x7E8]  }
0xb0: {  	[tilespmem:s10], [sflag:$0x1] =	stream.indirect.gather [hbm4b:s4+s9], $0x1, s0, s9, $0xb8;
	[tilespmem:$0x3580] =	vst v63  }
0xb1: {  	s0 =	sld [smem:$0x7E9]  }
0xb2: {  	s10 =	sld [smem:$0x7EA]  }
0xb3: {  	[tilespmem:s12], [sflag:$0x1] =	stream.indirect.gather [hbm4b:s4+s9], $0x1, s11, s9, $0xb8;
	[tilespmem:$0x3580] =	vst v63  }
0xb4: {  	s11 =	sld [smem:$0x7EB]  }
0xb5: {  	s12 =	sld [smem:$0x7EC]  }
0xb6: {  	[tilespmem:s10], [sflag:$0x1] =	stream.indirect.gather [hbm4b:s4+s9], $0x1, s0, s9, $0xb8;
	[tilespmem:$0x3580] =	vst v63  }
0xb7: {  	s0 =	sld [smem:$0x7ED]  }
0xb8: {  	s10 =	sld [smem:$0x7EE]  }
0xb9: {  	[tilespmem:s12], [sflag:$0x1] =	stream.indirect.gather [hbm4b:s4+s9], $0x1, s11, s9, $0xb8;
	[tilespmem:$0x3580] =	vst v63  }
0xba: {  	s11 =	sld [smem:$0x7EF]  }
0xbb: {  	s12 =	sld [smem:$0x7F0]  }
0xbc: {  	[tilespmem:s10], [sflag:$0x1] =	stream.indirect.gather [hbm4b:s4+s9], $0x1, s0, s9, $0xb8;
	[tilespmem:$0x3580] =	vst v63  }
0xbd: {  	s0 =	sld [smem:$0x7F1]  }
0xbe: {  	s10 =	sld [smem:$0x7F2]  }
0xbf: {  	[tilespmem:s12], [sflag:$0x1] =	stream.indirect.gather [hbm4b:s4+s9], $0x1, s11, s9, $0xb8;
	[tilespmem:$0x3580] =	vst v63  }
0xc0: {  	s11 =	sld [smem:$0x7F3]  }
0xc1: {  	s12 =	sld [smem:$0x7F4]  }
0xc2: {  	[tilespmem:s10], [sflag:$0x1] =	stream.indirect.gather [hbm4b:s4+s9], $0x1, s0, s9, $0xb8;
	[tilespmem:$0x3580] =	vst v63  }
0xc3: {  	s0 =	sld [smem:$0x7F5]  }
0xc4: {  	s10 =	sld [smem:$0x7F6]  }
0xc5: {  	[tilespmem:s12], [sflag:$0x1] =	stream.indirect.gather [hbm4b:s4+s9], $0x1, s11, s9, $0xb8;
	[tilespmem:$0x3580] =	vst v63  }
0xc6: {  	s11 =	sld [smem:$0x7F7]  }
0xc7: {  	s12 =	sld [smem:$0x7F8]  }
0xc8: {  	[tilespmem:s10], [sflag:$0x1] =	stream.indirect.gather [hbm4b:s4+s9], $0x1, s0, s9, $0xb8;
	[tilespmem:$0x3580] =	vst v63  }
0xc9: {  	s0 =	sld [smem:$0x7F9]  }
0xca: {  	s10 =	sld [smem:$0x7FA]  }
0xcb: {  	[tilespmem:s12], [sflag:$0x1] =	stream.indirect.gather [hbm4b:s4+s9], $0x1, s11, s9, $0xb8;
	[tilespmem:$0x3580] =	vst v63  }
0xcc: {  	s11 =	sld [smem:$0x7FB]  }
0xcd: {  	s12 =	sld [smem:$0x7FC]  }
0xce: {  	[tilespmem:s10], [sflag:$0x1] =	stream.indirect.gather [hbm4b:s4+s9], $0x1, s0, s9, $0xb8;
	[tilespmem:$0x3580] =	vst v63  }
0xcf: {  	s10 =	sld [smem:$0x7FD]  }
0xd0: {  	[tilespmem:s12], [sflag:$0x1] =	stream.indirect.gather [hbm4b:s4+s9], $0x1, s11, s9, $0xb8;
	[tilespmem:$0x3580] =	vst v63  }
0xd1: {  	s12 =	simm.s32 $0x2F80  }
0xd2: {  	[tilespmem:s12], [sflag:$0x1] =	stream.indirect.gather [hbm4b:s4+s9], $0x1, s10, s9, $0xb8;
	[tilespmem:$0x3580] =	vst v63  }
0xd3: {  	s11 =	simm.s32 $0x3000;
	s10 =	simm.s32 $0x1400  }
0xd4: {  	[tilespmem:s11], [sflag:$0x1] =	stream.indirect.gather [hbm4b:s4+s9], $0x1, s10, s9, $0xb8;
	[tilespmem:$0x3580] =	vst v63  }
0xd5: {  	_ = 	snop  }
0xd6: {  	[tilespmem:s14], [sflag:$0x1] =	stream.indirect.gather [hbm4b:s4+s9], $0x1, s13, s9, $0xb8;
	[tilespmem:$0x3580] =	vst v63  }
0xd7: {  	_ = 	snop  }
0xd8: {  	[tilespmem:s16], [sflag:$0x1] =	stream.indirect.gather [hbm4b:s4+s9], $0x1, s15, s9, $0xb8;
	[tilespmem:$0x3580] =	vst v63  }
0xd9: {  	_ = 	snop  }
0xda: {  	[tilespmem:s18], [sflag:$0x1] =	stream.indirect.gather [hbm4b:s4+s9], $0x1, s17, s9, $0xb8;
	[tilespmem:$0x3580] =	vst v63  }
0xdb: {  	_ = 	snop  }
0xdc: {  	[tilespmem:s20], [sflag:$0x1] =	stream.indirect.gather [hbm4b:s4+s9], $0x1, s19, s9, $0xb8;
	[tilespmem:$0x3580] =	vst v63  }
0xdd: {  	_ = 	snop  }
0xde: {  	[tilespmem:s22], [sflag:$0x1] =	stream.indirect.gather [hbm4b:s4+s9], $0x1, s21, s9, $0xb8;
	[tilespmem:$0x3580] =	vst v63  }
0xdf: {  	_ = 	snop  }
0xe0: {  	[tilespmem:s24], [sflag:$0x1] =	stream.indirect.gather [hbm4b:s4+s9], $0x1, s23, s9, $0xb8;
	[tilespmem:$0x3580] =	vst v63  }
0xe1: {  	_ = 	snop  }
0xe2: {  	[tilespmem:s26], [sflag:$0x1] =	stream.indirect.gather [hbm4b:s4+s9], $0x1, s25, s9, $0xb8;
	[tilespmem:$0x3580] =	vst v63  }
0xe3: {  	_ = 	snop  }
0xe4: {  	[tilespmem:s28], [sflag:$0x1] =	stream.indirect.gather [hbm4b:s4+s9], $0x1, s7, s9, $0xb8;
	[tilespmem:$0x3580] =	vst v63  }
0xe5: {  	_ = 	snop  }
0xe6: {  	[tilespmem:s30], [sflag:$0x1] =	stream.indirect.gather [hbm4b:s4+s9], $0x1, s29, s9, $0xb8;
	[tilespmem:$0x3580] =	vst v63  }
0xe7: {  	_ =	swait.ge [sflag:s31], $0x80  }
0xe8: {  	[sflag:s31] =	ssyncset.done $0x0  }
0xe9: {  	[sflag:s31] =	ssyncadd.s32 $0xFFFFFF80  }
0xea: {  	v11 =	vld [tilespmem:$0x1C00]  }
0xeb: {  	v9 =	vld [tilespmem:$0x1C10]  }
0xec: {  	v37 =	vld [tilespmem:$0x1C20]  }
0xed: {  	v1 =	vld [tilespmem:$0x1C30]  }
0xee: {  	v34 =	vld [tilespmem:$0x1C40]  }
0xef: {  	v57 =	vld [tilespmem:$0x1C50]  }
0xf0: {  	v16 =	vld [tilespmem:$0x1C60]  }
0xf1: {  	v27 =	vld [tilespmem:$0x1C70];
	_ =	swait.ge [sflag:s31], $0x80  }
0xf2: {  	[sflag:s31] =	ssyncset.done $0x0  }
0xf3: {  	[sflag:s31] =	ssyncadd.s32 $0xFFFFFF80  }
0xf4: {  	v3 =	vld [tilespmem:$0x1C80]  }
0xf5: {  	v10 =	vld [tilespmem:$0x1C90]  }
0xf6: {  	v4 =	vld [tilespmem:$0x1CA0]  }
0xf7: {  	v8 =	vld [tilespmem:$0x1CB0]  }
0xf8: {  	v17 =	vld [tilespmem:$0x1CC0]  }
0xf9: {  	v22 =	vld [tilespmem:$0x1CD0]  }
0xfa: {  	v60 =	vld [tilespmem:$0x1CE0]  }
0xfb: {  	v6 =	vld [tilespmem:$0x1CF0];
	_ =	swait.ge [sflag:s31], $0x80  }
0xfc: {  	[sflag:s31] =	ssyncset.done $0x0  }
0xfd: {  	[sflag:s31] =	ssyncadd.s32 $0xFFFFFF80  }
0xfe: {  	v0 =	vld [tilespmem:$0x1D60]  }
0xff: {  	v19 =	vld [tilespmem:$0x1D70]  }
0x100: {  	v5 =	vld [tilespmem:$0x1D00]  }
0x101: {  	v14 =	vld [tilespmem:$0x1D10]  }
0x102: {  	v2 =	vld [tilespmem:$0x1D20]  }
0x103: {  	v15 =	vld [tilespmem:$0x1D30];
	[tilespmem:$0x1EF50] =	vst v0  }
0x104: {  	v7 =	vld [tilespmem:$0x1D40];
	[tilespmem:$0x1EF60] =	vst v19  }
0x105: {  	v53 =	vld [tilespmem:$0x1D50];
	_ =	swait.ge [sflag:s31], $0x80  }
0x106: {  	[sflag:s31] =	ssyncset.done $0x0  }
0x107: {  	[sflag:s31] =	ssyncadd.s32 $0xFFFFFF80  }
0x108: {  	v12 =	vld [tilespmem:$0x1DC0]  }
0x109: {  	v20 =	vld [tilespmem:$0x1DD0]  }
0x10a: {  	v21 =	vld [tilespmem:$0x1DE0]  }
0x10b: {  	v23 =	vld [tilespmem:$0x1DF0];
	_ =	sdelay $0x1  }
0x10c: {  	[tilespmem:$0x1EF70] =	vst v12  }
0x10d: {  	v0 =	vld [tilespmem:$0x1D80];
	[tilespmem:$0x1EF80] =	vst v20  }
0x10e: {  	v47 =	vld [tilespmem:$0x1D90];
	[tilespmem:$0x1EF90] =	vst v21  }
0x10f: {  	v54 =	vld [tilespmem:$0x1DA0];
	[tilespmem:$0x1EFA0] =	vst v23  }
0x110: {  	v55 =	vld [tilespmem:$0x1DB0];
	_ =	swait.ge [sflag:s31], $0x80  }
0x111: {  	[sflag:s31] =	ssyncset.done $0x0  }
0x112: {  	[sflag:s31] =	ssyncadd.s32 $0xFFFFFF80  }
0x113: {  	v24 =	vld [tilespmem:$0x1E20]  }
0x114: {  	v25 =	vld [tilespmem:$0x1E40]  }
0x115: {  	v26 =	vld [tilespmem:$0x1E50]  }
0x116: {  	v28 =	vld [tilespmem:$0x1E60]  }
0x117: {  	v29 =	vld [tilespmem:$0x1E70]  }
0x118: {  	[tilespmem:$0x1EFB0] =	vst v24  }
0x119: {  	[tilespmem:$0x1EFC0] =	vst v25  }
0x11a: {  	[tilespmem:$0x1EFD0] =	vst v26  }
0x11b: {  	v56 =	vld [tilespmem:$0x1E00];
	[tilespmem:$0x1EFE0] =	vst v28  }
0x11c: {  	v13 =	vld [tilespmem:$0x1E10];
	[tilespmem:$0x1EFF0] =	vst v29  }
0x11d: {  	v61 =	vld [tilespmem:$0x1E30];
	_ =	swait.ge [sflag:s31], $0x80  }
0x11e: {  	[sflag:s31] =	ssyncset.done $0x0  }
0x11f: {  	[sflag:s31] =	ssyncadd.s32 $0xFFFFFF80  }
0x120: {  	v30 =	vld [tilespmem:$0x1EA0]  }
0x121: {  	v31 =	vld [tilespmem:$0x1EB0]  }
0x122: {  	v32 =	vld [tilespmem:$0x1EC0]  }
0x123: {  	v33 =	vld [tilespmem:$0x1ED0]  }
0x124: {  	v35 =	vld [tilespmem:$0x1EE0]  }
0x125: {  	v36 =	vld [tilespmem:$0x1EF0];
	[tilespmem:$0x1F000] =	vst v30  }
0x126: {  	[tilespmem:$0x1F010] =	vst v31  }
0x127: {  	[tilespmem:$0x1F020] =	vst v32  }
0x128: {  	[tilespmem:$0x1F030] =	vst v33  }
0x129: {  	[tilespmem:$0x1F040] =	vst v35  }
0x12a: {  	v62 =	vld [tilespmem:$0x1E80];
	[tilespmem:$0x1F050] =	vst v36  }
0x12b: {  	v63 =	vld [tilespmem:$0x1E90];
	_ =	swait.ge [sflag:s31], $0x80  }
0x12c: {  	[sflag:s31] =	ssyncset.done $0x0  }
0x12d: {  	[sflag:s31] =	ssyncadd.s32 $0xFFFFFF80  }
0x12e: {  	v38 =	vld [tilespmem:$0x1F00]  }
0x12f: {  	v39 =	vld [tilespmem:$0x1F10]  }
0x130: {  	v40 =	vld [tilespmem:$0x1F20]  }
0x131: {  	v41 =	vld [tilespmem:$0x1F30]  }
0x132: {  	v42 =	vld [tilespmem:$0x1F40]  }
0x133: {  	v43 =	vld [tilespmem:$0x1F50];
	[tilespmem:$0x1F060] =	vst v38  }
0x134: {  	v44 =	vld [tilespmem:$0x1F60];
	[tilespmem:$0x1F070] =	vst v39  }
0x135: {  	v45 =	vld [tilespmem:$0x1F70];
	[tilespmem:$0x1F080] =	vst v40  }
0x136: {  	[tilespmem:$0x1F090] =	vst v41  }
0x137: {  	[tilespmem:$0x1F0A0] =	vst v42  }
0x138: {  	[tilespmem:$0x1F0B0] =	vst v43  }
0x139: {  	[tilespmem:$0x1F0C0] =	vst v44  }
0x13a: {  	[tilespmem:$0x1F0D0] =	vst v45  }
0x13b: {  	_ =	swait.ge [sflag:s31], $0x80  }
0x13c: {  	[sflag:s31] =	ssyncset.done $0x0  }
0x13d: {  	[sflag:s31] =	ssyncadd.s32 $0xFFFFFF80  }
0x13e: {  	v46 =	vld [tilespmem:$0x1F80]  }
0x13f: {  	v48 =	vld [tilespmem:$0x1F90]  }
0x140: {  	v49 =	vld [tilespmem:$0x1FA0]  }
0x141: {  	v50 =	vld [tilespmem:$0x1FB0]  }
0x142: {  	v51 =	vld [tilespmem:$0x1FC0]  }
0x143: {  	v52 =	vld [tilespmem:$0x1FD0];
	[tilespmem:$0x1F0E0] =	vst v46  }
0x144: {  	v58 =	vld [tilespmem:$0x1FE0];
	[tilespmem:$0x1F0F0] =	vst v48  }
0x145: {  	v59 =	vld [tilespmem:$0x1FF0];
	[tilespmem:$0x1F100] =	vst v49  }
0x146: {  	[tilespmem:$0x1F110] =	vst v50  }
0x147: {  	[tilespmem:$0x1F120] =	vst v51  }
0x148: {  	[tilespmem:$0x1F130] =	vst v52  }
0x149: {  	[tilespmem:$0x1F140] =	vst v58  }
0x14a: {  	[tilespmem:$0x1F150] =	vst v59  }
0x14b: {  	_ =	swait.ge [sflag:s31], $0x80  }
0x14c: {  	[sflag:s31] =	ssyncset.done $0x0  }
0x14d: {  	[sflag:s31] =	ssyncadd.s32 $0xFFFFFF80  }
0x14e: {  	v18 =	vld [tilespmem:$0x2000]  }
0x14f: {  	v19 =	vld [tilespmem:$0x2010]  }
0x150: {  	v20 =	vld [tilespmem:$0x2020]  }
0x151: {  	v21 =	vld [tilespmem:$0x2030]  }
0x152: {  	v23 =	vld [tilespmem:$0x2040]  }
0x153: {  	v24 =	vld [tilespmem:$0x2050];
	[tilespmem:$0x1F160] =	vst v18  }
0x154: {  	v25 =	vld [tilespmem:$0x2070];
	[tilespmem:$0x1F170] =	vst v19  }
0x155: {  	[tilespmem:$0x1F180] =	vst v20  }
0x156: {  	[tilespmem:$0x1F190] =	vst v21  }
0x157: {  	[tilespmem:$0x1F1A0] =	vst v23  }
0x158: {  	[tilespmem:$0x1F1B0] =	vst v24  }
0x159: {  	[tilespmem:$0x1F1C0] =	vst v25  }
0x15a: {  	v40 =	vld [tilespmem:$0x2060];
	_ =	swait.ge [sflag:s31], $0x80  }
0x15b: {  	[sflag:s31] =	ssyncset.done $0x0  }
0x15c: {  	[sflag:s31] =	ssyncadd.s32 $0xFFFFFF80  }
0x15d: {  	v26 =	vld [tilespmem:$0x2080]  }
0x15e: {  	v28 =	vld [tilespmem:$0x2090]  }
0x15f: {  	v29 =	vld [tilespmem:$0x20A0]  }
0x160: {  	v30 =	vld [tilespmem:$0x20B0]  }
0x161: {  	v31 =	vld [tilespmem:$0x20C0]  }
0x162: {  	v32 =	vld [tilespmem:$0x20D0];
	[tilespmem:$0x1F1D0] =	vst v26  }
0x163: {  	v33 =	vld [tilespmem:$0x20E0];
	[tilespmem:$0x1F1E0] =	vst v28  }
0x164: {  	v35 =	vld [tilespmem:$0x20F0];
	[tilespmem:$0x1F1F0] =	vst v29  }
0x165: {  	[tilespmem:$0x1F200] =	vst v30  }
0x166: {  	[tilespmem:$0x1F210] =	vst v31  }
0x167: {  	[tilespmem:$0x1F220] =	vst v32  }
0x168: {  	[tilespmem:$0x1F230] =	vst v33  }
0x169: {  	[tilespmem:$0x1F240] =	vst v35  }
0x16a: {  	_ =	swait.ge [sflag:s31], $0x80  }
0x16b: {  	[sflag:s31] =	ssyncset.done $0x0  }
0x16c: {  	[sflag:s31] =	ssyncadd.s32 $0xFFFFFF80  }
0x16d: {  	v36 =	vld [tilespmem:$0x2100]  }
0x16e: {  	v38 =	vld [tilespmem:$0x2110]  }
0x16f: {  	v39 =	vld [tilespmem:$0x2120]  }
0x170: {  	v41 =	vld [tilespmem:$0x2130]  }
0x171: {  	v42 =	vld [tilespmem:$0x2140]  }
0x172: {  	v43 =	vld [tilespmem:$0x2150];
	[tilespmem:$0x1F250] =	vst v36  }
0x173: {  	v44 =	vld [tilespmem:$0x2160];
	[tilespmem:$0x1F260] =	vst v38  }
0x174: {  	v45 =	vld [tilespmem:$0x2170];
	[tilespmem:$0x1F270] =	vst v39  }
0x175: {  	[tilespmem:$0x1F280] =	vst v41  }
0x176: {  	[tilespmem:$0x1F290] =	vst v42  }
0x177: {  	[tilespmem:$0x1F2A0] =	vst v43  }
0x178: {  	[tilespmem:$0x1F2B0] =	vst v44  }
0x179: {  	[tilespmem:$0x1F2C0] =	vst v45  }
0x17a: {  	_ =	swait.ge [sflag:s31], $0x80  }
0x17b: {  	[sflag:s31] =	ssyncset.done $0x0  }
0x17c: {  	[sflag:s31] =	ssyncadd.s32 $0xFFFFFF80  }
0x17d: {  	v46 =	vld [tilespmem:$0x2180]  }
0x17e: {  	v48 =	vld [tilespmem:$0x2190]  }
0x17f: {  	v49 =	vld [tilespmem:$0x21A0]  }
0x180: {  	v50 =	vld [tilespmem:$0x21B0]  }
0x181: {  	v51 =	vld [tilespmem:$0x21C0]  }
0x182: {  	v52 =	vld [tilespmem:$0x21D0];
	[tilespmem:$0x1F2D0] =	vst v46  }
0x183: {  	[tilespmem:$0x1F2E0] =	vst v48  }
0x184: {  	[tilespmem:$0x1F2F0] =	vst v49  }
0x185: {  	[tilespmem:$0x1F300] =	vst v50  }
0x186: {  	[tilespmem:$0x1F310] =	vst v51  }
0x187: {  	v24 =	vld [tilespmem:$0x21E0];
	[tilespmem:$0x1F320] =	vst v52  }
0x188: {  	v38 =	vld [tilespmem:$0x21F0];
	_ =	swait.ge [sflag:s31], $0x80  }
0x189: {  	[sflag:s31] =	ssyncset.done $0x0  }
0x18a: {  	[sflag:s31] =	ssyncadd.s32 $0xFFFFFF80  }
0x18b: {  	v58 =	vld [tilespmem:$0x2200]  }
0x18c: {  	v59 =	vld [tilespmem:$0x2210]  }
0x18d: {  	v18 =	vld [tilespmem:$0x2220]  }
0x18e: {  	v19 =	vld [tilespmem:$0x2230]  }
0x18f: {  	v20 =	vld [tilespmem:$0x2250]  }
0x190: {  	v21 =	vld [tilespmem:$0x2260];
	[tilespmem:$0x1F330] =	vst v58  }
0x191: {  	v23 =	vld [tilespmem:$0x2270];
	[tilespmem:$0x1F340] =	vst v59  }
0x192: {  	[tilespmem:$0x1F350] =	vst v18  }
0x193: {  	[tilespmem:$0x1F360] =	vst v19  }
0x194: {  	[tilespmem:$0x1F370] =	vst v20  }
0x195: {  	[tilespmem:$0x1F380] =	vst v21  }
0x196: {  	[tilespmem:$0x1F390] =	vst v23  }
0x197: {  	v44 =	vld [tilespmem:$0x2240];
	_ =	swait.ge [sflag:s31], $0x80  }
0x198: {  	[sflag:s31] =	ssyncset.done $0x0  }
0x199: {  	[sflag:s31] =	ssyncadd.s32 $0xFFFFFF80  }
0x19a: {  	v25 =	vld [tilespmem:$0x2280]  }
0x19b: {  	v26 =	vld [tilespmem:$0x2290]  }
0x19c: {  	v28 =	vld [tilespmem:$0x22A0]  }
0x19d: {  	v29 =	vld [tilespmem:$0x22B0]  }
0x19e: {  	v30 =	vld [tilespmem:$0x22C0]  }
0x19f: {  	v31 =	vld [tilespmem:$0x22D0];
	[tilespmem:$0x1F3A0] =	vst v25  }
0x1a0: {  	v32 =	vld [tilespmem:$0x22F0];
	[tilespmem:$0x1F3B0] =	vst v26  }
0x1a1: {  	[tilespmem:$0x1F3C0] =	vst v28  }
0x1a2: {  	[tilespmem:$0x1F3D0] =	vst v29  }
0x1a3: {  	[tilespmem:$0x1F3E0] =	vst v30  }
0x1a4: {  	[tilespmem:$0x1F3F0] =	vst v31  }
0x1a5: {  	[tilespmem:$0x1F400] =	vst v32  }
0x1a6: {  	v23 =	vld [tilespmem:$0x22E0];
	_ =	swait.ge [sflag:s31], $0x80  }
0x1a7: {  	[sflag:s31] =	ssyncset.done $0x0  }
0x1a8: {  	[sflag:s31] =	ssyncadd.s32 $0xFFFFFF80  }
0x1a9: {  	v33 =	vld [tilespmem:$0x2300]  }
0x1aa: {  	v35 =	vld [tilespmem:$0x2310]  }
0x1ab: {  	v36 =	vld [tilespmem:$0x2320]  }
0x1ac: {  	v39 =	vld [tilespmem:$0x2330]  }
0x1ad: {  	v41 =	vld [tilespmem:$0x2340]  }
0x1ae: {  	v42 =	vld [tilespmem:$0x2350];
	[tilespmem:$0x1F410] =	vst v33  }
0x1af: {  	[tilespmem:$0x1F420] =	vst v35  }
0x1b0: {  	[tilespmem:$0x1F430] =	vst v36  }
0x1b1: {  	[tilespmem:$0x1F440] =	vst v39  }
0x1b2: {  	[tilespmem:$0x1F450] =	vst v41  }
0x1b3: {  	v18 =	vld [tilespmem:$0x2360];
	[tilespmem:$0x1F460] =	vst v42  }
0x1b4: {  	v32 =	vld [tilespmem:$0x2370];
	_ =	swait.ge [sflag:s31], $0x80  }
0x1b5: {  	[sflag:s31] =	ssyncset.done $0x0  }
0x1b6: {  	[sflag:s31] =	ssyncadd.s32 $0xFFFFFF80  }
0x1b7: {  	v43 =	vld [tilespmem:$0x2380]  }
0x1b8: {  	v45 =	vld [tilespmem:$0x2390]  }
0x1b9: {  	v46 =	vld [tilespmem:$0x23A0]  }
0x1ba: {  	v48 =	vld [tilespmem:$0x23B0]  }
0x1bb: {  	v49 =	vld [tilespmem:$0x23C0]  }
0x1bc: {  	v50 =	vld [tilespmem:$0x23D0];
	[tilespmem:$0x1F470] =	vst v43  }
0x1bd: {  	v51 =	vld [tilespmem:$0x23E0];
	[tilespmem:$0x1F480] =	vst v45  }
0x1be: {  	[tilespmem:$0x1F490] =	vst v46  }
0x1bf: {  	[tilespmem:$0x1F4A0] =	vst v48  }
0x1c0: {  	[tilespmem:$0x1F4B0] =	vst v49  }
0x1c1: {  	[tilespmem:$0x1F4C0] =	vst v50  }
0x1c2: {  	[tilespmem:$0x1F4D0] =	vst v51  }
0x1c3: {  	v49 =	vld [tilespmem:$0x23F0];
	_ =	swait.ge [sflag:s31], $0x80  }
0x1c4: {  	[sflag:s31] =	ssyncset.done $0x0  }
0x1c5: {  	[sflag:s31] =	ssyncadd.s32 $0xFFFFFF80  }
0x1c6: {  	v52 =	vld [tilespmem:$0x2400]  }
0x1c7: {  	v58 =	vld [tilespmem:$0x2410]  }
0x1c8: {  	v59 =	vld [tilespmem:$0x2420]  }
0x1c9: {  	v19 =	vld [tilespmem:$0x2430]  }
0x1ca: {  	v20 =	vld [tilespmem:$0x2440]  }
0x1cb: {  	v21 =	vld [tilespmem:$0x2450];
	[tilespmem:$0x1F4E0] =	vst v52  }
0x1cc: {  	v25 =	vld [tilespmem:$0x2470];
	[tilespmem:$0x1F4F0] =	vst v58  }
0x1cd: {  	[tilespmem:$0x1F500] =	vst v59  }
0x1ce: {  	[tilespmem:$0x1F520] =	vst v19  }
0x1cf: {  	[tilespmem:$0x1F530] =	vst v20  }
0x1d0: {  	[tilespmem:$0x1F540] =	vst v21  }
0x1d1: {  	[tilespmem:$0x1F560] =	vst v25  }
0x1d2: {  	v33 =	vld [tilespmem:$0x2460];
	_ =	swait.ge [sflag:s31], $0x80  }
0x1d3: {  	[sflag:s31] =	ssyncset.done $0x0  }
0x1d4: {  	[sflag:s31] =	ssyncadd.s32 $0xFFFFFF80  }
0x1d5: {  	v26 =	vld [tilespmem:$0x2480]  }
0x1d6: {  	v28 =	vld [tilespmem:$0x2490]  }
0x1d7: {  	v29 =	vld [tilespmem:$0x24A0]  }
0x1d8: {  	v30 =	vld [tilespmem:$0x24B0]  }
0x1d9: {  	v31 =	vld [tilespmem:$0x24C0]  }
0x1da: {  	[tilespmem:$0x1F510] =	vst v26  }
0x1db: {  	[tilespmem:$0x1F570] =	vst v28  }
0x1dc: {  	[tilespmem:$0x1F580] =	vst v29  }
0x1dd: {  	v25 =	vld [tilespmem:$0x24D0];
	[tilespmem:$0x1F590] =	vst v30  }
0x1de: {  	v46 =	vld [tilespmem:$0x24E0];
	[tilespmem:$0x1F5A0] =	vst v31  }
0x1df: {  	v45 =	vld [tilespmem:$0x24F0];
	_ =	swait.ge [sflag:s31], $0x80  }
0x1e0: {  	[sflag:s31] =	ssyncset.done $0x0  }
0x1e1: {  	[sflag:s31] =	ssyncadd.s32 $0xFFFFFF80  }
0x1e2: {  	v35 =	vld [tilespmem:$0x2500]  }
0x1e3: {  	v36 =	vld [tilespmem:$0x2510]  }
0x1e4: {  	v39 =	vld [tilespmem:$0x2520]  }
0x1e5: {  	v41 =	vld [tilespmem:$0x2530]  }
0x1e6: {  	v42 =	vld [tilespmem:$0x2540]  }
0x1e7: {  	v43 =	vld [tilespmem:$0x2550];
	[tilespmem:$0x1F550] =	vst v35  }
0x1e8: {  	v48 =	vld [tilespmem:$0x2560];
	[tilespmem:$0x1F5C0] =	vst v36  }
0x1e9: {  	v50 =	vld [tilespmem:$0x2570];
	[tilespmem:$0x1F5D0] =	vst v39  }
0x1ea: {  	[tilespmem:$0x1F5E0] =	vst v41  }
0x1eb: {  	[tilespmem:$0x1F600] =	vst v42  }
0x1ec: {  	[tilespmem:$0x1F610] =	vst v43  }
0x1ed: {  	[tilespmem:$0x1F620] =	vst v48  }
0x1ee: {  	[tilespmem:$0x1F630] =	vst v50  }
0x1ef: {  	_ =	swait.ge [sflag:s31], $0x80  }
0x1f0: {  	[sflag:s31] =	ssyncset.done $0x0  }
0x1f1: {  	[sflag:s31] =	ssyncadd.s32 $0xFFFFFF80  }
0x1f2: {  	v51 =	vld [tilespmem:$0x2590]  }
0x1f3: {  	v52 =	vld [tilespmem:$0x25A0]  }
0x1f4: {  	v58 =	vld [tilespmem:$0x25B0]  }
0x1f5: {  	v59 =	vld [tilespmem:$0x25C0]  }
0x1f6: {  	v19 =	vld [tilespmem:$0x25D0]  }
0x1f7: {  	v20 =	vld [tilespmem:$0x25F0];
	[tilespmem:$0x1F640] =	vst v51  }
0x1f8: {  	[tilespmem:$0x1F650] =	vst v52  }
0x1f9: {  	[tilespmem:$0x1F660] =	vst v58  }
0x1fa: {  	[tilespmem:$0x1F670] =	vst v59  }
0x1fb: {  	[tilespmem:$0x1F680] =	vst v19  }
0x1fc: {  	v50 =	vld [tilespmem:$0x2580];
	[tilespmem:$0x1F690] =	vst v20  }
0x1fd: {  	v29 =	vld [tilespmem:$0x25E0];
	_ =	swait.ge [sflag:s31], $0x80  }
0x1fe: {  	[sflag:s31] =	ssyncset.done $0x0  }
0x1ff: {  	[sflag:s31] =	ssyncadd.s32 $0xFFFFFF80  }
0x200: {  	v21 =	vld [tilespmem:$0x2610]  }
0x201: {  	v26 =	vld [tilespmem:$0x2620]  }
0x202: {  	v28 =	vld [tilespmem:$0x2630]  }
0x203: {  	v30 =	vld [tilespmem:$0x2640]  }
0x204: {  	v31 =	vld [tilespmem:$0x2650]  }
0x205: {  	v36 =	vld [tilespmem:$0x2660];
	[tilespmem:$0x1F6A0] =	vst v21  }
0x206: {  	v39 =	vld [tilespmem:$0x2670];
	[tilespmem:$0x1F6C0] =	vst v26  }
0x207: {  	[tilespmem:$0x1F6D0] =	vst v28  }
0x208: {  	[tilespmem:$0x1F6E0] =	vst v30  }
0x209: {  	[tilespmem:$0x1F6F0] =	vst v31  }
0x20a: {  	[tilespmem:$0x1F710] =	vst v36  }
0x20b: {  	[tilespmem:$0x1F720] =	vst v39  }
0x20c: {  	v35 =	vld [tilespmem:$0x2600];
	_ =	swait.ge [sflag:s31], $0x80  }
0x20d: {  	[sflag:s31] =	ssyncset.done $0x0  }
0x20e: {  	[sflag:s31] =	ssyncadd.s32 $0xFFFFFF80  }
0x20f: {  	v41 =	vld [tilespmem:$0x2680]  }
0x210: {  	v42 =	vld [tilespmem:$0x2690]  }
0x211: {  	v43 =	vld [tilespmem:$0x26A0]  }
0x212: {  	v48 =	vld [tilespmem:$0x26B0]  }
0x213: {  	v51 =	vld [tilespmem:$0x26C0]  }
0x214: {  	v52 =	vld [tilespmem:$0x26D0];
	[tilespmem:$0x1F5B0] =	vst v41  }
0x215: {  	v58 =	vld [tilespmem:$0x26E0];
	[tilespmem:$0x1F700] =	vst v42  }
0x216: {  	[tilespmem:$0x1F740] =	vst v43  }
0x217: {  	[tilespmem:$0x1F750] =	vst v48  }
0x218: {  	[tilespmem:$0x1F770] =	vst v51  }
0x219: {  	[tilespmem:$0x1F780] =	vst v52  }
0x21a: {  	[tilespmem:$0x1F7A0] =	vst v58  }
0x21b: {  	v30 =	vld [tilespmem:$0x26F0];
	_ =	swait.ge [sflag:s31], $0x80  }
0x21c: {  	[sflag:s31] =	ssyncset.done $0x0  }
0x21d: {  	[sflag:s31] =	ssyncadd.s32 $0xFFFFFF80  }
0x21e: {  	v59 =	vld [tilespmem:$0x2700]  }
0x21f: {  	v19 =	vld [tilespmem:$0x2710]  }
0x220: {  	v20 =	vld [tilespmem:$0x2720]  }
0x221: {  	v21 =	vld [tilespmem:$0x2730]  }
0x222: {  	v26 =	vld [tilespmem:$0x2740]  }
0x223: {  	v28 =	vld [tilespmem:$0x2750];
	[tilespmem:$0x1F5F0] =	vst v59  }
0x224: {  	v31 =	vld [tilespmem:$0x2760];
	[tilespmem:$0x1F730] =	vst v19  }
0x225: {  	v36 =	vld [tilespmem:$0x2770];
	[tilespmem:$0x1F7C0] =	vst v20  }
0x226: {  	[tilespmem:$0x1F7D0] =	vst v21  }
0x227: {  	[tilespmem:$0x1F7F0] =	vst v26  }
0x228: {  	[tilespmem:$0x1F800] =	vst v28  }
0x229: {  	[tilespmem:$0x1F820] =	vst v31  }
0x22a: {  	[tilespmem:$0x1F830] =	vst v36  }
0x22b: {  	_ =	swait.ge [sflag:s31], $0x80  }
0x22c: {  	[sflag:s31] =	ssyncset.done $0x0  }
0x22d: {  	[sflag:s31] =	ssyncadd.s32 $0xFFFFFF80  }
0x22e: {  	v39 =	vld [tilespmem:$0x2790]  }
0x22f: {  	v41 =	vld [tilespmem:$0x27A0]  }
0x230: {  	v42 =	vld [tilespmem:$0x27B0]  }
0x231: {  	v43 =	vld [tilespmem:$0x27C0]  }
0x232: {  	v48 =	vld [tilespmem:$0x27D0]  }
0x233: {  	v52 =	vld [tilespmem:$0x27E0];
	[tilespmem:$0x1F760] =	vst v39  }
0x234: {  	v58 =	vld [tilespmem:$0x27F0];
	[tilespmem:$0x1F850] =	vst v41  }
0x235: {  	[tilespmem:$0x1F860] =	vst v42  }
0x236: {  	[tilespmem:$0x1F880] =	vst v43  }
0x237: {  	[tilespmem:$0x1F890] =	vst v48  }
0x238: {  	[tilespmem:$0x1F8C0] =	vst v52  }
0x239: {  	[tilespmem:$0x1F8F0] =	vst v58  }
0x23a: {  	v51 =	vld [tilespmem:$0x2780];
	_ =	swait.ge [sflag:s31], $0x80  }
0x23b: {  	[sflag:s31] =	ssyncset.done $0x0  }
0x23c: {  	[sflag:s31] =	ssyncadd.s32 $0xFFFFFF80  }
0x23d: {  	v59 =	vld [tilespmem:$0x2810]  }
0x23e: {  	v19 =	vld [tilespmem:$0x2820]  }
0x23f: {  	v20 =	vld [tilespmem:$0x2830]  }
0x240: {  	v21 =	vld [tilespmem:$0x2840]  }
0x241: {  	v26 =	vld [tilespmem:$0x2850]  }
0x242: {  	v28 =	vld [tilespmem:$0x2870];
	[tilespmem:$0x1F790] =	vst v59  }
0x243: {  	[tilespmem:$0x1F8B0] =	vst v19  }
0x244: {  	[tilespmem:$0x1F920] =	vst v20  }
0x245: {  	[tilespmem:$0x1F950] =	vst v21  }
0x246: {  	[tilespmem:$0x1F980] =	vst v26  }
0x247: {  	v43 =	vld [tilespmem:$0x2800];
	[tilespmem:$0x1F9D0] =	vst v28  }
0x248: {  	v59 =	vld [tilespmem:$0x2860];
	_ =	swait.ge [sflag:s31], $0x80  }
0x249: {  	[sflag:s31] =	ssyncset.done $0x0  }
0x24a: {  	[sflag:s31] =	ssyncadd.s32 $0xFFFFFF80  }
0x24b: {  	v31 =	vld [tilespmem:$0x2890]  }
0x24c: {  	v36 =	vld [tilespmem:$0x28A0]  }
0x24d: {  	v41 =	vld [tilespmem:$0x28B0]  }
0x24e: {  	v42 =	vld [tilespmem:$0x28C0]  }
0x24f: {  	v48 =	vld [tilespmem:$0x28D0]  }
0x250: {  	v52 =	vld [tilespmem:$0x28E0];
	[tilespmem:$0x1F7B0] =	vst v31  }
0x251: {  	v58 =	vld [tilespmem:$0x28F0];
	[tilespmem:$0x1F8E0] =	vst v36  }
0x252: {  	[tilespmem:$0x1FA00] =	vst v41  }
0x253: {  	[tilespmem:$0x1FAB0] =	vst v42  }
0x254: {  	[tilespmem:$0x1FBA0] =	vst v48  }
0x255: {  	[tilespmem:$0x1FCA0] =	vst v52  }
0x256: {  	[tilespmem:$0x1FDB0] =	vst v58  }
0x257: {  	v39 =	vld [tilespmem:$0x2880];
	_ =	swait.ge [sflag:s31], $0x80  }
0x258: {  	[sflag:s31] =	ssyncset.done $0x0  }
0x259: {  	[sflag:s31] =	ssyncadd.s32 $0xFFFFFF80  }
0x25a: {  	v19 =	vld [tilespmem:$0x2900]  }
0x25b: {  	v20 =	vld [tilespmem:$0x2910]  }
0x25c: {  	v21 =	vld [tilespmem:$0x2920]  }
0x25d: {  	v26 =	vld [tilespmem:$0x2930]  }
0x25e: {  	v28 =	vld [tilespmem:$0x2940]  }
0x25f: {  	v31 =	vld [tilespmem:$0x2950];
	[tilespmem:$0x1F6B0] =	vst v19  }
0x260: {  	v36 =	vld [tilespmem:$0x2960];
	[tilespmem:$0x1F7E0] =	vst v20  }
0x261: {  	v41 =	vld [tilespmem:$0x2970];
	[tilespmem:$0x1F910] =	vst v21  }
0x262: {  	[tilespmem:$0x1FA20] =	vst v26  }
0x263: {  	[tilespmem:$0x1FAE0] =	vst v28  }
0x264: {  	[tilespmem:$0x1FBD0] =	vst v31  }
0x265: {  	[tilespmem:$0x1FCD0] =	vst v36  }
0x266: {  	[tilespmem:$0x1FDE0] =	vst v41  }
0x267: {  	_ =	swait.ge [sflag:s31], $0x80  }
0x268: {  	[sflag:s31] =	ssyncset.done $0x0  }
0x269: {  	[sflag:s31] =	ssyncadd.s32 $0xFFFFFF80  }
0x26a: {  	v42 =	vld [tilespmem:$0x2990]  }
0x26b: {  	v48 =	vld [tilespmem:$0x29A0]  }
0x26c: {  	v52 =	vld [tilespmem:$0x29B0]  }
0x26d: {  	v19 =	vld [tilespmem:$0x29C0]  }
0x26e: {  	v20 =	vld [tilespmem:$0x29D0]  }
0x26f: {  	v21 =	vld [tilespmem:$0x29E0];
	[tilespmem:$0x1F810] =	vst v42  }
0x270: {  	v26 =	vld [tilespmem:$0x29F0];
	[tilespmem:$0x1F940] =	vst v48  }
0x271: {  	[tilespmem:$0x1FA40] =	vst v52  }
0x272: {  	[tilespmem:$0x1FB10] =	vst v19  }
0x273: {  	[tilespmem:$0x1FC00] =	vst v20  }
0x274: {  	[tilespmem:$0x1FD00] =	vst v21  }
0x275: {  	[tilespmem:$0x1FE10] =	vst v26  }
0x276: {  	v58 =	vld [tilespmem:$0x2980];
	_ =	swait.ge [sflag:s31], $0x80  }
0x277: {  	[sflag:s31] =	ssyncset.done $0x0  }
0x278: {  	[sflag:s31] =	ssyncadd.s32 $0xFFFFFF80  }
0x279: {  	v28 =	vld [tilespmem:$0x2A10]  }
0x27a: {  	v31 =	vld [tilespmem:$0x2A20]  }
0x27b: {  	v36 =	vld [tilespmem:$0x2A30]  }
0x27c: {  	v41 =	vld [tilespmem:$0x2A40]  }
0x27d: {  	v42 =	vld [tilespmem:$0x2A50]  }
0x27e: {  	v48 =	vld [tilespmem:$0x2A60];
	[tilespmem:$0x1F840] =	vst v28  }
0x27f: {  	v19 =	vld [tilespmem:$0x2A70];
	[tilespmem:$0x1F970] =	vst v31  }
0x280: {  	[tilespmem:$0x1FA60] =	vst v36  }
0x281: {  	[tilespmem:$0x1FB40] =	vst v41  }
0x282: {  	[tilespmem:$0x1FC30] =	vst v42  }
0x283: {  	[tilespmem:$0x1FD30] =	vst v48  }
0x284: {  	[tilespmem:$0x1FE40] =	vst v19  }
0x285: {  	v52 =	vld [tilespmem:$0x2A00];
	_ =	swait.ge [sflag:s31], $0x80  }
0x286: {  	[sflag:s31] =	ssyncset.done $0x0  }
0x287: {  	[sflag:s31] =	ssyncadd.s32 $0xFFFFFF80  }
0x288: {  	v20 =	vld [tilespmem:$0x2A90]  }
0x289: {  	v21 =	vld [tilespmem:$0x2AA0]  }
0x28a: {  	v26 =	vld [tilespmem:$0x2AB0]  }
0x28b: {  	v28 =	vld [tilespmem:$0x2AC0]  }
0x28c: {  	v31 =	vld [tilespmem:$0x2AD0]  }
0x28d: {  	v36 =	vld [tilespmem:$0x2AE0];
	[tilespmem:$0x1F870] =	vst v20  }
0x28e: {  	v41 =	vld [tilespmem:$0x2AF0];
	[tilespmem:$0x1F9A0] =	vst v21  }
0x28f: {  	[tilespmem:$0x1FA80] =	vst v26  }
0x290: {  	[tilespmem:$0x1FB60] =	vst v28  }
0x291: {  	[tilespmem:$0x1FC60] =	vst v31  }
0x292: {  	[tilespmem:$0x1FD60] =	vst v36  }
0x293: {  	[tilespmem:$0x1FE70] =	vst v41  }
0x294: {  	v48 =	vld [tilespmem:$0x2A80];
	_ =	swait.ge [sflag:s31], $0x80  }
0x295: {  	[sflag:s31] =	ssyncset.done $0x0  }
0x296: {  	[sflag:s31] =	ssyncadd.s32 $0xFFFFFF80  }
0x297: {  	v42 =	vld [tilespmem:$0x2B10]  }
0x298: {  	v19 =	vld [tilespmem:$0x2B20]  }
0x299: {  	v20 =	vld [tilespmem:$0x2B30]  }
0x29a: {  	v21 =	vld [tilespmem:$0x2B40]  }
0x29b: {  	v28 =	vld [tilespmem:$0x2B50]  }
0x29c: {  	v31 =	vld [tilespmem:$0x2B60];
	[tilespmem:$0x1F8A0] =	vst v42  }
0x29d: {  	v36 =	vld [tilespmem:$0x2B70];
	[tilespmem:$0x1F9C0] =	vst v19  }
0x29e: {  	[tilespmem:$0x1FAA0] =	vst v20  }
0x29f: {  	[tilespmem:$0x1FB80] =	vst v21  }
0x2a0: {  	[tilespmem:$0x1FC80] =	vst v28  }
0x2a1: {  	[tilespmem:$0x1FD90] =	vst v31  }
0x2a2: {  	[tilespmem:$0x1FEA0] =	vst v36  }
0x2a3: {  	v26 =	vld [tilespmem:$0x2B00];
	_ =	swait.ge [sflag:s31], $0x80  }
0x2a4: {  	[sflag:s31] =	ssyncset.done $0x0  }
0x2a5: {  	[sflag:s31] =	ssyncadd.s32 $0xFFFFFF80  }
0x2a6: {  	v41 =	vld [tilespmem:$0x2B90]  }
0x2a7: {  	v42 =	vld [tilespmem:$0x2BA0]  }
0x2a8: {  	v19 =	vld [tilespmem:$0x2BB0]  }
0x2a9: {  	v20 =	vld [tilespmem:$0x2BC0]  }
0x2aa: {  	v28 =	vld [tilespmem:$0x2BD0]  }
0x2ab: {  	v31 =	vld [tilespmem:$0x2BE0];
	[tilespmem:$0x1F8D0] =	vst v41  }
0x2ac: {  	v36 =	vld [tilespmem:$0x2BF0];
	[tilespmem:$0x1F9F0] =	vst v42  }
0x2ad: {  	[tilespmem:$0x1FAD0] =	vst v19  }
0x2ae: {  	[tilespmem:$0x1FBB0] =	vst v20  }
0x2af: {  	[tilespmem:$0x1FCB0] =	vst v28  }
0x2b0: {  	[tilespmem:$0x1FDC0] =	vst v31  }
0x2b1: {  	[tilespmem:$0x1FED0] =	vst v36  }
0x2b2: {  	v21 =	vld [tilespmem:$0x2B80];
	_ =	swait.ge [sflag:s31], $0x80  }
0x2b3: {  	[sflag:s31] =	ssyncset.done $0x0  }
0x2b4: {  	[sflag:s31] =	ssyncadd.s32 $0xFFFFFF80  }
0x2b5: {  	v41 =	vld [tilespmem:$0x2C10]  }
0x2b6: {  	v42 =	vld [tilespmem:$0x2C20]  }
0x2b7: {  	v19 =	vld [tilespmem:$0x2C30]  }
0x2b8: {  	v28 =	vld [tilespmem:$0x2C40]  }
0x2b9: {  	v31 =	vld [tilespmem:$0x2C50]  }
0x2ba: {  	v36 =	vld [tilespmem:$0x2C60];
	[tilespmem:$0x1F900] =	vst v41  }
0x2bb: {  	[tilespmem:$0x1FA10] =	vst v42;
	v41 =	vld [tilespmem:$0x2C70]  }
0x2bc: {  	[tilespmem:$0x1FB00] =	vst v19  }
0x2bd: {  	[tilespmem:$0x1FBF0] =	vst v28  }
0x2be: {  	[tilespmem:$0x1FCF0] =	vst v31  }
0x2bf: {  	[tilespmem:$0x1FE00] =	vst v36  }
0x2c0: {  	[tilespmem:$0x1FF00] =	vst v41  }
0x2c1: {  	v20 =	vld [tilespmem:$0x2C00];
	_ =	swait.ge [sflag:s31], $0x80  }
0x2c2: {  	[sflag:s31] =	ssyncset.done $0x0  }
0x2c3: {  	[sflag:s31] =	ssyncadd.s32 $0xFFFFFF80  }
0x2c4: {  	v42 =	vld [tilespmem:$0x2C90]  }
0x2c5: {  	v19 =	vld [tilespmem:$0x2CA0]  }
0x2c6: {  	v28 =	vld [tilespmem:$0x2CB0]  }
0x2c7: {  	v36 =	vld [tilespmem:$0x2CC0]  }
0x2c8: {  	v41 =	vld [tilespmem:$0x2CD0]  }
0x2c9: {  	[tilespmem:$0x1F930] =	vst v42;
	v42 =	vld [tilespmem:$0x2CE0]  }
0x2ca: {  	[tilespmem:$0x1FA30] =	vst v19;
	v19 =	vld [tilespmem:$0x2CF0]  }
0x2cb: {  	[tilespmem:$0x1FB30] =	vst v28  }
0x2cc: {  	[tilespmem:$0x1FC20] =	vst v36  }
0x2cd: {  	[tilespmem:$0x1FD20] =	vst v41  }
0x2ce: {  	[tilespmem:$0x1FE30] =	vst v42  }
0x2cf: {  	[tilespmem:$0x1FF20] =	vst v19  }
0x2d0: {  	v31 =	vld [tilespmem:$0x2C80];
	_ =	swait.ge [sflag:s31], $0x80  }
0x2d1: {  	[sflag:s31] =	ssyncset.done $0x0  }
0x2d2: {  	[sflag:s31] =	ssyncadd.s32 $0xFFFFFF80  }
0x2d3: {  	v28 =	vld [tilespmem:$0x2D10]  }
0x2d4: {  	v36 =	vld [tilespmem:$0x2D20]  }
0x2d5: {  	v41 =	vld [tilespmem:$0x2D30];
	_ =	sdelay $0x1  }
0x2d6: {  	v19 =	vld [tilespmem:$0x2D40]  }
0x2d7: {  	[tilespmem:$0x1F960] =	vst v28;
	v28 =	vld [tilespmem:$0x2D50]  }
0x2d8: {  	[tilespmem:$0x1FA50] =	vst v36;
	v36 =	vld [tilespmem:$0x2D60]  }
0x2d9: {  	[tilespmem:$0x1FB50] =	vst v41;
	v41 =	vld [tilespmem:$0x2D70];
	_ =	sdelay $0x1  }
0x2da: {  	[tilespmem:$0x1FC50] =	vst v19  }
0x2db: {  	[tilespmem:$0x1FD50] =	vst v28  }
0x2dc: {  	[tilespmem:$0x1FE60] =	vst v36  }
0x2dd: {  	[tilespmem:$0x1FF40] =	vst v41  }
0x2de: {  	v42 =	vld [tilespmem:$0x2D00];
	_ =	swait.ge [sflag:s31], $0x80  }
0x2df: {  	[sflag:s31] =	ssyncset.done $0x0  }
0x2e0: {  	[sflag:s31] =	ssyncadd.s32 $0xFFFFFF80  }
0x2e1: {  	v19 =	vld [tilespmem:$0x2D90]  }
0x2e2: {  	v28 =	vld [tilespmem:$0x2DA0];
	_ =	sdelay $0x3  }
0x2e3: {  	[tilespmem:$0x1F990] =	vst v19  }
0x2e4: {  	v36 =	vld [tilespmem:$0x2D80];
	[tilespmem:$0x1FA70] =	vst v28  }
0x2e5: {  	v12 =	vld [tilespmem:$0x2DB0]  }
0x2e6: {  	v41 =	vld [tilespmem:$0x2DC0];
	_ =	sdelay $0x2  }
0x2e7: {  	v19 =	vld [tilespmem:$0x2DD0]  }
0x2e8: {  	v28 =	vld [tilespmem:$0x2DE0]  }
0x2e9: {  	[tilespmem:$0x1FC70] =	vst v41;
	v41 =	vld [tilespmem:$0x2DF0];
	_ =	sdelay $0x1  }
0x2ea: {  	[tilespmem:$0x1FB70] =	vst v12  }
0x2eb: {  	[tilespmem:$0x1FD80] =	vst v19  }
0x2ec: {  	[tilespmem:$0x1FE90] =	vst v28  }
0x2ed: {  	[tilespmem:$0x1FF60] =	vst v41  }
0x2ee: {  	_ =	swait.ge [sflag:s31], $0x80  }
0x2ef: {  	[sflag:s31] =	ssyncset.done $0x0  }
0x2f0: {  	[sflag:s31] =	ssyncadd.s32 $0xFFFFFF80  }
0x2f1: {  	v19 =	vld [tilespmem:$0x2E10];
	_ =	sdelay $0x3  }
0x2f2: {  	v41 =	vld [tilespmem:$0x2E20]  }
0x2f3: {  	[tilespmem:$0x1F9B0] =	vst v19;
	v19 =	vld [tilespmem:$0x2E30];
	_ =	sdelay $0x3  }
0x2f4: {  	[tilespmem:$0x1FA90] =	vst v41;
	v41 =	vld [tilespmem:$0x2E40]  }
0x2f5: {  	[tilespmem:$0x1FB90] =	vst v19;
	v19 =	vld [tilespmem:$0x2E50];
	_ =	sdelay $0x3  }
0x2f6: {  	[tilespmem:$0x1FC90] =	vst v41;
	v41 =	vld [tilespmem:$0x2E60]  }
0x2f7: {  	[tilespmem:$0x1FDA0] =	vst v19;
	v19 =	vld [tilespmem:$0x2E70];
	_ =	sdelay $0x3  }
0x2f8: {  	[tilespmem:$0x1FEC0] =	vst v41  }
0x2f9: {  	[tilespmem:$0x1FF80] =	vst v19  }
0x2fa: {  	v28 =	vld [tilespmem:$0x2E00];
	_ =	swait.ge [sflag:s31], $0x80  }
0x2fb: {  	[sflag:s31] =	ssyncset.done $0x0  }
0x2fc: {  	[sflag:s31] =	ssyncadd.s32 $0xFFFFFF80  }
0x2fd: {  	v41 =	vld [tilespmem:$0x2E90];
	_ =	sdelay $0x4  }
0x2fe: {  	[tilespmem:$0x1F9E0] =	vst v41;
	v41 =	vld [tilespmem:$0x2EA0];
	_ =	sdelay $0x4  }
0x2ff: {  	[tilespmem:$0x1FAC0] =	vst v41;
	v41 =	vld [tilespmem:$0x2EB0];
	_ =	sdelay $0x4  }
0x300: {  	[tilespmem:$0x1FBC0] =	vst v41;
	v41 =	vld [tilespmem:$0x2EC0];
	_ =	sdelay $0x4  }
0x301: {  	[tilespmem:$0x1FCC0] =	vst v41;
	v41 =	vld [tilespmem:$0x2ED0];
	_ =	sdelay $0x4  }
0x302: {  	[tilespmem:$0x1FDD0] =	vst v41;
	v41 =	vld [tilespmem:$0x2EE0];
	_ =	sdelay $0x4  }
0x303: {  	[tilespmem:$0x1FEE0] =	vst v41;
	v41 =	vld [tilespmem:$0x2EF0];
	_ =	sdelay $0x4  }
0x304: {  	v9 =	vadd.f32 $0.0e+00, v9;
	v1 =	vadd.f32 $0.0e+00, v1;
	[tilespmem:$0x1FF90] =	vst v41  }
0x305: {  	v19 =	vld [tilespmem:$0x2E80];
	_ =	swait.ge [sflag:s31], $0x80  }
0x306: {  	v9 =	vadd.f32 v10, v9;
	v1 =	vadd.f32 v8, v1;
	[sflag:s31] =	ssyncset.done $0x0  }
0x307: {  	v8 =	vadd.f32 $0.0e+00, v34;
	v34 =	vadd.f32 $0.0e+00, v57;
	[sflag:s31] =	ssyncadd.s32 $0xFFFFFF80  }
0x308: {  	v41 =	vadd.f32 $0.0e+00, v37;
	v37 =	vadd.f32 $0.0e+00, v27;
	v27 =	vld [tilespmem:$0x2F20]  }
0x309: {  	v10 =	vadd.f32 v22, v34;
	v12 =	vadd.f32 $0.0e+00, v16;
	v34 =	vld [tilespmem:$0x2F30]  }
0x30a: {  	v6 =	vadd.f32 v6, v37;
	v37 =	vld [tilespmem:$0x2F40]  }
0x30b: {  	v12 =	vadd.f32 v60, v12;
	v60 =	vadd.f32 v14, v9;
	v14 =	vld [tilespmem:$0x2F50]  }
0x30c: {  	v16 =	vld [tilespmem:$0x2F60]  }
0x30d: {  	[tilespmem:$0x1FAF0] =	vst v27;
	v27 =	vld [tilespmem:$0x2F70]  }
0x30e: {  	[tilespmem:$0x1FBE0] =	vst v34  }
0x30f: {  	[tilespmem:$0x1FCE0] =	vst v37  }
0x310: {  	v4 =	vadd.f32 v4, v41;
	v41 =	vld [tilespmem:$0x2F00];
	[tilespmem:$0x1FDF0] =	vst v14  }
0x311: {  	v57 =	vld [tilespmem:$0x2F10];
	[tilespmem:$0x1FEF0] =	vst v16  }
0x312: {  	v34 =	vld [tilespmem:$0x1EF50];
	[tilespmem:$0x1FFA0] =	vst v27  }
0x313: {  	v37 =	vld [tilespmem:$0x1EF60];
	_ =	swait.ge [sflag:s31], $0x80  }
0x314: {  	v11 =	vadd.f32 $0.0e+00, v11;
	v9 =	vld [tilespmem:$0x1EF70]  }
0x315: {  	v8 =	vadd.f32 v17, v8;
	v22 =	vadd.f32 v53, v10;
	v10 =	vld [tilespmem:$0x1EF80]  }
0x316: {  	v3 =	vadd.f32 v3, v11;
	v11 =	vld [tilespmem:$0x1EF90]  }
0x317: {  	v17 =	vadd.f32 v7, v8;
	v8 =	vadd.f32 v34, v12;
	v12 =	vld [tilespmem:$0x1EFA0]  }
0x318: {  	v14 =	vld [tilespmem:$0x1EFB0]  }
0x319: {  	v16 =	vld [tilespmem:$0x1EFC0]  }
0x31a: {  	v3 =	vadd.f32 v5, v3;
	v2 =	vadd.f32 v2, v4;
	v27 =	vld [tilespmem:$0x1EFE0]  }
0x31b: {  	v53 =	vadd.f32 v47, v60;
	v6 =	vadd.f32 v37, v6;
	[sflag:s31] =	ssyncset.done $0x0;
	v37 =	vld [tilespmem:$0x1EFF0]  }
0x31c: {  	v2 =	vadd.f32 v54, v2;
	v54 =	vld [tilespmem:$0x1F000];
	[sflag:s31] =	ssyncadd.s32 $0xFFFFFF80  }
0x31d: {  	v0 =	vadd.f32 v0, v3;
	v3 =	vadd.f32 v13, v53;
	v13 =	vld [tilespmem:$0x2FA0]  }
0x31e: {  	v1 =	vadd.f32 v15, v1;
	v15 =	vld [tilespmem:$0x2FB0]  }
0x31f: {  	v47 =	vld [tilespmem:$0x2FD0]  }
0x320: {  	v53 =	vld [tilespmem:$0x2FE0]  }
0x321: {  	v0 =	vadd.f32 v56, v0;
	v56 =	vld [tilespmem:$0x2FF0]  }
0x322: {  	v1 =	vadd.f32 v55, v1;
	v5 =	vadd.f32 v10, v22;
	v22 =	vld [tilespmem:$0x2FC0];
	[tilespmem:$0x1FB20] =	vst v13  }
0x323: {  	v55 =	vld [tilespmem:$0x1F010];
	[tilespmem:$0x1FC10] =	vst v15  }
0x324: {  	v1 =	vadd.f32 v61, v1;
	v61 =	vld [tilespmem:$0x1F020];
	[tilespmem:$0x1FE20] =	vst v47  }
0x325: {  	v0 =	vadd.f32 v62, v0;
	v62 =	vld [tilespmem:$0x1F030];
	[tilespmem:$0x1FF10] =	vst v53  }
0x326: {  	v34 =	vld [tilespmem:$0x2F80];
	[tilespmem:$0x1FFB0] =	vst v56  }
0x327: {  	v60 =	vld [tilespmem:$0x2F90];
	[tilespmem:$0x1FD10] =	vst v22  }
0x328: {  	v4 =	vadd.f32 v9, v17;
	v17 =	vld [tilespmem:$0x1EFD0];
	_ =	swait.ge [sflag:s31], $0x80  }
0x329: {  	v3 =	vadd.f32 v63, v3;
	v63 =	vld [tilespmem:$0x1F040]  }
0x32a: {  	v7 =	vadd.f32 v11, v8;
	v11 =	vld [tilespmem:$0x1F050]  }
0x32b: {  	v6 =	vadd.f32 v12, v6;
	v12 =	vld [tilespmem:$0x1F060]  }
0x32c: {  	v13 =	vld [tilespmem:$0x1F070]  }
0x32d: {  	v2 =	vadd.f32 v14, v2;
	v14 =	vld [tilespmem:$0x1F080]  }
0x32e: {  	v15 =	vld [tilespmem:$0x1F090]  }
0x32f: {  	v4 =	vadd.f32 v16, v4;
	v16 =	vld [tilespmem:$0x1F0A0]  }
0x330: {  	v5 =	vadd.f32 v17, v5;
	v17 =	vld [tilespmem:$0x1F0B0]  }
0x331: {  	v22 =	vld [tilespmem:$0x1F0C0]  }
0x332: {  	v6 =	vadd.f32 v37, v6;
	v37 =	vld [tilespmem:$0x1F0D0]  }
0x333: {  	v47 =	vld [tilespmem:$0x1F0E0]  }
0x334: {  	v53 =	vld [tilespmem:$0x1F0F0]  }
0x335: {  	v1 =	vadd.f32 v55, v1;
	v55 =	vld [tilespmem:$0x1F100]  }
0x336: {  	v5 =	vadd.f32 v62, v5;
	v62 =	vld [tilespmem:$0x1F110]  }
0x337: {  	[sflag:s31] =	ssyncset.done $0x0;
	v9 =	vld [tilespmem:$0x1F120]  }
0x338: {  	v10 =	vld [tilespmem:$0x1F130];
	[sflag:s31] =	ssyncadd.s32 $0xFFFFFF80  }
0x339: {  	v7 =	vadd.f32 v27, v7;
	v27 =	vld [tilespmem:$0x3000]  }
0x33a: {  	v4 =	vadd.f32 v61, v4;
	v61 =	vld [tilespmem:$0x3010]  }
0x33b: {  	v56 =	vld [tilespmem:$0x3020]  }
0x33c: {  	v2 =	vadd.f32 v54, v2;
	v54 =	vld [tilespmem:$0x3030]  }
0x33d: {  	v8 =	vadd.f32 v63, v7;
	v63 =	vld [tilespmem:$0x3040]  }
0x33e: {  	v6 =	vadd.f32 v11, v6;
	v11 =	vld [tilespmem:$0x3050]  }
0x33f: {  	v2 =	vadd.f32 v14, v2;
	v14 =	vld [tilespmem:$0x3060]  }
0x340: {  	v5 =	vadd.f32 v17, v5;
	v17 =	vld [tilespmem:$0x3070]  }
0x341: {  	v0 =	vadd.f32 v12, v0;
	v12 =	vld [tilespmem:$0x1F140];
	[tilespmem:$0x1FC40] =	vst v54  }
0x342: {  	v3 =	vadd.f32 v13, v3;
	v13 =	vld [tilespmem:$0x1F150];
	[tilespmem:$0x1FD40] =	vst v63  }
0x343: {  	v1 =	vadd.f32 v15, v1;
	v15 =	vld [tilespmem:$0x1F160];
	[tilespmem:$0x1FE50] =	vst v11  }
0x344: {  	v4 =	vadd.f32 v16, v4;
	v16 =	vld [tilespmem:$0x1F170];
	[tilespmem:$0x1FF30] =	vst v14  }
0x345: {  	v8 =	vadd.f32 v22, v8;
	v22 =	vld [tilespmem:$0x1F180];
	[tilespmem:$0x1FFC0] =	vst v17  }
0x346: {  	v6 =	vadd.f32 v37, v6;
	v37 =	vld [tilespmem:$0x1F190];
	_ =	swait.ge [sflag:s31], $0x80  }
0x347: {  	v0 =	vadd.f32 v47, v0;
	v47 =	vld [tilespmem:$0x1F1A0]  }
0x348: {  	v3 =	vadd.f32 v53, v3;
	v53 =	vld [tilespmem:$0x1F1B0]  }
0x349: {  	v54 =	vld [tilespmem:$0x1F1C0]  }
0x34a: {  	v63 =	vld [tilespmem:$0x1F1D0]  }
0x34b: {  	v5 =	vadd.f32 v10, v5;
	v10 =	vld [tilespmem:$0x1F1E0]  }
0x34c: {  	v11 =	vld [tilespmem:$0x1F1F0]  }
0x34d: {  	v8 =	vadd.f32 v12, v8;
	v12 =	vld [tilespmem:$0x1F200]  }
0x34e: {  	v6 =	vadd.f32 v13, v6;
	v13 =	vld [tilespmem:$0x1F210]  }
0x34f: {  	v14 =	vld [tilespmem:$0x1F220]  }
0x350: {  	v2 =	vadd.f32 v55, v2;
	v0 =	vadd.f32 v15, v0;
	v15 =	vld [tilespmem:$0x1F230]  }
0x351: {  	v1 =	vadd.f32 v62, v1;
	v17 =	vld [tilespmem:$0x1F240]  }
0x352: {  	v2 =	vadd.f32 v22, v2;
	[sflag:s31] =	ssyncset.done $0x0;
	v22 =	vld [tilespmem:$0x1F250]  }
0x353: {  	v1 =	vadd.f32 v37, v1;
	v37 =	vld [tilespmem:$0x1F260];
	[sflag:s31] =	ssyncadd.s32 $0xFFFFFF80  }
0x354: {  	v3 =	vadd.f32 v16, v3;
	v16 =	vld [tilespmem:$0x3080]  }
0x355: {  	v8 =	vadd.f32 v40, v8;
	v40 =	vld [tilespmem:$0x3090]  }
0x356: {  	v4 =	vadd.f32 v9, v4;
	v62 =	vld [tilespmem:$0x30D0]  }
0x357: {  	v0 =	vadd.f32 v63, v0;
	v63 =	vld [tilespmem:$0x30A0]  }
0x358: {  	v4 =	vadd.f32 v47, v4;
	v47 =	vld [tilespmem:$0x30C0]  }
0x359: {  	v5 =	vadd.f32 v53, v5;
	v53 =	vld [tilespmem:$0x1F270]  }
0x35a: {  	v55 =	vadd.f32 v54, v6;
	v54 =	vld [tilespmem:$0x1F280]  }
0x35b: {  	v3 =	vadd.f32 v10, v3;
	v10 =	vld [tilespmem:$0x1F290]  }
0x35c: {  	v1 =	vadd.f32 v12, v1;
	v12 =	vld [tilespmem:$0x30E0]  }
0x35d: {  	v8 =	vadd.f32 v15, v8;
	v15 =	vld [tilespmem:$0x30F0]  }
0x35e: {  	v2 =	vadd.f32 v11, v2;
	v11 =	vld [tilespmem:$0x1F2A0]  }
0x35f: {  	v9 =	vadd.f32 v17, v55;
	v55 =	vld [tilespmem:$0x30B0];
	[tilespmem:$0x1FE80] =	vst v62  }
0x360: {  	v4 =	vadd.f32 v13, v4;
	v13 =	vld [tilespmem:$0x1F2B0];
	[tilespmem:$0x1FD70] =	vst v47  }
0x361: {  	v5 =	vadd.f32 v14, v5;
	v14 =	vld [tilespmem:$0x1F2C0];
	[tilespmem:$0x1FF50] =	vst v12  }
0x362: {  	v17 =	vld [tilespmem:$0x1F2D0];
	[tilespmem:$0x1FFD0] =	vst v15  }
0x363: {  	v0 =	vadd.f32 v22, v0;
	v22 =	vld [tilespmem:$0x1F2E0];
	_ =	swait.ge [sflag:s31], $0x80  }
0x364: {  	v3 =	vadd.f32 v37, v3;
	v37 =	vld [tilespmem:$0x1F2F0]  }
0x365: {  	v47 =	vld [tilespmem:$0x1F300]  }
0x366: {  	v2 =	vadd.f32 v53, v2;
	v53 =	vld [tilespmem:$0x1F310]  }
0x367: {  	v62 =	vld [tilespmem:$0x1F320]  }
0x368: {  	v5 =	vadd.f32 v11, v5;
	v11 =	vld [tilespmem:$0x1F330]  }
0x369: {  	v12 =	vld [tilespmem:$0x1F340]  }
0x36a: {  	v8 =	vadd.f32 v13, v8;
	v13 =	vld [tilespmem:$0x1F350]  }
0x36b: {  	v15 =	vld [tilespmem:$0x1F360]  }
0x36c: {  	v0 =	vadd.f32 v17, v0;
	[sflag:s31] =	ssyncset.done $0x0;
	v17 =	vld [tilespmem:$0x1F370]  }
0x36d: {  	v3 =	vadd.f32 v22, v3;
	v22 =	vld [tilespmem:$0x1F380];
	[sflag:s31] =	ssyncadd.s32 $0xFFFFFF80  }
0x36e: {  	v9 =	vadd.f32 v14, v9;
	v14 =	vld [tilespmem:$0x3100]  }
0x36f: {  	v8 =	vadd.f32 v24, v8;
	v24 =	vld [tilespmem:$0x3110]  }
0x370: {  	v4 =	vadd.f32 v10, v4;
	v9 =	vadd.f32 v38, v9;
	v38 =	vld [tilespmem:$0x3120]  }
0x371: {  	v1 =	vadd.f32 v54, v1;
	v2 =	vadd.f32 v37, v2;
	v37 =	vld [tilespmem:$0x1F390]  }
0x372: {  	v54 =	vadd.f32 v53, v4;
	v53 =	vld [tilespmem:$0x3140]  }
0x373: {  	v1 =	vadd.f32 v47, v1;
	v47 =	vld [tilespmem:$0x1F3A0]  }
0x374: {  	v5 =	vadd.f32 v62, v5;
	v62 =	vld [tilespmem:$0x3150]  }
0x375: {  	v0 =	vadd.f32 v11, v0;
	v11 =	vld [tilespmem:$0x1F3C0]  }
0x376: {  	v8 =	vadd.f32 v22, v8;
	v22 =	vld [tilespmem:$0x3170]  }
0x377: {  	v2 =	vadd.f32 v13, v2;
	v13 =	vld [tilespmem:$0x3160]  }
0x378: {  	v3 =	vadd.f32 v12, v3;
	v12 =	vld [tilespmem:$0x1F3D0]  }
0x379: {  	v10 =	vadd.f32 v44, v54;
	v44 =	vld [tilespmem:$0x3130]  }
0x37a: {  	v54 =	vld [tilespmem:$0x1F3B0];
	[tilespmem:$0x1FEB0] =	vst v62  }
0x37b: {  	v1 =	vadd.f32 v15, v1;
	v15 =	vld [tilespmem:$0x1F3E0];
	[tilespmem:$0x1FFE0] =	vst v22  }
0x37c: {  	v5 =	vadd.f32 v17, v5;
	v17 =	vld [tilespmem:$0x1F3F0];
	[tilespmem:$0x1FF70] =	vst v13  }
0x37d: {  	v8 =	vadd.f32 v23, v8;
	v23 =	vld [tilespmem:$0x1F400];
	_ =	swait.ge [sflag:s31], $0x80  }
0x37e: {  	v9 =	vadd.f32 v37, v9;
	v37 =	vld [tilespmem:$0x1F410]  }
0x37f: {  	v0 =	vadd.f32 v47, v0;
	v47 =	vld [tilespmem:$0x1F420]  }
0x380: {  	v3 =	vadd.f32 v54, v3;
	v54 =	vld [tilespmem:$0x1F430]  }
0x381: {  	v22 =	vld [tilespmem:$0x1F440]  }
0x382: {  	v9 =	vadd.f32 v23, v9;
	v23 =	vld [tilespmem:$0x1F450]  }
0x383: {  	v4 =	vld [tilespmem:$0x1F470]  }
0x384: {  	v6 =	vld [tilespmem:$0x1F480]  }
0x385: {  	v7 =	vld [tilespmem:$0x1F490]  }
0x386: {  	v2 =	vadd.f32 v11, v2;
	v11 =	vld [tilespmem:$0x1F4C0]  }
0x387: {  	v1 =	vadd.f32 v12, v1;
	v12 =	vld [tilespmem:$0x1F4D0]  }
0x388: {  	v10 =	vadd.f32 v15, v10;
	[sflag:s31] =	ssyncset.done $0x0;
	v15 =	vld [tilespmem:$0x1F4E0]  }
0x389: {  	v5 =	vadd.f32 v17, v5;
	v17 =	vld [tilespmem:$0x1F4F0];
	[sflag:s31] =	ssyncadd.s32 $0xFFFFFF80  }
0x38a: {  	v13 =	vld [tilespmem:$0x3180]  }
0x38b: {  	v0 =	vadd.f32 v37, v0;
	v37 =	vld [tilespmem:$0x1F460]  }
0x38c: {  	v10 =	vadd.f32 v23, v10;
	v23 =	vadd.f32 v18, v8;
	v18 =	vld [tilespmem:$0x3190]  }
0x38d: {  	v3 =	vadd.f32 v47, v3;
	v47 =	vadd.f32 v32, v9;
	v9 =	vld [tilespmem:$0x1F4B0]  }
0x38e: {  	v1 =	vadd.f32 v22, v1;
	v22 =	vld [tilespmem:$0x31A0]  }
0x38f: {  	v8 =	vld [tilespmem:$0x1F4A0]  }
0x390: {  	v32 =	vld [tilespmem:$0x31B0]  }
0x391: {  	v62 =	vadd.f32 v54, v2;
	v54 =	vld [tilespmem:$0x31D0]  }
0x392: {  	v10 =	vadd.f32 v9, v10;
	v9 =	vld [tilespmem:$0x31F0]  }
0x393: {  	v2 =	vadd.f32 v7, v62;
	v62 =	vld [tilespmem:$0x31C0]  }
0x394: {  	v0 =	vadd.f32 v4, v0;
	v23 =	vadd.f32 v12, v23;
	v12 =	vld [tilespmem:$0x1F530]  }
0x395: {  	v4 =	vadd.f32 v8, v1;
	v1 =	vadd.f32 v49, v47;
	v49 =	vld [tilespmem:$0x31E0]  }
0x396: {  	v5 =	vadd.f32 v37, v5;
	v37 =	vld [tilespmem:$0x1F500]  }
0x397: {  	v47 =	vld [tilespmem:$0x1F510];
	[tilespmem:$0x1FFF0] =	vst v9  }
0x398: {  	v3 =	vadd.f32 v6, v3;
	v5 =	vadd.f32 v11, v5;
	v11 =	vld [tilespmem:$0x1F520];
	_ =	swait.ge [sflag:s31], $0x80  }
0x399: {  	v0 =	vadd.f32 v15, v0;
	v15 =	vld [tilespmem:$0x1F540]  }
0x39a: {  	v3 =	vadd.f32 v17, v3;
	v17 =	vld [tilespmem:$0x1F550]  }
0x39b: {  	v23 =	vadd.f32 v33, v23;
	v33 =	vld [tilespmem:$0x1F560]  }
0x39c: {  	v2 =	vadd.f32 v37, v2;
	v37 =	vld [tilespmem:$0x1F570]  }
0x39d: {  	v7 =	vld [tilespmem:$0x1F580]  }
0x39e: {  	v8 =	vld [tilespmem:$0x1F590]  }
0x39f: {  	[sflag:s31] =	ssyncset.done $0x0;
	v9 =	vld [tilespmem:$0x1F5A0]  }
0x3a0: {  	v23 =	vadd.f32 v46, v23;
	v46 =	vld [tilespmem:$0x1F5C0];
	[sflag:s31] =	ssyncadd.s32 $0xFFFFFF80  }
0x3a1: {  	v4 =	vadd.f32 v11, v4;
	v11 =	vld [tilespmem:$0x3200]  }
0x3a2: {  	v10 =	vadd.f32 v12, v10;
	v5 =	vadd.f32 v15, v5;
	v15 =	vld [tilespmem:$0x3210]  }
0x3a3: {  	v0 =	vadd.f32 v47, v0;
	v2 =	vadd.f32 v7, v2;
	v7 =	vld [tilespmem:$0x1F5E0]  }
0x3a4: {  	v47 =	vadd.f32 v37, v3;
	v3 =	vadd.f32 v8, v4;
	v8 =	vld [tilespmem:$0x1F5F0]  }
0x3a5: {  	v12 =	vadd.f32 v9, v10;
	v9 =	vld [tilespmem:$0x1F600]  }
0x3a6: {  	v33 =	vadd.f32 v33, v1;
	v10 =	vld [tilespmem:$0x1F610]  }
0x3a7: {  	v0 =	vadd.f32 v17, v0;
	v17 =	vadd.f32 v25, v5;
	v25 =	vld [tilespmem:$0x3230]  }
0x3a8: {  	v5 =	vadd.f32 v45, v33;
	v33 =	vld [tilespmem:$0x1F5B0]  }
0x3a9: {  	v6 =	vadd.f32 v46, v47;
	v47 =	vld [tilespmem:$0x1F5D0]  }
0x3aa: {  	v50 =	vadd.f32 v50, v0;
	v45 =	vld [tilespmem:$0x3250]  }
0x3ab: {  	v46 =	vld [tilespmem:$0x3260]  }
0x3ac: {  	v50 =	vadd.f32 v35, v50;
	v35 =	vld [tilespmem:$0x3220]  }
0x3ad: {  	v4 =	vadd.f32 v9, v12;
	v12 =	vld [tilespmem:$0x1F620]  }
0x3ae: {  	v37 =	vadd.f32 v33, v50;
	v50 =	vld [tilespmem:$0x3240]  }
0x3af: {  	v2 =	vadd.f32 v47, v2;
	v47 =	vld [tilespmem:$0x3270];
	_ =	swait.ge [sflag:s31], $0x80  }
0x3b0: {  	v1 =	vadd.f32 v10, v17;
	v17 =	vld [tilespmem:$0x1F630]  }
0x3b1: {  	v33 =	vld [tilespmem:$0x1F640]  }
0x3b2: {  	v9 =	vld [tilespmem:$0x1F680]  }
0x3b3: {  	v10 =	vld [tilespmem:$0x1F690]  }
0x3b4: {  	[sflag:s31] =	ssyncset.done $0x0;
	v0 =	vadd.f32 v8, v37;
	v37 =	vld [tilespmem:$0x1F650]  }
0x3b5: {  	[sflag:s31] =	ssyncadd.s32 $0xFFFFFF80;
	v8 =	vld [tilespmem:$0x1F710]  }
0x3b6: {  	v23 =	vadd.f32 v12, v23;
	v12 =	vld [tilespmem:$0x3290]  }
0x3b7: {  	v0 =	vadd.f32 v51, v0;
	v51 =	vld [tilespmem:$0x1F670]  }
0x3b8: {  	v23 =	vadd.f32 v29, v23;
	v29 =	vld [tilespmem:$0x1F6B0]  }
0x3b9: {  	v0 =	vadd.f32 v43, v0;
	v43 =	vld [tilespmem:$0x1F660]  }
0x3ba: {  	v5 =	vadd.f32 v17, v5;
	v17 =	vld [tilespmem:$0x1F6A0]  }
0x3bb: {  	v1 =	vadd.f32 v9, v1;
	v9 =	vld [tilespmem:$0x1F6C0]  }
0x3bc: {  	v3 =	vadd.f32 v7, v3;
	v2 =	vadd.f32 v37, v2;
	v37 =	vld [tilespmem:$0x1F700]  }
0x3bd: {  	v39 =	vadd.f32 v39, v0;
	v7 =	vadd.f32 v10, v5;
	v10 =	vld [tilespmem:$0x1F6D0]  }
0x3be: {  	v4 =	vadd.f32 v51, v4;
	v51 =	vld [tilespmem:$0x32A0]  }
0x3bf: {  	v6 =	vadd.f32 v33, v6;
	v33 =	vadd.f32 v29, v39;
	v39 =	vld [tilespmem:$0x32B0]  }
0x3c0: {  	v29 =	vld [tilespmem:$0x32C0]  }
0x3c1: {  	v3 =	vadd.f32 v43, v3;
	v43 =	vld [tilespmem:$0x3280]  }
0x3c2: {  	v5 =	vadd.f32 v17, v6;
	v17 =	vld [tilespmem:$0x1F6E0]  }
0x3c3: {  	v2 =	vadd.f32 v9, v2;
	v9 =	vld [tilespmem:$0x1F720]  }
0x3c4: {  	v6 =	vadd.f32 v58, v33;
	v58 =	vld [tilespmem:$0x32D0]  }
0x3c5: {  	v33 =	vld [tilespmem:$0x1F6F0]  }
0x3c6: {  	v0 =	vadd.f32 v37, v5;
	v37 =	vld [tilespmem:$0x32E0]  }
0x3c7: {  	v3 =	vadd.f32 v10, v3;
	v10 =	vld [tilespmem:$0x1F730]  }
0x3c8: {  	v6 =	vadd.f32 v52, v6;
	v52 =	vld [tilespmem:$0x32F0];
	_ =	swait.ge [sflag:s31], $0x80  }
0x3c9: {  	v23 =	vadd.f32 v8, v23;
	v8 =	vld [tilespmem:$0x1F770]  }
0x3ca: {  	v4 =	vadd.f32 v17, v4;
	v17 =	vld [tilespmem:$0x1F740]  }
0x3cb: {  	v6 =	vadd.f32 v48, v6;
	v48 =	vld [tilespmem:$0x1F760]  }
0x3cc: {  	v7 =	vadd.f32 v9, v7;
	v9 =	vld [tilespmem:$0x1F780]  }
0x3cd: {  	v1 =	vadd.f32 v33, v1;
	v33 =	vld [tilespmem:$0x1F750]  }
0x3ce: {  	v0 =	vadd.f32 v10, v0;
	v10 =	vld [tilespmem:$0x1F790]  }
0x3cf: {  	[sflag:s31] =	ssyncset.done $0x0;
	v6 =	vadd.f32 v26, v6;
	v26 =	vld [tilespmem:$0x1F7B0]  }
0x3d0: {  	[sflag:s31] =	ssyncadd.s32 $0xFFFFFF80;
	v7 =	vadd.f32 v30, v7;
	v30 =	vld [tilespmem:$0x1F7C0]  }
0x3d1: {  	v4 =	vadd.f32 v8, v4;
	v8 =	vld [tilespmem:$0x3310]  }
0x3d2: {  	v6 =	vadd.f32 v21, v6;
	v21 =	vld [tilespmem:$0x3320]  }
0x3d3: {  	v0 =	vadd.f32 v48, v0;
	v48 =	vld [tilespmem:$0x3300]  }
0x3d4: {  	v2 =	vadd.f32 v17, v2;
	v17 =	vld [tilespmem:$0x1F7A0]  }
0x3d5: {  	v3 =	vadd.f32 v33, v3;
	v33 =	vld [tilespmem:$0x1F7D0]  }
0x3d6: {  	v1 =	vadd.f32 v9, v1;
	v9 =	vld [tilespmem:$0x1F7E0]  }
0x3d7: {  	v6 =	vadd.f32 v20, v6;
	v20 =	vld [tilespmem:$0x3340]  }
0x3d8: {  	v2 =	vadd.f32 v30, v2;
	v30 =	vld [tilespmem:$0x3350]  }
0x3d9: {  	v0 =	vadd.f32 v10, v0;
	v10 =	vld [tilespmem:$0x1F7F0]  }
0x3da: {  	v3 =	vadd.f32 v33, v3;
	v33 =	vld [tilespmem:$0x1F810]  }
0x3db: {  	v0 =	vadd.f32 v26, v0;
	v23 =	vadd.f32 v17, v23;
	v17 =	vld [tilespmem:$0x1F800]  }
0x3dc: {  	v6 =	vadd.f32 v31, v6;
	v31 =	vld [tilespmem:$0x3360]  }
0x3dd: {  	v26 =	vld [tilespmem:$0x3330];
	v0 =	vadd.f32 v9, v0  }
0x3de: {  	v9 =	vld [tilespmem:$0x1F820]  }
0x3df: {  	v0 =	vadd.f32 v33, v0;
	v33 =	vld [tilespmem:$0x3370];
	_ =	swait.ge [sflag:s31], $0x80  }
0x3e0: {  	v1 =	vadd.f32 v17, v1;
	v17 =	vld [tilespmem:$0x1F840];
	_ =	sdelay $0x4  }
0x3e1: {  	v0 =	vadd.f32 v17, v0;
	v17 =	vld [tilespmem:$0x1F880]  }
0x3e2: {  	v4 =	vadd.f32 v10, v4;
	v10 =	vld [tilespmem:$0x1F830];
	_ =	sdelay $0x1  }
0x3e3: {  	v6 =	vadd.f32 v42, v6;
	v42 =	vld [tilespmem:$0x1F850]  }
0x3e4: {  	v23 =	vadd.f32 v9, v23;
	v9 =	vld [tilespmem:$0x1F860]  }
0x3e5: {  	v4 =	vadd.f32 v17, v4;
	v17 =	vld [tilespmem:$0x1F8C0]  }
0x3e6: {  	v7 =	vadd.f32 v10, v7;
	v10 =	vld [tilespmem:$0x1F870];
	_ =	sdelay $0x2  }
0x3e7: {  	v2 =	vadd.f32 v42, v2  }
0x3e8: {  	v42 =	vadd.f32 v9, v3;
	v3 =	vadd.f32 v17, v23;
	v17 =	vld [tilespmem:$0x1F8F0]  }
0x3e9: {  	v0 =	vadd.f32 v10, v0;
	v10 =	vld [tilespmem:$0x1F8B0];
	_ =	sdelay $0x1  }
0x3ea: {  	v6 =	vadd.f32 v36, v6;
	v23 =	vld [tilespmem:$0x1F8E0];
	_ =	sdelay $0x1  }
0x3eb: {  	v6 =	vadd.f32 v28, v6;
	v7 =	vadd.f32 v17, v7;
	v17 =	vld [tilespmem:$0x1F910]  }
0x3ec: {  	[sflag:s31] =	ssyncset.done $0x0;
	v36 =	vld [tilespmem:$0x1F890];
	v2 =	vadd.f32 v10, v2  }
0x3ed: {  	v6 =	vadd.f32 v19, v6;
	v19 =	vld [tilespmem:$0x1F8D0];
	[sflag:s31] =	ssyncadd.s32 $0xFFFFFF80  }
0x3ee: {  	v5 =	vld [tilespmem:$0x3380];
	v2 =	vadd.f32 v23, v2  }
0x3ef: {  	v9 =	vld [tilespmem:$0x1F8A0]  }
0x3f0: {  	v2 =	vadd.f32 v17, v2;
	v17 =	vld [tilespmem:$0x1F920]  }
0x3f1: {  	v28 =	vld [tilespmem:$0x3390]  }
0x3f2: {  	v6 =	vadd.f32 v41, v6;
	v41 =	vld [tilespmem:$0x33D0]  }
0x3f3: {  	v23 =	vld [tilespmem:$0x1F900]  }
0x3f4: {  	v6 =	vadd.f32 v34, v6;
	v34 =	vld [tilespmem:$0x33F0];
	v0 =	vadd.f32 v9, v0  }
0x3f5: {  	v42 =	vadd.f32 v17, v42;
	v17 =	vld [tilespmem:$0x1F930]  }
0x3f6: {  	v1 =	vadd.f32 v36, v1;
	v36 =	vld [tilespmem:$0x33B0];
	v0 =	vadd.f32 v19, v0  }
0x3f7: {  	v9 =	vld [tilespmem:$0x33A0]  }
0x3f8: {  	v19 =	vld [tilespmem:$0x33C0];
	v0 =	vadd.f32 v23, v0  }
0x3f9: {  	v23 =	vld [tilespmem:$0x33E0];
	_ =	swait.ge [sflag:s31], $0x80  }
0x3fa: {  	v0 =	vadd.f32 v17, v0;
	v17 =	vld [tilespmem:$0x1F940];
	_ =	sdelay $0x4  }
0x3fb: {  	v2 =	vadd.f32 v17, v2;
	v17 =	vld [tilespmem:$0x1F960];
	_ =	sdelay $0x2  }
0x3fc: {  	v6 =	vadd.f32 v27, v6;
	v27 =	vld [tilespmem:$0x1F950];
	_ =	sdelay $0x1  }
0x3fd: {  	v0 =	vadd.f32 v17, v0;
	v17 =	vld [tilespmem:$0x1F980];
	_ =	sdelay $0x2  }
0x3fe: {  	v4 =	vadd.f32 v27, v4;
	v27 =	vld [tilespmem:$0x1F970];
	_ =	sdelay $0x1  }
0x3ff: {  	v1 =	vadd.f32 v17, v1;
	v17 =	vld [tilespmem:$0x1F9A0];
	_ =	sdelay $0x1  }
0x400: {  	v3 =	vadd.f32 v59, v3;
	v59 =	vld [tilespmem:$0x1F9C0]  }
0x401: {  	v2 =	vadd.f32 v27, v2;
	_ =	sdelay $0x1  }
0x402: {  	v2 =	vadd.f32 v17, v2;
	_ =	sdelay $0x1  }
0x403: {  	v2 =	vadd.f32 v59, v2;
	v59 =	vld [tilespmem:$0x1F9D0]  }
0x404: {  	v27 =	vld [tilespmem:$0x1F990];
	_ =	sdelay $0x1  }
0x405: {  	v17 =	vld [tilespmem:$0x1F9B0];
	_ =	sdelay $0x1  }
0x406: {  	v7 =	vadd.f32 v59, v7;
	v59 =	vld [tilespmem:$0x1F9E0]  }
0x407: {  	v0 =	vadd.f32 v27, v0;
	_ =	sdelay $0x1  }
0x408: {  	v0 =	vadd.f32 v17, v0  }
0x409: {  	[sflag:s31] =	ssyncset.done $0x0  }
0x40a: {  	v6 =	vadd.f32 v16, v6;
	[sflag:s31] =	ssyncadd.s32 $0xFFFFFF80;
	v0 =	vadd.f32 v59, v0;
	v59 =	vld [tilespmem:$0x1F9F0]  }
0x40b: {  	v16 =	vld [tilespmem:$0x3400]  }
0x40c: {  	v6 =	vadd.f32 v14, v6;
	v14 =	vld [tilespmem:$0x3420]  }
0x40d: {  	v10 =	vld [tilespmem:$0x3430]  }
0x40e: {  	v6 =	vadd.f32 v13, v6;
	v13 =	vld [tilespmem:$0x3440]  }
0x40f: {  	v2 =	vadd.f32 v59, v2;
	v59 =	vld [tilespmem:$0x1FA00]  }
0x410: {  	v6 =	vadd.f32 v11, v6;
	v11 =	vld [tilespmem:$0x3460]  }
0x411: {  	v27 =	vld [tilespmem:$0x3410]  }
0x412: {  	v17 =	vld [tilespmem:$0x3450];
	v57 =	vadd.f32 v57, v0  }
0x413: {  	v6 =	vadd.f32 v43, v6;
	v0 =	vld [tilespmem:$0x3470]  }
0x414: {  	v43 =	vadd.f32 v60, v57;
	v42 =	vadd.f32 v59, v42;
	v59 =	vld [tilespmem:$0x1FA10];
	_ =	swait.ge [sflag:s31], $0x80  }
0x415: {  	[sflag:s31] =	ssyncset.done $0x0;
	v60 =	vld [tilespmem:$0x1FA30]  }
0x416: {  	v6 =	vadd.f32 v48, v6;
	v43 =	vadd.f32 v61, v43;
	v61 =	vld [tilespmem:$0x1FA50];
	[sflag:s31] =	ssyncadd.s32 $0xFFFFFF80  }
0x417: {  	v48 =	vld [tilespmem:$0x3480]  }
0x418: {  	v5 =	vadd.f32 v5, v6;
	v57 =	vld [tilespmem:$0x1FA60]  }
0x419: {  	v40 =	vadd.f32 v40, v43;
	v43 =	vld [tilespmem:$0x1FAB0];
	v2 =	vadd.f32 v59, v2  }
0x41a: {  	v5 =	vadd.f32 v16, v5;
	v59 =	vld [tilespmem:$0x1FA20]  }
0x41b: {  	v2 =	vadd.f32 v60, v2;
	v60 =	vld [tilespmem:$0x1FA40]  }
0x41c: {  	v5 =	vadd.f32 v48, v5;
	v48 =	vld [tilespmem:$0x1FAC0]  }
0x41d: {  	v2 =	vadd.f32 v61, v2;
	v61 =	vadd.f32 v24, v40;
	v40 =	vld [tilespmem:$0x1FA90]  }
0x41e: {  	v24 =	vld [tilespmem:$0x1FB10]  }
0x41f: {  	v42 =	vadd.f32 v59, v42;
	v59 =	vld [tilespmem:$0x1FA70]  }
0x420: {  	v16 =	vadd.f32 v18, v61;
	v61 =	vld [tilespmem:$0x1FB00]  }
0x421: {  	v42 =	vadd.f32 v60, v42;
	v60 =	vld [tilespmem:$0x1FA80]  }
0x422: {  	v15 =	vadd.f32 v15, v16;
	v16 =	vld [tilespmem:$0x1FBC0]  }
0x423: {  	v6 =	vadd.f32 v57, v42;
	v42 =	vld [tilespmem:$0x1FAA0]  }
0x424: {  	v57 =	vld [tilespmem:$0x1FAD0]  }
0x425: {  	v2 =	vadd.f32 v59, v2;
	v59 =	vld [tilespmem:$0x1FAE0]  }
0x426: {  	v5 =	vmul.f32 $-1.999999960e-02, v5;
	v12 =	vadd.f32 v12, v15;
	v15 =	vld [tilespmem:$0x1FBB0]  }
0x427: {  	v6 =	vadd.f32 v60, v6;
	v60 =	vld [tilespmem:$0x1FAF0]  }
0x428: {  	v5 =	vmul.f32 $1.442695020e+00, v5;
	v2 =	vadd.f32 v40, v2;
	v40 =	vld [tilespmem:$0x1FB20]  }
0x429: {  	v4 =	vadd.f32 v43, v4;
	v43 =	vadd.f32 v8, v12;
	v12 =	vld [tilespmem:$0x1FBA0]  }
0x42a: {  	(erf) = vpow2.f32 v5;
	v6 =	vadd.f32 v42, v6;
	v42 =	vld [tilespmem:$0x1FB30]  }
0x42b: {  	v2 =	vadd.f32 v48, v2;
	v48 =	vld [tilespmem:$0x1FB40]  }
0x42c: {  	v4 =	vadd.f32 v59, v4;
	v59 =	vld [tilespmem:$0x1FB60]  }
0x42d: {  	v6 =	vadd.f32 v57, v6;
	v57 =	vld [tilespmem:$0x1FB50]  }
0x42e: {  	v2 =	vadd.f32 v60, v2;
	v60 =	vld [tilespmem:$0x1FB70]  }
0x42f: {  	v4 =	vadd.f32 v24, v4;
	v24 =	vld [tilespmem:$0x1FBE0]  }
0x430: {  	v1 =	vadd.f32 v12, v1;
	v12 =	vld [tilespmem:$0x1FCB0]  }
0x431: {  	v6 =	vadd.f32 v61, v6;
	v61 =	vld [tilespmem:$0x1FB80]  }
0x432: {  	v2 =	vadd.f32 v40, v2;
	v40 =	vld [tilespmem:$0x1FC30]  }
0x433: {  	v18 =	vpop (erf);
	v4 =	vadd.f32 v48, v4;
	v48 =	vld [tilespmem:$0x1FC50]  }
0x434: {  	v8 =	vadd.f32 $1.000000000e+00, v18;
	v18 =	vld [tilespmem:$0x1FCE0]  }
0x435: {  	v5 =	vadd.f32 v42, v6;
	v6 =	vadd.f32 v28, v43;
	v28 =	vld [tilespmem:$0x1FC00]  }
0x436: {  	v42 =	vld [tilespmem:$0x1FC40]  }
0x437: {  	v43 =	vld [tilespmem:$0x34A0];
	v2 =	vadd.f32 v56, v2  }
0x438: {  	v56 =	vld [tilespmem:$0x3490]  }
0x439: {  	v4 =	vadd.f32 v59, v4;
	v2 =	vadd.f32 v63, v2;
	v63 =	vld [tilespmem:$0x1FB90]  }
0x43a: {  	v5 =	vadd.f32 v57, v5;
	v6 =	vadd.f32 v27, v6;
	v27 =	vld [tilespmem:$0x1FBF0]  }
0x43b: {  	v57 =	vld [tilespmem:$0x1FC80];
	v2 =	vadd.f32 v38, v2  }
0x43c: {  	v4 =	vadd.f32 v61, v4;
	v61 =	vld [tilespmem:$0x1FCA0];
	v5 =	vadd.f32 v60, v5  }
0x43d: {  	v60 =	vld [tilespmem:$0x1FC90];
	v2 =	vadd.f32 v22, v2  }
0x43e: {  	v38 =	vld [tilespmem:$0x1FC20];
	v5 =	vadd.f32 v63, v5  }
0x43f: {  	v2 =	vadd.f32 v35, v2;
	v35 =	vld [tilespmem:$0x1FC10]  }
0x440: {  	v4 =	vadd.f32 v15, v4;
	v22 =	vld [tilespmem:$0x1FBD0];
	v5 =	vadd.f32 v16, v5  }
0x441: {  	v6 =	vadd.f32 v56, v6;
	v56 =	vld [tilespmem:$0x1FC70]  }
0x442: {  	v4 =	vadd.f32 v27, v4;
	v27 =	vld [tilespmem:$0x1FD30];
	v5 =	vadd.f32 v24, v5  }
0x443: {  	v6 =	vmul.f32 $-1.999999960e-02, v6;
	v3 =	vadd.f32 v61, v3;
	v61 =	vld [tilespmem:$0x1FE40];
	v2 =	vadd.f32 v51, v2  }
0x444: {  	v4 =	vadd.f32 v38, v4;
	v16 =	vld [tilespmem:$0x1FCD0];
	v5 =	vadd.f32 v35, v5  }
0x445: {  	v6 =	vmul.f32 $1.442695020e+00, v6;
	v38 =	vld [tilespmem:$0x1FD70];
	v1 =	vadd.f32 v22, v1;
	v2 =	vadd.f32 v21, v2  }
0x446: {  	(erf) = vrcp.f32 v8;
	v51 =	vld [tilespmem:$0x1FC60];
	v5 =	vadd.f32 v42, v5  }
0x447: {  	(erf) = vpow2.f32 v6;
	v22 =	vld [tilespmem:$0x1FD00];
	v1 =	vadd.f32 v28, v1;
	v2 =	vadd.f32 v9, v2  }
0x448: {  	v4 =	vadd.f32 v48, v4;
	v24 =	vld [tilespmem:$0x1FD10];
	v5 =	vadd.f32 v55, v5  }
0x449: {  	v1 =	vadd.f32 v40, v1;
	v2 =	vadd.f32 v14, v2;
	v14 =	vld [tilespmem:$0x1FCC0]  }
0x44a: {  	v48 =	vld [tilespmem:$0x1FDD0];
	v4 =	vadd.f32 v56, v4;
	v59 =	vadd.f32 v44, v5  }
0x44b: {  	v21 =	vld [tilespmem:$0x1FCF0];
	v1 =	vadd.f32 v51, v1  }
0x44c: {  	v28 =	vld [tilespmem:$0x1FD40];
	v4 =	vadd.f32 v60, v4;
	v63 =	vadd.f32 v32, v59  }
0x44d: {  	v35 =	vld [tilespmem:$0x1FD50];
	v2 =	vadd.f32 v43, v2  }
0x44e: {  	v56 =	vld [tilespmem:$0x1FE00];
	v4 =	vadd.f32 v14, v4;
	v5 =	vadd.f32 v25, v63  }
0x44f: {  	v3 =	vadd.f32 v16, v3;
	v16 =	vld [tilespmem:$0x1FE90];
	v8 =	vadd.f32 v57, v1;
	v1 =	vpop (erf)  }
0x450: {  	v2 =	vmul.f32 $-1.999999960e-02, v2;
	v15 =	vpop (erf);
	v4 =	vadd.f32 v18, v4;
	v25 =	vld [tilespmem:$0x1FD20];
	v5 =	vadd.f32 v39, v5  }
0x451: {  	v40 =	vld [tilespmem:$0x1FD90];
	v6 =	vadd.f32 v12, v8;
	v8 =	vadd.f32 $1.000000000e+00, v15  }
0x452: {  	v43 =	vld [tilespmem:$0x1FDB0];
	v2 =	vmul.f32 $1.442695020e+00, v2;
	v4 =	vadd.f32 v24, v4;
	v5 =	vadd.f32 v26, v5  }
0x453: {  	v6 =	vadd.f32 v21, v6;
	(erf) = vrcp.f32 v8;
	v39 =	vld [tilespmem:$0x1FD80]  }
0x454: {  	(erf) = vpow2.f32 v2;
	v4 =	vadd.f32 v28, v4;
	v5 =	vadd.f32 v36, v5;
	v36 =	vld [tilespmem:$0x1FD60]  }
0x455: {  	v42 =	vld [tilespmem:$0x1FDA0];
	v3 =	vadd.f32 v22, v3;
	v2 =	vadd.f32 v25, v6  }
0x456: {  	v60 =	vld [tilespmem:$0x1FE30];
	v4 =	vadd.f32 v38, v4  }
0x457: {  	v3 =	vadd.f32 v27, v3;
	v32 =	vld [tilespmem:$0x34B0];
	v2 =	vadd.f32 v35, v2  }
0x458: {  	v44 =	vld [tilespmem:$0x1FDC0];
	v6 =	vadd.f32 v43, v7;
	v4 =	vadd.f32 v53, v4  }
0x459: {  	v55 =	vld [tilespmem:$0x1FDF0];
	v2 =	vadd.f32 v39, v2;
	v3 =	vadd.f32 v36, v3  }
0x45a: {  	v57 =	vld [tilespmem:$0x1FE10];
	v5 =	vadd.f32 v10, v5;
	v4 =	vadd.f32 v62, v4  }
0x45b: {  	v59 =	vld [tilespmem:$0x1FE20];
	v2 =	vadd.f32 v42, v2;
	v3 =	vadd.f32 v40, v3  }
0x45c: {  	v12 =	vld [tilespmem:$0x1FE60];
	v5 =	vadd.f32 v32, v5;
	v7 =	vpop (erf);
	v4 =	vadd.f32 v50, v4  }
0x45d: {  	v53 =	vld [tilespmem:$0x1FDE0];
	v51 =	vpop (erf);
	v2 =	vadd.f32 v48, v2;
	v3 =	vadd.f32 v44, v3  }
0x45e: {  	v62 =	vld [tilespmem:$0x1FE50];
	v5 =	vmul.f32 $-1.999999960e-02, v5;
	v8 =	vadd.f32 $1.000000000e+00, v51;
	v4 =	vadd.f32 v29, v4  }
0x45f: {  	v14 =	vld [tilespmem:$0x1FE70];
	v2 =	vadd.f32 v55, v2;
	v3 =	vadd.f32 v56, v3  }
0x460: {  	v15 =	vld [tilespmem:$0x1FE80];
	v5 =	vmul.f32 $1.442695020e+00, v5;
	v4 =	vadd.f32 v20, v4  }
0x461: {  	(erf) = vrcp.f32 v8;
	v20 =	vld [tilespmem:$0x1FEC0];
	v2 =	vadd.f32 v59, v2;
	v3 =	vadd.f32 v60, v3  }
0x462: {  	v6 =	vadd.f32 v53, v6;
	(erf) = vpow2.f32 v5;
	v4 =	vadd.f32 v19, v4;
	v19 =	vld [tilespmem:$0x1FEB0]  }
0x463: {  	v63 =	vld [tilespmem:$0x34C0];
	v2 =	vadd.f32 v62, v2;
	v3 =	vadd.f32 v12, v3  }
0x464: {  	v24 =	vld [tilespmem:$0x1FEE0];
	v6 =	vadd.f32 v57, v6  }
0x465: {  	v18 =	vld [tilespmem:$0x1FEA0];
	v2 =	vadd.f32 v15, v2;
	v3 =	vadd.f32 v16, v3  }
0x466: {  	v26 =	vld [tilespmem:$0x1FEF0];
	v5 =	vadd.f32 v61, v6;
	v4 =	vadd.f32 v13, v4  }
0x467: {  	v22 =	vld [tilespmem:$0x1FED0];
	v2 =	vadd.f32 v19, v2;
	v3 =	vadd.f32 v20, v3  }
0x468: {  	v28 =	vld [tilespmem:$0x1FF10];
	v5 =	vadd.f32 v14, v5;
	v4 =	vadd.f32 v63, v4  }
0x469: {  	v27 =	vld [tilespmem:$0x1FF00];
	v2 =	vadd.f32 v54, v2;
	v3 =	vadd.f32 v24, v3  }
0x46a: {  	v32 =	vld [tilespmem:$0x1FF30];
	v5 =	vadd.f32 v18, v5;
	v21 =	vpop (erf)  }
0x46b: {  	v29 =	vld [tilespmem:$0x1FF20];
	v4 =	vmul.f32 $-1.999999960e-02, v4;
	v25 =	vpop (erf);
	v2 =	vadd.f32 v45, v2;
	v3 =	vadd.f32 v26, v3  }
0x46c: {  	v38 =	vld [tilespmem:$0x1FF50];
	v5 =	vadd.f32 v22, v5;
	v8 =	vadd.f32 $1.000000000e+00, v25  }
0x46d: {  	v36 =	vld [tilespmem:$0x1FF40];
	v4 =	vmul.f32 $1.442695020e+00, v4;
	v2 =	vadd.f32 v58, v2;
	v3 =	vadd.f32 v28, v3  }
0x46e: {  	v40 =	vld [tilespmem:$0x1FF70];
	v5 =	vadd.f32 v27, v5;
	(erf) = vrcp.f32 v8  }
0x46f: {  	v39 =	vld [tilespmem:$0x1FF60];
	(erf) = vpow2.f32 v4;
	v2 =	vadd.f32 v30, v2;
	v3 =	vadd.f32 v32, v3  }
0x470: {  	v35 =	vld [tilespmem:$0x34D0];
	v4 =	vadd.f32 v29, v5  }
0x471: {  	v2 =	vadd.f32 v41, v2;
	v41 =	vld [tilespmem:$0x1FF80];
	v3 =	vadd.f32 v38, v3  }
0x472: {  	v4 =	vadd.f32 v36, v4  }
0x473: {  	v43 =	vld [tilespmem:$0x1FF90];
	v3 =	vadd.f32 v40, v3  }
0x474: {  	v4 =	vadd.f32 v39, v4;
	v2 =	vadd.f32 v17, v2  }
0x475: {  	v45 =	vld [tilespmem:$0x1FFA0];
	v3 =	vadd.f32 v49, v3  }
0x476: {  	v2 =	vadd.f32 v35, v2;
	v4 =	vadd.f32 v41, v4  }
0x477: {  	v42 =	vpop (erf);
	v3 =	vadd.f32 v46, v3;
	v46 =	vld [tilespmem:$0x1FFB0]  }
0x478: {  	v44 =	vpop (erf);
	v2 =	vmul.f32 $-1.999999960e-02, v2;
	v4 =	vadd.f32 v43, v4  }
0x479: {  	v8 =	vadd.f32 $1.000000000e+00, v44;
	v49 =	vld [tilespmem:$0x1FFC0]  }
0x47a: {  	v2 =	vmul.f32 $1.442695020e+00, v2;
	v4 =	vadd.f32 v45, v4  }
0x47b: {  	v51 =	vld [tilespmem:$0x1FFD0];
	(erf) = vrcp.f32 v8;
	v3 =	vadd.f32 v37, v3  }
0x47c: {  	(erf) = vpow2.f32 v2;
	v4 =	vadd.f32 v46, v4  }
0x47d: {  	v53 =	vld [tilespmem:$0x1FFE0];
	v48 =	vadd.f32 v31, v3  }
0x47e: {  	v50 =	vld [tilespmem:$0x34E0];
	v3 =	vadd.f32 v49, v4  }
0x47f: {  	v54 =	vld [tilespmem:$0x1FFF0];
	v2 =	vadd.f32 v23, v48  }
0x480: {  	v3 =	vadd.f32 v51, v3  }
0x481: {  	v2 =	vadd.f32 v11, v2  }
0x482: {  	v3 =	vadd.f32 v53, v3  }
0x483: {  	v2 =	vadd.f32 v50, v2  }
0x484: {  	v55 =	vpop (erf);
	v3 =	vadd.f32 v54, v3  }
0x485: {  	v56 =	vpop (erf);
	v2 =	vmul.f32 $-1.999999960e-02, v2  }
0x486: {  	v8 =	vadd.f32 $1.000000000e+00, v56;
	v3 =	vadd.f32 v47, v3  }
0x487: {  	v2 =	vmul.f32 $1.442695020e+00, v2  }
0x488: {  	(erf) = vrcp.f32 v8;
	v3 =	vadd.f32 v52, v3  }
0x489: {  	(erf) = vpow2.f32 v2  }
0x48a: {  	v57 =	vadd.f32 v33, v3  }
0x48b: {  	v58 =	vld [tilespmem:$0x34F0]  }
0x48c: {  	v2 =	vadd.f32 v34, v57;
	_ =	sdelay $0x1  }
0x48d: {  	v0 =	vadd.f32 v0, v2;
	_ =	sdelay $0x1  }
0x48e: {  	v0 =	vadd.f32 v58, v0  }
0x48f: {  	v59 =	vpop (erf)  }
0x490: {  	v60 =	vpop (erf);
	v0 =	vmul.f32 $-1.999999960e-02, v0  }
0x491: {  	v3 =	vadd.f32 $1.000000000e+00, v60  }
0x492: {  	v0 =	vmul.f32 $1.442695020e+00, v0  }
0x493: {  	(erf) = vrcp.f32 v3  }
0x494: {  	(erf) = vpow2.f32 v0;
	_ =	sdelay $0x7  }
0x495: {  	v61 =	vpop (erf)  }
0x496: {  	v62 =	vpop (erf)  }
0x497: {  	v3 =	vadd.f32 $1.000000000e+00, v62;
	_ =	sdelay $0x1  }
0x498: {  	(erf) = vrcp.f32 v3;
	_ =	sdelay $0x2  }
0x499: {  	[tilespmem:$0x3500] =	vst v1  }
0x49a: {  	[tilespmem:$0x3510] =	vst v7  }
0x49b: {  	[tilespmem:$0x3520] =	vst v21  }
0x49c: {  	[tilespmem:$0x3530] =	vst v42  }
0x49d: {  	[tilespmem:$0x3540] =	vst v55  }
0x49e: {  	[tilespmem:$0x3550] =	vst v59  }
0x49f: {  	p0 =	sne.s32 s5, $0x1;
	[tilespmem:$0x3560] =	vst v61;
	v63 =	vpop (erf)  }
.Ltmp0:
0x4a0: {  	s12 =	rddreg [dreg:$0x5];
	[tilespmem:$0x3570] =	vst v63;
	(pc) =	sbr.rel @p0 .LBB2_1-.Ltmp0, $4  }
0x4a1: {  	[hbm4b:s12+s2] =	stream.linear.scatter [tilespmem:s1], [sflag:$0x2], $0x80, $0x38;
	[tilespmem:$0x3580] =	vst v63  }
0x4a2: {  	_ =	swait.ge [sflag:s8], $0x80  }
0x4a3: {  	[sflag:s8] =	ssyncset.done $0x0  }
0x4a4: {  	s5 =	sadd.s32 $0xFFFFFFFF, s5;
	[sflag:s8] =	ssyncadd.s32 $0xFFFFFF80  }
0x4a5: {  	_ =	sfence.sel $0x180000  }
0x4a6: {  	[bflag:$0x0] =	sbarrier.arrive $0xFFFF  }
0x4a7: {  	_ =	strace $0x90000047  }
0x4a8: {  	s0 =	stileid.u32;
	[bflag:$0x2] =	sbarrier.arrive $0xFFFF  }
0x4a9: {  	p0 =	sne.s32 s0, $0x0;
	s0 =	rddreg [dreg:$0x3]  }
0x4aa: {  	s0 =	sadd.s32 @!p0 $0x100000, s0  }
0x4ab: {  	[sflag:s0] =	ssyncadd.tile.s32 @!p0 $0x1;
	_ =	shalt  }
.Lfunc_end2:
_tile_overlayer_lowered:
.L_overlay_start_2:
0x4ac: {  	(tag) =	ssettag $0x2  }
0x4ad: {  	s0 =	rddreg [dreg:$0x0];
	s2 =	stileid.u32  }
0x4ae: {  	s1 =	rddreg [dreg:$0x1];
	p0 =	sne.s32 s2, $0x0  }
0x4af: {  	s3 =	rddreg [dreg:$0x2];
	[bflag:$0x3] =	sbarrier.arrive $0xFFFF;
	s2 =	simm.s32 @!p0 $0x1C02  }
0x4b0: {  	[timem:s3], [sflag:s2] =	dma.local @!p0 [hbm:s0], s1  }
0x4b1: {  	s0 =	simm.s32 @!p0 $0x2  }
0x4b2: {  	_ =	swait.ge @!p0 [sflag:s0], s1  }
0x4b3: {  	s1 =	ssub.s32 @!p0 $0x0, s1;
	[sflag:s0] =	ssyncset.done @!p0 $0x0  }
0x4b4: {  	[sflag:s0] =	ssyncadd.s32 @!p0 s1  }
0x4b5: {  	[bflag:$0x3] =	sbarrier.arrive $0xFFFF  }
0x4b6: {  	_ =	shalt  }

</sc_bundles>
